<compile_context>
chip_gen: v7x
topology: tpu7x:2x2x1
jax: 0.10.2.dev20260603
libtpu: 0.0.44.dev20260713+nightly
codegen_flags: <defaults>
</compile_context>

<pallas_src>
import functools

import numpy as np

import jax
import jax.numpy as jnp
from jax import lax
from jax.experimental import pallas as pl
from jax.experimental.pallas import tpu as pltpu
from jax.experimental.pallas import tpu_sc as plsc

N = 10000
E = 320000
D = 128
HID = 64
C2 = 64

NC = 2
NS = 16
NW = NC * NS
EPW = E // NW
SUB = 125
NSUB = 2
CHUNK = SUB * NSUB
NCHUNK = EPW // CHUNK
ROWW = 80
MC = 64
ACCW = 72
NPAD = 10112
NPT = NPAD // NS
NROWZ = 79

_ROWBLK = 1000
_GRID = N // _ROWBLK


def _make_edge_kernel(nheads):
    mesh = plsc.VectorSubcoreMesh(core_axis_name="c", subcore_axis_name="s")

    @functools.partial(
        pl.kernel,
        out_type=jax.ShapeDtypeStruct((NC, NPAD, ACCW), jnp.float32),
        mesh=mesh,
        scratch_types=(
            pltpu.VMEM((NSUB, SUB), jnp.int32),
            pltpu.VMEM((NSUB, SUB), jnp.int32),
            pltpu.VMEM((NSUB, SUB), jnp.int32),
            pltpu.VMEM((NSUB, SUB), jnp.int32),
            pltpu.VMEM((CHUNK, ROWW), jnp.float32),
            pltpu.VMEM((CHUNK, ROWW), jnp.float32),
            pltpu.VMEM((CHUNK, 16), jnp.float32),
            pltpu.VMEM((CHUNK, 16), jnp.float32),
            pltpu.VMEM((CHUNK, ACCW), jnp.float32),
            pltpu.VMEM((CHUNK, ACCW), jnp.float32),
            pltpu.VMEM((NSUB, SUB), jnp.int32),
            pltpu.VMEM((NSUB, SUB), jnp.int32),
            pltpu.VMEM_SHARED((NPAD, ACCW), jnp.float32),
            pltpu.SemaphoreType.DMA,
            pltpu.SemaphoreType.DMA,
            pltpu.SemaphoreType.DMA,
            pltpu.SemaphoreType.DMA,
            pltpu.SemaphoreType.DMA,
            pltpu.SemaphoreType.DMA,
        ),
        compiler_params=pltpu.CompilerParams(use_tc_tiling_on_sc=False,
                                             needs_layout_passes=False),
    )
    def edge_kernel(htab, adtab, src_i, dst_i, acc_o,
                    srcv0, srcv1, dstv0, dstv1, g1a, g1b, g2a, g2b,
                    mxa, mxb, dsc0, dsc1, acc_s, s1a, s1b, s2a, s2b,
                    ssa, ssb):
        c = lax.axis_index("c")
        s = lax.axis_index("s")
        wid = s * NC + c
        z16 = jnp.zeros((16,), jnp.float32)
        bufs = ((srcv0, dstv0, g1a, g2a, s1a, s2a, mxa, dsc0, ssa),
                (srcv1, dstv1, g1b, g2b, s1b, s2b, mxb, dsc1, ssb))

        def fire(ch, b):
            si, di, g1, g2, sh, sa, mx, dsc, ss = bufs[b]
            rowbase = wid * (EPW // SUB) + ch * NSUB
            pltpu.sync_copy(src_i.at[pl.ds(rowbase, NSUB)], si)
            pltpu.sync_copy(dst_i.at[pl.ds(rowbase, NSUB)], di)
            for j in range(NSUB):
                pltpu.async_copy(htab.at[si.at[j]],
                                 g1.at[pl.ds(j * SUB, SUB)], sh)
                pltpu.async_copy(adtab.at[di.at[j]],
                                 g2.at[pl.ds(j * SUB, SUB)], sa)

        def drain(b):
            si, di, g1, g2, sh, sa, mx, dsc, ss = bufs[b]
            for j in range(NSUB):
                pltpu.make_async_copy(htab.at[si.at[j]],
                                      g1.at[pl.ds(j * SUB, SUB)], sh).wait()
                pltpu.make_async_copy(adtab.at[di.at[j]],
                                      g2.at[pl.ds(j * SUB, SUB)], sa).wait()

        def zrow(r, carry):
            for k in (0, 16, 32, 48, 56):
                mxa[r, pl.ds(k, 16)] = z16
            return carry

        lax.fori_loop(0, NROWZ, zrow, 0)
        for t in range(NPT // NROWZ):
            pltpu.sync_copy(mxa.at[pl.ds(0, NROWZ)],
                            acc_s.at[pl.ds(s * NPT + t * NROWZ, NROWZ)])
        plsc.subcore_barrier()

        gdn = lax.GatherDimensionNumbers(
            offset_dims=(), collapsed_slice_dims=(0,), start_index_map=(0,))

        def compute_scatter(b, i):
            si, di, g1, g2, sh, sa, mx, dsc, ss = bufs[b]

            @pl.when(i > 0)
            def _():
                for j in range(NSUB):
                    pltpu.make_async_copy(
                        mx.at[pl.ds(j * SUB, SUB)],
                        acc_s.at[dsc.at[j]], ss).wait()

            @plsc.parallel_loop(0, CHUNK, unroll=4)
            def edge_body(e):
                av = g1[e, pl.ds(MC, 16)]
                bv = g2[e, pl.ds(0, 16)]
                es = av + bv
                es = jnp.maximum(es, es * jnp.float32(0.2))
                ex = jnp.exp(es)
                erow = jnp.full((16,), e, jnp.int32)
                iotl = lax.iota(jnp.int32, 16)
                plsc.store_scatter(mx, [erow, MC + (iotl % 8)], ex,
                                   mask=iotl < 8)
                for v in range(MC // 16):
                    if nheads == 8:
                        pv = 2 * v + (iotl // 8)
                    else:
                        pv = 0 * (iotl // 8)
                    hx = g1[e, pl.ds(16 * v, 16)]
                    exv = lax.gather(
                        ex, pv[:, None], gdn, (1,),
                        mode=lax.GatherScatterMode.PROMISE_IN_BOUNDS)
                    mx[e, pl.ds(16 * v, 16)] = hx * exv
            for j in range(NSUB):
                for o in (0, 16, 32, 48, 64, 80, 96, SUB - 16):
                    dsc[j, pl.ds(o, 16)] = di[j, pl.ds(o, 16)]
            for j in range(NSUB):
                pltpu.async_copy(mx.at[pl.ds(j * SUB, SUB)],
                                 acc_s.at[dsc.at[j]], ss, add=True)

        fire(0, 0)

        def pair_body(i, carry):
            fire(2 * i + 1, 1)
            drain(0)
            compute_scatter(0, i)

            @pl.when(i < NCHUNK // 2 - 1)
            def _():
                fire(2 * i + 2, 0)

            drain(1)
            compute_scatter(1, i)
            return carry

        lax.fori_loop(0, NCHUNK // 2, pair_body, 0)
        for b in range(2):
            si, di, g1, g2, sh, sa, mx, dsc, ss = bufs[b]
            for j in range(NSUB):
                pltpu.make_async_copy(mx.at[pl.ds(j * SUB, SUB)],
                                      acc_s.at[dsc.at[j]], ss).wait()
        plsc.subcore_barrier()

        pltpu.sync_copy(acc_s.at[pl.ds(s * NPT, NPT)],
                        acc_o.at[c, pl.ds(s * NPT, NPT)])

    return edge_kernel


_edge_kernel_l1 = _make_edge_kernel(8)
_edge_kernel_l2 = _make_edge_kernel(1)


def _tc1_body(x_ref, w1_ref, asd_ref, ad_ref, htab_ref, adtab_ref):
    h = jnp.dot(x_ref[...], w1_ref[...], preferred_element_type=jnp.float32)
    sa = jnp.dot(h, asd_ref[...], preferred_element_type=jnp.float32)
    htab_ref[...] = jnp.concatenate([h, sa], axis=1)
    adtab_ref[...] = jnp.dot(h, ad_ref[...], preferred_element_type=jnp.float32)


def _tc2_body(acc_ref, erep_ref, b1_ref, w2_ref, a2sd_ref, a2d_ref,
              htab_ref, adtab_ref):
    both = acc_ref[0] + acc_ref[1]
    acc = both[:, :MC]
    den = both[:, MC:ACCW]
    dex = jnp.dot(den, erep_ref[...], preferred_element_type=jnp.float32)
    h1 = acc / (dex + 1e-16) + b1_ref[...]
    h1 = jnp.where(h1 > 0, h1, jnp.exp(jnp.minimum(h1, 0.0)) - 1.0)
    h2 = jnp.dot(h1, w2_ref[...], preferred_element_type=jnp.float32)
    sa = jnp.dot(h2, a2sd_ref[...], preferred_element_type=jnp.float32)
    htab_ref[...] = jnp.concatenate([h2, sa], axis=1)
    adtab_ref[...] = jnp.dot(h2, a2d_ref[...], preferred_element_type=jnp.float32)


def _tc3_body(acc_ref, bmat_ref, b2_ref, out_ref):
    both = acc_ref[0] + acc_ref[1]
    acc = both[:, :MC]
    den = both[:, MC:ACCW]
    dex = jnp.dot(den, bmat_ref[...], preferred_element_type=jnp.float32)
    v = acc / (dex + 1e-16) + b2_ref[...]
    m = jnp.max(v, axis=1, keepdims=True)
    z = v - m
    out_ref[...] = z - jnp.log(jnp.sum(jnp.exp(z), axis=1, keepdims=True))


def _full(shape):
    return pl.BlockSpec(shape, lambda i: tuple(0 for _ in shape))


def kernel(x, edge_index, W1, a_src1, a_dst1, b1, W2, a_src2, a_dst2, b2):
    f32 = jnp.float32
    src2d = edge_index[0].reshape(E // SUB, SUB)
    dst2d = edge_index[1].reshape(E // SUB, SUB)

    eye8 = jnp.eye(8, dtype=f32)
    as64 = (a_src1[:, :, None] * eye8[:, None, :]).reshape(64, 8)
    ad64 = (a_dst1[:, :, None] * eye8[:, None, :]).reshape(64, 8)
    asd = jnp.concatenate([as64, ad64], axis=1)
    ad16 = jnp.concatenate([ad64, jnp.zeros((64, 8), f32)], axis=1)
    erep = jnp.repeat(jnp.eye(8, dtype=f32), 8, axis=1)
    a2sd = jnp.concatenate([a_src2.T, jnp.zeros((64, 15), f32)], axis=1)
    a2d = jnp.concatenate([a_dst2.T, jnp.zeros((64, 15), f32)], axis=1)
    bmat = jnp.concatenate([jnp.ones((1, 64), f32),
                            jnp.zeros((7, 64), f32)], axis=0)
    b1r = b1.reshape(1, HID)
    b2r = b2.reshape(1, C2)

    htab1, adtab1 = pl.pallas_call(
        _tc1_body,
        grid=(_GRID,),
        in_specs=[
            pl.BlockSpec((_ROWBLK, D), lambda i: (i, 0)),
            _full((D, HID)),
            _full((64, 16)),
            _full((64, 16)),
        ],
        out_specs=[
            pl.BlockSpec((_ROWBLK, ROWW), lambda i: (i, 0)),
            pl.BlockSpec((_ROWBLK, 16), lambda i: (i, 0)),
        ],
        out_shape=[
            jax.ShapeDtypeStruct((N, ROWW), f32),
            jax.ShapeDtypeStruct((N, 16), f32),
        ],
    )(x, W1, asd, ad16)

    acc1 = _edge_kernel_l1(htab1, adtab1, src2d, dst2d)

    htab2, adtab2 = pl.pallas_call(
        _tc2_body,
        grid=(_GRID,),
        in_specs=[
            pl.BlockSpec((NC, _ROWBLK, ACCW), lambda i: (0, i, 0)),
            _full((8, 64)),
            _full((1, HID)),
            _full((HID, C2)),
            _full((64, 16)),
            _full((64, 16)),
        ],
        out_specs=[
            pl.BlockSpec((_ROWBLK, ROWW), lambda i: (i, 0)),
            pl.BlockSpec((_ROWBLK, 16), lambda i: (i, 0)),
        ],
        out_shape=[
            jax.ShapeDtypeStruct((N, ROWW), f32),
            jax.ShapeDtypeStruct((N, 16), f32),
        ],
    )(acc1, erep, b1r, W2, a2sd, a2d)

    acc2 = _edge_kernel_l2(htab2, adtab2, src2d, dst2d)

    out = pl.pallas_call(
        _tc3_body,
        grid=(_GRID,),
        in_specs=[
            pl.BlockSpec((NC, _ROWBLK, ACCW), lambda i: (0, i, 0)),
            _full((8, 64)),
            _full((1, C2)),
        ],
        out_specs=pl.BlockSpec((_ROWBLK, C2), lambda i: (i, 0)),
        out_shape=jax.ShapeDtypeStruct((N, C2), f32),
    )(acc2, bmat, b2r)

    return out

# --- scband reference (transcript-rebuilt; emitter-appended) ---
"""Pipeline reference for scband-gatnet-54090818126587 (READ-ONLY COPY).

The authoritative reference and input builder live on the scoring server;
editing this copy changes nothing except your own understanding.
"""

import jax, jax.numpy as jnp
import numpy as np

N = 10000
E = 320000
D = 128
H1 = 8
C1 = 8
HID = H1 * C1
C2 = 64


def setup_inputs(seed: int = 0) -> dict:
    key = jax.random.key(seed)
    ks = jax.random.split(key, 10)
    x = jax.random.normal(ks[0], (N, D), dtype=jnp.float32)
    edge_index = jax.random.randint(ks[1], (2, E), 0, N, dtype=jnp.int32)
    W1 = jax.random.normal(ks[2], (D, HID), dtype=jnp.float32) * (1.0 / np.sqrt(D))
    a_src1 = jax.random.normal(ks[3], (H1, C1), dtype=jnp.float32) * 0.1
    a_dst1 = jax.random.normal(ks[4], (H1, C1), dtype=jnp.float32) * 0.1
    b1 = jnp.zeros((HID,), dtype=jnp.float32)
    W2 = jax.random.normal(ks[5], (HID, C2), dtype=jnp.float32) * (1.0 / np.sqrt(HID))
    a_src2 = jax.random.normal(ks[6], (1, C2), dtype=jnp.float32) * 0.1
    a_dst2 = jax.random.normal(ks[7], (1, C2), dtype=jnp.float32) * 0.1
    b2 = jnp.zeros((C2,), dtype=jnp.float32)
    return {"x": x, "edge_index": edge_index, "W1": W1, "a_src1": a_src1, "a_dst1": a_dst1, "b1": b1, "W2": W2, "a_src2": a_src2, "a_dst2": a_dst2, "b2": b2}


def _gat_conv(h_in, edge_index, W, a_src, a_dst, heads, out_ch):
    n = h_in.shape[0]
    h = (h_in @ W).reshape(n, heads, out_ch)
    src = edge_index[0]
    dst = edge_index[1]
    alpha_src = (h * a_src[None, :, :]).sum(-1)  # [N, heads]
    alpha_dst = (h * a_dst[None, :, :]).sum(-1)  # [N, heads]
    e = alpha_src[src] + alpha_dst[dst]          # [E, heads]
    e = jax.nn.leaky_relu(e, negative_slope=0.2)
    # segment softmax over incoming edges per dst node (per head)
    m = jax.ops.segment_max(e, dst, num_segments=n)
    m = jnp.where(jnp.isfinite(m), m, 0.0)
    ex = jnp.exp(e - m[dst])
    denom = jax.ops.segment_sum(ex, dst, num_segments=n)
    alpha = ex / (denom[dst] + 1e-16)            # [E, heads]
    msg = h[src] * alpha[:, :, None]             # [E, heads, out_ch]
    out = jax.ops.segment_sum(msg, dst, num_segments=n)  # [N, heads, out_ch]
    return out


def reference(x, edge_index, W1, a_src1, a_dst1, b1, W2, a_src2, a_dst2, b2):
    # Inference mode: dropout layers are identity (training=False)
    h1 = _gat_conv(x, edge_index, W1, a_src1, a_dst1, H1, C1)
    h1 = h1.reshape(N, HID) + b1                 # concat heads
    h1 = jax.nn.elu(h1)
    h2 = _gat_conv(h1, edge_index, W2, a_src2, a_dst2, 1, C2)
    h2 = h2.mean(axis=1) + b2                    # concat=False -> mean over heads
    return jax.nn.log_softmax(h2, axis=1)

if __name__ == "__main__":
    import jax
    _d = setup_inputs()
    print(jax.jit(kernel)(*tuple(_d.values())))

</pallas_src>

<mosaic_0001>
#map = affine_map<(d0, d1) -> (0, 0)>
#map1 = affine_map<(d0, d1) -> (0, 0, 0)>
module attributes {stable_mosaic.version = 14 : i64} {
  func.func @edge_kernel(%arg0: i32, %arg1: i32, %arg2: memref<10000x80xf32, #tpu.memory_space<hbm>>, %arg3: memref<10000x16xf32, #tpu.memory_space<hbm>>, %arg4: memref<2560x125xi32, #tpu.memory_space<hbm>>, %arg5: memref<2560x125xi32, #tpu.memory_space<hbm>>, %arg6: memref<2x10112x72xf32, #tpu.memory_space<hbm>>, %arg7: memref<2x125xi32, #tpu.memory_space<vmem>>, %arg8: memref<2x125xi32, #tpu.memory_space<vmem>>, %arg9: memref<2x125xi32, #tpu.memory_space<vmem>>, %arg10: memref<2x125xi32, #tpu.memory_space<vmem>>, %arg11: memref<250x80xf32, #tpu.memory_space<vmem>>, %arg12: memref<250x80xf32, #tpu.memory_space<vmem>>, %arg13: memref<250x16xf32, #tpu.memory_space<vmem>>, %arg14: memref<250x16xf32, #tpu.memory_space<vmem>>, %arg15: memref<250x72xf32, #tpu.memory_space<vmem>>, %arg16: memref<250x72xf32, #tpu.memory_space<vmem>>, %arg17: memref<2x125xi32, #tpu.memory_space<vmem>>, %arg18: memref<2x125xi32, #tpu.memory_space<vmem>>, %arg19: memref<10112x72xf32, #tpu.memory_space<vmem_shared>>, %arg20: memref<!tpu.dma_semaphore, #tpu.memory_space<semaphore_mem>>, %arg21: memref<!tpu.dma_semaphore, #tpu.memory_space<semaphore_mem>>, %arg22: memref<!tpu.dma_semaphore, #tpu.memory_space<semaphore_mem>>, %arg23: memref<!tpu.dma_semaphore, #tpu.memory_space<semaphore_mem>>, %arg24: memref<!tpu.dma_semaphore, #tpu.memory_space<semaphore_mem>>, %arg25: memref<!tpu.dma_semaphore, #tpu.memory_space<semaphore_mem>>) attributes {dimension_semantics = [#tpu.dimension_semantics<core_parallel>, #tpu.dimension_semantics<subcore_parallel>], iteration_bounds = array<i64: 2, 16>, scalar_prefetch = 0 : i64, scratch_operands = 19 : i64, tpu.core_type = #tpu.core_type<sc_vector_subcore>, window_params = [{transform_indices = #map}, {transform_indices = #map}, {transform_indices = #map}, {transform_indices = #map}, {transform_indices = #map1}]} {
    %mul3A = arith.constant 2 : i32
    %mul3A_0 = arith.muli %arg1, %mul3A : i32
    %add3A = arith.addi %mul3A_0, %arg0 : i32
    %broadcast_in_dim3A = arith.constant 0.000000e+00 : f32
    %broadcast_in_dim3A_1 = vector.broadcast %broadcast_in_dim3A : f32 to vector<16xf32>
    %scan3A = arith.constant 0 : i32
    %scan3A_2 = arith.constant 0 : i32
    %scan3A_3 = arith.constant 79 : i32
    %scan3A_4 = arith.addi %scan3A_2, %scan3A_3 : i32
    %scan3A_5 = arith.constant 1 : i32
    scf.for %scan3A_132 = %scan3A_2 to %scan3A_4 step %scan3A_5  : i32 {
      %swap3A = arith.index_cast %scan3A_132 : i32 to index
      %swap3A_133 = arith.constant 0 : index
      %swap3A_134 = tpu.vector_load %arg15[%swap3A, %swap3A_133] {strides = array<i32>} : memref<250x72xf32, #tpu.memory_space<vmem>>, vector<16xf32>,
      tpu.vector_store %arg15[%swap3A, %swap3A_133], %broadcast_in_dim3A_1 {strides = array<i32>} : memref<250x72xf32, #tpu.memory_space<vmem>>, vector<16xf32>,
      %swap3A_135 = arith.index_cast %scan3A_132 : i32 to index
      %swap3A_136 = arith.constant 16 : index
      %swap3A_137 = tpu.vector_load %arg15[%swap3A_135, %swap3A_136] {strides = array<i32>} : memref<250x72xf32, #tpu.memory_space<vmem>>, vector<16xf32>,
      tpu.vector_store %arg15[%swap3A_135, %swap3A_136], %broadcast_in_dim3A_1 {strides = array<i32>} : memref<250x72xf32, #tpu.memory_space<vmem>>, vector<16xf32>,
      %swap3A_138 = arith.index_cast %scan3A_132 : i32 to index
      %swap3A_139 = arith.constant 32 : index
      %swap3A_140 = tpu.vector_load %arg15[%swap3A_138, %swap3A_139] {strides = array<i32>} : memref<250x72xf32, #tpu.memory_space<vmem>>, vector<16xf32>,
      tpu.vector_store %arg15[%swap3A_138, %swap3A_139], %broadcast_in_dim3A_1 {strides = array<i32>} : memref<250x72xf32, #tpu.memory_space<vmem>>, vector<16xf32>,
      %swap3A_141 = arith.index_cast %scan3A_132 : i32 to index
      %swap3A_142 = arith.constant 48 : index
      %swap3A_143 = tpu.vector_load %arg15[%swap3A_141, %swap3A_142] {strides = array<i32>} : memref<250x72xf32, #tpu.memory_space<vmem>>, vector<16xf32>,
      tpu.vector_store %arg15[%swap3A_141, %swap3A_142], %broadcast_in_dim3A_1 {strides = array<i32>} : memref<250x72xf32, #tpu.memory_space<vmem>>, vector<16xf32>,
      %swap3A_144 = arith.index_cast %scan3A_132 : i32 to index
      %swap3A_145 = arith.constant 56 : index
      %swap3A_146 = tpu.vector_load %arg15[%swap3A_144, %swap3A_145] {strides = array<i32>} : memref<250x72xf32, #tpu.memory_space<vmem>>, vector<16xf32>,
      tpu.vector_store %arg15[%swap3A_144, %swap3A_145], %broadcast_in_dim3A_1 {strides = array<i32>} : memref<250x72xf32, #tpu.memory_space<vmem>>, vector<16xf32>,
    }
    %scan3A_6 = arith.constant 79 : i32
    %mul3A_7 = arith.constant 632 : i32
    %mul3A_8 = arith.muli %arg1, %mul3A_7 : i32
    %add3A_9 = arith.constant 0 : i32
    %add3A_10 = arith.addi %mul3A_8, %add3A_9 : i32
    "tpu.region"() ({
      %run_scoped3A = tpu.sem_alloc : memref<!tpu.dma_semaphore, #tpu.memory_space<semaphore_mem>>
      %dma_start3A_132 = arith.constant 0 : i32
      %dma_start3A_133 = arith.constant 0 : i32
      %dma_start3A_134 = tpu.memref_slice %arg15[%dma_start3A_132, %dma_start3A_133] : memref<250x72xf32, #tpu.memory_space<vmem>> -> memref<79x72xf32, #tpu.memory_space<vmem>>
      %dma_start3A_135 = arith.constant 0 : i32
      %dma_start3A_136 = tpu.memref_slice %arg19[%add3A_10, %dma_start3A_135] : memref<10112x72xf32, #tpu.memory_space<vmem_shared>> -> memref<79x72xf32, #tpu.memory_space<vmem_shared>>
      %dma_start3A_137 = arith.constant 0 : i32
      %dma_start3A_138 = tpu.memref_slice %arg19[%add3A_10, %dma_start3A_137] : memref<10112x72xf32, #tpu.memory_space<vmem_shared>> -> memref<79x72xf32, #tpu.memory_space<vmem_shared>>
      %dma_start3A_139 = arith.constant 0 : i32
      %dma_start3A_140 = arith.constant 0 : i32
      %dma_start3A_141 = tpu.memref_slice %arg15[%dma_start3A_139, %dma_start3A_140] : memref<250x72xf32, #tpu.memory_space<vmem>> -> memref<79x72xf32, #tpu.memory_space<vmem>>
      tpu.enqueue_dma source(%dma_start3A_141 : memref<79x72xf32, #tpu.memory_space<vmem>>) target(%dma_start3A_138 : memref<79x72xf32, #tpu.memory_space<vmem_shared>>) target_semaphore(%run_scoped3A : memref<!tpu.dma_semaphore, #tpu.memory_space<semaphore_mem>>)
      %dma_wait3A_142 = arith.constant 0 : i32
      %dma_wait3A_143 = arith.constant 0 : i32
      %dma_wait3A_144 = tpu.memref_slice %arg15[%dma_wait3A_142, %dma_wait3A_143] : memref<250x72xf32, #tpu.memory_space<vmem>> -> memref<79x72xf32, #tpu.memory_space<vmem>>
      %dma_wait3A_145 = arith.constant 0 : i32
      %dma_wait3A_146 = tpu.memref_slice %arg19[%add3A_10, %dma_wait3A_145] : memref<10112x72xf32, #tpu.memory_space<vmem_shared>> -> memref<79x72xf32, #tpu.memory_space<vmem_shared>>
      %dma_wait3A_147 = arith.constant 0 : i32
      %dma_wait3A_148 = tpu.memref_slice %arg19[%add3A_10, %dma_wait3A_147] : memref<10112x72xf32, #tpu.memory_space<vmem_shared>> -> memref<79x72xf32, #tpu.memory_space<vmem_shared>>
      %dma_wait3A_149 = arith.constant 0 : i32
      %dma_wait3A_150 = arith.constant 0 : i32
      %dma_wait3A_151 = tpu.memref_slice %arg15[%dma_wait3A_149, %dma_wait3A_150] : memref<250x72xf32, #tpu.memory_space<vmem>> -> memref<79x72xf32, #tpu.memory_space<vmem>>
      tpu.wait_dma2 semaphore(%run_scoped3A : memref<!tpu.dma_semaphore, #tpu.memory_space<semaphore_mem>>) src(%dma_wait3A_151 : memref<79x72xf32, #tpu.memory_space<vmem>>) dst(%dma_wait3A_148 : memref<79x72xf32, #tpu.memory_space<vmem_shared>>)
      tpu.yield
    }) : () -> ()
    %mul3A_11 = arith.constant 632 : i32
    %mul3A_12 = arith.muli %arg1, %mul3A_11 : i32
    %add3A_13 = arith.constant 79 : i32
    %add3A_14 = arith.addi %mul3A_12, %add3A_13 : i32
    "tpu.region"() ({
      %run_scoped3A = tpu.sem_alloc : memref<!tpu.dma_semaphore, #tpu.memory_space<semaphore_mem>>
      %dma_start3A_132 = arith.constant 0 : i32
      %dma_start3A_133 = arith.constant 0 : i32
      %dma_start3A_134 = tpu.memref_slice %arg15[%dma_start3A_132, %dma_start3A_133] : memref<250x72xf32, #tpu.memory_space<vmem>> -> memref<79x72xf32, #tpu.memory_space<vmem>>
      %dma_start3A_135 = arith.constant 0 : i32
      %dma_start3A_136 = tpu.memref_slice %arg19[%add3A_14, %dma_start3A_135] : memref<10112x72xf32, #tpu.memory_space<vmem_shared>> -> memref<79x72xf32, #tpu.memory_space<vmem_shared>>
      %dma_start3A_137 = arith.constant 0 : i32
      %dma_start3A_138 = tpu.memref_slice %arg19[%add3A_14, %dma_start3A_137] : memref<10112x72xf32, #tpu.memory_space<vmem_shared>> -> memref<79x72xf32, #tpu.memory_space<vmem_shared>>
      %dma_start3A_139 = arith.constant 0 : i32
      %dma_start3A_140 = arith.constant 0 : i32
      %dma_start3A_141 = tpu.memref_slice %arg15[%dma_start3A_139, %dma_start3A_140] : memref<250x72xf32, #tpu.memory_space<vmem>> -> memref<79x72xf32, #tpu.memory_space<vmem>>
      tpu.enqueue_dma source(%dma_start3A_141 : memref<79x72xf32, #tpu.memory_space<vmem>>) target(%dma_start3A_138 : memref<79x72xf32, #tpu.memory_space<vmem_shared>>) target_semaphore(%run_scoped3A : memref<!tpu.dma_semaphore, #tpu.memory_space<semaphore_mem>>)
      %dma_wait3A_142 = arith.constant 0 : i32
      %dma_wait3A_143 = arith.constant 0 : i32
      %dma_wait3A_144 = tpu.memref_slice %arg15[%dma_wait3A_142, %dma_wait3A_143] : memref<250x72xf32, #tpu.memory_space<vmem>> -> memref<79x72xf32, #tpu.memory_space<vmem>>
      %dma_wait3A_145 = arith.constant 0 : i32
      %dma_wait3A_146 = tpu.memref_slice %arg19[%add3A_14, %dma_wait3A_145] : memref<10112x72xf32, #tpu.memory_space<vmem_shared>> -> memref<79x72xf32, #tpu.memory_space<vmem_shared>>
      %dma_wait3A_147 = arith.constant 0 : i32
      %dma_wait3A_148 = tpu.memref_slice %arg19[%add3A_14, %dma_wait3A_147] : memref<10112x72xf32, #tpu.memory_space<vmem_shared>> -> memref<79x72xf32, #tpu.memory_space<vmem_shared>>
      %dma_wait3A_149 = arith.constant 0 : i32
      %dma_wait3A_150 = arith.constant 0 : i32
      %dma_wait3A_151 = tpu.memref_slice %arg15[%dma_wait3A_149, %dma_wait3A_150] : memref<250x72xf32, #tpu.memory_space<vmem>> -> memref<79x72xf32, #tpu.memory_space<vmem>>
      tpu.wait_dma2 semaphore(%run_scoped3A : memref<!tpu.dma_semaphore, #tpu.memory_space<semaphore_mem>>) src(%dma_wait3A_151 : memref<79x72xf32, #tpu.memory_space<vmem>>) dst(%dma_wait3A_148 : memref<79x72xf32, #tpu.memory_space<vmem_shared>>)
      tpu.yield
    }) : () -> ()
    %mul3A_15 = arith.constant 632 : i32
    %mul3A_16 = arith.muli %arg1, %mul3A_15 : i32
    %add3A_17 = arith.constant 158 : i32
    %add3A_18 = arith.addi %mul3A_16, %add3A_17 : i32
    "tpu.region"() ({
      %run_scoped3A = tpu.sem_alloc : memref<!tpu.dma_semaphore, #tpu.memory_space<semaphore_mem>>
      %dma_start3A_132 = arith.constant 0 : i32
      %dma_start3A_133 = arith.constant 0 : i32
      %dma_start3A_134 = tpu.memref_slice %arg15[%dma_start3A_132, %dma_start3A_133] : memref<250x72xf32, #tpu.memory_space<vmem>> -> memref<79x72xf32, #tpu.memory_space<vmem>>
      %dma_start3A_135 = arith.constant 0 : i32
      %dma_start3A_136 = tpu.memref_slice %arg19[%add3A_18, %dma_start3A_135] : memref<10112x72xf32, #tpu.memory_space<vmem_shared>> -> memref<79x72xf32, #tpu.memory_space<vmem_shared>>
      %dma_start3A_137 = arith.constant 0 : i32
      %dma_start3A_138 = tpu.memref_slice %arg19[%add3A_18, %dma_start3A_137] : memref<10112x72xf32, #tpu.memory_space<vmem_shared>> -> memref<79x72xf32, #tpu.memory_space<vmem_shared>>
      %dma_start3A_139 = arith.constant 0 : i32
      %dma_start3A_140 = arith.constant 0 : i32
      %dma_start3A_141 = tpu.memref_slice %arg15[%dma_start3A_139, %dma_start3A_140] : memref<250x72xf32, #tpu.memory_space<vmem>> -> memref<79x72xf32, #tpu.memory_space<vmem>>
      tpu.enqueue_dma source(%dma_start3A_141 : memref<79x72xf32, #tpu.memory_space<vmem>>) target(%dma_start3A_138 : memref<79x72xf32, #tpu.memory_space<vmem_shared>>) target_semaphore(%run_scoped3A : memref<!tpu.dma_semaphore, #tpu.memory_space<semaphore_mem>>)
      %dma_wait3A_142 = arith.constant 0 : i32
      %dma_wait3A_143 = arith.constant 0 : i32
      %dma_wait3A_144 = tpu.memref_slice %arg15[%dma_wait3A_142, %dma_wait3A_143] : memref<250x72xf32, #tpu.memory_space<vmem>> -> memref<79x72xf32, #tpu.memory_space<vmem>>
      %dma_wait3A_145 = arith.constant 0 : i32
      %dma_wait3A_146 = tpu.memref_slice %arg19[%add3A_18, %dma_wait3A_145] : memref<10112x72xf32, #tpu.memory_space<vmem_shared>> -> memref<79x72xf32, #tpu.memory_space<vmem_shared>>
      %dma_wait3A_147 = arith.constant 0 : i32
      %dma_wait3A_148 = tpu.memref_slice %arg19[%add3A_18, %dma_wait3A_147] : memref<10112x72xf32, #tpu.memory_space<vmem_shared>> -> memref<79x72xf32, #tpu.memory_space<vmem_shared>>
      %dma_wait3A_149 = arith.constant 0 : i32
      %dma_wait3A_150 = arith.constant 0 : i32
      %dma_wait3A_151 = tpu.memref_slice %arg15[%dma_wait3A_149, %dma_wait3A_150] : memref<250x72xf32, #tpu.memory_space<vmem>> -> memref<79x72xf32, #tpu.memory_space<vmem>>
      tpu.wait_dma2 semaphore(%run_scoped3A : memref<!tpu.dma_semaphore, #tpu.memory_space<semaphore_mem>>) src(%dma_wait3A_151 : memref<79x72xf32, #tpu.memory_space<vmem>>) dst(%dma_wait3A_148 : memref<79x72xf32, #tpu.memory_space<vmem_shared>>)
      tpu.yield
    }) : () -> ()
    %mul3A_19 = arith.constant 632 : i32
    %mul3A_20 = arith.muli %arg1, %mul3A_19 : i32
    %add3A_21 = arith.constant 237 : i32
    %add3A_22 = arith.addi %mul3A_20, %add3A_21 : i32
    "tpu.region"() ({
      %run_scoped3A = tpu.sem_alloc : memref<!tpu.dma_semaphore, #tpu.memory_space<semaphore_mem>>
      %dma_start3A_132 = arith.constant 0 : i32
      %dma_start3A_133 = arith.constant 0 : i32
      %dma_start3A_134 = tpu.memref_slice %arg15[%dma_start3A_132, %dma_start3A_133] : memref<250x72xf32, #tpu.memory_space<vmem>> -> memref<79x72xf32, #tpu.memory_space<vmem>>
      %dma_start3A_135 = arith.constant 0 : i32
      %dma_start3A_136 = tpu.memref_slice %arg19[%add3A_22, %dma_start3A_135] : memref<10112x72xf32, #tpu.memory_space<vmem_shared>> -> memref<79x72xf32, #tpu.memory_space<vmem_shared>>
      %dma_start3A_137 = arith.constant 0 : i32
      %dma_start3A_138 = tpu.memref_slice %arg19[%add3A_22, %dma_start3A_137] : memref<10112x72xf32, #tpu.memory_space<vmem_shared>> -> memref<79x72xf32, #tpu.memory_space<vmem_shared>>
      %dma_start3A_139 = arith.constant 0 : i32
      %dma_start3A_140 = arith.constant 0 : i32
      %dma_start3A_141 = tpu.memref_slice %arg15[%dma_start3A_139, %dma_start3A_140] : memref<250x72xf32, #tpu.memory_space<vmem>> -> memref<79x72xf32, #tpu.memory_space<vmem>>
      tpu.enqueue_dma source(%dma_start3A_141 : memref<79x72xf32, #tpu.memory_space<vmem>>) target(%dma_start3A_138 : memref<79x72xf32, #tpu.memory_space<vmem_shared>>) target_semaphore(%run_scoped3A : memref<!tpu.dma_semaphore, #tpu.memory_space<semaphore_mem>>)
      %dma_wait3A_142 = arith.constant 0 : i32
      %dma_wait3A_143 = arith.constant 0 : i32
      %dma_wait3A_144 = tpu.memref_slice %arg15[%dma_wait3A_142, %dma_wait3A_143] : memref<250x72xf32, #tpu.memory_space<vmem>> -> memref<79x72xf32, #tpu.memory_space<vmem>>
      %dma_wait3A_145 = arith.constant 0 : i32
      %dma_wait3A_146 = tpu.memref_slice %arg19[%add3A_22, %dma_wait3A_145] : memref<10112x72xf32, #tpu.memory_space<vmem_shared>> -> memref<79x72xf32, #tpu.memory_space<vmem_shared>>
      %dma_wait3A_147 = arith.constant 0 : i32
      %dma_wait3A_148 = tpu.memref_slice %arg19[%add3A_22, %dma_wait3A_147] : memref<10112x72xf32, #tpu.memory_space<vmem_shared>> -> memref<79x72xf32, #tpu.memory_space<vmem_shared>>
      %dma_wait3A_149 = arith.constant 0 : i32
      %dma_wait3A_150 = arith.constant 0 : i32
      %dma_wait3A_151 = tpu.memref_slice %arg15[%dma_wait3A_149, %dma_wait3A_150] : memref<250x72xf32, #tpu.memory_space<vmem>> -> memref<79x72xf32, #tpu.memory_space<vmem>>
      tpu.wait_dma2 semaphore(%run_scoped3A : memref<!tpu.dma_semaphore, #tpu.memory_space<semaphore_mem>>) src(%dma_wait3A_151 : memref<79x72xf32, #tpu.memory_space<vmem>>) dst(%dma_wait3A_148 : memref<79x72xf32, #tpu.memory_space<vmem_shared>>)
      tpu.yield
    }) : () -> ()
    %mul3A_23 = arith.constant 632 : i32
    %mul3A_24 = arith.muli %arg1, %mul3A_23 : i32
    %add3A_25 = arith.constant 316 : i32
    %add3A_26 = arith.addi %mul3A_24, %add3A_25 : i32
    "tpu.region"() ({
      %run_scoped3A = tpu.sem_alloc : memref<!tpu.dma_semaphore, #tpu.memory_space<semaphore_mem>>
      %dma_start3A_132 = arith.constant 0 : i32
      %dma_start3A_133 = arith.constant 0 : i32
      %dma_start3A_134 = tpu.memref_slice %arg15[%dma_start3A_132, %dma_start3A_133] : memref<250x72xf32, #tpu.memory_space<vmem>> -> memref<79x72xf32, #tpu.memory_space<vmem>>
      %dma_start3A_135 = arith.constant 0 : i32
      %dma_start3A_136 = tpu.memref_slice %arg19[%add3A_26, %dma_start3A_135] : memref<10112x72xf32, #tpu.memory_space<vmem_shared>> -> memref<79x72xf32, #tpu.memory_space<vmem_shared>>
      %dma_start3A_137 = arith.constant 0 : i32
      %dma_start3A_138 = tpu.memref_slice %arg19[%add3A_26, %dma_start3A_137] : memref<10112x72xf32, #tpu.memory_space<vmem_shared>> -> memref<79x72xf32, #tpu.memory_space<vmem_shared>>
      %dma_start3A_139 = arith.constant 0 : i32
      %dma_start3A_140 = arith.constant 0 : i32
      %dma_start3A_141 = tpu.memref_slice %arg15[%dma_start3A_139, %dma_start3A_140] : memref<250x72xf32, #tpu.memory_space<vmem>> -> memref<79x72xf32, #tpu.memory_space<vmem>>
      tpu.enqueue_dma source(%dma_start3A_141 : memref<79x72xf32, #tpu.memory_space<vmem>>) target(%dma_start3A_138 : memref<79x72xf32, #tpu.memory_space<vmem_shared>>) target_semaphore(%run_scoped3A : memref<!tpu.dma_semaphore, #tpu.memory_space<semaphore_mem>>)
      %dma_wait3A_142 = arith.constant 0 : i32
      %dma_wait3A_143 = arith.constant 0 : i32
      %dma_wait3A_144 = tpu.memref_slice %arg15[%dma_wait3A_142, %dma_wait3A_143] : memref<250x72xf32, #tpu.memory_space<vmem>> -> memref<79x72xf32, #tpu.memory_space<vmem>>
      %dma_wait3A_145 = arith.constant 0 : i32
      %dma_wait3A_146 = tpu.memref_slice %arg19[%add3A_26, %dma_wait3A_145] : memref<10112x72xf32, #tpu.memory_space<vmem_shared>> -> memref<79x72xf32, #tpu.memory_space<vmem_shared>>
      %dma_wait3A_147 = arith.constant 0 : i32
      %dma_wait3A_148 = tpu.memref_slice %arg19[%add3A_26, %dma_wait3A_147] : memref<10112x72xf32, #tpu.memory_space<vmem_shared>> -> memref<79x72xf32, #tpu.memory_space<vmem_shared>>
      %dma_wait3A_149 = arith.constant 0 : i32
      %dma_wait3A_150 = arith.constant 0 : i32
      %dma_wait3A_151 = tpu.memref_slice %arg15[%dma_wait3A_149, %dma_wait3A_150] : memref<250x72xf32, #tpu.memory_space<vmem>> -> memref<79x72xf32, #tpu.memory_space<vmem>>
      tpu.wait_dma2 semaphore(%run_scoped3A : memref<!tpu.dma_semaphore, #tpu.memory_space<semaphore_mem>>) src(%dma_wait3A_151 : memref<79x72xf32, #tpu.memory_space<vmem>>) dst(%dma_wait3A_148 : memref<79x72xf32, #tpu.memory_space<vmem_shared>>)
      tpu.yield
    }) : () -> ()
    %mul3A_27 = arith.constant 632 : i32
    %mul3A_28 = arith.muli %arg1, %mul3A_27 : i32
    %add3A_29 = arith.constant 395 : i32
    %add3A_30 = arith.addi %mul3A_28, %add3A_29 : i32
    "tpu.region"() ({
      %run_scoped3A = tpu.sem_alloc : memref<!tpu.dma_semaphore, #tpu.memory_space<semaphore_mem>>
      %dma_start3A_132 = arith.constant 0 : i32
      %dma_start3A_133 = arith.constant 0 : i32
      %dma_start3A_134 = tpu.memref_slice %arg15[%dma_start3A_132, %dma_start3A_133] : memref<250x72xf32, #tpu.memory_space<vmem>> -> memref<79x72xf32, #tpu.memory_space<vmem>>
      %dma_start3A_135 = arith.constant 0 : i32
      %dma_start3A_136 = tpu.memref_slice %arg19[%add3A_30, %dma_start3A_135] : memref<10112x72xf32, #tpu.memory_space<vmem_shared>> -> memref<79x72xf32, #tpu.memory_space<vmem_shared>>
      %dma_start3A_137 = arith.constant 0 : i32
      %dma_start3A_138 = tpu.memref_slice %arg19[%add3A_30, %dma_start3A_137] : memref<10112x72xf32, #tpu.memory_space<vmem_shared>> -> memref<79x72xf32, #tpu.memory_space<vmem_shared>>
      %dma_start3A_139 = arith.constant 0 : i32
      %dma_start3A_140 = arith.constant 0 : i32
      %dma_start3A_141 = tpu.memref_slice %arg15[%dma_start3A_139, %dma_start3A_140] : memref<250x72xf32, #tpu.memory_space<vmem>> -> memref<79x72xf32, #tpu.memory_space<vmem>>
      tpu.enqueue_dma source(%dma_start3A_141 : memref<79x72xf32, #tpu.memory_space<vmem>>) target(%dma_start3A_138 : memref<79x72xf32, #tpu.memory_space<vmem_shared>>) target_semaphore(%run_scoped3A : memref<!tpu.dma_semaphore, #tpu.memory_space<semaphore_mem>>)
      %dma_wait3A_142 = arith.constant 0 : i32
      %dma_wait3A_143 = arith.constant 0 : i32
      %dma_wait3A_144 = tpu.memref_slice %arg15[%dma_wait3A_142, %dma_wait3A_143] : memref<250x72xf32, #tpu.memory_space<vmem>> -> memref<79x72xf32, #tpu.memory_space<vmem>>
      %dma_wait3A_145 = arith.constant 0 : i32
      %dma_wait3A_146 = tpu.memref_slice %arg19[%add3A_30, %dma_wait3A_145] : memref<10112x72xf32, #tpu.memory_space<vmem_shared>> -> memref<79x72xf32, #tpu.memory_space<vmem_shared>>
      %dma_wait3A_147 = arith.constant 0 : i32
      %dma_wait3A_148 = tpu.memref_slice %arg19[%add3A_30, %dma_wait3A_147] : memref<10112x72xf32, #tpu.memory_space<vmem_shared>> -> memref<79x72xf32, #tpu.memory_space<vmem_shared>>
      %dma_wait3A_149 = arith.constant 0 : i32
      %dma_wait3A_150 = arith.constant 0 : i32
      %dma_wait3A_151 = tpu.memref_slice %arg15[%dma_wait3A_149, %dma_wait3A_150] : memref<250x72xf32, #tpu.memory_space<vmem>> -> memref<79x72xf32, #tpu.memory_space<vmem>>
      tpu.wait_dma2 semaphore(%run_scoped3A : memref<!tpu.dma_semaphore, #tpu.memory_space<semaphore_mem>>) src(%dma_wait3A_151 : memref<79x72xf32, #tpu.memory_space<vmem>>) dst(%dma_wait3A_148 : memref<79x72xf32, #tpu.memory_space<vmem_shared>>)
      tpu.yield
    }) : () -> ()
    %mul3A_31 = arith.constant 632 : i32
    %mul3A_32 = arith.muli %arg1, %mul3A_31 : i32
    %add3A_33 = arith.constant 474 : i32
    %add3A_34 = arith.addi %mul3A_32, %add3A_33 : i32
    "tpu.region"() ({
      %run_scoped3A = tpu.sem_alloc : memref<!tpu.dma_semaphore, #tpu.memory_space<semaphore_mem>>
      %dma_start3A_132 = arith.constant 0 : i32
      %dma_start3A_133 = arith.constant 0 : i32
      %dma_start3A_134 = tpu.memref_slice %arg15[%dma_start3A_132, %dma_start3A_133] : memref<250x72xf32, #tpu.memory_space<vmem>> -> memref<79x72xf32, #tpu.memory_space<vmem>>
      %dma_start3A_135 = arith.constant 0 : i32
      %dma_start3A_136 = tpu.memref_slice %arg19[%add3A_34, %dma_start3A_135] : memref<10112x72xf32, #tpu.memory_space<vmem_shared>> -> memref<79x72xf32, #tpu.memory_space<vmem_shared>>
      %dma_start3A_137 = arith.constant 0 : i32
      %dma_start3A_138 = tpu.memref_slice %arg19[%add3A_34, %dma_start3A_137] : memref<10112x72xf32, #tpu.memory_space<vmem_shared>> -> memref<79x72xf32, #tpu.memory_space<vmem_shared>>
      %dma_start3A_139 = arith.constant 0 : i32
      %dma_start3A_140 = arith.constant 0 : i32
      %dma_start3A_141 = tpu.memref_slice %arg15[%dma_start3A_139, %dma_start3A_140] : memref<250x72xf32, #tpu.memory_space<vmem>> -> memref<79x72xf32, #tpu.memory_space<vmem>>
      tpu.enqueue_dma source(%dma_start3A_141 : memref<79x72xf32, #tpu.memory_space<vmem>>) target(%dma_start3A_138 : memref<79x72xf32, #tpu.memory_space<vmem_shared>>) target_semaphore(%run_scoped3A : memref<!tpu.dma_semaphore, #tpu.memory_space<semaphore_mem>>)
      %dma_wait3A_142 = arith.constant 0 : i32
      %dma_wait3A_143 = arith.constant 0 : i32
      %dma_wait3A_144 = tpu.memref_slice %arg15[%dma_wait3A_142, %dma_wait3A_143] : memref<250x72xf32, #tpu.memory_space<vmem>> -> memref<79x72xf32, #tpu.memory_space<vmem>>
      %dma_wait3A_145 = arith.constant 0 : i32
      %dma_wait3A_146 = tpu.memref_slice %arg19[%add3A_34, %dma_wait3A_145] : memref<10112x72xf32, #tpu.memory_space<vmem_shared>> -> memref<79x72xf32, #tpu.memory_space<vmem_shared>>
      %dma_wait3A_147 = arith.constant 0 : i32
      %dma_wait3A_148 = tpu.memref_slice %arg19[%add3A_34, %dma_wait3A_147] : memref<10112x72xf32, #tpu.memory_space<vmem_shared>> -> memref<79x72xf32, #tpu.memory_space<vmem_shared>>
      %dma_wait3A_149 = arith.constant 0 : i32
      %dma_wait3A_150 = arith.constant 0 : i32
      %dma_wait3A_151 = tpu.memref_slice %arg15[%dma_wait3A_149, %dma_wait3A_150] : memref<250x72xf32, #tpu.memory_space<vmem>> -> memref<79x72xf32, #tpu.memory_space<vmem>>
      tpu.wait_dma2 semaphore(%run_scoped3A : memref<!tpu.dma_semaphore, #tpu.memory_space<semaphore_mem>>) src(%dma_wait3A_151 : memref<79x72xf32, #tpu.memory_space<vmem>>) dst(%dma_wait3A_148 : memref<79x72xf32, #tpu.memory_space<vmem_shared>>)
      tpu.yield
    }) : () -> ()
    %mul3A_35 = arith.constant 632 : i32
    %mul3A_36 = arith.muli %arg1, %mul3A_35 : i32
    %add3A_37 = arith.constant 553 : i32
    %add3A_38 = arith.addi %mul3A_36, %add3A_37 : i32
    "tpu.region"() ({
      %run_scoped3A = tpu.sem_alloc : memref<!tpu.dma_semaphore, #tpu.memory_space<semaphore_mem>>
      %dma_start3A_132 = arith.constant 0 : i32
      %dma_start3A_133 = arith.constant 0 : i32
      %dma_start3A_134 = tpu.memref_slice %arg15[%dma_start3A_132, %dma_start3A_133] : memref<250x72xf32, #tpu.memory_space<vmem>> -> memref<79x72xf32, #tpu.memory_space<vmem>>
      %dma_start3A_135 = arith.constant 0 : i32
      %dma_start3A_136 = tpu.memref_slice %arg19[%add3A_38, %dma_start3A_135] : memref<10112x72xf32, #tpu.memory_space<vmem_shared>> -> memref<79x72xf32, #tpu.memory_space<vmem_shared>>
      %dma_start3A_137 = arith.constant 0 : i32
      %dma_start3A_138 = tpu.memref_slice %arg19[%add3A_38, %dma_start3A_137] : memref<10112x72xf32, #tpu.memory_space<vmem_shared>> -> memref<79x72xf32, #tpu.memory_space<vmem_shared>>
      %dma_start3A_139 = arith.constant 0 : i32
      %dma_start3A_140 = arith.constant 0 : i32
      %dma_start3A_141 = tpu.memref_slice %arg15[%dma_start3A_139, %dma_start3A_140] : memref<250x72xf32, #tpu.memory_space<vmem>> -> memref<79x72xf32, #tpu.memory_space<vmem>>
      tpu.enqueue_dma source(%dma_start3A_141 : memref<79x72xf32, #tpu.memory_space<vmem>>) target(%dma_start3A_138 : memref<79x72xf32, #tpu.memory_space<vmem_shared>>) target_semaphore(%run_scoped3A : memref<!tpu.dma_semaphore, #tpu.memory_space<semaphore_mem>>)
      %dma_wait3A_142 = arith.constant 0 : i32
      %dma_wait3A_143 = arith.constant 0 : i32
      %dma_wait3A_144 = tpu.memref_slice %arg15[%dma_wait3A_142, %dma_wait3A_143] : memref<250x72xf32, #tpu.memory_space<vmem>> -> memref<79x72xf32, #tpu.memory_space<vmem>>
      %dma_wait3A_145 = arith.constant 0 : i32
      %dma_wait3A_146 = tpu.memref_slice %arg19[%add3A_38, %dma_wait3A_145] : memref<10112x72xf32, #tpu.memory_space<vmem_shared>> -> memref<79x72xf32, #tpu.memory_space<vmem_shared>>
      %dma_wait3A_147 = arith.constant 0 : i32
      %dma_wait3A_148 = tpu.memref_slice %arg19[%add3A_38, %dma_wait3A_147] : memref<10112x72xf32, #tpu.memory_space<vmem_shared>> -> memref<79x72xf32, #tpu.memory_space<vmem_shared>>
      %dma_wait3A_149 = arith.constant 0 : i32
      %dma_wait3A_150 = arith.constant 0 : i32
      %dma_wait3A_151 = tpu.memref_slice %arg15[%dma_wait3A_149, %dma_wait3A_150] : memref<250x72xf32, #tpu.memory_space<vmem>> -> memref<79x72xf32, #tpu.memory_space<vmem>>
      tpu.wait_dma2 semaphore(%run_scoped3A : memref<!tpu.dma_semaphore, #tpu.memory_space<semaphore_mem>>) src(%dma_wait3A_151 : memref<79x72xf32, #tpu.memory_space<vmem>>) dst(%dma_wait3A_148 : memref<79x72xf32, #tpu.memory_space<vmem_shared>>)
      tpu.yield
    }) : () -> ()
    %barrier3A = arith.constant 0 : index
    tpu.barrier barrier_id(%barrier3A)
    %mul3A_39 = arith.constant 80 : i32
    %mul3A_40 = arith.muli %add3A, %mul3A_39 : i32
    %add3A_41 = arith.constant 0 : i32
    %add3A_42 = arith.addi %mul3A_40, %add3A_41 : i32
    "tpu.region"() ({
      %run_scoped3A = tpu.sem_alloc : memref<!tpu.dma_semaphore, #tpu.memory_space<semaphore_mem>>
      %dma_start3A_132 = arith.constant 0 : i32
      %dma_start3A_133 = tpu.memref_slice %arg4[%add3A_42, %dma_start3A_132] : memref<2560x125xi32, #tpu.memory_space<hbm>> -> memref<2x125xi32, #tpu.memory_space<hbm>>
      %dma_start3A_134 = arith.constant 0 : i32
      %dma_start3A_135 = tpu.memref_slice %arg4[%add3A_42, %dma_start3A_134] : memref<2560x125xi32, #tpu.memory_space<hbm>> -> memref<2x125xi32, #tpu.memory_space<hbm>>
      tpu.enqueue_dma source(%dma_start3A_135 : memref<2x125xi32, #tpu.memory_space<hbm>>) target(%arg7 : memref<2x125xi32, #tpu.memory_space<vmem>>) target_semaphore(%run_scoped3A : memref<!tpu.dma_semaphore, #tpu.memory_space<semaphore_mem>>)
      %dma_wait3A_136 = arith.constant 0 : i32
      %dma_wait3A_137 = tpu.memref_slice %arg4[%add3A_42, %dma_wait3A_136] : memref<2560x125xi32, #tpu.memory_space<hbm>> -> memref<2x125xi32, #tpu.memory_space<hbm>>
      %dma_wait3A_138 = arith.constant 0 : i32
      %dma_wait3A_139 = tpu.memref_slice %arg4[%add3A_42, %dma_wait3A_138] : memref<2560x125xi32, #tpu.memory_space<hbm>> -> memref<2x125xi32, #tpu.memory_space<hbm>>
      tpu.wait_dma2 semaphore(%run_scoped3A : memref<!tpu.dma_semaphore, #tpu.memory_space<semaphore_mem>>) src(%dma_wait3A_139 : memref<2x125xi32, #tpu.memory_space<hbm>>) dst(%arg7 : memref<2x125xi32, #tpu.memory_space<vmem>>)
      tpu.yield
    }) : () -> ()
    "tpu.region"() ({
      %run_scoped3A = tpu.sem_alloc : memref<!tpu.dma_semaphore, #tpu.memory_space<semaphore_mem>>
      %dma_start3A_132 = arith.constant 0 : i32
      %dma_start3A_133 = tpu.memref_slice %arg5[%add3A_42, %dma_start3A_132] : memref<2560x125xi32, #tpu.memory_space<hbm>> -> memref<2x125xi32, #tpu.memory_space<hbm>>
      %dma_start3A_134 = arith.constant 0 : i32
      %dma_start3A_135 = tpu.memref_slice %arg5[%add3A_42, %dma_start3A_134] : memref<2560x125xi32, #tpu.memory_space<hbm>> -> memref<2x125xi32, #tpu.memory_space<hbm>>
      tpu.enqueue_dma source(%dma_start3A_135 : memref<2x125xi32, #tpu.memory_space<hbm>>) target(%arg9 : memref<2x125xi32, #tpu.memory_space<vmem>>) target_semaphore(%run_scoped3A : memref<!tpu.dma_semaphore, #tpu.memory_space<semaphore_mem>>)
      %dma_wait3A_136 = arith.constant 0 : i32
      %dma_wait3A_137 = tpu.memref_slice %arg5[%add3A_42, %dma_wait3A_136] : memref<2560x125xi32, #tpu.memory_space<hbm>> -> memref<2x125xi32, #tpu.memory_space<hbm>>
      %dma_wait3A_138 = arith.constant 0 : i32
      %dma_wait3A_139 = tpu.memref_slice %arg5[%add3A_42, %dma_wait3A_138] : memref<2560x125xi32, #tpu.memory_space<hbm>> -> memref<2x125xi32, #tpu.memory_space<hbm>>
      tpu.wait_dma2 semaphore(%run_scoped3A : memref<!tpu.dma_semaphore, #tpu.memory_space<semaphore_mem>>) src(%dma_wait3A_139 : memref<2x125xi32, #tpu.memory_space<hbm>>) dst(%arg9 : memref<2x125xi32, #tpu.memory_space<vmem>>)
      tpu.yield
    }) : () -> ()
    %dma_start3A = arith.constant 0 : i32
    %dma_start3A_43 = arith.constant 0 : i32
    %dma_start3A_44 = arith.constant 0 : i32
    %dma_start3A_45 = tpu.memref_slice %arg11[%dma_start3A_43, %dma_start3A_44] : memref<250x80xf32, #tpu.memory_space<vmem>> -> memref<125x80xf32, #tpu.memory_space<vmem>>
    %dma_start3A_46 = arith.constant 0 : i32
    %dma_start3A_47 = tpu.memref_slice %arg7[%dma_start3A, %dma_start3A_46] : memref<2x125xi32, #tpu.memory_space<vmem>> -> memref<1x125xi32, #tpu.memory_space<vmem>>
    %dma_start3A_48 = tpu.memref_squeeze %dma_start3A_47 : memref<1x125xi32, #tpu.memory_space<vmem>> -> memref<125xi32, #tpu.memory_space<vmem>>
    %dma_start3A_49 = arith.constant 0 : i32
    %dma_start3A_50 = arith.constant 0 : i32
    %dma_start3A_51 = tpu.memref_slice %arg2[%dma_start3A_49, %dma_start3A_50] : memref<10000x80xf32, #tpu.memory_space<hbm>> -> memref<10000x80xf32, #tpu.memory_space<hbm>>
    tpu.enqueue_indirect_dma source(%dma_start3A_51 : memref<10000x80xf32, #tpu.memory_space<hbm>>) target(%dma_start3A_45 : memref<125x80xf32, #tpu.memory_space<vmem>>) offsets(%dma_start3A_48 : memref<125xi32, #tpu.memory_space<vmem>>) semaphore(%arg20 : memref<!tpu.dma_semaphore, #tpu.memory_space<semaphore_mem>>)
    %dma_start3A_52 = arith.constant 0 : i32
    %dma_start3A_53 = arith.constant 0 : i32
    %dma_start3A_54 = arith.constant 0 : i32
    %dma_start3A_55 = tpu.memref_slice %arg13[%dma_start3A_53, %dma_start3A_54] : memref<250x16xf32, #tpu.memory_space<vmem>> -> memref<125x16xf32, #tpu.memory_space<vmem>>
    %dma_start3A_56 = arith.constant 0 : i32
    %dma_start3A_57 = tpu.memref_slice %arg9[%dma_start3A_52, %dma_start3A_56] : memref<2x125xi32, #tpu.memory_space<vmem>> -> memref<1x125xi32, #tpu.memory_space<vmem>>
    %dma_start3A_58 = tpu.memref_squeeze %dma_start3A_57 : memref<1x125xi32, #tpu.memory_space<vmem>> -> memref<125xi32, #tpu.memory_space<vmem>>
    %dma_start3A_59 = arith.constant 0 : i32
    %dma_start3A_60 = arith.constant 0 : i32
    %dma_start3A_61 = tpu.memref_slice %arg3[%dma_start3A_59, %dma_start3A_60] : memref<10000x16xf32, #tpu.memory_space<hbm>> -> memref<10000x16xf32, #tpu.memory_space<hbm>>
    tpu.enqueue_indirect_dma source(%dma_start3A_61 : memref<10000x16xf32, #tpu.memory_space<hbm>>) target(%dma_start3A_55 : memref<125x16xf32, #tpu.memory_space<vmem>>) offsets(%dma_start3A_58 : memref<125xi32, #tpu.memory_space<vmem>>) semaphore(%arg22 : memref<!tpu.dma_semaphore, #tpu.memory_space<semaphore_mem>>)
    %dma_start3A_62 = arith.constant 1 : i32
    %dma_start3A_63 = arith.constant 125 : i32
    %dma_start3A_64 = arith.constant 0 : i32
    %dma_start3A_65 = tpu.memref_slice %arg11[%dma_start3A_63, %dma_start3A_64] : memref<250x80xf32, #tpu.memory_space<vmem>> -> memref<125x80xf32, #tpu.memory_space<vmem>>
    %dma_start3A_66 = arith.constant 0 : i32
    %dma_start3A_67 = tpu.memref_slice %arg7[%dma_start3A_62, %dma_start3A_66] : memref<2x125xi32, #tpu.memory_space<vmem>> -> memref<1x125xi32, #tpu.memory_space<vmem>>
    %dma_start3A_68 = tpu.memref_squeeze %dma_start3A_67 : memref<1x125xi32, #tpu.memory_space<vmem>> -> memref<125xi32, #tpu.memory_space<vmem>>
    %dma_start3A_69 = arith.constant 0 : i32
    %dma_start3A_70 = arith.constant 0 : i32
    %dma_start3A_71 = tpu.memref_slice %arg2[%dma_start3A_69, %dma_start3A_70] : memref<10000x80xf32, #tpu.memory_space<hbm>> -> memref<10000x80xf32, #tpu.memory_space<hbm>>
    tpu.enqueue_indirect_dma source(%dma_start3A_71 : memref<10000x80xf32, #tpu.memory_space<hbm>>) target(%dma_start3A_65 : memref<125x80xf32, #tpu.memory_space<vmem>>) offsets(%dma_start3A_68 : memref<125xi32, #tpu.memory_space<vmem>>) semaphore(%arg20 : memref<!tpu.dma_semaphore, #tpu.memory_space<semaphore_mem>>)
    %dma_start3A_72 = arith.constant 1 : i32
    %dma_start3A_73 = arith.constant 125 : i32
    %dma_start3A_74 = arith.constant 0 : i32
    %dma_start3A_75 = tpu.memref_slice %arg13[%dma_start3A_73, %dma_start3A_74] : memref<250x16xf32, #tpu.memory_space<vmem>> -> memref<125x16xf32, #tpu.memory_space<vmem>>
    %dma_start3A_76 = arith.constant 0 : i32
    %dma_start3A_77 = tpu.memref_slice %arg9[%dma_start3A_72, %dma_start3A_76] : memref<2x125xi32, #tpu.memory_space<vmem>> -> memref<1x125xi32, #tpu.memory_space<vmem>>
    %dma_start3A_78 = tpu.memref_squeeze %dma_start3A_77 : memref<1x125xi32, #tpu.memory_space<vmem>> -> memref<125xi32, #tpu.memory_space<vmem>>
    %dma_start3A_79 = arith.constant 0 : i32
    %dma_start3A_80 = arith.constant 0 : i32
    %dma_start3A_81 = tpu.memref_slice %arg3[%dma_start3A_79, %dma_start3A_80] : memref<10000x16xf32, #tpu.memory_space<hbm>> -> memref<10000x16xf32, #tpu.memory_space<hbm>>
    tpu.enqueue_indirect_dma source(%dma_start3A_81 : memref<10000x16xf32, #tpu.memory_space<hbm>>) target(%dma_start3A_75 : memref<125x16xf32, #tpu.memory_space<vmem>>) offsets(%dma_start3A_78 : memref<125xi32, #tpu.memory_space<vmem>>) semaphore(%arg22 : memref<!tpu.dma_semaphore, #tpu.memory_space<semaphore_mem>>)
    %scan3A_82 = arith.constant 0 : i32
    %scan3A_83 = arith.constant 0 : i32
    %scan3A_84 = arith.constant 20 : i32
    %scan3A_85 = arith.addi %scan3A_83, %scan3A_84 : i32
    %scan3A_86 = arith.constant 1 : i32
    scf.for %scan3A_132 = %scan3A_83 to %scan3A_85 step %scan3A_86  : i32 {
      %mul3A_133 = arith.constant 2 : i32
      %mul3A_134 = arith.muli %mul3A_133, %scan3A_132 : i32
      %add3A_135 = arith.constant 1 : i32
      %add3A_136 = arith.addi %mul3A_134, %add3A_135 : i32
      %mul3A_137 = arith.constant 80 : i32
      %mul3A_138 = arith.muli %add3A, %mul3A_137 : i32
      %mul3A_139 = arith.constant 2 : i32
      %mul3A_140 = arith.muli %add3A_136, %mul3A_139 : i32
      %add3A_141 = arith.addi %mul3A_138, %mul3A_140 : i32
      "tpu.region"() ({
        %run_scoped3A = tpu.sem_alloc : memref<!tpu.dma_semaphore, #tpu.memory_space<semaphore_mem>>
        %dma_start3A_572 = arith.constant 0 : i32
        %dma_start3A_573 = tpu.memref_slice %arg4[%add3A_141, %dma_start3A_572] : memref<2560x125xi32, #tpu.memory_space<hbm>> -> memref<2x125xi32, #tpu.memory_space<hbm>>
        %dma_start3A_574 = arith.constant 0 : i32
        %dma_start3A_575 = tpu.memref_slice %arg4[%add3A_141, %dma_start3A_574] : memref<2560x125xi32, #tpu.memory_space<hbm>> -> memref<2x125xi32, #tpu.memory_space<hbm>>
        tpu.enqueue_dma source(%dma_start3A_575 : memref<2x125xi32, #tpu.memory_space<hbm>>) target(%arg8 : memref<2x125xi32, #tpu.memory_space<vmem>>) target_semaphore(%run_scoped3A : memref<!tpu.dma_semaphore, #tpu.memory_space<semaphore_mem>>)
        %dma_wait3A_576 = arith.constant 0 : i32
        %dma_wait3A_577 = tpu.memref_slice %arg4[%add3A_141, %dma_wait3A_576] : memref<2560x125xi32, #tpu.memory_space<hbm>> -> memref<2x125xi32, #tpu.memory_space<hbm>>
        %dma_wait3A_578 = arith.constant 0 : i32
        %dma_wait3A_579 = tpu.memref_slice %arg4[%add3A_141, %dma_wait3A_578] : memref<2560x125xi32, #tpu.memory_space<hbm>> -> memref<2x125xi32, #tpu.memory_space<hbm>>
        tpu.wait_dma2 semaphore(%run_scoped3A : memref<!tpu.dma_semaphore, #tpu.memory_space<semaphore_mem>>) src(%dma_wait3A_579 : memref<2x125xi32, #tpu.memory_space<hbm>>) dst(%arg8 : memref<2x125xi32, #tpu.memory_space<vmem>>)
        tpu.yield
      }) : () -> ()
      "tpu.region"() ({
        %run_scoped3A = tpu.sem_alloc : memref<!tpu.dma_semaphore, #tpu.memory_space<semaphore_mem>>
        %dma_start3A_572 = arith.constant 0 : i32
        %dma_start3A_573 = tpu.memref_slice %arg5[%add3A_141, %dma_start3A_572] : memref<2560x125xi32, #tpu.memory_space<hbm>> -> memref<2x125xi32, #tpu.memory_space<hbm>>
        %dma_start3A_574 = arith.constant 0 : i32
        %dma_start3A_575 = tpu.memref_slice %arg5[%add3A_141, %dma_start3A_574] : memref<2560x125xi32, #tpu.memory_space<hbm>> -> memref<2x125xi32, #tpu.memory_space<hbm>>
        tpu.enqueue_dma source(%dma_start3A_575 : memref<2x125xi32, #tpu.memory_space<hbm>>) target(%arg10 : memref<2x125xi32, #tpu.memory_space<vmem>>) target_semaphore(%run_scoped3A : memref<!tpu.dma_semaphore, #tpu.memory_space<semaphore_mem>>)
        %dma_wait3A_576 = arith.constant 0 : i32
        %dma_wait3A_577 = tpu.memref_slice %arg5[%add3A_141, %dma_wait3A_576] : memref<2560x125xi32, #tpu.memory_space<hbm>> -> memref<2x125xi32, #tpu.memory_space<hbm>>
        %dma_wait3A_578 = arith.constant 0 : i32
        %dma_wait3A_579 = tpu.memref_slice %arg5[%add3A_141, %dma_wait3A_578] : memref<2560x125xi32, #tpu.memory_space<hbm>> -> memref<2x125xi32, #tpu.memory_space<hbm>>
        tpu.wait_dma2 semaphore(%run_scoped3A : memref<!tpu.dma_semaphore, #tpu.memory_space<semaphore_mem>>) src(%dma_wait3A_579 : memref<2x125xi32, #tpu.memory_space<hbm>>) dst(%arg10 : memref<2x125xi32, #tpu.memory_space<vmem>>)
        tpu.yield
      }) : () -> ()
      %dma_start3A_142 = arith.constant 0 : i32
      %dma_start3A_143 = arith.constant 0 : i32
      %dma_start3A_144 = arith.constant 0 : i32
      %dma_start3A_145 = tpu.memref_slice %arg12[%dma_start3A_143, %dma_start3A_144] : memref<250x80xf32, #tpu.memory_space<vmem>> -> memref<125x80xf32, #tpu.memory_space<vmem>>
      %dma_start3A_146 = arith.constant 0 : i32
      %dma_start3A_147 = tpu.memref_slice %arg8[%dma_start3A_142, %dma_start3A_146] : memref<2x125xi32, #tpu.memory_space<vmem>> -> memref<1x125xi32, #tpu.memory_space<vmem>>
      %dma_start3A_148 = tpu.memref_squeeze %dma_start3A_147 : memref<1x125xi32, #tpu.memory_space<vmem>> -> memref<125xi32, #tpu.memory_space<vmem>>
      %dma_start3A_149 = arith.constant 0 : i32
      %dma_start3A_150 = arith.constant 0 : i32
      %dma_start3A_151 = tpu.memref_slice %arg2[%dma_start3A_149, %dma_start3A_150] : memref<10000x80xf32, #tpu.memory_space<hbm>> -> memref<10000x80xf32, #tpu.memory_space<hbm>>
      tpu.enqueue_indirect_dma source(%dma_start3A_151 : memref<10000x80xf32, #tpu.memory_space<hbm>>) target(%dma_start3A_145 : memref<125x80xf32, #tpu.memory_space<vmem>>) offsets(%dma_start3A_148 : memref<125xi32, #tpu.memory_space<vmem>>) semaphore(%arg21 : memref<!tpu.dma_semaphore, #tpu.memory_space<semaphore_mem>>)
      %dma_start3A_152 = arith.constant 0 : i32
      %dma_start3A_153 = arith.constant 0 : i32
      %dma_start3A_154 = arith.constant 0 : i32
      %dma_start3A_155 = tpu.memref_slice %arg14[%dma_start3A_153, %dma_start3A_154] : memref<250x16xf32, #tpu.memory_space<vmem>> -> memref<125x16xf32, #tpu.memory_space<vmem>>
      %dma_start3A_156 = arith.constant 0 : i32
      %dma_start3A_157 = tpu.memref_slice %arg10[%dma_start3A_152, %dma_start3A_156] : memref<2x125xi32, #tpu.memory_space<vmem>> -> memref<1x125xi32, #tpu.memory_space<vmem>>
      %dma_start3A_158 = tpu.memref_squeeze %dma_start3A_157 : memref<1x125xi32, #tpu.memory_space<vmem>> -> memref<125xi32, #tpu.memory_space<vmem>>
      %dma_start3A_159 = arith.constant 0 : i32
      %dma_start3A_160 = arith.constant 0 : i32
      %dma_start3A_161 = tpu.memref_slice %arg3[%dma_start3A_159, %dma_start3A_160] : memref<10000x16xf32, #tpu.memory_space<hbm>> -> memref<10000x16xf32, #tpu.memory_space<hbm>>
      tpu.enqueue_indirect_dma source(%dma_start3A_161 : memref<10000x16xf32, #tpu.memory_space<hbm>>) target(%dma_start3A_155 : memref<125x16xf32, #tpu.memory_space<vmem>>) offsets(%dma_start3A_158 : memref<125xi32, #tpu.memory_space<vmem>>) semaphore(%arg23 : memref<!tpu.dma_semaphore, #tpu.memory_space<semaphore_mem>>)
      %dma_start3A_162 = arith.constant 1 : i32
      %dma_start3A_163 = arith.constant 125 : i32
      %dma_start3A_164 = arith.constant 0 : i32
      %dma_start3A_165 = tpu.memref_slice %arg12[%dma_start3A_163, %dma_start3A_164] : memref<250x80xf32, #tpu.memory_space<vmem>> -> memref<125x80xf32, #tpu.memory_space<vmem>>
      %dma_start3A_166 = arith.constant 0 : i32
      %dma_start3A_167 = tpu.memref_slice %arg8[%dma_start3A_162, %dma_start3A_166] : memref<2x125xi32, #tpu.memory_space<vmem>> -> memref<1x125xi32, #tpu.memory_space<vmem>>
      %dma_start3A_168 = tpu.memref_squeeze %dma_start3A_167 : memref<1x125xi32, #tpu.memory_space<vmem>> -> memref<125xi32, #tpu.memory_space<vmem>>
      %dma_start3A_169 = arith.constant 0 : i32
      %dma_start3A_170 = arith.constant 0 : i32
      %dma_start3A_171 = tpu.memref_slice %arg2[%dma_start3A_169, %dma_start3A_170] : memref<10000x80xf32, #tpu.memory_space<hbm>> -> memref<10000x80xf32, #tpu.memory_space<hbm>>
      tpu.enqueue_indirect_dma source(%dma_start3A_171 : memref<10000x80xf32, #tpu.memory_space<hbm>>) target(%dma_start3A_165 : memref<125x80xf32, #tpu.memory_space<vmem>>) offsets(%dma_start3A_168 : memref<125xi32, #tpu.memory_space<vmem>>) semaphore(%arg21 : memref<!tpu.dma_semaphore, #tpu.memory_space<semaphore_mem>>)
      %dma_start3A_172 = arith.constant 1 : i32
      %dma_start3A_173 = arith.constant 125 : i32
      %dma_start3A_174 = arith.constant 0 : i32
      %dma_start3A_175 = tpu.memref_slice %arg14[%dma_start3A_173, %dma_start3A_174] : memref<250x16xf32, #tpu.memory_space<vmem>> -> memref<125x16xf32, #tpu.memory_space<vmem>>
      %dma_start3A_176 = arith.constant 0 : i32
      %dma_start3A_177 = tpu.memref_slice %arg10[%dma_start3A_172, %dma_start3A_176] : memref<2x125xi32, #tpu.memory_space<vmem>> -> memref<1x125xi32, #tpu.memory_space<vmem>>
      %dma_start3A_178 = tpu.memref_squeeze %dma_start3A_177 : memref<1x125xi32, #tpu.memory_space<vmem>> -> memref<125xi32, #tpu.memory_space<vmem>>
      %dma_start3A_179 = arith.constant 0 : i32
      %dma_start3A_180 = arith.constant 0 : i32
      %dma_start3A_181 = tpu.memref_slice %arg3[%dma_start3A_179, %dma_start3A_180] : memref<10000x16xf32, #tpu.memory_space<hbm>> -> memref<10000x16xf32, #tpu.memory_space<hbm>>
      tpu.enqueue_indirect_dma source(%dma_start3A_181 : memref<10000x16xf32, #tpu.memory_space<hbm>>) target(%dma_start3A_175 : memref<125x16xf32, #tpu.memory_space<vmem>>) offsets(%dma_start3A_178 : memref<125xi32, #tpu.memory_space<vmem>>) semaphore(%arg23 : memref<!tpu.dma_semaphore, #tpu.memory_space<semaphore_mem>>)
      %dma_wait3A_182 = arith.constant 0 : i32
      %dma_wait3A_183 = arith.constant 0 : i32
      %dma_wait3A_184 = arith.constant 0 : i32
      %dma_wait3A_185 = tpu.memref_slice %arg11[%dma_wait3A_183, %dma_wait3A_184] : memref<250x80xf32, #tpu.memory_space<vmem>> -> memref<125x80xf32, #tpu.memory_space<vmem>>
      %dma_wait3A_186 = arith.constant 0 : i32
      %dma_wait3A_187 = tpu.memref_slice %arg7[%dma_wait3A_182, %dma_wait3A_186] : memref<2x125xi32, #tpu.memory_space<vmem>> -> memref<1x125xi32, #tpu.memory_space<vmem>>
      %dma_wait3A_188 = tpu.memref_squeeze %dma_wait3A_187 : memref<1x125xi32, #tpu.memory_space<vmem>> -> memref<125xi32, #tpu.memory_space<vmem>>
      %dma_wait3A_189 = arith.constant 0 : i32
      %dma_wait3A_190 = arith.constant 0 : i32
      %dma_wait3A_191 = tpu.memref_slice %arg2[%dma_wait3A_189, %dma_wait3A_190] : memref<10000x80xf32, #tpu.memory_space<hbm>> -> memref<10000x80xf32, #tpu.memory_space<hbm>>
      tpu.wait_indirect_dma semaphore(%arg20 : memref<!tpu.dma_semaphore, #tpu.memory_space<semaphore_mem>>) src(%dma_wait3A_191 : memref<10000x80xf32, #tpu.memory_space<hbm>>) dst(%dma_wait3A_185 : memref<125x80xf32, #tpu.memory_space<vmem>>)
      %dma_wait3A_192 = arith.constant 0 : i32
      %dma_wait3A_193 = arith.constant 0 : i32
      %dma_wait3A_194 = arith.constant 0 : i32
      %dma_wait3A_195 = tpu.memref_slice %arg13[%dma_wait3A_193, %dma_wait3A_194] : memref<250x16xf32, #tpu.memory_space<vmem>> -> memref<125x16xf32, #tpu.memory_space<vmem>>
      %dma_wait3A_196 = arith.constant 0 : i32
      %dma_wait3A_197 = tpu.memref_slice %arg9[%dma_wait3A_192, %dma_wait3A_196] : memref<2x125xi32, #tpu.memory_space<vmem>> -> memref<1x125xi32, #tpu.memory_space<vmem>>
      %dma_wait3A_198 = tpu.memref_squeeze %dma_wait3A_197 : memref<1x125xi32, #tpu.memory_space<vmem>> -> memref<125xi32, #tpu.memory_space<vmem>>
      %dma_wait3A_199 = arith.constant 0 : i32
      %dma_wait3A_200 = arith.constant 0 : i32
      %dma_wait3A_201 = tpu.memref_slice %arg3[%dma_wait3A_199, %dma_wait3A_200] : memref<10000x16xf32, #tpu.memory_space<hbm>> -> memref<10000x16xf32, #tpu.memory_space<hbm>>
      tpu.wait_indirect_dma semaphore(%arg22 : memref<!tpu.dma_semaphore, #tpu.memory_space<semaphore_mem>>) src(%dma_wait3A_201 : memref<10000x16xf32, #tpu.memory_space<hbm>>) dst(%dma_wait3A_195 : memref<125x16xf32, #tpu.memory_space<vmem>>)
      %dma_wait3A_202 = arith.constant 1 : i32
      %dma_wait3A_203 = arith.constant 125 : i32
      %dma_wait3A_204 = arith.constant 0 : i32
      %dma_wait3A_205 = tpu.memref_slice %arg11[%dma_wait3A_203, %dma_wait3A_204] : memref<250x80xf32, #tpu.memory_space<vmem>> -> memref<125x80xf32, #tpu.memory_space<vmem>>
      %dma_wait3A_206 = arith.constant 0 : i32
      %dma_wait3A_207 = tpu.memref_slice %arg7[%dma_wait3A_202, %dma_wait3A_206] : memref<2x125xi32, #tpu.memory_space<vmem>> -> memref<1x125xi32, #tpu.memory_space<vmem>>
      %dma_wait3A_208 = tpu.memref_squeeze %dma_wait3A_207 : memref<1x125xi32, #tpu.memory_space<vmem>> -> memref<125xi32, #tpu.memory_space<vmem>>
      %dma_wait3A_209 = arith.constant 0 : i32
      %dma_wait3A_210 = arith.constant 0 : i32
      %dma_wait3A_211 = tpu.memref_slice %arg2[%dma_wait3A_209, %dma_wait3A_210] : memref<10000x80xf32, #tpu.memory_space<hbm>> -> memref<10000x80xf32, #tpu.memory_space<hbm>>
      tpu.wait_indirect_dma semaphore(%arg20 : memref<!tpu.dma_semaphore, #tpu.memory_space<semaphore_mem>>) src(%dma_wait3A_211 : memref<10000x80xf32, #tpu.memory_space<hbm>>) dst(%dma_wait3A_205 : memref<125x80xf32, #tpu.memory_space<vmem>>)
      %dma_wait3A_212 = arith.constant 1 : i32
      %dma_wait3A_213 = arith.constant 125 : i32
      %dma_wait3A_214 = arith.constant 0 : i32
      %dma_wait3A_215 = tpu.memref_slice %arg13[%dma_wait3A_213, %dma_wait3A_214] : memref<250x16xf32, #tpu.memory_space<vmem>> -> memref<125x16xf32, #tpu.memory_space<vmem>>
      %dma_wait3A_216 = arith.constant 0 : i32
      %dma_wait3A_217 = tpu.memref_slice %arg9[%dma_wait3A_212, %dma_wait3A_216] : memref<2x125xi32, #tpu.memory_space<vmem>> -> memref<1x125xi32, #tpu.memory_space<vmem>>
      %dma_wait3A_218 = tpu.memref_squeeze %dma_wait3A_217 : memref<1x125xi32, #tpu.memory_space<vmem>> -> memref<125xi32, #tpu.memory_space<vmem>>
      %dma_wait3A_219 = arith.constant 0 : i32
      %dma_wait3A_220 = arith.constant 0 : i32
      %dma_wait3A_221 = tpu.memref_slice %arg3[%dma_wait3A_219, %dma_wait3A_220] : memref<10000x16xf32, #tpu.memory_space<hbm>> -> memref<10000x16xf32, #tpu.memory_space<hbm>>
      tpu.wait_indirect_dma semaphore(%arg22 : memref<!tpu.dma_semaphore, #tpu.memory_space<semaphore_mem>>) src(%dma_wait3A_221 : memref<10000x16xf32, #tpu.memory_space<hbm>>) dst(%dma_wait3A_215 : memref<125x16xf32, #tpu.memory_space<vmem>>)
      %gt3A = arith.constant 0 : i32
      %gt3A_222 = arith.cmpi sgt, %scan3A_132, %gt3A : i32
      %convert_element_type3A = arith.extui %gt3A_222 : i1 to i32
      %cond3A = arith.constant 0 : i32
      %cond3A_223 = arith.cmpi ne, %convert_element_type3A, %cond3A : i32
      scf.if %cond3A_223 {
        %dma_wait3A_572 = arith.constant 0 : i32
        %dma_wait3A_573 = arith.constant 0 : i32
        %dma_wait3A_574 = arith.constant 0 : i32
        %dma_wait3A_575 = tpu.memref_slice %arg15[%dma_wait3A_573, %dma_wait3A_574] : memref<250x72xf32, #tpu.memory_space<vmem>> -> memref<125x72xf32, #tpu.memory_space<vmem>>
        %dma_wait3A_576 = arith.constant 0 : i32
        %dma_wait3A_577 = tpu.memref_slice %arg17[%dma_wait3A_572, %dma_wait3A_576] : memref<2x125xi32, #tpu.memory_space<vmem>> -> memref<1x125xi32, #tpu.memory_space<vmem>>
        %dma_wait3A_578 = tpu.memref_squeeze %dma_wait3A_577 : memref<1x125xi32, #tpu.memory_space<vmem>> -> memref<125xi32, #tpu.memory_space<vmem>>
        %dma_wait3A_579 = arith.constant 0 : i32
        %dma_wait3A_580 = arith.constant 0 : i32
        %dma_wait3A_581 = tpu.memref_slice %arg19[%dma_wait3A_579, %dma_wait3A_580] : memref<10112x72xf32, #tpu.memory_space<vmem_shared>> -> memref<10112x72xf32, #tpu.memory_space<vmem_shared>>
        tpu.wait_indirect_dma semaphore(%arg24 : memref<!tpu.dma_semaphore, #tpu.memory_space<semaphore_mem>>) src(%dma_wait3A_575 : memref<125x72xf32, #tpu.memory_space<vmem>>) dst(%dma_wait3A_581 : memref<10112x72xf32, #tpu.memory_space<vmem_shared>>)
        %dma_wait3A_582 = arith.constant 1 : i32
        %dma_wait3A_583 = arith.constant 125 : i32
        %dma_wait3A_584 = arith.constant 0 : i32
        %dma_wait3A_585 = tpu.memref_slice %arg15[%dma_wait3A_583, %dma_wait3A_584] : memref<250x72xf32, #tpu.memory_space<vmem>> -> memref<125x72xf32, #tpu.memory_space<vmem>>
        %dma_wait3A_586 = arith.constant 0 : i32
        %dma_wait3A_587 = tpu.memref_slice %arg17[%dma_wait3A_582, %dma_wait3A_586] : memref<2x125xi32, #tpu.memory_space<vmem>> -> memref<1x125xi32, #tpu.memory_space<vmem>>
        %dma_wait3A_588 = tpu.memref_squeeze %dma_wait3A_587 : memref<1x125xi32, #tpu.memory_space<vmem>> -> memref<125xi32, #tpu.memory_space<vmem>>
        %dma_wait3A_589 = arith.constant 0 : i32
        %dma_wait3A_590 = arith.constant 0 : i32
        %dma_wait3A_591 = tpu.memref_slice %arg19[%dma_wait3A_589, %dma_wait3A_590] : memref<10112x72xf32, #tpu.memory_space<vmem_shared>> -> memref<10112x72xf32, #tpu.memory_space<vmem_shared>>
        tpu.wait_indirect_dma semaphore(%arg24 : memref<!tpu.dma_semaphore, #tpu.memory_space<semaphore_mem>>) src(%dma_wait3A_585 : memref<125x72xf32, #tpu.memory_space<vmem>>) dst(%dma_wait3A_591 : memref<10112x72xf32, #tpu.memory_space<vmem_shared>>)
      } else {
      }
      %parallel_loop3A = arith.constant 0 : i32
      %parallel_loop3A_224 = arith.constant 250 : i32
      %parallel_loop3A_225 = arith.constant 1 : i32
      scf.for %parallel_loop3A_572 = %parallel_loop3A to %parallel_loop3A_224 step %parallel_loop3A_225  : i32 {
        %parallel_loop3A_573 = arith.index_cast %parallel_loop3A_572 : i32 to index
        %parallel_loop3A_574 = arith.constant 64 : index
        %parallel_loop3A_575 = tpu.vector_load %arg11[%parallel_loop3A_573, %parallel_loop3A_574] {strides = array<i32>} : memref<250x80xf32, #tpu.memory_space<vmem>>, vector<16xf32>,
        %parallel_loop3A_576 = arith.index_cast %parallel_loop3A_572 : i32 to index
        %parallel_loop3A_577 = arith.constant 0 : index
        %parallel_loop3A_578 = tpu.vector_load %arg13[%parallel_loop3A_576, %parallel_loop3A_577] {strides = array<i32>} : memref<250x16xf32, #tpu.memory_space<vmem>>, vector<16xf32>,
        %parallel_loop3A_579 = arith.addf %parallel_loop3A_575, %parallel_loop3A_578 : vector<16xf32>
        %parallel_loop3A_580 = arith.constant 2.000000e-01 : f32
        %parallel_loop3A_581 = vector.broadcast %parallel_loop3A_580 : f32 to vector<16xf32>
        %parallel_loop3A_582 = arith.mulf %parallel_loop3A_579, %parallel_loop3A_581 : vector<16xf32>
        %parallel_loop3A_583 = arith.maximumf %parallel_loop3A_579, %parallel_loop3A_582 : vector<16xf32>
        %parallel_loop3A_584 = math.exp %parallel_loop3A_583 : vector<16xf32>
        %parallel_loop3A_585 = vector.broadcast %parallel_loop3A_572 : i32 to vector<16xi32>
        %parallel_loop3A_586 = tpu.iota {dimensions = array<i32: 0>} : vector<16xi32>
        %parallel_loop3A_587 = arith.constant 8 : i32
        %parallel_loop3A_588 = arith.constant 0 : i32
        %parallel_loop3A_589 = arith.cmpi eq, %parallel_loop3A_587, %parallel_loop3A_588 : i32
        %parallel_loop3A_590 = arith.constant 1 : i32
        %parallel_loop3A_591 = arith.select %parallel_loop3A_589, %parallel_loop3A_590, %parallel_loop3A_587 : i32
        %parallel_loop3A_592 = vector.broadcast %parallel_loop3A_591 : i32 to vector<16xi32>
        %parallel_loop3A_593 = arith.remsi %parallel_loop3A_586, %parallel_loop3A_592 : vector<16xi32>
        %parallel_loop3A_594 = arith.constant 0 : i32
        %parallel_loop3A_595 = vector.broadcast %parallel_loop3A_594 : i32 to vector<16xi32>
        %parallel_loop3A_596 = arith.cmpi ne, %parallel_loop3A_593, %parallel_loop3A_595 : vector<16xi32>
        %parallel_loop3A_597 = arith.constant 0 : i32
        %parallel_loop3A_598 = vector.broadcast %parallel_loop3A_597 : i32 to vector<16xi32>
        %parallel_loop3A_599 = arith.cmpi slt, %parallel_loop3A_593, %parallel_loop3A_598 : vector<16xi32>
        %parallel_loop3A_600 = arith.constant 0 : i32
        %parallel_loop3A_601 = arith.cmpi slt, %parallel_loop3A_591, %parallel_loop3A_600 : i32
        %parallel_loop3A_602 = vector.broadcast %parallel_loop3A_601 : i1 to vector<16xi1>
        %parallel_loop3A_603 = vector.broadcast %parallel_loop3A_602 : vector<16xi1> to vector<16xi1>
        %parallel_loop3A_604 = arith.xori %parallel_loop3A_599, %parallel_loop3A_603 : vector<16xi1>
        %parallel_loop3A_605 = arith.andi %parallel_loop3A_604, %parallel_loop3A_596 : vector<16xi1>
        %parallel_loop3A_606 = vector.broadcast %parallel_loop3A_591 : i32 to vector<16xi32>
        %parallel_loop3A_607 = arith.addi %parallel_loop3A_593, %parallel_loop3A_606 : vector<16xi32>
        %parallel_loop3A_608 = arith.select %parallel_loop3A_605, %parallel_loop3A_607, %parallel_loop3A_593 : vector<16xi1>, vector<16xi32>
        %parallel_loop3A_609 = arith.constant 64 : i32
        %parallel_loop3A_610 = vector.broadcast %parallel_loop3A_609 : i32 to vector<16xi32>
        %parallel_loop3A_611 = arith.addi %parallel_loop3A_610, %parallel_loop3A_608 : vector<16xi32>
        %parallel_loop3A_612 = arith.constant 8 : i32
        %parallel_loop3A_613 = vector.broadcast %parallel_loop3A_612 : i32 to vector<16xi32>
        %parallel_loop3A_614 = arith.cmpi slt, %parallel_loop3A_586, %parallel_loop3A_613 : vector<16xi32>
        tpu.vector_store_idx %arg15[%parallel_loop3A_585, %parallel_loop3A_611], %parallel_loop3A_584 masked %parallel_loop3A_614 : memref<250x72xf32, #tpu.memory_space<vmem>>[vector<16xi32>, vector<16xi32>], vector<16xf32>, vector<16xi1>
        %parallel_loop3A_615 = arith.constant 8 : i32
        %parallel_loop3A_616 = vector.broadcast %parallel_loop3A_615 : i32 to vector<16xi32>
        %parallel_loop3A_617 = arith.divsi %parallel_loop3A_586, %parallel_loop3A_616 : vector<16xi32>
        %parallel_loop3A_618 = arith.constant 0 : i32
        %parallel_loop3A_619 = vector.broadcast %parallel_loop3A_618 : i32 to vector<16xi32>
        %parallel_loop3A_620 = arith.cmpi sgt, %parallel_loop3A_586, %parallel_loop3A_619 : vector<16xi32>
        %parallel_loop3A_621 = arith.extui %parallel_loop3A_620 : vector<16xi1> to vector<16xi32>
        %parallel_loop3A_622 = arith.constant 0 : i32
        %parallel_loop3A_623 = vector.broadcast %parallel_loop3A_622 : i32 to vector<16xi32>
        %parallel_loop3A_624 = arith.cmpi slt, %parallel_loop3A_586, %parallel_loop3A_623 : vector<16xi32>
        %parallel_loop3A_625 = arith.extui %parallel_loop3A_624 : vector<16xi1> to vector<16xi32>
        %parallel_loop3A_626 = arith.subi %parallel_loop3A_621, %parallel_loop3A_625 : vector<16xi32>
        %parallel_loop3A_627 = arith.constant 0 : i32
        %parallel_loop3A_628 = arith.cmpi sgt, %parallel_loop3A_615, %parallel_loop3A_627 : i32
        %parallel_loop3A_629 = arith.extui %parallel_loop3A_628 : i1 to i32
        %parallel_loop3A_630 = arith.constant 0 : i32
        %parallel_loop3A_631 = arith.cmpi slt, %parallel_loop3A_615, %parallel_loop3A_630 : i32
        %parallel_loop3A_632 = arith.extui %parallel_loop3A_631 : i1 to i32
        %parallel_loop3A_633 = arith.subi %parallel_loop3A_629, %parallel_loop3A_632 : i32
        %parallel_loop3A_634 = vector.broadcast %parallel_loop3A_633 : i32 to vector<16xi32>
        %parallel_loop3A_635 = arith.cmpi ne, %parallel_loop3A_626, %parallel_loop3A_634 : vector<16xi32>
        %parallel_loop3A_636 = vector.broadcast %parallel_loop3A_615 : i32 to vector<16xi32>
        %parallel_loop3A_637 = arith.remsi %parallel_loop3A_586, %parallel_loop3A_636 : vector<16xi32>
        %parallel_loop3A_638 = arith.constant 0 : i32
        %parallel_loop3A_639 = vector.broadcast %parallel_loop3A_638 : i32 to vector<16xi32>
        %parallel_loop3A_640 = arith.cmpi ne, %parallel_loop3A_637, %parallel_loop3A_639 : vector<16xi32>
        %parallel_loop3A_641 = arith.andi %parallel_loop3A_635, %parallel_loop3A_640 : vector<16xi1>
        %parallel_loop3A_642 = arith.constant 1 : i32
        %parallel_loop3A_643 = vector.broadcast %parallel_loop3A_642 : i32 to vector<16xi32>
        %parallel_loop3A_644 = arith.subi %parallel_loop3A_617, %parallel_loop3A_643 : vector<16xi32>
        %parallel_loop3A_645 = arith.select %parallel_loop3A_641, %parallel_loop3A_644, %parallel_loop3A_617 : vector<16xi1>, vector<16xi32>
        %parallel_loop3A_646 = arith.constant 0 : i32
        %parallel_loop3A_647 = vector.broadcast %parallel_loop3A_646 : i32 to vector<16xi32>
        %parallel_loop3A_648 = arith.muli %parallel_loop3A_647, %parallel_loop3A_645 : vector<16xi32>
        %parallel_loop3A_649 = arith.index_cast %parallel_loop3A_572 : i32 to index
        %parallel_loop3A_650 = arith.constant 0 : index
        %parallel_loop3A_651 = tpu.vector_load %arg11[%parallel_loop3A_649, %parallel_loop3A_650] {strides = array<i32>} : memref<250x80xf32, #tpu.memory_space<vmem>>, vector<16xf32>,
        %parallel_loop3A_652 = vector.shape_cast %parallel_loop3A_648 : vector<16xi32> to vector<16x1xi32>
        %parallel_loop3A_653 = vector.shape_cast %parallel_loop3A_652 : vector<16x1xi32> to vector<16xi32>
        %parallel_loop3A_654 = tpu.dynamic_gather %parallel_loop3A_584[%parallel_loop3A_653] in [0] : vector<16xf32>, vector<16xi32> -> vector<16xf32>
        %parallel_loop3A_655 = arith.mulf %parallel_loop3A_651, %parallel_loop3A_654 : vector<16xf32>
        %parallel_loop3A_656 = arith.index_cast %parallel_loop3A_572 : i32 to index
        %parallel_loop3A_657 = arith.constant 0 : index
        %parallel_loop3A_658 = tpu.vector_load %arg15[%parallel_loop3A_656, %parallel_loop3A_657] {strides = array<i32>} : memref<250x72xf32, #tpu.memory_space<vmem>>, vector<16xf32>,
        tpu.vector_store %arg15[%parallel_loop3A_656, %parallel_loop3A_657], %parallel_loop3A_655 {strides = array<i32>} : memref<250x72xf32, #tpu.memory_space<vmem>>, vector<16xf32>,
        %parallel_loop3A_659 = arith.constant 8 : i32
        %parallel_loop3A_660 = vector.broadcast %parallel_loop3A_659 : i32 to vector<16xi32>
        %parallel_loop3A_661 = arith.divsi %parallel_loop3A_586, %parallel_loop3A_660 : vector<16xi32>
        %parallel_loop3A_662 = arith.constant 0 : i32
        %parallel_loop3A_663 = vector.broadcast %parallel_loop3A_662 : i32 to vector<16xi32>
        %parallel_loop3A_664 = arith.cmpi sgt, %parallel_loop3A_586, %parallel_loop3A_663 : vector<16xi32>
        %parallel_loop3A_665 = arith.extui %parallel_loop3A_664 : vector<16xi1> to vector<16xi32>
        %parallel_loop3A_666 = arith.constant 0 : i32
        %parallel_loop3A_667 = vector.broadcast %parallel_loop3A_666 : i32 to vector<16xi32>
        %parallel_loop3A_668 = arith.cmpi slt, %parallel_loop3A_586, %parallel_loop3A_667 : vector<16xi32>
        %parallel_loop3A_669 = arith.extui %parallel_loop3A_668 : vector<16xi1> to vector<16xi32>
        %parallel_loop3A_670 = arith.subi %parallel_loop3A_665, %parallel_loop3A_669 : vector<16xi32>
        %parallel_loop3A_671 = arith.constant 0 : i32
        %parallel_loop3A_672 = arith.cmpi sgt, %parallel_loop3A_659, %parallel_loop3A_671 : i32
        %parallel_loop3A_673 = arith.extui %parallel_loop3A_672 : i1 to i32
        %parallel_loop3A_674 = arith.constant 0 : i32
        %parallel_loop3A_675 = arith.cmpi slt, %parallel_loop3A_659, %parallel_loop3A_674 : i32
        %parallel_loop3A_676 = arith.extui %parallel_loop3A_675 : i1 to i32
        %parallel_loop3A_677 = arith.subi %parallel_loop3A_673, %parallel_loop3A_676 : i32
        %parallel_loop3A_678 = vector.broadcast %parallel_loop3A_677 : i32 to vector<16xi32>
        %parallel_loop3A_679 = arith.cmpi ne, %parallel_loop3A_670, %parallel_loop3A_678 : vector<16xi32>
        %parallel_loop3A_680 = vector.broadcast %parallel_loop3A_659 : i32 to vector<16xi32>
        %parallel_loop3A_681 = arith.remsi %parallel_loop3A_586, %parallel_loop3A_680 : vector<16xi32>
        %parallel_loop3A_682 = arith.constant 0 : i32
        %parallel_loop3A_683 = vector.broadcast %parallel_loop3A_682 : i32 to vector<16xi32>
        %parallel_loop3A_684 = arith.cmpi ne, %parallel_loop3A_681, %parallel_loop3A_683 : vector<16xi32>
        %parallel_loop3A_685 = arith.andi %parallel_loop3A_679, %parallel_loop3A_684 : vector<16xi1>
        %parallel_loop3A_686 = arith.constant 1 : i32
        %parallel_loop3A_687 = vector.broadcast %parallel_loop3A_686 : i32 to vector<16xi32>
        %parallel_loop3A_688 = arith.subi %parallel_loop3A_661, %parallel_loop3A_687 : vector<16xi32>
        %parallel_loop3A_689 = arith.select %parallel_loop3A_685, %parallel_loop3A_688, %parallel_loop3A_661 : vector<16xi1>, vector<16xi32>
        %parallel_loop3A_690 = arith.constant 0 : i32
        %parallel_loop3A_691 = vector.broadcast %parallel_loop3A_690 : i32 to vector<16xi32>
        %parallel_loop3A_692 = arith.muli %parallel_loop3A_691, %parallel_loop3A_689 : vector<16xi32>
        %parallel_loop3A_693 = arith.index_cast %parallel_loop3A_572 : i32 to index
        %parallel_loop3A_694 = arith.constant 16 : index
        %parallel_loop3A_695 = tpu.vector_load %arg11[%parallel_loop3A_693, %parallel_loop3A_694] {strides = array<i32>} : memref<250x80xf32, #tpu.memory_space<vmem>>, vector<16xf32>,
        %parallel_loop3A_696 = vector.shape_cast %parallel_loop3A_692 : vector<16xi32> to vector<16x1xi32>
        %parallel_loop3A_697 = vector.shape_cast %parallel_loop3A_696 : vector<16x1xi32> to vector<16xi32>
        %parallel_loop3A_698 = tpu.dynamic_gather %parallel_loop3A_584[%parallel_loop3A_697] in [0] : vector<16xf32>, vector<16xi32> -> vector<16xf32>
        %parallel_loop3A_699 = arith.mulf %parallel_loop3A_695, %parallel_loop3A_698 : vector<16xf32>
        %parallel_loop3A_700 = arith.index_cast %parallel_loop3A_572 : i32 to index
        %parallel_loop3A_701 = arith.constant 16 : index
        %parallel_loop3A_702 = tpu.vector_load %arg15[%parallel_loop3A_700, %parallel_loop3A_701] {strides = array<i32>} : memref<250x72xf32, #tpu.memory_space<vmem>>, vector<16xf32>,
        tpu.vector_store %arg15[%parallel_loop3A_700, %parallel_loop3A_701], %parallel_loop3A_699 {strides = array<i32>} : memref<250x72xf32, #tpu.memory_space<vmem>>, vector<16xf32>,
        %parallel_loop3A_703 = arith.constant 8 : i32
        %parallel_loop3A_704 = vector.broadcast %parallel_loop3A_703 : i32 to vector<16xi32>
        %parallel_loop3A_705 = arith.divsi %parallel_loop3A_586, %parallel_loop3A_704 : vector<16xi32>
        %parallel_loop3A_706 = arith.constant 0 : i32
        %parallel_loop3A_707 = vector.broadcast %parallel_loop3A_706 : i32 to vector<16xi32>
        %parallel_loop3A_708 = arith.cmpi sgt, %parallel_loop3A_586, %parallel_loop3A_707 : vector<16xi32>
        %parallel_loop3A_709 = arith.extui %parallel_loop3A_708 : vector<16xi1> to vector<16xi32>
        %parallel_loop3A_710 = arith.constant 0 : i32
        %parallel_loop3A_711 = vector.broadcast %parallel_loop3A_710 : i32 to vector<16xi32>
        %parallel_loop3A_712 = arith.cmpi slt, %parallel_loop3A_586, %parallel_loop3A_711 : vector<16xi32>
        %parallel_loop3A_713 = arith.extui %parallel_loop3A_712 : vector<16xi1> to vector<16xi32>
        %parallel_loop3A_714 = arith.subi %parallel_loop3A_709, %parallel_loop3A_713 : vector<16xi32>
        %parallel_loop3A_715 = arith.constant 0 : i32
        %parallel_loop3A_716 = arith.cmpi sgt, %parallel_loop3A_703, %parallel_loop3A_715 : i32
        %parallel_loop3A_717 = arith.extui %parallel_loop3A_716 : i1 to i32
        %parallel_loop3A_718 = arith.constant 0 : i32
        %parallel_loop3A_719 = arith.cmpi slt, %parallel_loop3A_703, %parallel_loop3A_718 : i32
        %parallel_loop3A_720 = arith.extui %parallel_loop3A_719 : i1 to i32
        %parallel_loop3A_721 = arith.subi %parallel_loop3A_717, %parallel_loop3A_720 : i32
        %parallel_loop3A_722 = vector.broadcast %parallel_loop3A_721 : i32 to vector<16xi32>
        %parallel_loop3A_723 = arith.cmpi ne, %parallel_loop3A_714, %parallel_loop3A_722 : vector<16xi32>
        %parallel_loop3A_724 = vector.broadcast %parallel_loop3A_703 : i32 to vector<16xi32>
        %parallel_loop3A_725 = arith.remsi %parallel_loop3A_586, %parallel_loop3A_724 : vector<16xi32>
        %parallel_loop3A_726 = arith.constant 0 : i32
        %parallel_loop3A_727 = vector.broadcast %parallel_loop3A_726 : i32 to vector<16xi32>
        %parallel_loop3A_728 = arith.cmpi ne, %parallel_loop3A_725, %parallel_loop3A_727 : vector<16xi32>
        %parallel_loop3A_729 = arith.andi %parallel_loop3A_723, %parallel_loop3A_728 : vector<16xi1>
        %parallel_loop3A_730 = arith.constant 1 : i32
        %parallel_loop3A_731 = vector.broadcast %parallel_loop3A_730 : i32 to vector<16xi32>
        %parallel_loop3A_732 = arith.subi %parallel_loop3A_705, %parallel_loop3A_731 : vector<16xi32>
        %parallel_loop3A_733 = arith.select %parallel_loop3A_729, %parallel_loop3A_732, %parallel_loop3A_705 : vector<16xi1>, vector<16xi32>
        %parallel_loop3A_734 = arith.constant 0 : i32
        %parallel_loop3A_735 = vector.broadcast %parallel_loop3A_734 : i32 to vector<16xi32>
        %parallel_loop3A_736 = arith.muli %parallel_loop3A_735, %parallel_loop3A_733 : vector<16xi32>
        %parallel_loop3A_737 = arith.index_cast %parallel_loop3A_572 : i32 to index
        %parallel_loop3A_738 = arith.constant 32 : index
        %parallel_loop3A_739 = tpu.vector_load %arg11[%parallel_loop3A_737, %parallel_loop3A_738] {strides = array<i32>} : memref<250x80xf32, #tpu.memory_space<vmem>>, vector<16xf32>,
        %parallel_loop3A_740 = vector.shape_cast %parallel_loop3A_736 : vector<16xi32> to vector<16x1xi32>
        %parallel_loop3A_741 = vector.shape_cast %parallel_loop3A_740 : vector<16x1xi32> to vector<16xi32>
        %parallel_loop3A_742 = tpu.dynamic_gather %parallel_loop3A_584[%parallel_loop3A_741] in [0] : vector<16xf32>, vector<16xi32> -> vector<16xf32>
        %parallel_loop3A_743 = arith.mulf %parallel_loop3A_739, %parallel_loop3A_742 : vector<16xf32>
        %parallel_loop3A_744 = arith.index_cast %parallel_loop3A_572 : i32 to index
        %parallel_loop3A_745 = arith.constant 32 : index
        %parallel_loop3A_746 = tpu.vector_load %arg15[%parallel_loop3A_744, %parallel_loop3A_745] {strides = array<i32>} : memref<250x72xf32, #tpu.memory_space<vmem>>, vector<16xf32>,
        tpu.vector_store %arg15[%parallel_loop3A_744, %parallel_loop3A_745], %parallel_loop3A_743 {strides = array<i32>} : memref<250x72xf32, #tpu.memory_space<vmem>>, vector<16xf32>,
        %parallel_loop3A_747 = arith.constant 8 : i32
        %parallel_loop3A_748 = vector.broadcast %parallel_loop3A_747 : i32 to vector<16xi32>
        %parallel_loop3A_749 = arith.divsi %parallel_loop3A_586, %parallel_loop3A_748 : vector<16xi32>
        %parallel_loop3A_750 = arith.constant 0 : i32
        %parallel_loop3A_751 = vector.broadcast %parallel_loop3A_750 : i32 to vector<16xi32>
        %parallel_loop3A_752 = arith.cmpi sgt, %parallel_loop3A_586, %parallel_loop3A_751 : vector<16xi32>
        %parallel_loop3A_753 = arith.extui %parallel_loop3A_752 : vector<16xi1> to vector<16xi32>
        %parallel_loop3A_754 = arith.constant 0 : i32
        %parallel_loop3A_755 = vector.broadcast %parallel_loop3A_754 : i32 to vector<16xi32>
        %parallel_loop3A_756 = arith.cmpi slt, %parallel_loop3A_586, %parallel_loop3A_755 : vector<16xi32>
        %parallel_loop3A_757 = arith.extui %parallel_loop3A_756 : vector<16xi1> to vector<16xi32>
        %parallel_loop3A_758 = arith.subi %parallel_loop3A_753, %parallel_loop3A_757 : vector<16xi32>
        %parallel_loop3A_759 = arith.constant 0 : i32
        %parallel_loop3A_760 = arith.cmpi sgt, %parallel_loop3A_747, %parallel_loop3A_759 : i32
        %parallel_loop3A_761 = arith.extui %parallel_loop3A_760 : i1 to i32
        %parallel_loop3A_762 = arith.constant 0 : i32
        %parallel_loop3A_763 = arith.cmpi slt, %parallel_loop3A_747, %parallel_loop3A_762 : i32
        %parallel_loop3A_764 = arith.extui %parallel_loop3A_763 : i1 to i32
        %parallel_loop3A_765 = arith.subi %parallel_loop3A_761, %parallel_loop3A_764 : i32
        %parallel_loop3A_766 = vector.broadcast %parallel_loop3A_765 : i32 to vector<16xi32>
        %parallel_loop3A_767 = arith.cmpi ne, %parallel_loop3A_758, %parallel_loop3A_766 : vector<16xi32>
        %parallel_loop3A_768 = vector.broadcast %parallel_loop3A_747 : i32 to vector<16xi32>
        %parallel_loop3A_769 = arith.remsi %parallel_loop3A_586, %parallel_loop3A_768 : vector<16xi32>
        %parallel_loop3A_770 = arith.constant 0 : i32
        %parallel_loop3A_771 = vector.broadcast %parallel_loop3A_770 : i32 to vector<16xi32>
        %parallel_loop3A_772 = arith.cmpi ne, %parallel_loop3A_769, %parallel_loop3A_771 : vector<16xi32>
        %parallel_loop3A_773 = arith.andi %parallel_loop3A_767, %parallel_loop3A_772 : vector<16xi1>
        %parallel_loop3A_774 = arith.constant 1 : i32
        %parallel_loop3A_775 = vector.broadcast %parallel_loop3A_774 : i32 to vector<16xi32>
        %parallel_loop3A_776 = arith.subi %parallel_loop3A_749, %parallel_loop3A_775 : vector<16xi32>
        %parallel_loop3A_777 = arith.select %parallel_loop3A_773, %parallel_loop3A_776, %parallel_loop3A_749 : vector<16xi1>, vector<16xi32>
        %parallel_loop3A_778 = arith.constant 0 : i32
        %parallel_loop3A_779 = vector.broadcast %parallel_loop3A_778 : i32 to vector<16xi32>
        %parallel_loop3A_780 = arith.muli %parallel_loop3A_779, %parallel_loop3A_777 : vector<16xi32>
        %parallel_loop3A_781 = arith.index_cast %parallel_loop3A_572 : i32 to index
        %parallel_loop3A_782 = arith.constant 48 : index
        %parallel_loop3A_783 = tpu.vector_load %arg11[%parallel_loop3A_781, %parallel_loop3A_782] {strides = array<i32>} : memref<250x80xf32, #tpu.memory_space<vmem>>, vector<16xf32>,
        %parallel_loop3A_784 = vector.shape_cast %parallel_loop3A_780 : vector<16xi32> to vector<16x1xi32>
        %parallel_loop3A_785 = vector.shape_cast %parallel_loop3A_784 : vector<16x1xi32> to vector<16xi32>
        %parallel_loop3A_786 = tpu.dynamic_gather %parallel_loop3A_584[%parallel_loop3A_785] in [0] : vector<16xf32>, vector<16xi32> -> vector<16xf32>
        %parallel_loop3A_787 = arith.mulf %parallel_loop3A_783, %parallel_loop3A_786 : vector<16xf32>
        %parallel_loop3A_788 = arith.index_cast %parallel_loop3A_572 : i32 to index
        %parallel_loop3A_789 = arith.constant 48 : index
        %parallel_loop3A_790 = tpu.vector_load %arg15[%parallel_loop3A_788, %parallel_loop3A_789] {strides = array<i32>} : memref<250x72xf32, #tpu.memory_space<vmem>>, vector<16xf32>,
        tpu.vector_store %arg15[%parallel_loop3A_788, %parallel_loop3A_789], %parallel_loop3A_787 {strides = array<i32>} : memref<250x72xf32, #tpu.memory_space<vmem>>, vector<16xf32>,
      } {sc.loop_unroll_factor = 4 : i64, sc.parallel_access}
      %get3A = arith.constant 0 : i32
      %get3A_226 = arith.index_cast %get3A : i32 to index
      %get3A_227 = arith.constant 0 : index
      %get3A_228 = tpu.vector_load %arg9[%get3A_226, %get3A_227] {strides = array<i32>} : memref<2x125xi32, #tpu.memory_space<vmem>>, vector<16xi32>,
      %swap3A = arith.constant 0 : i32
      %swap3A_229 = arith.index_cast %swap3A : i32 to index
      %swap3A_230 = arith.constant 0 : index
      %swap3A_231 = tpu.vector_load %arg17[%swap3A_229, %swap3A_230] {strides = array<i32>} : memref<2x125xi32, #tpu.memory_space<vmem>>, vector<16xi32>,
      tpu.vector_store %arg17[%swap3A_229, %swap3A_230], %get3A_228 {strides = array<i32>} : memref<2x125xi32, #tpu.memory_space<vmem>>, vector<16xi32>,
      %get3A_232 = arith.constant 0 : i32
      %get3A_233 = arith.index_cast %get3A_232 : i32 to index
      %get3A_234 = arith.constant 16 : index
      %get3A_235 = tpu.vector_load %arg9[%get3A_233, %get3A_234] {strides = array<i32>} : memref<2x125xi32, #tpu.memory_space<vmem>>, vector<16xi32>,
      %swap3A_236 = arith.constant 0 : i32
      %swap3A_237 = arith.index_cast %swap3A_236 : i32 to index
      %swap3A_238 = arith.constant 16 : index
      %swap3A_239 = tpu.vector_load %arg17[%swap3A_237, %swap3A_238] {strides = array<i32>} : memref<2x125xi32, #tpu.memory_space<vmem>>, vector<16xi32>,
      tpu.vector_store %arg17[%swap3A_237, %swap3A_238], %get3A_235 {strides = array<i32>} : memref<2x125xi32, #tpu.memory_space<vmem>>, vector<16xi32>,
      %get3A_240 = arith.constant 0 : i32
      %get3A_241 = arith.index_cast %get3A_240 : i32 to index
      %get3A_242 = arith.constant 32 : index
      %get3A_243 = tpu.vector_load %arg9[%get3A_241, %get3A_242] {strides = array<i32>} : memref<2x125xi32, #tpu.memory_space<vmem>>, vector<16xi32>,
      %swap3A_244 = arith.constant 0 : i32
      %swap3A_245 = arith.index_cast %swap3A_244 : i32 to index
      %swap3A_246 = arith.constant 32 : index
      %swap3A_247 = tpu.vector_load %arg17[%swap3A_245, %swap3A_246] {strides = array<i32>} : memref<2x125xi32, #tpu.memory_space<vmem>>, vector<16xi32>,
      tpu.vector_store %arg17[%swap3A_245, %swap3A_246], %get3A_243 {strides = array<i32>} : memref<2x125xi32, #tpu.memory_space<vmem>>, vector<16xi32>,
      %get3A_248 = arith.constant 0 : i32
      %get3A_249 = arith.index_cast %get3A_248 : i32 to index
      %get3A_250 = arith.constant 48 : index
      %get3A_251 = tpu.vector_load %arg9[%get3A_249, %get3A_250] {strides = array<i32>} : memref<2x125xi32, #tpu.memory_space<vmem>>, vector<16xi32>,
      %swap3A_252 = arith.constant 0 : i32
      %swap3A_253 = arith.index_cast %swap3A_252 : i32 to index
      %swap3A_254 = arith.constant 48 : index
      %swap3A_255 = tpu.vector_load %arg17[%swap3A_253, %swap3A_254] {strides = array<i32>} : memref<2x125xi32, #tpu.memory_space<vmem>>, vector<16xi32>,
      tpu.vector_store %arg17[%swap3A_253, %swap3A_254], %get3A_251 {strides = array<i32>} : memref<2x125xi32, #tpu.memory_space<vmem>>, vector<16xi32>,
      %get3A_256 = arith.constant 0 : i32
      %get3A_257 = arith.index_cast %get3A_256 : i32 to index
      %get3A_258 = arith.constant 64 : index
      %get3A_259 = tpu.vector_load %arg9[%get3A_257, %get3A_258] {strides = array<i32>} : memref<2x125xi32, #tpu.memory_space<vmem>>, vector<16xi32>,
      %swap3A_260 = arith.constant 0 : i32
      %swap3A_261 = arith.index_cast %swap3A_260 : i32 to index
      %swap3A_262 = arith.constant 64 : index
      %swap3A_263 = tpu.vector_load %arg17[%swap3A_261, %swap3A_262] {strides = array<i32>} : memref<2x125xi32, #tpu.memory_space<vmem>>, vector<16xi32>,
      tpu.vector_store %arg17[%swap3A_261, %swap3A_262], %get3A_259 {strides = array<i32>} : memref<2x125xi32, #tpu.memory_space<vmem>>, vector<16xi32>,
      %get3A_264 = arith.constant 0 : i32
      %get3A_265 = arith.index_cast %get3A_264 : i32 to index
      %get3A_266 = arith.constant 80 : index
      %get3A_267 = tpu.vector_load %arg9[%get3A_265, %get3A_266] {strides = array<i32>} : memref<2x125xi32, #tpu.memory_space<vmem>>, vector<16xi32>,
      %swap3A_268 = arith.constant 0 : i32
      %swap3A_269 = arith.index_cast %swap3A_268 : i32 to index
      %swap3A_270 = arith.constant 80 : index
      %swap3A_271 = tpu.vector_load %arg17[%swap3A_269, %swap3A_270] {strides = array<i32>} : memref<2x125xi32, #tpu.memory_space<vmem>>, vector<16xi32>,
      tpu.vector_store %arg17[%swap3A_269, %swap3A_270], %get3A_267 {strides = array<i32>} : memref<2x125xi32, #tpu.memory_space<vmem>>, vector<16xi32>,
      %get3A_272 = arith.constant 0 : i32
      %get3A_273 = arith.index_cast %get3A_272 : i32 to index
      %get3A_274 = arith.constant 96 : index
      %get3A_275 = tpu.vector_load %arg9[%get3A_273, %get3A_274] {strides = array<i32>} : memref<2x125xi32, #tpu.memory_space<vmem>>, vector<16xi32>,
      %swap3A_276 = arith.constant 0 : i32
      %swap3A_277 = arith.index_cast %swap3A_276 : i32 to index
      %swap3A_278 = arith.constant 96 : index
      %swap3A_279 = tpu.vector_load %arg17[%swap3A_277, %swap3A_278] {strides = array<i32>} : memref<2x125xi32, #tpu.memory_space<vmem>>, vector<16xi32>,
      tpu.vector_store %arg17[%swap3A_277, %swap3A_278], %get3A_275 {strides = array<i32>} : memref<2x125xi32, #tpu.memory_space<vmem>>, vector<16xi32>,
      %get3A_280 = arith.constant 0 : i32
      %get3A_281 = arith.index_cast %get3A_280 : i32 to index
      %get3A_282 = arith.constant 109 : index
      %get3A_283 = tpu.vector_load %arg9[%get3A_281, %get3A_282] {strides = array<i32>} : memref<2x125xi32, #tpu.memory_space<vmem>>, vector<16xi32>,
      %swap3A_284 = arith.constant 0 : i32
      %swap3A_285 = arith.index_cast %swap3A_284 : i32 to index
      %swap3A_286 = arith.constant 109 : index
      %swap3A_287 = tpu.vector_load %arg17[%swap3A_285, %swap3A_286] {strides = array<i32>} : memref<2x125xi32, #tpu.memory_space<vmem>>, vector<16xi32>,
      tpu.vector_store %arg17[%swap3A_285, %swap3A_286], %get3A_283 {strides = array<i32>} : memref<2x125xi32, #tpu.memory_space<vmem>>, vector<16xi32>,
      %get3A_288 = arith.constant 1 : i32
      %get3A_289 = arith.index_cast %get3A_288 : i32 to index
      %get3A_290 = arith.constant 0 : index
      %get3A_291 = tpu.vector_load %arg9[%get3A_289, %get3A_290] {strides = array<i32>} : memref<2x125xi32, #tpu.memory_space<vmem>>, vector<16xi32>,
      %swap3A_292 = arith.constant 1 : i32
      %swap3A_293 = arith.index_cast %swap3A_292 : i32 to index
      %swap3A_294 = arith.constant 0 : index
      %swap3A_295 = tpu.vector_load %arg17[%swap3A_293, %swap3A_294] {strides = array<i32>} : memref<2x125xi32, #tpu.memory_space<vmem>>, vector<16xi32>,
      tpu.vector_store %arg17[%swap3A_293, %swap3A_294], %get3A_291 {strides = array<i32>} : memref<2x125xi32, #tpu.memory_space<vmem>>, vector<16xi32>,
      %get3A_296 = arith.constant 1 : i32
      %get3A_297 = arith.index_cast %get3A_296 : i32 to index
      %get3A_298 = arith.constant 16 : index
      %get3A_299 = tpu.vector_load %arg9[%get3A_297, %get3A_298] {strides = array<i32>} : memref<2x125xi32, #tpu.memory_space<vmem>>, vector<16xi32>,
      %swap3A_300 = arith.constant 1 : i32
      %swap3A_301 = arith.index_cast %swap3A_300 : i32 to index
      %swap3A_302 = arith.constant 16 : index
      %swap3A_303 = tpu.vector_load %arg17[%swap3A_301, %swap3A_302] {strides = array<i32>} : memref<2x125xi32, #tpu.memory_space<vmem>>, vector<16xi32>,
      tpu.vector_store %arg17[%swap3A_301, %swap3A_302], %get3A_299 {strides = array<i32>} : memref<2x125xi32, #tpu.memory_space<vmem>>, vector<16xi32>,
      %get3A_304 = arith.constant 1 : i32
      %get3A_305 = arith.index_cast %get3A_304 : i32 to index
      %get3A_306 = arith.constant 32 : index
      %get3A_307 = tpu.vector_load %arg9[%get3A_305, %get3A_306] {strides = array<i32>} : memref<2x125xi32, #tpu.memory_space<vmem>>, vector<16xi32>,
      %swap3A_308 = arith.constant 1 : i32
      %swap3A_309 = arith.index_cast %swap3A_308 : i32 to index
      %swap3A_310 = arith.constant 32 : index
      %swap3A_311 = tpu.vector_load %arg17[%swap3A_309, %swap3A_310] {strides = array<i32>} : memref<2x125xi32, #tpu.memory_space<vmem>>, vector<16xi32>,
      tpu.vector_store %arg17[%swap3A_309, %swap3A_310], %get3A_307 {strides = array<i32>} : memref<2x125xi32, #tpu.memory_space<vmem>>, vector<16xi32>,
      %get3A_312 = arith.constant 1 : i32
      %get3A_313 = arith.index_cast %get3A_312 : i32 to index
      %get3A_314 = arith.constant 48 : index
      %get3A_315 = tpu.vector_load %arg9[%get3A_313, %get3A_314] {strides = array<i32>} : memref<2x125xi32, #tpu.memory_space<vmem>>, vector<16xi32>,
      %swap3A_316 = arith.constant 1 : i32
      %swap3A_317 = arith.index_cast %swap3A_316 : i32 to index
      %swap3A_318 = arith.constant 48 : index
      %swap3A_319 = tpu.vector_load %arg17[%swap3A_317, %swap3A_318] {strides = array<i32>} : memref<2x125xi32, #tpu.memory_space<vmem>>, vector<16xi32>,
      tpu.vector_store %arg17[%swap3A_317, %swap3A_318], %get3A_315 {strides = array<i32>} : memref<2x125xi32, #tpu.memory_space<vmem>>, vector<16xi32>,
      %get3A_320 = arith.constant 1 : i32
      %get3A_321 = arith.index_cast %get3A_320 : i32 to index
      %get3A_322 = arith.constant 64 : index
      %get3A_323 = tpu.vector_load %arg9[%get3A_321, %get3A_322] {strides = array<i32>} : memref<2x125xi32, #tpu.memory_space<vmem>>, vector<16xi32>,
      %swap3A_324 = arith.constant 1 : i32
      %swap3A_325 = arith.index_cast %swap3A_324 : i32 to index
      %swap3A_326 = arith.constant 64 : index
      %swap3A_327 = tpu.vector_load %arg17[%swap3A_325, %swap3A_326] {strides = array<i32>} : memref<2x125xi32, #tpu.memory_space<vmem>>, vector<16xi32>,
      tpu.vector_store %arg17[%swap3A_325, %swap3A_326], %get3A_323 {strides = array<i32>} : memref<2x125xi32, #tpu.memory_space<vmem>>, vector<16xi32>,
      %get3A_328 = arith.constant 1 : i32
      %get3A_329 = arith.index_cast %get3A_328 : i32 to index
      %get3A_330 = arith.constant 80 : index
      %get3A_331 = tpu.vector_load %arg9[%get3A_329, %get3A_330] {strides = array<i32>} : memref<2x125xi32, #tpu.memory_space<vmem>>, vector<16xi32>,
      %swap3A_332 = arith.constant 1 : i32
      %swap3A_333 = arith.index_cast %swap3A_332 : i32 to index
      %swap3A_334 = arith.constant 80 : index
      %swap3A_335 = tpu.vector_load %arg17[%swap3A_333, %swap3A_334] {strides = array<i32>} : memref<2x125xi32, #tpu.memory_space<vmem>>, vector<16xi32>,
      tpu.vector_store %arg17[%swap3A_333, %swap3A_334], %get3A_331 {strides = array<i32>} : memref<2x125xi32, #tpu.memory_space<vmem>>, vector<16xi32>,
      %get3A_336 = arith.constant 1 : i32
      %get3A_337 = arith.index_cast %get3A_336 : i32 to index
      %get3A_338 = arith.constant 96 : index
      %get3A_339 = tpu.vector_load %arg9[%get3A_337, %get3A_338] {strides = array<i32>} : memref<2x125xi32, #tpu.memory_space<vmem>>, vector<16xi32>,
      %swap3A_340 = arith.constant 1 : i32
      %swap3A_341 = arith.index_cast %swap3A_340 : i32 to index
      %swap3A_342 = arith.constant 96 : index
      %swap3A_343 = tpu.vector_load %arg17[%swap3A_341, %swap3A_342] {strides = array<i32>} : memref<2x125xi32, #tpu.memory_space<vmem>>, vector<16xi32>,
      tpu.vector_store %arg17[%swap3A_341, %swap3A_342], %get3A_339 {strides = array<i32>} : memref<2x125xi32, #tpu.memory_space<vmem>>, vector<16xi32>,
      %get3A_344 = arith.constant 1 : i32
      %get3A_345 = arith.index_cast %get3A_344 : i32 to index
      %get3A_346 = arith.constant 109 : index
      %get3A_347 = tpu.vector_load %arg9[%get3A_345, %get3A_346] {strides = array<i32>} : memref<2x125xi32, #tpu.memory_space<vmem>>, vector<16xi32>,
      %swap3A_348 = arith.constant 1 : i32
      %swap3A_349 = arith.index_cast %swap3A_348 : i32 to index
      %swap3A_350 = arith.constant 109 : index
      %swap3A_351 = tpu.vector_load %arg17[%swap3A_349, %swap3A_350] {strides = array<i32>} : memref<2x125xi32, #tpu.memory_space<vmem>>, vector<16xi32>,
      tpu.vector_store %arg17[%swap3A_349, %swap3A_350], %get3A_347 {strides = array<i32>} : memref<2x125xi32, #tpu.memory_space<vmem>>, vector<16xi32>,
      %dma_start3A_352 = arith.constant 0 : i32
      %dma_start3A_353 = arith.constant 0 : i32
      %dma_start3A_354 = arith.constant 0 : i32
      %dma_start3A_355 = tpu.memref_slice %arg15[%dma_start3A_353, %dma_start3A_354] : memref<250x72xf32, #tpu.memory_space<vmem>> -> memref<125x72xf32, #tpu.memory_space<vmem>>
      %dma_start3A_356 = arith.constant 0 : i32
      %dma_start3A_357 = tpu.memref_slice %arg17[%dma_start3A_352, %dma_start3A_356] : memref<2x125xi32, #tpu.memory_space<vmem>> -> memref<1x125xi32, #tpu.memory_space<vmem>>
      %dma_start3A_358 = tpu.memref_squeeze %dma_start3A_357 : memref<1x125xi32, #tpu.memory_space<vmem>> -> memref<125xi32, #tpu.memory_space<vmem>>
      %dma_start3A_359 = arith.constant 0 : i32
      %dma_start3A_360 = arith.constant 0 : i32
      %dma_start3A_361 = tpu.memref_slice %arg19[%dma_start3A_359, %dma_start3A_360] : memref<10112x72xf32, #tpu.memory_space<vmem_shared>> -> memref<10112x72xf32, #tpu.memory_space<vmem_shared>>
      tpu.enqueue_indirect_dma source(%dma_start3A_355 : memref<125x72xf32, #tpu.memory_space<vmem>>) target(%dma_start3A_361 : memref<10112x72xf32, #tpu.memory_space<vmem_shared>>) offsets(%dma_start3A_358 : memref<125xi32, #tpu.memory_space<vmem>>) semaphore(%arg24 : memref<!tpu.dma_semaphore, #tpu.memory_space<semaphore_mem>>) {add = true}
      %dma_start3A_362 = arith.constant 1 : i32
      %dma_start3A_363 = arith.constant 125 : i32
      %dma_start3A_364 = arith.constant 0 : i32
      %dma_start3A_365 = tpu.memref_slice %arg15[%dma_start3A_363, %dma_start3A_364] : memref<250x72xf32, #tpu.memory_space<vmem>> -> memref<125x72xf32, #tpu.memory_space<vmem>>
      %dma_start3A_366 = arith.constant 0 : i32
      %dma_start3A_367 = tpu.memref_slice %arg17[%dma_start3A_362, %dma_start3A_366] : memref<2x125xi32, #tpu.memory_space<vmem>> -> memref<1x125xi32, #tpu.memory_space<vmem>>
      %dma_start3A_368 = tpu.memref_squeeze %dma_start3A_367 : memref<1x125xi32, #tpu.memory_space<vmem>> -> memref<125xi32, #tpu.memory_space<vmem>>
      %dma_start3A_369 = arith.constant 0 : i32
      %dma_start3A_370 = arith.constant 0 : i32
      %dma_start3A_371 = tpu.memref_slice %arg19[%dma_start3A_369, %dma_start3A_370] : memref<10112x72xf32, #tpu.memory_space<vmem_shared>> -> memref<10112x72xf32, #tpu.memory_space<vmem_shared>>
      tpu.enqueue_indirect_dma source(%dma_start3A_365 : memref<125x72xf32, #tpu.memory_space<vmem>>) target(%dma_start3A_371 : memref<10112x72xf32, #tpu.memory_space<vmem_shared>>) offsets(%dma_start3A_368 : memref<125xi32, #tpu.memory_space<vmem>>) semaphore(%arg24 : memref<!tpu.dma_semaphore, #tpu.memory_space<semaphore_mem>>) {add = true}
      %lt3A = arith.constant 19 : i32
      %lt3A_372 = arith.cmpi slt, %scan3A_132, %lt3A : i32
      %convert_element_type3A_373 = arith.extui %lt3A_372 : i1 to i32
      %cond3A_374 = arith.constant 0 : i32
      %cond3A_375 = arith.cmpi ne, %convert_element_type3A_373, %cond3A_374 : i32
      scf.if %cond3A_375 {
        %mul3A_572 = arith.constant 2 : i32
        %mul3A_573 = arith.muli %mul3A_572, %scan3A_132 : i32
        %add3A_574 = arith.constant 2 : i32
        %add3A_575 = arith.addi %mul3A_573, %add3A_574 : i32
        %mul3A_576 = arith.constant 80 : i32
        %mul3A_577 = arith.muli %add3A, %mul3A_576 : i32
        %mul3A_578 = arith.constant 2 : i32
        %mul3A_579 = arith.muli %add3A_575, %mul3A_578 : i32
        %add3A_580 = arith.addi %mul3A_577, %mul3A_579 : i32
        "tpu.region"() ({
          %run_scoped3A = tpu.sem_alloc : memref<!tpu.dma_semaphore, #tpu.memory_space<semaphore_mem>>
          %dma_start3A_621 = arith.constant 0 : i32
          %dma_start3A_622 = tpu.memref_slice %arg4[%add3A_580, %dma_start3A_621] : memref<2560x125xi32, #tpu.memory_space<hbm>> -> memref<2x125xi32, #tpu.memory_space<hbm>>
          %dma_start3A_623 = arith.constant 0 : i32
          %dma_start3A_624 = tpu.memref_slice %arg4[%add3A_580, %dma_start3A_623] : memref<2560x125xi32, #tpu.memory_space<hbm>> -> memref<2x125xi32, #tpu.memory_space<hbm>>
          tpu.enqueue_dma source(%dma_start3A_624 : memref<2x125xi32, #tpu.memory_space<hbm>>) target(%arg7 : memref<2x125xi32, #tpu.memory_space<vmem>>) target_semaphore(%run_scoped3A : memref<!tpu.dma_semaphore, #tpu.memory_space<semaphore_mem>>)
          %dma_wait3A_625 = arith.constant 0 : i32
          %dma_wait3A_626 = tpu.memref_slice %arg4[%add3A_580, %dma_wait3A_625] : memref<2560x125xi32, #tpu.memory_space<hbm>> -> memref<2x125xi32, #tpu.memory_space<hbm>>
          %dma_wait3A_627 = arith.constant 0 : i32
          %dma_wait3A_628 = tpu.memref_slice %arg4[%add3A_580, %dma_wait3A_627] : memref<2560x125xi32, #tpu.memory_space<hbm>> -> memref<2x125xi32, #tpu.memory_space<hbm>>
          tpu.wait_dma2 semaphore(%run_scoped3A : memref<!tpu.dma_semaphore, #tpu.memory_space<semaphore_mem>>) src(%dma_wait3A_628 : memref<2x125xi32, #tpu.memory_space<hbm>>) dst(%arg7 : memref<2x125xi32, #tpu.memory_space<vmem>>)
          tpu.yield
        }) : () -> ()
        "tpu.region"() ({
          %run_scoped3A = tpu.sem_alloc : memref<!tpu.dma_semaphore, #tpu.memory_space<semaphore_mem>>
          %dma_start3A_621 = arith.constant 0 : i32
          %dma_start3A_622 = tpu.memref_slice %arg5[%add3A_580, %dma_start3A_621] : memref<2560x125xi32, #tpu.memory_space<hbm>> -> memref<2x125xi32, #tpu.memory_space<hbm>>
          %dma_start3A_623 = arith.constant 0 : i32
          %dma_start3A_624 = tpu.memref_slice %arg5[%add3A_580, %dma_start3A_623] : memref<2560x125xi32, #tpu.memory_space<hbm>> -> memref<2x125xi32, #tpu.memory_space<hbm>>
          tpu.enqueue_dma source(%dma_start3A_624 : memref<2x125xi32, #tpu.memory_space<hbm>>) target(%arg9 : memref<2x125xi32, #tpu.memory_space<vmem>>) target_semaphore(%run_scoped3A : memref<!tpu.dma_semaphore, #tpu.memory_space<semaphore_mem>>)
          %dma_wait3A_625 = arith.constant 0 : i32
          %dma_wait3A_626 = tpu.memref_slice %arg5[%add3A_580, %dma_wait3A_625] : memref<2560x125xi32, #tpu.memory_space<hbm>> -> memref<2x125xi32, #tpu.memory_space<hbm>>
          %dma_wait3A_627 = arith.constant 0 : i32
          %dma_wait3A_628 = tpu.memref_slice %arg5[%add3A_580, %dma_wait3A_627] : memref<2560x125xi32, #tpu.memory_space<hbm>> -> memref<2x125xi32, #tpu.memory_space<hbm>>
          tpu.wait_dma2 semaphore(%run_scoped3A : memref<!tpu.dma_semaphore, #tpu.memory_space<semaphore_mem>>) src(%dma_wait3A_628 : memref<2x125xi32, #tpu.memory_space<hbm>>) dst(%arg9 : memref<2x125xi32, #tpu.memory_space<vmem>>)
          tpu.yield
        }) : () -> ()
        %dma_start3A_581 = arith.constant 0 : i32
        %dma_start3A_582 = arith.constant 0 : i32
        %dma_start3A_583 = arith.constant 0 : i32
        %dma_start3A_584 = tpu.memref_slice %arg11[%dma_start3A_582, %dma_start3A_583] : memref<250x80xf32, #tpu.memory_space<vmem>> -> memref<125x80xf32, #tpu.memory_space<vmem>>
        %dma_start3A_585 = arith.constant 0 : i32
        %dma_start3A_586 = tpu.memref_slice %arg7[%dma_start3A_581, %dma_start3A_585] : memref<2x125xi32, #tpu.memory_space<vmem>> -> memref<1x125xi32, #tpu.memory_space<vmem>>
        %dma_start3A_587 = tpu.memref_squeeze %dma_start3A_586 : memref<1x125xi32, #tpu.memory_space<vmem>> -> memref<125xi32, #tpu.memory_space<vmem>>
        %dma_start3A_588 = arith.constant 0 : i32
        %dma_start3A_589 = arith.constant 0 : i32
        %dma_start3A_590 = tpu.memref_slice %arg2[%dma_start3A_588, %dma_start3A_589] : memref<10000x80xf32, #tpu.memory_space<hbm>> -> memref<10000x80xf32, #tpu.memory_space<hbm>>
        tpu.enqueue_indirect_dma source(%dma_start3A_590 : memref<10000x80xf32, #tpu.memory_space<hbm>>) target(%dma_start3A_584 : memref<125x80xf32, #tpu.memory_space<vmem>>) offsets(%dma_start3A_587 : memref<125xi32, #tpu.memory_space<vmem>>) semaphore(%arg20 : memref<!tpu.dma_semaphore, #tpu.memory_space<semaphore_mem>>)
        %dma_start3A_591 = arith.constant 0 : i32
        %dma_start3A_592 = arith.constant 0 : i32
        %dma_start3A_593 = arith.constant 0 : i32
        %dma_start3A_594 = tpu.memref_slice %arg13[%dma_start3A_592, %dma_start3A_593] : memref<250x16xf32, #tpu.memory_space<vmem>> -> memref<125x16xf32, #tpu.memory_space<vmem>>
        %dma_start3A_595 = arith.constant 0 : i32
        %dma_start3A_596 = tpu.memref_slice %arg9[%dma_start3A_591, %dma_start3A_595] : memref<2x125xi32, #tpu.memory_space<vmem>> -> memref<1x125xi32, #tpu.memory_space<vmem>>
        %dma_start3A_597 = tpu.memref_squeeze %dma_start3A_596 : memref<1x125xi32, #tpu.memory_space<vmem>> -> memref<125xi32, #tpu.memory_space<vmem>>
        %dma_start3A_598 = arith.constant 0 : i32
        %dma_start3A_599 = arith.constant 0 : i32
        %dma_start3A_600 = tpu.memref_slice %arg3[%dma_start3A_598, %dma_start3A_599] : memref<10000x16xf32, #tpu.memory_space<hbm>> -> memref<10000x16xf32, #tpu.memory_space<hbm>>
        tpu.enqueue_indirect_dma source(%dma_start3A_600 : memref<10000x16xf32, #tpu.memory_space<hbm>>) target(%dma_start3A_594 : memref<125x16xf32, #tpu.memory_space<vmem>>) offsets(%dma_start3A_597 : memref<125xi32, #tpu.memory_space<vmem>>) semaphore(%arg22 : memref<!tpu.dma_semaphore, #tpu.memory_space<semaphore_mem>>)
        %dma_start3A_601 = arith.constant 1 : i32
        %dma_start3A_602 = arith.constant 125 : i32
        %dma_start3A_603 = arith.constant 0 : i32
        %dma_start3A_604 = tpu.memref_slice %arg11[%dma_start3A_602, %dma_start3A_603] : memref<250x80xf32, #tpu.memory_space<vmem>> -> memref<125x80xf32, #tpu.memory_space<vmem>>
        %dma_start3A_605 = arith.constant 0 : i32
        %dma_start3A_606 = tpu.memref_slice %arg7[%dma_start3A_601, %dma_start3A_605] : memref<2x125xi32, #tpu.memory_space<vmem>> -> memref<1x125xi32, #tpu.memory_space<vmem>>
        %dma_start3A_607 = tpu.memref_squeeze %dma_start3A_606 : memref<1x125xi32, #tpu.memory_space<vmem>> -> memref<125xi32, #tpu.memory_space<vmem>>
        %dma_start3A_608 = arith.constant 0 : i32
        %dma_start3A_609 = arith.constant 0 : i32
        %dma_start3A_610 = tpu.memref_slice %arg2[%dma_start3A_608, %dma_start3A_609] : memref<10000x80xf32, #tpu.memory_space<hbm>> -> memref<10000x80xf32, #tpu.memory_space<hbm>>
        tpu.enqueue_indirect_dma source(%dma_start3A_610 : memref<10000x80xf32, #tpu.memory_space<hbm>>) target(%dma_start3A_604 : memref<125x80xf32, #tpu.memory_space<vmem>>) offsets(%dma_start3A_607 : memref<125xi32, #tpu.memory_space<vmem>>) semaphore(%arg20 : memref<!tpu.dma_semaphore, #tpu.memory_space<semaphore_mem>>)
        %dma_start3A_611 = arith.constant 1 : i32
        %dma_start3A_612 = arith.constant 125 : i32
        %dma_start3A_613 = arith.constant 0 : i32
        %dma_start3A_614 = tpu.memref_slice %arg13[%dma_start3A_612, %dma_start3A_613] : memref<250x16xf32, #tpu.memory_space<vmem>> -> memref<125x16xf32, #tpu.memory_space<vmem>>
        %dma_start3A_615 = arith.constant 0 : i32
        %dma_start3A_616 = tpu.memref_slice %arg9[%dma_start3A_611, %dma_start3A_615] : memref<2x125xi32, #tpu.memory_space<vmem>> -> memref<1x125xi32, #tpu.memory_space<vmem>>
        %dma_start3A_617 = tpu.memref_squeeze %dma_start3A_616 : memref<1x125xi32, #tpu.memory_space<vmem>> -> memref<125xi32, #tpu.memory_space<vmem>>
        %dma_start3A_618 = arith.constant 0 : i32
        %dma_start3A_619 = arith.constant 0 : i32
        %dma_start3A_620 = tpu.memref_slice %arg3[%dma_start3A_618, %dma_start3A_619] : memref<10000x16xf32, #tpu.memory_space<hbm>> -> memref<10000x16xf32, #tpu.memory_space<hbm>>
        tpu.enqueue_indirect_dma source(%dma_start3A_620 : memref<10000x16xf32, #tpu.memory_space<hbm>>) target(%dma_start3A_614 : memref<125x16xf32, #tpu.memory_space<vmem>>) offsets(%dma_start3A_617 : memref<125xi32, #tpu.memory_space<vmem>>) semaphore(%arg22 : memref<!tpu.dma_semaphore, #tpu.memory_space<semaphore_mem>>)
      } else {
      }
      %dma_wait3A_376 = arith.constant 0 : i32
      %dma_wait3A_377 = arith.constant 0 : i32
      %dma_wait3A_378 = arith.constant 0 : i32
      %dma_wait3A_379 = tpu.memref_slice %arg12[%dma_wait3A_377, %dma_wait3A_378] : memref<250x80xf32, #tpu.memory_space<vmem>> -> memref<125x80xf32, #tpu.memory_space<vmem>>
      %dma_wait3A_380 = arith.constant 0 : i32
      %dma_wait3A_381 = tpu.memref_slice %arg8[%dma_wait3A_376, %dma_wait3A_380] : memref<2x125xi32, #tpu.memory_space<vmem>> -> memref<1x125xi32, #tpu.memory_space<vmem>>
      %dma_wait3A_382 = tpu.memref_squeeze %dma_wait3A_381 : memref<1x125xi32, #tpu.memory_space<vmem>> -> memref<125xi32, #tpu.memory_space<vmem>>
      %dma_wait3A_383 = arith.constant 0 : i32
      %dma_wait3A_384 = arith.constant 0 : i32
      %dma_wait3A_385 = tpu.memref_slice %arg2[%dma_wait3A_383, %dma_wait3A_384] : memref<10000x80xf32, #tpu.memory_space<hbm>> -> memref<10000x80xf32, #tpu.memory_space<hbm>>
      tpu.wait_indirect_dma semaphore(%arg21 : memref<!tpu.dma_semaphore, #tpu.memory_space<semaphore_mem>>) src(%dma_wait3A_385 : memref<10000x80xf32, #tpu.memory_space<hbm>>) dst(%dma_wait3A_379 : memref<125x80xf32, #tpu.memory_space<vmem>>)
      %dma_wait3A_386 = arith.constant 0 : i32
      %dma_wait3A_387 = arith.constant 0 : i32
      %dma_wait3A_388 = arith.constant 0 : i32
      %dma_wait3A_389 = tpu.memref_slice %arg14[%dma_wait3A_387, %dma_wait3A_388] : memref<250x16xf32, #tpu.memory_space<vmem>> -> memref<125x16xf32, #tpu.memory_space<vmem>>
      %dma_wait3A_390 = arith.constant 0 : i32
      %dma_wait3A_391 = tpu.memref_slice %arg10[%dma_wait3A_386, %dma_wait3A_390] : memref<2x125xi32, #tpu.memory_space<vmem>> -> memref<1x125xi32, #tpu.memory_space<vmem>>
      %dma_wait3A_392 = tpu.memref_squeeze %dma_wait3A_391 : memref<1x125xi32, #tpu.memory_space<vmem>> -> memref<125xi32, #tpu.memory_space<vmem>>
      %dma_wait3A_393 = arith.constant 0 : i32
      %dma_wait3A_394 = arith.constant 0 : i32
      %dma_wait3A_395 = tpu.memref_slice %arg3[%dma_wait3A_393, %dma_wait3A_394] : memref<10000x16xf32, #tpu.memory_space<hbm>> -> memref<10000x16xf32, #tpu.memory_space<hbm>>
      tpu.wait_indirect_dma semaphore(%arg23 : memref<!tpu.dma_semaphore, #tpu.memory_space<semaphore_mem>>) src(%dma_wait3A_395 : memref<10000x16xf32, #tpu.memory_space<hbm>>) dst(%dma_wait3A_389 : memref<125x16xf32, #tpu.memory_space<vmem>>)
      %dma_wait3A_396 = arith.constant 1 : i32
      %dma_wait3A_397 = arith.constant 125 : i32
      %dma_wait3A_398 = arith.constant 0 : i32
      %dma_wait3A_399 = tpu.memref_slice %arg12[%dma_wait3A_397, %dma_wait3A_398] : memref<250x80xf32, #tpu.memory_space<vmem>> -> memref<125x80xf32, #tpu.memory_space<vmem>>
      %dma_wait3A_400 = arith.constant 0 : i32
      %dma_wait3A_401 = tpu.memref_slice %arg8[%dma_wait3A_396, %dma_wait3A_400] : memref<2x125xi32, #tpu.memory_space<vmem>> -> memref<1x125xi32, #tpu.memory_space<vmem>>
      %dma_wait3A_402 = tpu.memref_squeeze %dma_wait3A_401 : memref<1x125xi32, #tpu.memory_space<vmem>> -> memref<125xi32, #tpu.memory_space<vmem>>
      %dma_wait3A_403 = arith.constant 0 : i32
      %dma_wait3A_404 = arith.constant 0 : i32
      %dma_wait3A_405 = tpu.memref_slice %arg2[%dma_wait3A_403, %dma_wait3A_404] : memref<10000x80xf32, #tpu.memory_space<hbm>> -> memref<10000x80xf32, #tpu.memory_space<hbm>>
      tpu.wait_indirect_dma semaphore(%arg21 : memref<!tpu.dma_semaphore, #tpu.memory_space<semaphore_mem>>) src(%dma_wait3A_405 : memref<10000x80xf32, #tpu.memory_space<hbm>>) dst(%dma_wait3A_399 : memref<125x80xf32, #tpu.memory_space<vmem>>)
      %dma_wait3A_406 = arith.constant 1 : i32
      %dma_wait3A_407 = arith.constant 125 : i32
      %dma_wait3A_408 = arith.constant 0 : i32
      %dma_wait3A_409 = tpu.memref_slice %arg14[%dma_wait3A_407, %dma_wait3A_408] : memref<250x16xf32, #tpu.memory_space<vmem>> -> memref<125x16xf32, #tpu.memory_space<vmem>>
      %dma_wait3A_410 = arith.constant 0 : i32
      %dma_wait3A_411 = tpu.memref_slice %arg10[%dma_wait3A_406, %dma_wait3A_410] : memref<2x125xi32, #tpu.memory_space<vmem>> -> memref<1x125xi32, #tpu.memory_space<vmem>>
      %dma_wait3A_412 = tpu.memref_squeeze %dma_wait3A_411 : memref<1x125xi32, #tpu.memory_space<vmem>> -> memref<125xi32, #tpu.memory_space<vmem>>
      %dma_wait3A_413 = arith.constant 0 : i32
      %dma_wait3A_414 = arith.constant 0 : i32
      %dma_wait3A_415 = tpu.memref_slice %arg3[%dma_wait3A_413, %dma_wait3A_414] : memref<10000x16xf32, #tpu.memory_space<hbm>> -> memref<10000x16xf32, #tpu.memory_space<hbm>>
      tpu.wait_indirect_dma semaphore(%arg23 : memref<!tpu.dma_semaphore, #tpu.memory_space<semaphore_mem>>) src(%dma_wait3A_415 : memref<10000x16xf32, #tpu.memory_space<hbm>>) dst(%dma_wait3A_409 : memref<125x16xf32, #tpu.memory_space<vmem>>)
      %gt3A_416 = arith.constant 0 : i32
      %gt3A_417 = arith.cmpi sgt, %scan3A_132, %gt3A_416 : i32
      %convert_element_type3A_418 = arith.extui %gt3A_417 : i1 to i32
      %cond3A_419 = arith.constant 0 : i32
      %cond3A_420 = arith.cmpi ne, %convert_element_type3A_418, %cond3A_419 : i32
      scf.if %cond3A_420 {
        %dma_wait3A_572 = arith.constant 0 : i32
        %dma_wait3A_573 = arith.constant 0 : i32
        %dma_wait3A_574 = arith.constant 0 : i32
        %dma_wait3A_575 = tpu.memref_slice %arg16[%dma_wait3A_573, %dma_wait3A_574] : memref<250x72xf32, #tpu.memory_space<vmem>> -> memref<125x72xf32, #tpu.memory_space<vmem>>
        %dma_wait3A_576 = arith.constant 0 : i32
        %dma_wait3A_577 = tpu.memref_slice %arg18[%dma_wait3A_572, %dma_wait3A_576] : memref<2x125xi32, #tpu.memory_space<vmem>> -> memref<1x125xi32, #tpu.memory_space<vmem>>
        %dma_wait3A_578 = tpu.memref_squeeze %dma_wait3A_577 : memref<1x125xi32, #tpu.memory_space<vmem>> -> memref<125xi32, #tpu.memory_space<vmem>>
        %dma_wait3A_579 = arith.constant 0 : i32
        %dma_wait3A_580 = arith.constant 0 : i32
        %dma_wait3A_581 = tpu.memref_slice %arg19[%dma_wait3A_579, %dma_wait3A_580] : memref<10112x72xf32, #tpu.memory_space<vmem_shared>> -> memref<10112x72xf32, #tpu.memory_space<vmem_shared>>
        tpu.wait_indirect_dma semaphore(%arg25 : memref<!tpu.dma_semaphore, #tpu.memory_space<semaphore_mem>>) src(%dma_wait3A_575 : memref<125x72xf32, #tpu.memory_space<vmem>>) dst(%dma_wait3A_581 : memref<10112x72xf32, #tpu.memory_space<vmem_shared>>)
        %dma_wait3A_582 = arith.constant 1 : i32
        %dma_wait3A_583 = arith.constant 125 : i32
        %dma_wait3A_584 = arith.constant 0 : i32
        %dma_wait3A_585 = tpu.memref_slice %arg16[%dma_wait3A_583, %dma_wait3A_584] : memref<250x72xf32, #tpu.memory_space<vmem>> -> memref<125x72xf32, #tpu.memory_space<vmem>>
        %dma_wait3A_586 = arith.constant 0 : i32
        %dma_wait3A_587 = tpu.memref_slice %arg18[%dma_wait3A_582, %dma_wait3A_586] : memref<2x125xi32, #tpu.memory_space<vmem>> -> memref<1x125xi32, #tpu.memory_space<vmem>>
        %dma_wait3A_588 = tpu.memref_squeeze %dma_wait3A_587 : memref<1x125xi32, #tpu.memory_space<vmem>> -> memref<125xi32, #tpu.memory_space<vmem>>
        %dma_wait3A_589 = arith.constant 0 : i32
        %dma_wait3A_590 = arith.constant 0 : i32
        %dma_wait3A_591 = tpu.memref_slice %arg19[%dma_wait3A_589, %dma_wait3A_590] : memref<10112x72xf32, #tpu.memory_space<vmem_shared>> -> memref<10112x72xf32, #tpu.memory_space<vmem_shared>>
        tpu.wait_indirect_dma semaphore(%arg25 : memref<!tpu.dma_semaphore, #tpu.memory_space<semaphore_mem>>) src(%dma_wait3A_585 : memref<125x72xf32, #tpu.memory_space<vmem>>) dst(%dma_wait3A_591 : memref<10112x72xf32, #tpu.memory_space<vmem_shared>>)
      } else {
      }
      %parallel_loop3A_421 = arith.constant 0 : i32
      %parallel_loop3A_422 = arith.constant 250 : i32
      %parallel_loop3A_423 = arith.constant 1 : i32
      scf.for %parallel_loop3A_572 = %parallel_loop3A_421 to %parallel_loop3A_422 step %parallel_loop3A_423  : i32 {
        %parallel_loop3A_573 = arith.index_cast %parallel_loop3A_572 : i32 to index
        %parallel_loop3A_574 = arith.constant 64 : index
        %parallel_loop3A_575 = tpu.vector_load %arg12[%parallel_loop3A_573, %parallel_loop3A_574] {strides = array<i32>} : memref<250x80xf32, #tpu.memory_space<vmem>>, vector<16xf32>,
        %parallel_loop3A_576 = arith.index_cast %parallel_loop3A_572 : i32 to index
        %parallel_loop3A_577 = arith.constant 0 : index
        %parallel_loop3A_578 = tpu.vector_load %arg14[%parallel_loop3A_576, %parallel_loop3A_577] {strides = array<i32>} : memref<250x16xf32, #tpu.memory_space<vmem>>, vector<16xf32>,
        %parallel_loop3A_579 = arith.addf %parallel_loop3A_575, %parallel_loop3A_578 : vector<16xf32>
        %parallel_loop3A_580 = arith.constant 2.000000e-01 : f32
        %parallel_loop3A_581 = vector.broadcast %parallel_loop3A_580 : f32 to vector<16xf32>
        %parallel_loop3A_582 = arith.mulf %parallel_loop3A_579, %parallel_loop3A_581 : vector<16xf32>
        %parallel_loop3A_583 = arith.maximumf %parallel_loop3A_579, %parallel_loop3A_582 : vector<16xf32>
        %parallel_loop3A_584 = math.exp %parallel_loop3A_583 : vector<16xf32>
        %parallel_loop3A_585 = vector.broadcast %parallel_loop3A_572 : i32 to vector<16xi32>
        %parallel_loop3A_586 = tpu.iota {dimensions = array<i32: 0>} : vector<16xi32>
        %parallel_loop3A_587 = arith.constant 8 : i32
        %parallel_loop3A_588 = arith.constant 0 : i32
        %parallel_loop3A_589 = arith.cmpi eq, %parallel_loop3A_587, %parallel_loop3A_588 : i32
        %parallel_loop3A_590 = arith.constant 1 : i32
        %parallel_loop3A_591 = arith.select %parallel_loop3A_589, %parallel_loop3A_590, %parallel_loop3A_587 : i32
        %parallel_loop3A_592 = vector.broadcast %parallel_loop3A_591 : i32 to vector<16xi32>
        %parallel_loop3A_593 = arith.remsi %parallel_loop3A_586, %parallel_loop3A_592 : vector<16xi32>
        %parallel_loop3A_594 = arith.constant 0 : i32
        %parallel_loop3A_595 = vector.broadcast %parallel_loop3A_594 : i32 to vector<16xi32>
        %parallel_loop3A_596 = arith.cmpi ne, %parallel_loop3A_593, %parallel_loop3A_595 : vector<16xi32>
        %parallel_loop3A_597 = arith.constant 0 : i32
        %parallel_loop3A_598 = vector.broadcast %parallel_loop3A_597 : i32 to vector<16xi32>
        %parallel_loop3A_599 = arith.cmpi slt, %parallel_loop3A_593, %parallel_loop3A_598 : vector<16xi32>
        %parallel_loop3A_600 = arith.constant 0 : i32
        %parallel_loop3A_601 = arith.cmpi slt, %parallel_loop3A_591, %parallel_loop3A_600 : i32
        %parallel_loop3A_602 = vector.broadcast %parallel_loop3A_601 : i1 to vector<16xi1>
        %parallel_loop3A_603 = vector.broadcast %parallel_loop3A_602 : vector<16xi1> to vector<16xi1>
        %parallel_loop3A_604 = arith.xori %parallel_loop3A_599, %parallel_loop3A_603 : vector<16xi1>
        %parallel_loop3A_605 = arith.andi %parallel_loop3A_604, %parallel_loop3A_596 : vector<16xi1>
        %parallel_loop3A_606 = vector.broadcast %parallel_loop3A_591 : i32 to vector<16xi32>
        %parallel_loop3A_607 = arith.addi %parallel_loop3A_593, %parallel_loop3A_606 : vector<16xi32>
        %parallel_loop3A_608 = arith.select %parallel_loop3A_605, %parallel_loop3A_607, %parallel_loop3A_593 : vector<16xi1>, vector<16xi32>
        %parallel_loop3A_609 = arith.constant 64 : i32
        %parallel_loop3A_610 = vector.broadcast %parallel_loop3A_609 : i32 to vector<16xi32>
        %parallel_loop3A_611 = arith.addi %parallel_loop3A_610, %parallel_loop3A_608 : vector<16xi32>
        %parallel_loop3A_612 = arith.constant 8 : i32
        %parallel_loop3A_613 = vector.broadcast %parallel_loop3A_612 : i32 to vector<16xi32>
        %parallel_loop3A_614 = arith.cmpi slt, %parallel_loop3A_586, %parallel_loop3A_613 : vector<16xi32>
        tpu.vector_store_idx %arg16[%parallel_loop3A_585, %parallel_loop3A_611], %parallel_loop3A_584 masked %parallel_loop3A_614 : memref<250x72xf32, #tpu.memory_space<vmem>>[vector<16xi32>, vector<16xi32>], vector<16xf32>, vector<16xi1>
        %parallel_loop3A_615 = arith.constant 8 : i32
        %parallel_loop3A_616 = vector.broadcast %parallel_loop3A_615 : i32 to vector<16xi32>
        %parallel_loop3A_617 = arith.divsi %parallel_loop3A_586, %parallel_loop3A_616 : vector<16xi32>
        %parallel_loop3A_618 = arith.constant 0 : i32
        %parallel_loop3A_619 = vector.broadcast %parallel_loop3A_618 : i32 to vector<16xi32>
        %parallel_loop3A_620 = arith.cmpi sgt, %parallel_loop3A_586, %parallel_loop3A_619 : vector<16xi32>
        %parallel_loop3A_621 = arith.extui %parallel_loop3A_620 : vector<16xi1> to vector<16xi32>
        %parallel_loop3A_622 = arith.constant 0 : i32
        %parallel_loop3A_623 = vector.broadcast %parallel_loop3A_622 : i32 to vector<16xi32>
        %parallel_loop3A_624 = arith.cmpi slt, %parallel_loop3A_586, %parallel_loop3A_623 : vector<16xi32>
        %parallel_loop3A_625 = arith.extui %parallel_loop3A_624 : vector<16xi1> to vector<16xi32>
        %parallel_loop3A_626 = arith.subi %parallel_loop3A_621, %parallel_loop3A_625 : vector<16xi32>
        %parallel_loop3A_627 = arith.constant 0 : i32
        %parallel_loop3A_628 = arith.cmpi sgt, %parallel_loop3A_615, %parallel_loop3A_627 : i32
        %parallel_loop3A_629 = arith.extui %parallel_loop3A_628 : i1 to i32
        %parallel_loop3A_630 = arith.constant 0 : i32
        %parallel_loop3A_631 = arith.cmpi slt, %parallel_loop3A_615, %parallel_loop3A_630 : i32
        %parallel_loop3A_632 = arith.extui %parallel_loop3A_631 : i1 to i32
        %parallel_loop3A_633 = arith.subi %parallel_loop3A_629, %parallel_loop3A_632 : i32
        %parallel_loop3A_634 = vector.broadcast %parallel_loop3A_633 : i32 to vector<16xi32>
        %parallel_loop3A_635 = arith.cmpi ne, %parallel_loop3A_626, %parallel_loop3A_634 : vector<16xi32>
        %parallel_loop3A_636 = vector.broadcast %parallel_loop3A_615 : i32 to vector<16xi32>
        %parallel_loop3A_637 = arith.remsi %parallel_loop3A_586, %parallel_loop3A_636 : vector<16xi32>
        %parallel_loop3A_638 = arith.constant 0 : i32
        %parallel_loop3A_639 = vector.broadcast %parallel_loop3A_638 : i32 to vector<16xi32>
        %parallel_loop3A_640 = arith.cmpi ne, %parallel_loop3A_637, %parallel_loop3A_639 : vector<16xi32>
        %parallel_loop3A_641 = arith.andi %parallel_loop3A_635, %parallel_loop3A_640 : vector<16xi1>
        %parallel_loop3A_642 = arith.constant 1 : i32
        %parallel_loop3A_643 = vector.broadcast %parallel_loop3A_642 : i32 to vector<16xi32>
        %parallel_loop3A_644 = arith.subi %parallel_loop3A_617, %parallel_loop3A_643 : vector<16xi32>
        %parallel_loop3A_645 = arith.select %parallel_loop3A_641, %parallel_loop3A_644, %parallel_loop3A_617 : vector<16xi1>, vector<16xi32>
        %parallel_loop3A_646 = arith.constant 0 : i32
        %parallel_loop3A_647 = vector.broadcast %parallel_loop3A_646 : i32 to vector<16xi32>
        %parallel_loop3A_648 = arith.muli %parallel_loop3A_647, %parallel_loop3A_645 : vector<16xi32>
        %parallel_loop3A_649 = arith.index_cast %parallel_loop3A_572 : i32 to index
        %parallel_loop3A_650 = arith.constant 0 : index
        %parallel_loop3A_651 = tpu.vector_load %arg12[%parallel_loop3A_649, %parallel_loop3A_650] {strides = array<i32>} : memref<250x80xf32, #tpu.memory_space<vmem>>, vector<16xf32>,
        %parallel_loop3A_652 = vector.shape_cast %parallel_loop3A_648 : vector<16xi32> to vector<16x1xi32>
        %parallel_loop3A_653 = vector.shape_cast %parallel_loop3A_652 : vector<16x1xi32> to vector<16xi32>
        %parallel_loop3A_654 = tpu.dynamic_gather %parallel_loop3A_584[%parallel_loop3A_653] in [0] : vector<16xf32>, vector<16xi32> -> vector<16xf32>
        %parallel_loop3A_655 = arith.mulf %parallel_loop3A_651, %parallel_loop3A_654 : vector<16xf32>
        %parallel_loop3A_656 = arith.index_cast %parallel_loop3A_572 : i32 to index
        %parallel_loop3A_657 = arith.constant 0 : index
        %parallel_loop3A_658 = tpu.vector_load %arg16[%parallel_loop3A_656, %parallel_loop3A_657] {strides = array<i32>} : memref<250x72xf32, #tpu.memory_space<vmem>>, vector<16xf32>,
        tpu.vector_store %arg16[%parallel_loop3A_656, %parallel_loop3A_657], %parallel_loop3A_655 {strides = array<i32>} : memref<250x72xf32, #tpu.memory_space<vmem>>, vector<16xf32>,
        %parallel_loop3A_659 = arith.constant 8 : i32
        %parallel_loop3A_660 = vector.broadcast %parallel_loop3A_659 : i32 to vector<16xi32>
        %parallel_loop3A_661 = arith.divsi %parallel_loop3A_586, %parallel_loop3A_660 : vector<16xi32>
        %parallel_loop3A_662 = arith.constant 0 : i32
        %parallel_loop3A_663 = vector.broadcast %parallel_loop3A_662 : i32 to vector<16xi32>
        %parallel_loop3A_664 = arith.cmpi sgt, %parallel_loop3A_586, %parallel_loop3A_663 : vector<16xi32>
        %parallel_loop3A_665 = arith.extui %parallel_loop3A_664 : vector<16xi1> to vector<16xi32>
        %parallel_loop3A_666 = arith.constant 0 : i32
        %parallel_loop3A_667 = vector.broadcast %parallel_loop3A_666 : i32 to vector<16xi32>
        %parallel_loop3A_668 = arith.cmpi slt, %parallel_loop3A_586, %parallel_loop3A_667 : vector<16xi32>
        %parallel_loop3A_669 = arith.extui %parallel_loop3A_668 : vector<16xi1> to vector<16xi32>
        %parallel_loop3A_670 = arith.subi %parallel_loop3A_665, %parallel_loop3A_669 : vector<16xi32>
        %parallel_loop3A_671 = arith.constant 0 : i32
        %parallel_loop3A_672 = arith.cmpi sgt, %parallel_loop3A_659, %parallel_loop3A_671 : i32
        %parallel_loop3A_673 = arith.extui %parallel_loop3A_672 : i1 to i32
        %parallel_loop3A_674 = arith.constant 0 : i32
        %parallel_loop3A_675 = arith.cmpi slt, %parallel_loop3A_659, %parallel_loop3A_674 : i32
        %parallel_loop3A_676 = arith.extui %parallel_loop3A_675 : i1 to i32
        %parallel_loop3A_677 = arith.subi %parallel_loop3A_673, %parallel_loop3A_676 : i32
        %parallel_loop3A_678 = vector.broadcast %parallel_loop3A_677 : i32 to vector<16xi32>
        %parallel_loop3A_679 = arith.cmpi ne, %parallel_loop3A_670, %parallel_loop3A_678 : vector<16xi32>
        %parallel_loop3A_680 = vector.broadcast %parallel_loop3A_659 : i32 to vector<16xi32>
        %parallel_loop3A_681 = arith.remsi %parallel_loop3A_586, %parallel_loop3A_680 : vector<16xi32>
        %parallel_loop3A_682 = arith.constant 0 : i32
        %parallel_loop3A_683 = vector.broadcast %parallel_loop3A_682 : i32 to vector<16xi32>
        %parallel_loop3A_684 = arith.cmpi ne, %parallel_loop3A_681, %parallel_loop3A_683 : vector<16xi32>
        %parallel_loop3A_685 = arith.andi %parallel_loop3A_679, %parallel_loop3A_684 : vector<16xi1>
        %parallel_loop3A_686 = arith.constant 1 : i32
        %parallel_loop3A_687 = vector.broadcast %parallel_loop3A_686 : i32 to vector<16xi32>
        %parallel_loop3A_688 = arith.subi %parallel_loop3A_661, %parallel_loop3A_687 : vector<16xi32>
        %parallel_loop3A_689 = arith.select %parallel_loop3A_685, %parallel_loop3A_688, %parallel_loop3A_661 : vector<16xi1>, vector<16xi32>
        %parallel_loop3A_690 = arith.constant 0 : i32
        %parallel_loop3A_691 = vector.broadcast %parallel_loop3A_690 : i32 to vector<16xi32>
        %parallel_loop3A_692 = arith.muli %parallel_loop3A_691, %parallel_loop3A_689 : vector<16xi32>
        %parallel_loop3A_693 = arith.index_cast %parallel_loop3A_572 : i32 to index
        %parallel_loop3A_694 = arith.constant 16 : index
        %parallel_loop3A_695 = tpu.vector_load %arg12[%parallel_loop3A_693, %parallel_loop3A_694] {strides = array<i32>} : memref<250x80xf32, #tpu.memory_space<vmem>>, vector<16xf32>,
        %parallel_loop3A_696 = vector.shape_cast %parallel_loop3A_692 : vector<16xi32> to vector<16x1xi32>
        %parallel_loop3A_697 = vector.shape_cast %parallel_loop3A_696 : vector<16x1xi32> to vector<16xi32>
        %parallel_loop3A_698 = tpu.dynamic_gather %parallel_loop3A_584[%parallel_loop3A_697] in [0] : vector<16xf32>, vector<16xi32> -> vector<16xf32>
        %parallel_loop3A_699 = arith.mulf %parallel_loop3A_695, %parallel_loop3A_698 : vector<16xf32>
        %parallel_loop3A_700 = arith.index_cast %parallel_loop3A_572 : i32 to index
        %parallel_loop3A_701 = arith.constant 16 : index
        %parallel_loop3A_702 = tpu.vector_load %arg16[%parallel_loop3A_700, %parallel_loop3A_701] {strides = array<i32>} : memref<250x72xf32, #tpu.memory_space<vmem>>, vector<16xf32>,
        tpu.vector_store %arg16[%parallel_loop3A_700, %parallel_loop3A_701], %parallel_loop3A_699 {strides = array<i32>} : memref<250x72xf32, #tpu.memory_space<vmem>>, vector<16xf32>,
        %parallel_loop3A_703 = arith.constant 8 : i32
        %parallel_loop3A_704 = vector.broadcast %parallel_loop3A_703 : i32 to vector<16xi32>
        %parallel_loop3A_705 = arith.divsi %parallel_loop3A_586, %parallel_loop3A_704 : vector<16xi32>
        %parallel_loop3A_706 = arith.constant 0 : i32
        %parallel_loop3A_707 = vector.broadcast %parallel_loop3A_706 : i32 to vector<16xi32>
        %parallel_loop3A_708 = arith.cmpi sgt, %parallel_loop3A_586, %parallel_loop3A_707 : vector<16xi32>
        %parallel_loop3A_709 = arith.extui %parallel_loop3A_708 : vector<16xi1> to vector<16xi32>
        %parallel_loop3A_710 = arith.constant 0 : i32
        %parallel_loop3A_711 = vector.broadcast %parallel_loop3A_710 : i32 to vector<16xi32>
        %parallel_loop3A_712 = arith.cmpi slt, %parallel_loop3A_586, %parallel_loop3A_711 : vector<16xi32>
        %parallel_loop3A_713 = arith.extui %parallel_loop3A_712 : vector<16xi1> to vector<16xi32>
        %parallel_loop3A_714 = arith.subi %parallel_loop3A_709, %parallel_loop3A_713 : vector<16xi32>
        %parallel_loop3A_715 = arith.constant 0 : i32
        %parallel_loop3A_716 = arith.cmpi sgt, %parallel_loop3A_703, %parallel_loop3A_715 : i32
        %parallel_loop3A_717 = arith.extui %parallel_loop3A_716 : i1 to i32
        %parallel_loop3A_718 = arith.constant 0 : i32
        %parallel_loop3A_719 = arith.cmpi slt, %parallel_loop3A_703, %parallel_loop3A_718 : i32
        %parallel_loop3A_720 = arith.extui %parallel_loop3A_719 : i1 to i32
        %parallel_loop3A_721 = arith.subi %parallel_loop3A_717, %parallel_loop3A_720 : i32
        %parallel_loop3A_722 = vector.broadcast %parallel_loop3A_721 : i32 to vector<16xi32>
        %parallel_loop3A_723 = arith.cmpi ne, %parallel_loop3A_714, %parallel_loop3A_722 : vector<16xi32>
        %parallel_loop3A_724 = vector.broadcast %parallel_loop3A_703 : i32 to vector<16xi32>
        %parallel_loop3A_725 = arith.remsi %parallel_loop3A_586, %parallel_loop3A_724 : vector<16xi32>
        %parallel_loop3A_726 = arith.constant 0 : i32
        %parallel_loop3A_727 = vector.broadcast %parallel_loop3A_726 : i32 to vector<16xi32>
        %parallel_loop3A_728 = arith.cmpi ne, %parallel_loop3A_725, %parallel_loop3A_727 : vector<16xi32>
        %parallel_loop3A_729 = arith.andi %parallel_loop3A_723, %parallel_loop3A_728 : vector<16xi1>
        %parallel_loop3A_730 = arith.constant 1 : i32
        %parallel_loop3A_731 = vector.broadcast %parallel_loop3A_730 : i32 to vector<16xi32>
        %parallel_loop3A_732 = arith.subi %parallel_loop3A_705, %parallel_loop3A_731 : vector<16xi32>
        %parallel_loop3A_733 = arith.select %parallel_loop3A_729, %parallel_loop3A_732, %parallel_loop3A_705 : vector<16xi1>, vector<16xi32>
        %parallel_loop3A_734 = arith.constant 0 : i32
        %parallel_loop3A_735 = vector.broadcast %parallel_loop3A_734 : i32 to vector<16xi32>
        %parallel_loop3A_736 = arith.muli %parallel_loop3A_735, %parallel_loop3A_733 : vector<16xi32>
        %parallel_loop3A_737 = arith.index_cast %parallel_loop3A_572 : i32 to index
        %parallel_loop3A_738 = arith.constant 32 : index
        %parallel_loop3A_739 = tpu.vector_load %arg12[%parallel_loop3A_737, %parallel_loop3A_738] {strides = array<i32>} : memref<250x80xf32, #tpu.memory_space<vmem>>, vector<16xf32>,
        %parallel_loop3A_740 = vector.shape_cast %parallel_loop3A_736 : vector<16xi32> to vector<16x1xi32>
        %parallel_loop3A_741 = vector.shape_cast %parallel_loop3A_740 : vector<16x1xi32> to vector<16xi32>
        %parallel_loop3A_742 = tpu.dynamic_gather %parallel_loop3A_584[%parallel_loop3A_741] in [0] : vector<16xf32>, vector<16xi32> -> vector<16xf32>
        %parallel_loop3A_743 = arith.mulf %parallel_loop3A_739, %parallel_loop3A_742 : vector<16xf32>
        %parallel_loop3A_744 = arith.index_cast %parallel_loop3A_572 : i32 to index
        %parallel_loop3A_745 = arith.constant 32 : index
        %parallel_loop3A_746 = tpu.vector_load %arg16[%parallel_loop3A_744, %parallel_loop3A_745] {strides = array<i32>} : memref<250x72xf32, #tpu.memory_space<vmem>>, vector<16xf32>,
        tpu.vector_store %arg16[%parallel_loop3A_744, %parallel_loop3A_745], %parallel_loop3A_743 {strides = array<i32>} : memref<250x72xf32, #tpu.memory_space<vmem>>, vector<16xf32>,
        %parallel_loop3A_747 = arith.constant 8 : i32
        %parallel_loop3A_748 = vector.broadcast %parallel_loop3A_747 : i32 to vector<16xi32>
        %parallel_loop3A_749 = arith.divsi %parallel_loop3A_586, %parallel_loop3A_748 : vector<16xi32>
        %parallel_loop3A_750 = arith.constant 0 : i32
        %parallel_loop3A_751 = vector.broadcast %parallel_loop3A_750 : i32 to vector<16xi32>
        %parallel_loop3A_752 = arith.cmpi sgt, %parallel_loop3A_586, %parallel_loop3A_751 : vector<16xi32>
        %parallel_loop3A_753 = arith.extui %parallel_loop3A_752 : vector<16xi1> to vector<16xi32>
        %parallel_loop3A_754 = arith.constant 0 : i32
        %parallel_loop3A_755 = vector.broadcast %parallel_loop3A_754 : i32 to vector<16xi32>
        %parallel_loop3A_756 = arith.cmpi slt, %parallel_loop3A_586, %parallel_loop3A_755 : vector<16xi32>
        %parallel_loop3A_757 = arith.extui %parallel_loop3A_756 : vector<16xi1> to vector<16xi32>
        %parallel_loop3A_758 = arith.subi %parallel_loop3A_753, %parallel_loop3A_757 : vector<16xi32>
        %parallel_loop3A_759 = arith.constant 0 : i32
        %parallel_loop3A_760 = arith.cmpi sgt, %parallel_loop3A_747, %parallel_loop3A_759 : i32
        %parallel_loop3A_761 = arith.extui %parallel_loop3A_760 : i1 to i32
        %parallel_loop3A_762 = arith.constant 0 : i32
        %parallel_loop3A_763 = arith.cmpi slt, %parallel_loop3A_747, %parallel_loop3A_762 : i32
        %parallel_loop3A_764 = arith.extui %parallel_loop3A_763 : i1 to i32
        %parallel_loop3A_765 = arith.subi %parallel_loop3A_761, %parallel_loop3A_764 : i32
        %parallel_loop3A_766 = vector.broadcast %parallel_loop3A_765 : i32 to vector<16xi32>
        %parallel_loop3A_767 = arith.cmpi ne, %parallel_loop3A_758, %parallel_loop3A_766 : vector<16xi32>
        %parallel_loop3A_768 = vector.broadcast %parallel_loop3A_747 : i32 to vector<16xi32>
        %parallel_loop3A_769 = arith.remsi %parallel_loop3A_586, %parallel_loop3A_768 : vector<16xi32>
        %parallel_loop3A_770 = arith.constant 0 : i32
        %parallel_loop3A_771 = vector.broadcast %parallel_loop3A_770 : i32 to vector<16xi32>
        %parallel_loop3A_772 = arith.cmpi ne, %parallel_loop3A_769, %parallel_loop3A_771 : vector<16xi32>
        %parallel_loop3A_773 = arith.andi %parallel_loop3A_767, %parallel_loop3A_772 : vector<16xi1>
        %parallel_loop3A_774 = arith.constant 1 : i32
        %parallel_loop3A_775 = vector.broadcast %parallel_loop3A_774 : i32 to vector<16xi32>
        %parallel_loop3A_776 = arith.subi %parallel_loop3A_749, %parallel_loop3A_775 : vector<16xi32>
        %parallel_loop3A_777 = arith.select %parallel_loop3A_773, %parallel_loop3A_776, %parallel_loop3A_749 : vector<16xi1>, vector<16xi32>
        %parallel_loop3A_778 = arith.constant 0 : i32
        %parallel_loop3A_779 = vector.broadcast %parallel_loop3A_778 : i32 to vector<16xi32>
        %parallel_loop3A_780 = arith.muli %parallel_loop3A_779, %parallel_loop3A_777 : vector<16xi32>
        %parallel_loop3A_781 = arith.index_cast %parallel_loop3A_572 : i32 to index
        %parallel_loop3A_782 = arith.constant 48 : index
        %parallel_loop3A_783 = tpu.vector_load %arg12[%parallel_loop3A_781, %parallel_loop3A_782] {strides = array<i32>} : memref<250x80xf32, #tpu.memory_space<vmem>>, vector<16xf32>,
        %parallel_loop3A_784 = vector.shape_cast %parallel_loop3A_780 : vector<16xi32> to vector<16x1xi32>
        %parallel_loop3A_785 = vector.shape_cast %parallel_loop3A_784 : vector<16x1xi32> to vector<16xi32>
        %parallel_loop3A_786 = tpu.dynamic_gather %parallel_loop3A_584[%parallel_loop3A_785] in [0] : vector<16xf32>, vector<16xi32> -> vector<16xf32>
        %parallel_loop3A_787 = arith.mulf %parallel_loop3A_783, %parallel_loop3A_786 : vector<16xf32>
        %parallel_loop3A_788 = arith.index_cast %parallel_loop3A_572 : i32 to index
        %parallel_loop3A_789 = arith.constant 48 : index
        %parallel_loop3A_790 = tpu.vector_load %arg16[%parallel_loop3A_788, %parallel_loop3A_789] {strides = array<i32>} : memref<250x72xf32, #tpu.memory_space<vmem>>, vector<16xf32>,
        tpu.vector_store %arg16[%parallel_loop3A_788, %parallel_loop3A_789], %parallel_loop3A_787 {strides = array<i32>} : memref<250x72xf32, #tpu.memory_space<vmem>>, vector<16xf32>,
      } {sc.loop_unroll_factor = 4 : i64, sc.parallel_access}
      %get3A_424 = arith.constant 0 : i32
      %get3A_425 = arith.index_cast %get3A_424 : i32 to index
      %get3A_426 = arith.constant 0 : index
      %get3A_427 = tpu.vector_load %arg10[%get3A_425, %get3A_426] {strides = array<i32>} : memref<2x125xi32, #tpu.memory_space<vmem>>, vector<16xi32>,
      %swap3A_428 = arith.constant 0 : i32
      %swap3A_429 = arith.index_cast %swap3A_428 : i32 to index
      %swap3A_430 = arith.constant 0 : index
      %swap3A_431 = tpu.vector_load %arg18[%swap3A_429, %swap3A_430] {strides = array<i32>} : memref<2x125xi32, #tpu.memory_space<vmem>>, vector<16xi32>,
      tpu.vector_store %arg18[%swap3A_429, %swap3A_430], %get3A_427 {strides = array<i32>} : memref<2x125xi32, #tpu.memory_space<vmem>>, vector<16xi32>,
      %get3A_432 = arith.constant 0 : i32
      %get3A_433 = arith.index_cast %get3A_432 : i32 to index
      %get3A_434 = arith.constant 16 : index
      %get3A_435 = tpu.vector_load %arg10[%get3A_433, %get3A_434] {strides = array<i32>} : memref<2x125xi32, #tpu.memory_space<vmem>>, vector<16xi32>,
      %swap3A_436 = arith.constant 0 : i32
      %swap3A_437 = arith.index_cast %swap3A_436 : i32 to index
      %swap3A_438 = arith.constant 16 : index
      %swap3A_439 = tpu.vector_load %arg18[%swap3A_437, %swap3A_438] {strides = array<i32>} : memref<2x125xi32, #tpu.memory_space<vmem>>, vector<16xi32>,
      tpu.vector_store %arg18[%swap3A_437, %swap3A_438], %get3A_435 {strides = array<i32>} : memref<2x125xi32, #tpu.memory_space<vmem>>, vector<16xi32>,
      %get3A_440 = arith.constant 0 : i32
      %get3A_441 = arith.index_cast %get3A_440 : i32 to index
      %get3A_442 = arith.constant 32 : index
      %get3A_443 = tpu.vector_load %arg10[%get3A_441, %get3A_442] {strides = array<i32>} : memref<2x125xi32, #tpu.memory_space<vmem>>, vector<16xi32>,
      %swap3A_444 = arith.constant 0 : i32
      %swap3A_445 = arith.index_cast %swap3A_444 : i32 to index
      %swap3A_446 = arith.constant 32 : index
      %swap3A_447 = tpu.vector_load %arg18[%swap3A_445, %swap3A_446] {strides = array<i32>} : memref<2x125xi32, #tpu.memory_space<vmem>>, vector<16xi32>,
      tpu.vector_store %arg18[%swap3A_445, %swap3A_446], %get3A_443 {strides = array<i32>} : memref<2x125xi32, #tpu.memory_space<vmem>>, vector<16xi32>,
      %get3A_448 = arith.constant 0 : i32
      %get3A_449 = arith.index_cast %get3A_448 : i32 to index
      %get3A_450 = arith.constant 48 : index
      %get3A_451 = tpu.vector_load %arg10[%get3A_449, %get3A_450] {strides = array<i32>} : memref<2x125xi32, #tpu.memory_space<vmem>>, vector<16xi32>,
      %swap3A_452 = arith.constant 0 : i32
      %swap3A_453 = arith.index_cast %swap3A_452 : i32 to index
      %swap3A_454 = arith.constant 48 : index
      %swap3A_455 = tpu.vector_load %arg18[%swap3A_453, %swap3A_454] {strides = array<i32>} : memref<2x125xi32, #tpu.memory_space<vmem>>, vector<16xi32>,
      tpu.vector_store %arg18[%swap3A_453, %swap3A_454], %get3A_451 {strides = array<i32>} : memref<2x125xi32, #tpu.memory_space<vmem>>, vector<16xi32>,
      %get3A_456 = arith.constant 0 : i32
      %get3A_457 = arith.index_cast %get3A_456 : i32 to index
      %get3A_458 = arith.constant 64 : index
      %get3A_459 = tpu.vector_load %arg10[%get3A_457, %get3A_458] {strides = array<i32>} : memref<2x125xi32, #tpu.memory_space<vmem>>, vector<16xi32>,
      %swap3A_460 = arith.constant 0 : i32
      %swap3A_461 = arith.index_cast %swap3A_460 : i32 to index
      %swap3A_462 = arith.constant 64 : index
      %swap3A_463 = tpu.vector_load %arg18[%swap3A_461, %swap3A_462] {strides = array<i32>} : memref<2x125xi32, #tpu.memory_space<vmem>>, vector<16xi32>,
      tpu.vector_store %arg18[%swap3A_461, %swap3A_462], %get3A_459 {strides = array<i32>} : memref<2x125xi32, #tpu.memory_space<vmem>>, vector<16xi32>,
      %get3A_464 = arith.constant 0 : i32
      %get3A_465 = arith.index_cast %get3A_464 : i32 to index
      %get3A_466 = arith.constant 80 : index
      %get3A_467 = tpu.vector_load %arg10[%get3A_465, %get3A_466] {strides = array<i32>} : memref<2x125xi32, #tpu.memory_space<vmem>>, vector<16xi32>,
      %swap3A_468 = arith.constant 0 : i32
      %swap3A_469 = arith.index_cast %swap3A_468 : i32 to index
      %swap3A_470 = arith.constant 80 : index
      %swap3A_471 = tpu.vector_load %arg18[%swap3A_469, %swap3A_470] {strides = array<i32>} : memref<2x125xi32, #tpu.memory_space<vmem>>, vector<16xi32>,
      tpu.vector_store %arg18[%swap3A_469, %swap3A_470], %get3A_467 {strides = array<i32>} : memref<2x125xi32, #tpu.memory_space<vmem>>, vector<16xi32>,
      %get3A_472 = arith.constant 0 : i32
      %get3A_473 = arith.index_cast %get3A_472 : i32 to index
      %get3A_474 = arith.constant 96 : index
      %get3A_475 = tpu.vector_load %arg10[%get3A_473, %get3A_474] {strides = array<i32>} : memref<2x125xi32, #tpu.memory_space<vmem>>, vector<16xi32>,
      %swap3A_476 = arith.constant 0 : i32
      %swap3A_477 = arith.index_cast %swap3A_476 : i32 to index
      %swap3A_478 = arith.constant 96 : index
      %swap3A_479 = tpu.vector_load %arg18[%swap3A_477, %swap3A_478] {strides = array<i32>} : memref<2x125xi32, #tpu.memory_space<vmem>>, vector<16xi32>,
      tpu.vector_store %arg18[%swap3A_477, %swap3A_478], %get3A_475 {strides = array<i32>} : memref<2x125xi32, #tpu.memory_space<vmem>>, vector<16xi32>,
      %get3A_480 = arith.constant 0 : i32
      %get3A_481 = arith.index_cast %get3A_480 : i32 to index
      %get3A_482 = arith.constant 109 : index
      %get3A_483 = tpu.vector_load %arg10[%get3A_481, %get3A_482] {strides = array<i32>} : memref<2x125xi32, #tpu.memory_space<vmem>>, vector<16xi32>,
      %swap3A_484 = arith.constant 0 : i32
      %swap3A_485 = arith.index_cast %swap3A_484 : i32 to index
      %swap3A_486 = arith.constant 109 : index
      %swap3A_487 = tpu.vector_load %arg18[%swap3A_485, %swap3A_486] {strides = array<i32>} : memref<2x125xi32, #tpu.memory_space<vmem>>, vector<16xi32>,
      tpu.vector_store %arg18[%swap3A_485, %swap3A_486], %get3A_483 {strides = array<i32>} : memref<2x125xi32, #tpu.memory_space<vmem>>, vector<16xi32>,
      %get3A_488 = arith.constant 1 : i32
      %get3A_489 = arith.index_cast %get3A_488 : i32 to index
      %get3A_490 = arith.constant 0 : index
      %get3A_491 = tpu.vector_load %arg10[%get3A_489, %get3A_490] {strides = array<i32>} : memref<2x125xi32, #tpu.memory_space<vmem>>, vector<16xi32>,
      %swap3A_492 = arith.constant 1 : i32
      %swap3A_493 = arith.index_cast %swap3A_492 : i32 to index
      %swap3A_494 = arith.constant 0 : index
      %swap3A_495 = tpu.vector_load %arg18[%swap3A_493, %swap3A_494] {strides = array<i32>} : memref<2x125xi32, #tpu.memory_space<vmem>>, vector<16xi32>,
      tpu.vector_store %arg18[%swap3A_493, %swap3A_494], %get3A_491 {strides = array<i32>} : memref<2x125xi32, #tpu.memory_space<vmem>>, vector<16xi32>,
      %get3A_496 = arith.constant 1 : i32
      %get3A_497 = arith.index_cast %get3A_496 : i32 to index
      %get3A_498 = arith.constant 16 : index
      %get3A_499 = tpu.vector_load %arg10[%get3A_497, %get3A_498] {strides = array<i32>} : memref<2x125xi32, #tpu.memory_space<vmem>>, vector<16xi32>,
      %swap3A_500 = arith.constant 1 : i32
      %swap3A_501 = arith.index_cast %swap3A_500 : i32 to index
      %swap3A_502 = arith.constant 16 : index
      %swap3A_503 = tpu.vector_load %arg18[%swap3A_501, %swap3A_502] {strides = array<i32>} : memref<2x125xi32, #tpu.memory_space<vmem>>, vector<16xi32>,
      tpu.vector_store %arg18[%swap3A_501, %swap3A_502], %get3A_499 {strides = array<i32>} : memref<2x125xi32, #tpu.memory_space<vmem>>, vector<16xi32>,
      %get3A_504 = arith.constant 1 : i32
      %get3A_505 = arith.index_cast %get3A_504 : i32 to index
      %get3A_506 = arith.constant 32 : index
      %get3A_507 = tpu.vector_load %arg10[%get3A_505, %get3A_506] {strides = array<i32>} : memref<2x125xi32, #tpu.memory_space<vmem>>, vector<16xi32>,
      %swap3A_508 = arith.constant 1 : i32
      %swap3A_509 = arith.index_cast %swap3A_508 : i32 to index
      %swap3A_510 = arith.constant 32 : index
      %swap3A_511 = tpu.vector_load %arg18[%swap3A_509, %swap3A_510] {strides = array<i32>} : memref<2x125xi32, #tpu.memory_space<vmem>>, vector<16xi32>,
      tpu.vector_store %arg18[%swap3A_509, %swap3A_510], %get3A_507 {strides = array<i32>} : memref<2x125xi32, #tpu.memory_space<vmem>>, vector<16xi32>,
      %get3A_512 = arith.constant 1 : i32
      %get3A_513 = arith.index_cast %get3A_512 : i32 to index
      %get3A_514 = arith.constant 48 : index
      %get3A_515 = tpu.vector_load %arg10[%get3A_513, %get3A_514] {strides = array<i32>} : memref<2x125xi32, #tpu.memory_space<vmem>>, vector<16xi32>,
      %swap3A_516 = arith.constant 1 : i32
      %swap3A_517 = arith.index_cast %swap3A_516 : i32 to index
      %swap3A_518 = arith.constant 48 : index
      %swap3A_519 = tpu.vector_load %arg18[%swap3A_517, %swap3A_518] {strides = array<i32>} : memref<2x125xi32, #tpu.memory_space<vmem>>, vector<16xi32>,
      tpu.vector_store %arg18[%swap3A_517, %swap3A_518], %get3A_515 {strides = array<i32>} : memref<2x125xi32, #tpu.memory_space<vmem>>, vector<16xi32>,
      %get3A_520 = arith.constant 1 : i32
      %get3A_521 = arith.index_cast %get3A_520 : i32 to index
      %get3A_522 = arith.constant 64 : index
      %get3A_523 = tpu.vector_load %arg10[%get3A_521, %get3A_522] {strides = array<i32>} : memref<2x125xi32, #tpu.memory_space<vmem>>, vector<16xi32>,
      %swap3A_524 = arith.constant 1 : i32
      %swap3A_525 = arith.index_cast %swap3A_524 : i32 to index
      %swap3A_526 = arith.constant 64 : index
      %swap3A_527 = tpu.vector_load %arg18[%swap3A_525, %swap3A_526] {strides = array<i32>} : memref<2x125xi32, #tpu.memory_space<vmem>>, vector<16xi32>,
      tpu.vector_store %arg18[%swap3A_525, %swap3A_526], %get3A_523 {strides = array<i32>} : memref<2x125xi32, #tpu.memory_space<vmem>>, vector<16xi32>,
      %get3A_528 = arith.constant 1 : i32
      %get3A_529 = arith.index_cast %get3A_528 : i32 to index
      %get3A_530 = arith.constant 80 : index
      %get3A_531 = tpu.vector_load %arg10[%get3A_529, %get3A_530] {strides = array<i32>} : memref<2x125xi32, #tpu.memory_space<vmem>>, vector<16xi32>,
      %swap3A_532 = arith.constant 1 : i32
      %swap3A_533 = arith.index_cast %swap3A_532 : i32 to index
      %swap3A_534 = arith.constant 80 : index
      %swap3A_535 = tpu.vector_load %arg18[%swap3A_533, %swap3A_534] {strides = array<i32>} : memref<2x125xi32, #tpu.memory_space<vmem>>, vector<16xi32>,
      tpu.vector_store %arg18[%swap3A_533, %swap3A_534], %get3A_531 {strides = array<i32>} : memref<2x125xi32, #tpu.memory_space<vmem>>, vector<16xi32>,
      %get3A_536 = arith.constant 1 : i32
      %get3A_537 = arith.index_cast %get3A_536 : i32 to index
      %get3A_538 = arith.constant 96 : index
      %get3A_539 = tpu.vector_load %arg10[%get3A_537, %get3A_538] {strides = array<i32>} : memref<2x125xi32, #tpu.memory_space<vmem>>, vector<16xi32>,
      %swap3A_540 = arith.constant 1 : i32
      %swap3A_541 = arith.index_cast %swap3A_540 : i32 to index
      %swap3A_542 = arith.constant 96 : index
      %swap3A_543 = tpu.vector_load %arg18[%swap3A_541, %swap3A_542] {strides = array<i32>} : memref<2x125xi32, #tpu.memory_space<vmem>>, vector<16xi32>,
      tpu.vector_store %arg18[%swap3A_541, %swap3A_542], %get3A_539 {strides = array<i32>} : memref<2x125xi32, #tpu.memory_space<vmem>>, vector<16xi32>,
      %get3A_544 = arith.constant 1 : i32
      %get3A_545 = arith.index_cast %get3A_544 : i32 to index
      %get3A_546 = arith.constant 109 : index
      %get3A_547 = tpu.vector_load %arg10[%get3A_545, %get3A_546] {strides = array<i32>} : memref<2x125xi32, #tpu.memory_space<vmem>>, vector<16xi32>,
      %swap3A_548 = arith.constant 1 : i32
      %swap3A_549 = arith.index_cast %swap3A_548 : i32 to index
      %swap3A_550 = arith.constant 109 : index
      %swap3A_551 = tpu.vector_load %arg18[%swap3A_549, %swap3A_550] {strides = array<i32>} : memref<2x125xi32, #tpu.memory_space<vmem>>, vector<16xi32>,
      tpu.vector_store %arg18[%swap3A_549, %swap3A_550], %get3A_547 {strides = array<i32>} : memref<2x125xi32, #tpu.memory_space<vmem>>, vector<16xi32>,
      %dma_start3A_552 = arith.constant 0 : i32
      %dma_start3A_553 = arith.constant 0 : i32
      %dma_start3A_554 = arith.constant 0 : i32
      %dma_start3A_555 = tpu.memref_slice %arg16[%dma_start3A_553, %dma_start3A_554] : memref<250x72xf32, #tpu.memory_space<vmem>> -> memref<125x72xf32, #tpu.memory_space<vmem>>
      %dma_start3A_556 = arith.constant 0 : i32
      %dma_start3A_557 = tpu.memref_slice %arg18[%dma_start3A_552, %dma_start3A_556] : memref<2x125xi32, #tpu.memory_space<vmem>> -> memref<1x125xi32, #tpu.memory_space<vmem>>
      %dma_start3A_558 = tpu.memref_squeeze %dma_start3A_557 : memref<1x125xi32, #tpu.memory_space<vmem>> -> memref<125xi32, #tpu.memory_space<vmem>>
      %dma_start3A_559 = arith.constant 0 : i32
      %dma_start3A_560 = arith.constant 0 : i32
      %dma_start3A_561 = tpu.memref_slice %arg19[%dma_start3A_559, %dma_start3A_560] : memref<10112x72xf32, #tpu.memory_space<vmem_shared>> -> memref<10112x72xf32, #tpu.memory_space<vmem_shared>>
      tpu.enqueue_indirect_dma source(%dma_start3A_555 : memref<125x72xf32, #tpu.memory_space<vmem>>) target(%dma_start3A_561 : memref<10112x72xf32, #tpu.memory_space<vmem_shared>>) offsets(%dma_start3A_558 : memref<125xi32, #tpu.memory_space<vmem>>) semaphore(%arg25 : memref<!tpu.dma_semaphore, #tpu.memory_space<semaphore_mem>>) {add = true}
      %dma_start3A_562 = arith.constant 1 : i32
      %dma_start3A_563 = arith.constant 125 : i32
      %dma_start3A_564 = arith.constant 0 : i32
      %dma_start3A_565 = tpu.memref_slice %arg16[%dma_start3A_563, %dma_start3A_564] : memref<250x72xf32, #tpu.memory_space<vmem>> -> memref<125x72xf32, #tpu.memory_space<vmem>>
      %dma_start3A_566 = arith.constant 0 : i32
      %dma_start3A_567 = tpu.memref_slice %arg18[%dma_start3A_562, %dma_start3A_566] : memref<2x125xi32, #tpu.memory_space<vmem>> -> memref<1x125xi32, #tpu.memory_space<vmem>>
      %dma_start3A_568 = tpu.memref_squeeze %dma_start3A_567 : memref<1x125xi32, #tpu.memory_space<vmem>> -> memref<125xi32, #tpu.memory_space<vmem>>
      %dma_start3A_569 = arith.constant 0 : i32
      %dma_start3A_570 = arith.constant 0 : i32
      %dma_start3A_571 = tpu.memref_slice %arg19[%dma_start3A_569, %dma_start3A_570] : memref<10112x72xf32, #tpu.memory_space<vmem_shared>> -> memref<10112x72xf32, #tpu.memory_space<vmem_shared>>
      tpu.enqueue_indirect_dma source(%dma_start3A_565 : memref<125x72xf32, #tpu.memory_space<vmem>>) target(%dma_start3A_571 : memref<10112x72xf32, #tpu.memory_space<vmem_shared>>) offsets(%dma_start3A_568 : memref<125xi32, #tpu.memory_space<vmem>>) semaphore(%arg25 : memref<!tpu.dma_semaphore, #tpu.memory_space<semaphore_mem>>) {add = true}
    }
    %scan3A_87 = arith.constant 20 : i32
    %dma_wait3A = arith.constant 0 : i32
    %dma_wait3A_88 = arith.constant 0 : i32
    %dma_wait3A_89 = arith.constant 0 : i32
    %dma_wait3A_90 = tpu.memref_slice %arg15[%dma_wait3A_88, %dma_wait3A_89] : memref<250x72xf32, #tpu.memory_space<vmem>> -> memref<125x72xf32, #tpu.memory_space<vmem>>
    %dma_wait3A_91 = arith.constant 0 : i32
    %dma_wait3A_92 = tpu.memref_slice %arg17[%dma_wait3A, %dma_wait3A_91] : memref<2x125xi32, #tpu.memory_space<vmem>> -> memref<1x125xi32, #tpu.memory_space<vmem>>
    %dma_wait3A_93 = tpu.memref_squeeze %dma_wait3A_92 : memref<1x125xi32, #tpu.memory_space<vmem>> -> memref<125xi32, #tpu.memory_space<vmem>>
    %dma_wait3A_94 = arith.constant 0 : i32
    %dma_wait3A_95 = arith.constant 0 : i32
    %dma_wait3A_96 = tpu.memref_slice %arg19[%dma_wait3A_94, %dma_wait3A_95] : memref<10112x72xf32, #tpu.memory_space<vmem_shared>> -> memref<10112x72xf32, #tpu.memory_space<vmem_shared>>
    tpu.wait_indirect_dma semaphore(%arg24 : memref<!tpu.dma_semaphore, #tpu.memory_space<semaphore_mem>>) src(%dma_wait3A_90 : memref<125x72xf32, #tpu.memory_space<vmem>>) dst(%dma_wait3A_96 : memref<10112x72xf32, #tpu.memory_space<vmem_shared>>)
    %dma_wait3A_97 = arith.constant 1 : i32
    %dma_wait3A_98 = arith.constant 125 : i32
    %dma_wait3A_99 = arith.constant 0 : i32
    %dma_wait3A_100 = tpu.memref_slice %arg15[%dma_wait3A_98, %dma_wait3A_99] : memref<250x72xf32, #tpu.memory_space<vmem>> -> memref<125x72xf32, #tpu.memory_space<vmem>>
    %dma_wait3A_101 = arith.constant 0 : i32
    %dma_wait3A_102 = tpu.memref_slice %arg17[%dma_wait3A_97, %dma_wait3A_101] : memref<2x125xi32, #tpu.memory_space<vmem>> -> memref<1x125xi32, #tpu.memory_space<vmem>>
    %dma_wait3A_103 = tpu.memref_squeeze %dma_wait3A_102 : memref<1x125xi32, #tpu.memory_space<vmem>> -> memref<125xi32, #tpu.memory_space<vmem>>
    %dma_wait3A_104 = arith.constant 0 : i32
    %dma_wait3A_105 = arith.constant 0 : i32
    %dma_wait3A_106 = tpu.memref_slice %arg19[%dma_wait3A_104, %dma_wait3A_105] : memref<10112x72xf32, #tpu.memory_space<vmem_shared>> -> memref<10112x72xf32, #tpu.memory_space<vmem_shared>>
    tpu.wait_indirect_dma semaphore(%arg24 : memref<!tpu.dma_semaphore, #tpu.memory_space<semaphore_mem>>) src(%dma_wait3A_100 : memref<125x72xf32, #tpu.memory_space<vmem>>) dst(%dma_wait3A_106 : memref<10112x72xf32, #tpu.memory_space<vmem_shared>>)
    %dma_wait3A_107 = arith.constant 0 : i32
    %dma_wait3A_108 = arith.constant 0 : i32
    %dma_wait3A_109 = arith.constant 0 : i32
    %dma_wait3A_110 = tpu.memref_slice %arg16[%dma_wait3A_108, %dma_wait3A_109] : memref<250x72xf32, #tpu.memory_space<vmem>> -> memref<125x72xf32, #tpu.memory_space<vmem>>
    %dma_wait3A_111 = arith.constant 0 : i32
    %dma_wait3A_112 = tpu.memref_slice %arg18[%dma_wait3A_107, %dma_wait3A_111] : memref<2x125xi32, #tpu.memory_space<vmem>> -> memref<1x125xi32, #tpu.memory_space<vmem>>
    %dma_wait3A_113 = tpu.memref_squeeze %dma_wait3A_112 : memref<1x125xi32, #tpu.memory_space<vmem>> -> memref<125xi32, #tpu.memory_space<vmem>>
    %dma_wait3A_114 = arith.constant 0 : i32
    %dma_wait3A_115 = arith.constant 0 : i32
    %dma_wait3A_116 = tpu.memref_slice %arg19[%dma_wait3A_114, %dma_wait3A_115] : memref<10112x72xf32, #tpu.memory_space<vmem_shared>> -> memref<10112x72xf32, #tpu.memory_space<vmem_shared>>
    tpu.wait_indirect_dma semaphore(%arg25 : memref<!tpu.dma_semaphore, #tpu.memory_space<semaphore_mem>>) src(%dma_wait3A_110 : memref<125x72xf32, #tpu.memory_space<vmem>>) dst(%dma_wait3A_116 : memref<10112x72xf32, #tpu.memory_space<vmem_shared>>)
    %dma_wait3A_117 = arith.constant 1 : i32
    %dma_wait3A_118 = arith.constant 125 : i32
    %dma_wait3A_119 = arith.constant 0 : i32
    %dma_wait3A_120 = tpu.memref_slice %arg16[%dma_wait3A_118, %dma_wait3A_119] : memref<250x72xf32, #tpu.memory_space<vmem>> -> memref<125x72xf32, #tpu.memory_space<vmem>>
    %dma_wait3A_121 = arith.constant 0 : i32
    %dma_wait3A_122 = tpu.memref_slice %arg18[%dma_wait3A_117, %dma_wait3A_121] : memref<2x125xi32, #tpu.memory_space<vmem>> -> memref<1x125xi32, #tpu.memory_space<vmem>>
    %dma_wait3A_123 = tpu.memref_squeeze %dma_wait3A_122 : memref<1x125xi32, #tpu.memory_space<vmem>> -> memref<125xi32, #tpu.memory_space<vmem>>
    %dma_wait3A_124 = arith.constant 0 : i32
    %dma_wait3A_125 = arith.constant 0 : i32
    %dma_wait3A_126 = tpu.memref_slice %arg19[%dma_wait3A_124, %dma_wait3A_125] : memref<10112x72xf32, #tpu.memory_space<vmem_shared>> -> memref<10112x72xf32, #tpu.memory_space<vmem_shared>>
    tpu.wait_indirect_dma semaphore(%arg25 : memref<!tpu.dma_semaphore, #tpu.memory_space<semaphore_mem>>) src(%dma_wait3A_120 : memref<125x72xf32, #tpu.memory_space<vmem>>) dst(%dma_wait3A_126 : memref<10112x72xf32, #tpu.memory_space<vmem_shared>>)
    %barrier3A_127 = arith.constant 0 : index
    tpu.barrier barrier_id(%barrier3A_127)
    %mul3A_128 = arith.constant 632 : i32
    %mul3A_129 = arith.muli %arg1, %mul3A_128 : i32
    %mul3A_130 = arith.constant 632 : i32
    %mul3A_131 = arith.muli %arg1, %mul3A_130 : i32
    "tpu.region"() ({
      %run_scoped3A = tpu.sem_alloc : memref<!tpu.dma_semaphore, #tpu.memory_space<semaphore_mem>>
      %dma_start3A_132 = arith.constant 0 : i32
      %dma_start3A_133 = tpu.memref_slice %arg6[%arg0, %mul3A_131, %dma_start3A_132] : memref<2x10112x72xf32, #tpu.memory_space<hbm>> -> memref<1x632x72xf32, #tpu.memory_space<hbm>>
      %dma_start3A_134 = tpu.memref_squeeze %dma_start3A_133 : memref<1x632x72xf32, #tpu.memory_space<hbm>> -> memref<632x72xf32, #tpu.memory_space<hbm>>
      %dma_start3A_135 = arith.constant 0 : i32
      %dma_start3A_136 = tpu.memref_slice %arg19[%mul3A_129, %dma_start3A_135] : memref<10112x72xf32, #tpu.memory_space<vmem_shared>> -> memref<632x72xf32, #tpu.memory_space<vmem_shared>>
      tpu.enqueue_dma source(%dma_start3A_136 : memref<632x72xf32, #tpu.memory_space<vmem_shared>>) target(%dma_start3A_134 : memref<632x72xf32, #tpu.memory_space<hbm>>) target_semaphore(%run_scoped3A : memref<!tpu.dma_semaphore, #tpu.memory_space<semaphore_mem>>)
      %dma_wait3A_137 = arith.constant 0 : i32
      %dma_wait3A_138 = tpu.memref_slice %arg6[%arg0, %mul3A_131, %dma_wait3A_137] : memref<2x10112x72xf32, #tpu.memory_space<hbm>> -> memref<1x632x72xf32, #tpu.memory_space<hbm>>
      %dma_wait3A_139 = tpu.memref_squeeze %dma_wait3A_138 : memref<1x632x72xf32, #tpu.memory_space<hbm>> -> memref<632x72xf32, #tpu.memory_space<hbm>>
      %dma_wait3A_140 = arith.constant 0 : i32
      %dma_wait3A_141 = tpu.memref_slice %arg19[%mul3A_129, %dma_wait3A_140] : memref<10112x72xf32, #tpu.memory_space<vmem_shared>> -> memref<632x72xf32, #tpu.memory_space<vmem_shared>>
      tpu.wait_dma2 semaphore(%run_scoped3A : memref<!tpu.dma_semaphore, #tpu.memory_space<semaphore_mem>>) src(%dma_wait3A_141 : memref<632x72xf32, #tpu.memory_space<vmem_shared>>) dst(%dma_wait3A_139 : memref<632x72xf32, #tpu.memory_space<hbm>>)
      tpu.yield
    }) : () -> ()
    return
  }
}

#map = affine_map<(d0, d1) -> (0, 0)>
#map1 = affine_map<(d0, d1) -> (0, 0, 0)>
module attributes {stable_mosaic.version = 14 : i64} {
  func.func @edge_kernel(%arg0: i32, %arg1: i32, %arg2: memref<10000x80xf32, #tpu.memory_space<hbm>>, %arg3: memref<10000x16xf32, #tpu.memory_space<hbm>>, %arg4: memref<2560x125xi32, #tpu.memory_space<hbm>>, %arg5: memref<2560x125xi32, #tpu.memory_space<hbm>>, %arg6: memref<2x10112x72xf32, #tpu.memory_space<hbm>>, %arg7: memref<2x125xi32, #tpu.memory_space<vmem>>, %arg8: memref<2x125xi32, #tpu.memory_space<vmem>>, %arg9: memref<2x125xi32, #tpu.memory_space<vmem>>, %arg10: memref<2x125xi32, #tpu.memory_space<vmem>>, %arg11: memref<250x80xf32, #tpu.memory_space<vmem>>, %arg12: memref<250x80xf32, #tpu.memory_space<vmem>>, %arg13: memref<250x16xf32, #tpu.memory_space<vmem>>, %arg14: memref<250x16xf32, #tpu.memory_space<vmem>>, %arg15: memref<250x72xf32, #tpu.memory_space<vmem>>, %arg16: memref<250x72xf32, #tpu.memory_space<vmem>>, %arg17: memref<2x125xi32, #tpu.memory_space<vmem>>, %arg18: memref<2x125xi32, #tpu.memory_space<vmem>>, %arg19: memref<10112x72xf32, #tpu.memory_space<vmem_shared>>, %arg20: memref<!tpu.dma_semaphore, #tpu.memory_space<semaphore_mem>>, %arg21: memref<!tpu.dma_semaphore, #tpu.memory_space<semaphore_mem>>, %arg22: memref<!tpu.dma_semaphore, #tpu.memory_space<semaphore_mem>>, %arg23: memref<!tpu.dma_semaphore, #tpu.memory_space<semaphore_mem>>, %arg24: memref<!tpu.dma_semaphore, #tpu.memory_space<semaphore_mem>>, %arg25: memref<!tpu.dma_semaphore, #tpu.memory_space<semaphore_mem>>) attributes {dimension_semantics = [#tpu.dimension_semantics<core_parallel>, #tpu.dimension_semantics<subcore_parallel>], iteration_bounds = array<i64: 2, 16>, scalar_prefetch = 0 : i64, scratch_operands = 19 : i64, tpu.core_type = #tpu.core_type<sc_vector_subcore>, window_params = [{transform_indices = #map}, {transform_indices = #map}, {transform_indices = #map}, {transform_indices = #map}, {transform_indices = #map1}]} {
    %mul3A = arith.constant 2 : i32
    %mul3A_0 = arith.muli %arg1, %mul3A : i32
    %add3A = arith.addi %mul3A_0, %arg0 : i32
    %broadcast_in_dim3A = arith.constant 0.000000e+00 : f32
    %broadcast_in_dim3A_1 = vector.broadcast %broadcast_in_dim3A : f32 to vector<16xf32>
    %scan3A = arith.constant 0 : i32
    %scan3A_2 = arith.constant 0 : i32
    %scan3A_3 = arith.constant 79 : i32
    %scan3A_4 = arith.addi %scan3A_2, %scan3A_3 : i32
    %scan3A_5 = arith.constant 1 : i32
    scf.for %scan3A_132 = %scan3A_2 to %scan3A_4 step %scan3A_5  : i32 {
      %swap3A = arith.index_cast %scan3A_132 : i32 to index
      %swap3A_133 = arith.constant 0 : index
      %swap3A_134 = tpu.vector_load %arg15[%swap3A, %swap3A_133] {strides = array<i32>} : memref<250x72xf32, #tpu.memory_space<vmem>>, vector<16xf32>,
      tpu.vector_store %arg15[%swap3A, %swap3A_133], %broadcast_in_dim3A_1 {strides = array<i32>} : memref<250x72xf32, #tpu.memory_space<vmem>>, vector<16xf32>,
      %swap3A_135 = arith.index_cast %scan3A_132 : i32 to index
      %swap3A_136 = arith.constant 16 : index
      %swap3A_137 = tpu.vector_load %arg15[%swap3A_135, %swap3A_136] {strides = array<i32>} : memref<250x72xf32, #tpu.memory_space<vmem>>, vector<16xf32>,
      tpu.vector_store %arg15[%swap3A_135, %swap3A_136], %broadcast_in_dim3A_1 {strides = array<i32>} : memref<250x72xf32, #tpu.memory_space<vmem>>, vector<16xf32>,
      %swap3A_138 = arith.index_cast %scan3A_132 : i32 to index
      %swap3A_139 = arith.constant 32 : index
      %swap3A_140 = tpu.vector_load %arg15[%swap3A_138, %swap3A_139] {strides = array<i32>} : memref<250x72xf32, #tpu.memory_space<vmem>>, vector<16xf32>,
      tpu.vector_store %arg15[%swap3A_138, %swap3A_139], %broadcast_in_dim3A_1 {strides = array<i32>} : memref<250x72xf32, #tpu.memory_space<vmem>>, vector<16xf32>,
      %swap3A_141 = arith.index_cast %scan3A_132 : i32 to index
      %swap3A_142 = arith.constant 48 : index
      %swap3A_143 = tpu.vector_load %arg15[%swap3A_141, %swap3A_142] {strides = array<i32>} : memref<250x72xf32, #tpu.memory_space<vmem>>, vector<16xf32>,
      tpu.vector_store %arg15[%swap3A_141, %swap3A_142], %broadcast_in_dim3A_1 {strides = array<i32>} : memref<250x72xf32, #tpu.memory_space<vmem>>, vector<16xf32>,
      %swap3A_144 = arith.index_cast %scan3A_132 : i32 to index
      %swap3A_145 = arith.constant 56 : index
      %swap3A_146 = tpu.vector_load %arg15[%swap3A_144, %swap3A_145] {strides = array<i32>} : memref<250x72xf32, #tpu.memory_space<vmem>>, vector<16xf32>,
      tpu.vector_store %arg15[%swap3A_144, %swap3A_145], %broadcast_in_dim3A_1 {strides = array<i32>} : memref<250x72xf32, #tpu.memory_space<vmem>>, vector<16xf32>,
    }
    %scan3A_6 = arith.constant 79 : i32
    %mul3A_7 = arith.constant 632 : i32
    %mul3A_8 = arith.muli %arg1, %mul3A_7 : i32
    %add3A_9 = arith.constant 0 : i32
    %add3A_10 = arith.addi %mul3A_8, %add3A_9 : i32
    "tpu.region"() ({
      %run_scoped3A = tpu.sem_alloc : memref<!tpu.dma_semaphore, #tpu.memory_space<semaphore_mem>>
      %dma_start3A_132 = arith.constant 0 : i32
      %dma_start3A_133 = arith.constant 0 : i32
      %dma_start3A_134 = tpu.memref_slice %arg15[%dma_start3A_132, %dma_start3A_133] : memref<250x72xf32, #tpu.memory_space<vmem>> -> memref<79x72xf32, #tpu.memory_space<vmem>>
      %dma_start3A_135 = arith.constant 0 : i32
      %dma_start3A_136 = tpu.memref_slice %arg19[%add3A_10, %dma_start3A_135] : memref<10112x72xf32, #tpu.memory_space<vmem_shared>> -> memref<79x72xf32, #tpu.memory_space<vmem_shared>>
      %dma_start3A_137 = arith.constant 0 : i32
      %dma_start3A_138 = tpu.memref_slice %arg19[%add3A_10, %dma_start3A_137] : memref<10112x72xf32, #tpu.memory_space<vmem_shared>> -> memref<79x72xf32, #tpu.memory_space<vmem_shared>>
      %dma_start3A_139 = arith.constant 0 : i32
      %dma_start3A_140 = arith.constant 0 : i32
      %dma_start3A_141 = tpu.memref_slice %arg15[%dma_start3A_139, %dma_start3A_140] : memref<250x72xf32, #tpu.memory_space<vmem>> -> memref<79x72xf32, #tpu.memory_space<vmem>>
      tpu.enqueue_dma source(%dma_start3A_141 : memref<79x72xf32, #tpu.memory_space<vmem>>) target(%dma_start3A_138 : memref<79x72xf32, #tpu.memory_space<vmem_shared>>) target_semaphore(%run_scoped3A : memref<!tpu.dma_semaphore, #tpu.memory_space<semaphore_mem>>)
      %dma_wait3A_142 = arith.constant 0 : i32
      %dma_wait3A_143 = arith.constant 0 : i32
      %dma_wait3A_144 = tpu.memref_slice %arg15[%dma_wait3A_142, %dma_wait3A_143] : memref<250x72xf32, #tpu.memory_space<vmem>> -> memref<79x72xf32, #tpu.memory_space<vmem>>
      %dma_wait3A_145 = arith.constant 0 : i32
      %dma_wait3A_146 = tpu.memref_slice %arg19[%add3A_10, %dma_wait3A_145] : memref<10112x72xf32, #tpu.memory_space<vmem_shared>> -> memref<79x72xf32, #tpu.memory_space<vmem_shared>>
      %dma_wait3A_147 = arith.constant 0 : i32
      %dma_wait3A_148 = tpu.memref_slice %arg19[%add3A_10, %dma_wait3A_147] : memref<10112x72xf32, #tpu.memory_space<vmem_shared>> -> memref<79x72xf32, #tpu.memory_space<vmem_shared>>
      %dma_wait3A_149 = arith.constant 0 : i32
      %dma_wait3A_150 = arith.constant 0 : i32
      %dma_wait3A_151 = tpu.memref_slice %arg15[%dma_wait3A_149, %dma_wait3A_150] : memref<250x72xf32, #tpu.memory_space<vmem>> -> memref<79x72xf32, #tpu.memory_space<vmem>>
      tpu.wait_dma2 semaphore(%run_scoped3A : memref<!tpu.dma_semaphore, #tpu.memory_space<semaphore_mem>>) src(%dma_wait3A_151 : memref<79x72xf32, #tpu.memory_space<vmem>>) dst(%dma_wait3A_148 : memref<79x72xf32, #tpu.memory_space<vmem_shared>>)
      tpu.yield
    }) : () -> ()
    %mul3A_11 = arith.constant 632 : i32
    %mul3A_12 = arith.muli %arg1, %mul3A_11 : i32
    %add3A_13 = arith.constant 79 : i32
    %add3A_14 = arith.addi %mul3A_12, %add3A_13 : i32
    "tpu.region"() ({
      %run_scoped3A = tpu.sem_alloc : memref<!tpu.dma_semaphore, #tpu.memory_space<semaphore_mem>>
      %dma_start3A_132 = arith.constant 0 : i32
      %dma_start3A_133 = arith.constant 0 : i32
      %dma_start3A_134 = tpu.memref_slice %arg15[%dma_start3A_132, %dma_start3A_133] : memref<250x72xf32, #tpu.memory_space<vmem>> -> memref<79x72xf32, #tpu.memory_space<vmem>>
      %dma_start3A_135 = arith.constant 0 : i32
      %dma_start3A_136 = tpu.memref_slice %arg19[%add3A_14, %dma_start3A_135] : memref<10112x72xf32, #tpu.memory_space<vmem_shared>> -> memref<79x72xf32, #tpu.memory_space<vmem_shared>>
      %dma_start3A_137 = arith.constant 0 : i32
      %dma_start3A_138 = tpu.memref_slice %arg19[%add3A_14, %dma_start3A_137] : memref<10112x72xf32, #tpu.memory_space<vmem_shared>> -> memref<79x72xf32, #tpu.memory_space<vmem_shared>>
      %dma_start3A_139 = arith.constant 0 : i32
      %dma_start3A_140 = arith.constant 0 : i32
      %dma_start3A_141 = tpu.memref_slice %arg15[%dma_start3A_139, %dma_start3A_140] : memref<250x72xf32, #tpu.memory_space<vmem>> -> memref<79x72xf32, #tpu.memory_space<vmem>>
      tpu.enqueue_dma source(%dma_start3A_141 : memref<79x72xf32, #tpu.memory_space<vmem>>) target(%dma_start3A_138 : memref<79x72xf32, #tpu.memory_space<vmem_shared>>) target_semaphore(%run_scoped3A : memref<!tpu.dma_semaphore, #tpu.memory_space<semaphore_mem>>)
      %dma_wait3A_142 = arith.constant 0 : i32
      %dma_wait3A_143 = arith.constant 0 : i32
      %dma_wait3A_144 = tpu.memref_slice %arg15[%dma_wait3A_142, %dma_wait3A_143] : memref<250x72xf32, #tpu.memory_space<vmem>> -> memref<79x72xf32, #tpu.memory_space<vmem>>
      %dma_wait3A_145 = arith.constant 0 : i32
      %dma_wait3A_146 = tpu.memref_slice %arg19[%add3A_14, %dma_wait3A_145] : memref<10112x72xf32, #tpu.memory_space<vmem_shared>> -> memref<79x72xf32, #tpu.memory_space<vmem_shared>>
      %dma_wait3A_147 = arith.constant 0 : i32
      %dma_wait3A_148 = tpu.memref_slice %arg19[%add3A_14, %dma_wait3A_147] : memref<10112x72xf32, #tpu.memory_space<vmem_shared>> -> memref<79x72xf32, #tpu.memory_space<vmem_shared>>
      %dma_wait3A_149 = arith.constant 0 : i32
      %dma_wait3A_150 = arith.constant 0 : i32
      %dma_wait3A_151 = tpu.memref_slice %arg15[%dma_wait3A_149, %dma_wait3A_150] : memref<250x72xf32, #tpu.memory_space<vmem>> -> memref<79x72xf32, #tpu.memory_space<vmem>>
      tpu.wait_dma2 semaphore(%run_scoped3A : memref<!tpu.dma_semaphore, #tpu.memory_space<semaphore_mem>>) src(%dma_wait3A_151 : memref<79x72xf32, #tpu.memory_space<vmem>>) dst(%dma_wait3A_148 : memref<79x72xf32, #tpu.memory_space<vmem_shared>>)
      tpu.yield
    }) : () -> ()
    %mul3A_15 = arith.constant 632 : i32
    %mul3A_16 = arith.muli %arg1, %mul3A_15 : i32
    %add3A_17 = arith.constant 158 : i32
    %add3A_18 = arith.addi %mul3A_16, %add3A_17 : i32
    "tpu.region"() ({
      %run_scoped3A = tpu.sem_alloc : memref<!tpu.dma_semaphore, #tpu.memory_space<semaphore_mem>>
      %dma_start3A_132 = arith.constant 0 : i32
      %dma_start3A_133 = arith.constant 0 : i32
      %dma_start3A_134 = tpu.memref_slice %arg15[%dma_start3A_132, %dma_start3A_133] : memref<250x72xf32, #tpu.memory_space<vmem>> -> memref<79x72xf32, #tpu.memory_space<vmem>>
      %dma_start3A_135 = arith.constant 0 : i32
      %dma_start3A_136 = tpu.memref_slice %arg19[%add3A_18, %dma_start3A_135] : memref<10112x72xf32, #tpu.memory_space<vmem_shared>> -> memref<79x72xf32, #tpu.memory_space<vmem_shared>>
      %dma_start3A_137 = arith.constant 0 : i32
      %dma_start3A_138 = tpu.memref_slice %arg19[%add3A_18, %dma_start3A_137] : memref<10112x72xf32, #tpu.memory_space<vmem_shared>> -> memref<79x72xf32, #tpu.memory_space<vmem_shared>>
      %dma_start3A_139 = arith.constant 0 : i32
      %dma_start3A_140 = arith.constant 0 : i32
      %dma_start3A_141 = tpu.memref_slice %arg15[%dma_start3A_139, %dma_start3A_140] : memref<250x72xf32, #tpu.memory_space<vmem>> -> memref<79x72xf32, #tpu.memory_space<vmem>>
      tpu.enqueue_dma source(%dma_start3A_141 : memref<79x72xf32, #tpu.memory_space<vmem>>) target(%dma_start3A_138 : memref<79x72xf32, #tpu.memory_space<vmem_shared>>) target_semaphore(%run_scoped3A : memref<!tpu.dma_semaphore, #tpu.memory_space<semaphore_mem>>)
      %dma_wait3A_142 = arith.constant 0 : i32
      %dma_wait3A_143 = arith.constant 0 : i32
      %dma_wait3A_144 = tpu.memref_slice %arg15[%dma_wait3A_142, %dma_wait3A_143] : memref<250x72xf32, #tpu.memory_space<vmem>> -> memref<79x72xf32, #tpu.memory_space<vmem>>
      %dma_wait3A_145 = arith.constant 0 : i32
      %dma_wait3A_146 = tpu.memref_slice %arg19[%add3A_18, %dma_wait3A_145] : memref<10112x72xf32, #tpu.memory_space<vmem_shared>> -> memref<79x72xf32, #tpu.memory_space<vmem_shared>>
      %dma_wait3A_147 = arith.constant 0 : i32
      %dma_wait3A_148 = tpu.memref_slice %arg19[%add3A_18, %dma_wait3A_147] : memref<10112x72xf32, #tpu.memory_space<vmem_shared>> -> memref<79x72xf32, #tpu.memory_space<vmem_shared>>
      %dma_wait3A_149 = arith.constant 0 : i32
      %dma_wait3A_150 = arith.constant 0 : i32
      %dma_wait3A_151 = tpu.memref_slice %arg15[%dma_wait3A_149, %dma_wait3A_150] : memref<250x72xf32, #tpu.memory_space<vmem>> -> memref<79x72xf32, #tpu.memory_space<vmem>>
      tpu.wait_dma2 semaphore(%run_scoped3A : memref<!tpu.dma_semaphore, #tpu.memory_space<semaphore_mem>>) src(%dma_wait3A_151 : memref<79x72xf32, #tpu.memory_space<vmem>>) dst(%dma_wait3A_148 : memref<79x72xf32, #tpu.memory_space<vmem_shared>>)
      tpu.yield
    }) : () -> ()
    %mul3A_19 = arith.constant 632 : i32
    %mul3A_20 = arith.muli %arg1, %mul3A_19 : i32
    %add3A_21 = arith.constant 237 : i32
    %add3A_22 = arith.addi %mul3A_20, %add3A_21 : i32
    "tpu.region"() ({
      %run_scoped3A = tpu.sem_alloc : memref<!tpu.dma_semaphore, #tpu.memory_space<semaphore_mem>>
      %dma_start3A_132 = arith.constant 0 : i32
      %dma_start3A_133 = arith.constant 0 : i32
      %dma_start3A_134 = tpu.memref_slice %arg15[%dma_start3A_132, %dma_start3A_133] : memref<250x72xf32, #tpu.memory_space<vmem>> -> memref<79x72xf32, #tpu.memory_space<vmem>>
      %dma_start3A_135 = arith.constant 0 : i32
      %dma_start3A_136 = tpu.memref_slice %arg19[%add3A_22, %dma_start3A_135] : memref<10112x72xf32, #tpu.memory_space<vmem_shared>> -> memref<79x72xf32, #tpu.memory_space<vmem_shared>>
      %dma_start3A_137 = arith.constant 0 : i32
      %dma_start3A_138 = tpu.memref_slice %arg19[%add3A_22, %dma_start3A_137] : memref<10112x72xf32, #tpu.memory_space<vmem_shared>> -> memref<79x72xf32, #tpu.memory_space<vmem_shared>>
      %dma_start3A_139 = arith.constant 0 : i32
      %dma_start3A_140 = arith.constant 0 : i32
      %dma_start3A_141 = tpu.memref_slice %arg15[%dma_start3A_139, %dma_start3A_140] : memref<250x72xf32, #tpu.memory_space<vmem>> -> memref<79x72xf32, #tpu.memory_space<vmem>>
      tpu.enqueue_dma source(%dma_start3A_141 : memref<79x72xf32, #tpu.memory_space<vmem>>) target(%dma_start3A_138 : memref<79x72xf32, #tpu.memory_space<vmem_shared>>) target_semaphore(%run_scoped3A : memref<!tpu.dma_semaphore, #tpu.memory_space<semaphore_mem>>)
      %dma_wait3A_142 = arith.constant 0 : i32
      %dma_wait3A_143 = arith.constant 0 : i32
      %dma_wait3A_144 = tpu.memref_slice %arg15[%dma_wait3A_142, %dma_wait3A_143] : memref<250x72xf32, #tpu.memory_space<vmem>> -> memref<79x72xf32, #tpu.memory_space<vmem>>
      %dma_wait3A_145 = arith.constant 0 : i32
      %dma_wait3A_146 = tpu.memref_slice %arg19[%add3A_22, %dma_wait3A_145] : memref<10112x72xf32, #tpu.memory_space<vmem_shared>> -> memref<79x72xf32, #tpu.memory_space<vmem_shared>>
      %dma_wait3A_147 = arith.constant 0 : i32
      %dma_wait3A_148 = tpu.memref_slice %arg19[%add3A_22, %dma_wait3A_147] : memref<10112x72xf32, #tpu.memory_space<vmem_shared>> -> memref<79x72xf32, #tpu.memory_space<vmem_shared>>
      %dma_wait3A_149 = arith.constant 0 : i32
      %dma_wait3A_150 = arith.constant 0 : i32
      %dma_wait3A_151 = tpu.memref_slice %arg15[%dma_wait3A_149, %dma_wait3A_150] : memref<250x72xf32, #tpu.memory_space<vmem>> -> memref<79x72xf32, #tpu.memory_space<vmem>>
      tpu.wait_dma2 semaphore(%run_scoped3A : memref<!tpu.dma_semaphore, #tpu.memory_space<semaphore_mem>>) src(%dma_wait3A_151 : memref<79x72xf32, #tpu.memory_space<vmem>>) dst(%dma_wait3A_148 : memref<79x72xf32, #tpu.memory_space<vmem_shared>>)
      tpu.yield
    }) : () -> ()
    %mul3A_23 = arith.constant 632 : i32
    %mul3A_24 = arith.muli %arg1, %mul3A_23 : i32
    %add3A_25 = arith.constant 316 : i32
    %add3A_26 = arith.addi %mul3A_24, %add3A_25 : i32
    "tpu.region"() ({
      %run_scoped3A = tpu.sem_alloc : memref<!tpu.dma_semaphore, #tpu.memory_space<semaphore_mem>>
      %dma_start3A_132 = arith.constant 0 : i32
      %dma_start3A_133 = arith.constant 0 : i32
      %dma_start3A_134 = tpu.memref_slice %arg15[%dma_start3A_132, %dma_start3A_133] : memref<250x72xf32, #tpu.memory_space<vmem>> -> memref<79x72xf32, #tpu.memory_space<vmem>>
      %dma_start3A_135 = arith.constant 0 : i32
      %dma_start3A_136 = tpu.memref_slice %arg19[%add3A_26, %dma_start3A_135] : memref<10112x72xf32, #tpu.memory_space<vmem_shared>> -> memref<79x72xf32, #tpu.memory_space<vmem_shared>>
      %dma_start3A_137 = arith.constant 0 : i32
      %dma_start3A_138 = tpu.memref_slice %arg19[%add3A_26, %dma_start3A_137] : memref<10112x72xf32, #tpu.memory_space<vmem_shared>> -> memref<79x72xf32, #tpu.memory_space<vmem_shared>>
      %dma_start3A_139 = arith.constant 0 : i32
      %dma_start3A_140 = arith.constant 0 : i32
      %dma_start3A_141 = tpu.memref_slice %arg15[%dma_start3A_139, %dma_start3A_140] : memref<250x72xf32, #tpu.memory_space<vmem>> -> memref<79x72xf32, #tpu.memory_space<vmem>>
      tpu.enqueue_dma source(%dma_start3A_141 : memref<79x72xf32, #tpu.memory_space<vmem>>) target(%dma_start3A_138 : memref<79x72xf32, #tpu.memory_space<vmem_shared>>) target_semaphore(%run_scoped3A : memref<!tpu.dma_semaphore, #tpu.memory_space<semaphore_mem>>)
      %dma_wait3A_142 = arith.constant 0 : i32
      %dma_wait3A_143 = arith.constant 0 : i32
      %dma_wait3A_144 = tpu.memref_slice %arg15[%dma_wait3A_142, %dma_wait3A_143] : memref<250x72xf32, #tpu.memory_space<vmem>> -> memref<79x72xf32, #tpu.memory_space<vmem>>
      %dma_wait3A_145 = arith.constant 0 : i32
      %dma_wait3A_146 = tpu.memref_slice %arg19[%add3A_26, %dma_wait3A_145] : memref<10112x72xf32, #tpu.memory_space<vmem_shared>> -> memref<79x72xf32, #tpu.memory_space<vmem_shared>>
      %dma_wait3A_147 = arith.constant 0 : i32
      %dma_wait3A_148 = tpu.memref_slice %arg19[%add3A_26, %dma_wait3A_147] : memref<10112x72xf32, #tpu.memory_space<vmem_shared>> -> memref<79x72xf32, #tpu.memory_space<vmem_shared>>
      %dma_wait3A_149 = arith.constant 0 : i32
      %dma_wait3A_150 = arith.constant 0 : i32
      %dma_wait3A_151 = tpu.memref_slice %arg15[%dma_wait3A_149, %dma_wait3A_150] : memref<250x72xf32, #tpu.memory_space<vmem>> -> memref<79x72xf32, #tpu.memory_space<vmem>>
      tpu.wait_dma2 semaphore(%run_scoped3A : memref<!tpu.dma_semaphore, #tpu.memory_space<semaphore_mem>>) src(%dma_wait3A_151 : memref<79x72xf32, #tpu.memory_space<vmem>>) dst(%dma_wait3A_148 : memref<79x72xf32, #tpu.memory_space<vmem_shared>>)
      tpu.yield
    }) : () -> ()
    %mul3A_27 = arith.constant 632 : i32
    %mul3A_28 = arith.muli %arg1, %mul3A_27 : i32
    %add3A_29 = arith.constant 395 : i32
    %add3A_30 = arith.addi %mul3A_28, %add3A_29 : i32
    "tpu.region"() ({
      %run_scoped3A = tpu.sem_alloc : memref<!tpu.dma_semaphore, #tpu.memory_space<semaphore_mem>>
      %dma_start3A_132 = arith.constant 0 : i32
      %dma_start3A_133 = arith.constant 0 : i32
      %dma_start3A_134 = tpu.memref_slice %arg15[%dma_start3A_132, %dma_start3A_133] : memref<250x72xf32, #tpu.memory_space<vmem>> -> memref<79x72xf32, #tpu.memory_space<vmem>>
      %dma_start3A_135 = arith.constant 0 : i32
      %dma_start3A_136 = tpu.memref_slice %arg19[%add3A_30, %dma_start3A_135] : memref<10112x72xf32, #tpu.memory_space<vmem_shared>> -> memref<79x72xf32, #tpu.memory_space<vmem_shared>>
      %dma_start3A_137 = arith.constant 0 : i32
      %dma_start3A_138 = tpu.memref_slice %arg19[%add3A_30, %dma_start3A_137] : memref<10112x72xf32, #tpu.memory_space<vmem_shared>> -> memref<79x72xf32, #tpu.memory_space<vmem_shared>>
      %dma_start3A_139 = arith.constant 0 : i32
      %dma_start3A_140 = arith.constant 0 : i32
      %dma_start3A_141 = tpu.memref_slice %arg15[%dma_start3A_139, %dma_start3A_140] : memref<250x72xf32, #tpu.memory_space<vmem>> -> memref<79x72xf32, #tpu.memory_space<vmem>>
      tpu.enqueue_dma source(%dma_start3A_141 : memref<79x72xf32, #tpu.memory_space<vmem>>) target(%dma_start3A_138 : memref<79x72xf32, #tpu.memory_space<vmem_shared>>) target_semaphore(%run_scoped3A : memref<!tpu.dma_semaphore, #tpu.memory_space<semaphore_mem>>)
      %dma_wait3A_142 = arith.constant 0 : i32
      %dma_wait3A_143 = arith.constant 0 : i32
      %dma_wait3A_144 = tpu.memref_slice %arg15[%dma_wait3A_142, %dma_wait3A_143] : memref<250x72xf32, #tpu.memory_space<vmem>> -> memref<79x72xf32, #tpu.memory_space<vmem>>
      %dma_wait3A_145 = arith.constant 0 : i32
      %dma_wait3A_146 = tpu.memref_slice %arg19[%add3A_30, %dma_wait3A_145] : memref<10112x72xf32, #tpu.memory_space<vmem_shared>> -> memref<79x72xf32, #tpu.memory_space<vmem_shared>>
      %dma_wait3A_147 = arith.constant 0 : i32
      %dma_wait3A_148 = tpu.memref_slice %arg19[%add3A_30, %dma_wait3A_147] : memref<10112x72xf32, #tpu.memory_space<vmem_shared>> -> memref<79x72xf32, #tpu.memory_space<vmem_shared>>
      %dma_wait3A_149 = arith.constant 0 : i32
      %dma_wait3A_150 = arith.constant 0 : i32
      %dma_wait3A_151 = tpu.memref_slice %arg15[%dma_wait3A_149, %dma_wait3A_150] : memref<250x72xf32, #tpu.memory_space<vmem>> -> memref<79x72xf32, #tpu.memory_space<vmem>>
      tpu.wait_dma2 semaphore(%run_scoped3A : memref<!tpu.dma_semaphore, #tpu.memory_space<semaphore_mem>>) src(%dma_wait3A_151 : memref<79x72xf32, #tpu.memory_space<vmem>>) dst(%dma_wait3A_148 : memref<79x72xf32, #tpu.memory_space<vmem_shared>>)
      tpu.yield
    }) : () -> ()
    %mul3A_31 = arith.constant 632 : i32
    %mul3A_32 = arith.muli %arg1, %mul3A_31 : i32
    %add3A_33 = arith.constant 474 : i32
    %add3A_34 = arith.addi %mul3A_32, %add3A_33 : i32
    "tpu.region"() ({
      %run_scoped3A = tpu.sem_alloc : memref<!tpu.dma_semaphore, #tpu.memory_space<semaphore_mem>>
      %dma_start3A_132 = arith.constant 0 : i32
      %dma_start3A_133 = arith.constant 0 : i32
      %dma_start3A_134 = tpu.memref_slice %arg15[%dma_start3A_132, %dma_start3A_133] : memref<250x72xf32, #tpu.memory_space<vmem>> -> memref<79x72xf32, #tpu.memory_space<vmem>>
      %dma_start3A_135 = arith.constant 0 : i32
      %dma_start3A_136 = tpu.memref_slice %arg19[%add3A_34, %dma_start3A_135] : memref<10112x72xf32, #tpu.memory_space<vmem_shared>> -> memref<79x72xf32, #tpu.memory_space<vmem_shared>>
      %dma_start3A_137 = arith.constant 0 : i32
      %dma_start3A_138 = tpu.memref_slice %arg19[%add3A_34, %dma_start3A_137] : memref<10112x72xf32, #tpu.memory_space<vmem_shared>> -> memref<79x72xf32, #tpu.memory_space<vmem_shared>>
      %dma_start3A_139 = arith.constant 0 : i32
      %dma_start3A_140 = arith.constant 0 : i32
      %dma_start3A_141 = tpu.memref_slice %arg15[%dma_start3A_139, %dma_start3A_140] : memref<250x72xf32, #tpu.memory_space<vmem>> -> memref<79x72xf32, #tpu.memory_space<vmem>>
      tpu.enqueue_dma source(%dma_start3A_141 : memref<79x72xf32, #tpu.memory_space<vmem>>) target(%dma_start3A_138 : memref<79x72xf32, #tpu.memory_space<vmem_shared>>) target_semaphore(%run_scoped3A : memref<!tpu.dma_semaphore, #tpu.memory_space<semaphore_mem>>)
      %dma_wait3A_142 = arith.constant 0 : i32
      %dma_wait3A_143 = arith.constant 0 : i32
      %dma_wait3A_144 = tpu.memref_slice %arg15[%dma_wait3A_142, %dma_wait3A_143] : memref<250x72xf32, #tpu.memory_space<vmem>> -> memref<79x72xf32, #tpu.memory_space<vmem>>
      %dma_wait3A_145 = arith.constant 0 : i32
      %dma_wait3A_146 = tpu.memref_slice %arg19[%add3A_34, %dma_wait3A_145] : memref<10112x72xf32, #tpu.memory_space<vmem_shared>> -> memref<79x72xf32, #tpu.memory_space<vmem_shared>>
      %dma_wait3A_147 = arith.constant 0 : i32
      %dma_wait3A_148 = tpu.memref_slice %arg19[%add3A_34, %dma_wait3A_147] : memref<10112x72xf32, #tpu.memory_space<vmem_shared>> -> memref<79x72xf32, #tpu.memory_space<vmem_shared>>
      %dma_wait3A_149 = arith.constant 0 : i32
      %dma_wait3A_150 = arith.constant 0 : i32
      %dma_wait3A_151 = tpu.memref_slice %arg15[%dma_wait3A_149, %dma_wait3A_150] : memref<250x72xf32, #tpu.memory_space<vmem>> -> memref<79x72xf32, #tpu.memory_space<vmem>>
      tpu.wait_dma2 semaphore(%run_scoped3A : memref<!tpu.dma_semaphore, #tpu.memory_space<semaphore_mem>>) src(%dma_wait3A_151 : memref<79x72xf32, #tpu.memory_space<vmem>>) dst(%dma_wait3A_148 : memref<79x72xf32, #tpu.memory_space<vmem_shared>>)
      tpu.yield
    }) : () -> ()
    %mul3A_35 = arith.constant 632 : i32
    %mul3A_36 = arith.muli %arg1, %mul3A_35 : i32
    %add3A_37 = arith.constant 553 : i32
    %add3A_38 = arith.addi %mul3A_36, %add3A_37 : i32
    "tpu.region"() ({
      %run_scoped3A = tpu.sem_alloc : memref<!tpu.dma_semaphore, #tpu.memory_space<semaphore_mem>>
      %dma_start3A_132 = arith.constant 0 : i32
      %dma_start3A_133 = arith.constant 0 : i32
      %dma_start3A_134 = tpu.memref_slice %arg15[%dma_start3A_132, %dma_start3A_133] : memref<250x72xf32, #tpu.memory_space<vmem>> -> memref<79x72xf32, #tpu.memory_space<vmem>>
      %dma_start3A_135 = arith.constant 0 : i32
      %dma_start3A_136 = tpu.memref_slice %arg19[%add3A_38, %dma_start3A_135] : memref<10112x72xf32, #tpu.memory_space<vmem_shared>> -> memref<79x72xf32, #tpu.memory_space<vmem_shared>>
      %dma_start3A_137 = arith.constant 0 : i32
      %dma_start3A_138 = tpu.memref_slice %arg19[%add3A_38, %dma_start3A_137] : memref<10112x72xf32, #tpu.memory_space<vmem_shared>> -> memref<79x72xf32, #tpu.memory_space<vmem_shared>>
      %dma_start3A_139 = arith.constant 0 : i32
      %dma_start3A_140 = arith.constant 0 : i32
      %dma_start3A_141 = tpu.memref_slice %arg15[%dma_start3A_139, %dma_start3A_140] : memref<250x72xf32, #tpu.memory_space<vmem>> -> memref<79x72xf32, #tpu.memory_space<vmem>>
      tpu.enqueue_dma source(%dma_start3A_141 : memref<79x72xf32, #tpu.memory_space<vmem>>) target(%dma_start3A_138 : memref<79x72xf32, #tpu.memory_space<vmem_shared>>) target_semaphore(%run_scoped3A : memref<!tpu.dma_semaphore, #tpu.memory_space<semaphore_mem>>)
      %dma_wait3A_142 = arith.constant 0 : i32
      %dma_wait3A_143 = arith.constant 0 : i32
      %dma_wait3A_144 = tpu.memref_slice %arg15[%dma_wait3A_142, %dma_wait3A_143] : memref<250x72xf32, #tpu.memory_space<vmem>> -> memref<79x72xf32, #tpu.memory_space<vmem>>
      %dma_wait3A_145 = arith.constant 0 : i32
      %dma_wait3A_146 = tpu.memref_slice %arg19[%add3A_38, %dma_wait3A_145] : memref<10112x72xf32, #tpu.memory_space<vmem_shared>> -> memref<79x72xf32, #tpu.memory_space<vmem_shared>>
      %dma_wait3A_147 = arith.constant 0 : i32
      %dma_wait3A_148 = tpu.memref_slice %arg19[%add3A_38, %dma_wait3A_147] : memref<10112x72xf32, #tpu.memory_space<vmem_shared>> -> memref<79x72xf32, #tpu.memory_space<vmem_shared>>
      %dma_wait3A_149 = arith.constant 0 : i32
      %dma_wait3A_150 = arith.constant 0 : i32
      %dma_wait3A_151 = tpu.memref_slice %arg15[%dma_wait3A_149, %dma_wait3A_150] : memref<250x72xf32, #tpu.memory_space<vmem>> -> memref<79x72xf32, #tpu.memory_space<vmem>>
      tpu.wait_dma2 semaphore(%run_scoped3A : memref<!tpu.dma_semaphore, #tpu.memory_space<semaphore_mem>>) src(%dma_wait3A_151 : memref<79x72xf32, #tpu.memory_space<vmem>>) dst(%dma_wait3A_148 : memref<79x72xf32, #tpu.memory_space<vmem_shared>>)
      tpu.yield
    }) : () -> ()
    %barrier3A = arith.constant 0 : index
    tpu.barrier barrier_id(%barrier3A)
    %mul3A_39 = arith.constant 80 : i32
    %mul3A_40 = arith.muli %add3A, %mul3A_39 : i32
    %add3A_41 = arith.constant 0 : i32
    %add3A_42 = arith.addi %mul3A_40, %add3A_41 : i32
    "tpu.region"() ({
      %run_scoped3A = tpu.sem_alloc : memref<!tpu.dma_semaphore, #tpu.memory_space<semaphore_mem>>
      %dma_start3A_132 = arith.constant 0 : i32
      %dma_start3A_133 = tpu.memref_slice %arg4[%add3A_42, %dma_start3A_132] : memref<2560x125xi32, #tpu.memory_space<hbm>> -> memref<2x125xi32, #tpu.memory_space<hbm>>
      %dma_start3A_134 = arith.constant 0 : i32
      %dma_start3A_135 = tpu.memref_slice %arg4[%add3A_42, %dma_start3A_134] : memref<2560x125xi32, #tpu.memory_space<hbm>> -> memref<2x125xi32, #tpu.memory_space<hbm>>
      tpu.enqueue_dma source(%dma_start3A_135 : memref<2x125xi32, #tpu.memory_space<hbm>>) target(%arg7 : memref<2x125xi32, #tpu.memory_space<vmem>>) target_semaphore(%run_scoped3A : memref<!tpu.dma_semaphore, #tpu.memory_space<semaphore_mem>>)
      %dma_wait3A_136 = arith.constant 0 : i32
      %dma_wait3A_137 = tpu.memref_slice %arg4[%add3A_42, %dma_wait3A_136] : memref<2560x125xi32, #tpu.memory_space<hbm>> -> memref<2x125xi32, #tpu.memory_space<hbm>>
      %dma_wait3A_138 = arith.constant 0 : i32
      %dma_wait3A_139 = tpu.memref_slice %arg4[%add3A_42, %dma_wait3A_138] : memref<2560x125xi32, #tpu.memory_space<hbm>> -> memref<2x125xi32, #tpu.memory_space<hbm>>
      tpu.wait_dma2 semaphore(%run_scoped3A : memref<!tpu.dma_semaphore, #tpu.memory_space<semaphore_mem>>) src(%dma_wait3A_139 : memref<2x125xi32, #tpu.memory_space<hbm>>) dst(%arg7 : memref<2x125xi32, #tpu.memory_space<vmem>>)
      tpu.yield
    }) : () -> ()
    "tpu.region"() ({
      %run_scoped3A = tpu.sem_alloc : memref<!tpu.dma_semaphore, #tpu.memory_space<semaphore_mem>>
      %dma_start3A_132 = arith.constant 0 : i32
      %dma_start3A_133 = tpu.memref_slice %arg5[%add3A_42, %dma_start3A_132] : memref<2560x125xi32, #tpu.memory_space<hbm>> -> memref<2x125xi32, #tpu.memory_space<hbm>>
      %dma_start3A_134 = arith.constant 0 : i32
      %dma_start3A_135 = tpu.memref_slice %arg5[%add3A_42, %dma_start3A_134] : memref<2560x125xi32, #tpu.memory_space<hbm>> -> memref<2x125xi32, #tpu.memory_space<hbm>>
      tpu.enqueue_dma source(%dma_start3A_135 : memref<2x125xi32, #tpu.memory_space<hbm>>) target(%arg9 : memref<2x125xi32, #tpu.memory_space<vmem>>) target_semaphore(%run_scoped3A : memref<!tpu.dma_semaphore, #tpu.memory_space<semaphore_mem>>)
      %dma_wait3A_136 = arith.constant 0 : i32
      %dma_wait3A_137 = tpu.memref_slice %arg5[%add3A_42, %dma_wait3A_136] : memref<2560x125xi32, #tpu.memory_space<hbm>> -> memref<2x125xi32, #tpu.memory_space<hbm>>
      %dma_wait3A_138 = arith.constant 0 : i32
      %dma_wait3A_139 = tpu.memref_slice %arg5[%add3A_42, %dma_wait3A_138] : memref<2560x125xi32, #tpu.memory_space<hbm>> -> memref<2x125xi32, #tpu.memory_space<hbm>>
      tpu.wait_dma2 semaphore(%run_scoped3A : memref<!tpu.dma_semaphore, #tpu.memory_space<semaphore_mem>>) src(%dma_wait3A_139 : memref<2x125xi32, #tpu.memory_space<hbm>>) dst(%arg9 : memref<2x125xi32, #tpu.memory_space<vmem>>)
      tpu.yield
    }) : () -> ()
    %dma_start3A = arith.constant 0 : i32
    %dma_start3A_43 = arith.constant 0 : i32
    %dma_start3A_44 = arith.constant 0 : i32
    %dma_start3A_45 = tpu.memref_slice %arg11[%dma_start3A_43, %dma_start3A_44] : memref<250x80xf32, #tpu.memory_space<vmem>> -> memref<125x80xf32, #tpu.memory_space<vmem>>
    %dma_start3A_46 = arith.constant 0 : i32
    %dma_start3A_47 = tpu.memref_slice %arg7[%dma_start3A, %dma_start3A_46] : memref<2x125xi32, #tpu.memory_space<vmem>> -> memref<1x125xi32, #tpu.memory_space<vmem>>
    %dma_start3A_48 = tpu.memref_squeeze %dma_start3A_47 : memref<1x125xi32, #tpu.memory_space<vmem>> -> memref<125xi32, #tpu.memory_space<vmem>>
    %dma_start3A_49 = arith.constant 0 : i32
    %dma_start3A_50 = arith.constant 0 : i32
    %dma_start3A_51 = tpu.memref_slice %arg2[%dma_start3A_49, %dma_start3A_50] : memref<10000x80xf32, #tpu.memory_space<hbm>> -> memref<10000x80xf32, #tpu.memory_space<hbm>>
    tpu.enqueue_indirect_dma source(%dma_start3A_51 : memref<10000x80xf32, #tpu.memory_space<hbm>>) target(%dma_start3A_45 : memref<125x80xf32, #tpu.memory_space<vmem>>) offsets(%dma_start3A_48 : memref<125xi32, #tpu.memory_space<vmem>>) semaphore(%arg20 : memref<!tpu.dma_semaphore, #tpu.memory_space<semaphore_mem>>)
    %dma_start3A_52 = arith.constant 0 : i32
    %dma_start3A_53 = arith.constant 0 : i32
    %dma_start3A_54 = arith.constant 0 : i32
    %dma_start3A_55 = tpu.memref_slice %arg13[%dma_start3A_53, %dma_start3A_54] : memref<250x16xf32, #tpu.memory_space<vmem>> -> memref<125x16xf32, #tpu.memory_space<vmem>>
    %dma_start3A_56 = arith.constant 0 : i32
    %dma_start3A_57 = tpu.memref_slice %arg9[%dma_start3A_52, %dma_start3A_56] : memref<2x125xi32, #tpu.memory_space<vmem>> -> memref<1x125xi32, #tpu.memory_space<vmem>>
    %dma_start3A_58 = tpu.memref_squeeze %dma_start3A_57 : memref<1x125xi32, #tpu.memory_space<vmem>> -> memref<125xi32, #tpu.memory_space<vmem>>
    %dma_start3A_59 = arith.constant 0 : i32
    %dma_start3A_60 = arith.constant 0 : i32
    %dma_start3A_61 = tpu.memref_slice %arg3[%dma_start3A_59, %dma_start3A_60] : memref<10000x16xf32, #tpu.memory_space<hbm>> -> memref<10000x16xf32, #tpu.memory_space<hbm>>
    tpu.enqueue_indirect_dma source(%dma_start3A_61 : memref<10000x16xf32, #tpu.memory_space<hbm>>) target(%dma_start3A_55 : memref<125x16xf32, #tpu.memory_space<vmem>>) offsets(%dma_start3A_58 : memref<125xi32, #tpu.memory_space<vmem>>) semaphore(%arg22 : memref<!tpu.dma_semaphore, #tpu.memory_space<semaphore_mem>>)
    %dma_start3A_62 = arith.constant 1 : i32
    %dma_start3A_63 = arith.constant 125 : i32
    %dma_start3A_64 = arith.constant 0 : i32
    %dma_start3A_65 = tpu.memref_slice %arg11[%dma_start3A_63, %dma_start3A_64] : memref<250x80xf32, #tpu.memory_space<vmem>> -> memref<125x80xf32, #tpu.memory_space<vmem>>
    %dma_start3A_66 = arith.constant 0 : i32
    %dma_start3A_67 = tpu.memref_slice %arg7[%dma_start3A_62, %dma_start3A_66] : memref<2x125xi32, #tpu.memory_space<vmem>> -> memref<1x125xi32, #tpu.memory_space<vmem>>
    %dma_start3A_68 = tpu.memref_squeeze %dma_start3A_67 : memref<1x125xi32, #tpu.memory_space<vmem>> -> memref<125xi32, #tpu.memory_space<vmem>>
    %dma_start3A_69 = arith.constant 0 : i32
    %dma_start3A_70 = arith.constant 0 : i32
    %dma_start3A_71 = tpu.memref_slice %arg2[%dma_start3A_69, %dma_start3A_70] : memref<10000x80xf32, #tpu.memory_space<hbm>> -> memref<10000x80xf32, #tpu.memory_space<hbm>>
    tpu.enqueue_indirect_dma source(%dma_start3A_71 : memref<10000x80xf32, #tpu.memory_space<hbm>>) target(%dma_start3A_65 : memref<125x80xf32, #tpu.memory_space<vmem>>) offsets(%dma_start3A_68 : memref<125xi32, #tpu.memory_space<vmem>>) semaphore(%arg20 : memref<!tpu.dma_semaphore, #tpu.memory_space<semaphore_mem>>)
    %dma_start3A_72 = arith.constant 1 : i32
    %dma_start3A_73 = arith.constant 125 : i32
    %dma_start3A_74 = arith.constant 0 : i32
    %dma_start3A_75 = tpu.memref_slice %arg13[%dma_start3A_73, %dma_start3A_74] : memref<250x16xf32, #tpu.memory_space<vmem>> -> memref<125x16xf32, #tpu.memory_space<vmem>>
    %dma_start3A_76 = arith.constant 0 : i32
    %dma_start3A_77 = tpu.memref_slice %arg9[%dma_start3A_72, %dma_start3A_76] : memref<2x125xi32, #tpu.memory_space<vmem>> -> memref<1x125xi32, #tpu.memory_space<vmem>>
    %dma_start3A_78 = tpu.memref_squeeze %dma_start3A_77 : memref<1x125xi32, #tpu.memory_space<vmem>> -> memref<125xi32, #tpu.memory_space<vmem>>
    %dma_start3A_79 = arith.constant 0 : i32
    %dma_start3A_80 = arith.constant 0 : i32
    %dma_start3A_81 = tpu.memref_slice %arg3[%dma_start3A_79, %dma_start3A_80] : memref<10000x16xf32, #tpu.memory_space<hbm>> -> memref<10000x16xf32, #tpu.memory_space<hbm>>
    tpu.enqueue_indirect_dma source(%dma_start3A_81 : memref<10000x16xf32, #tpu.memory_space<hbm>>) target(%dma_start3A_75 : memref<125x16xf32, #tpu.memory_space<vmem>>) offsets(%dma_start3A_78 : memref<125xi32, #tpu.memory_space<vmem>>) semaphore(%arg22 : memref<!tpu.dma_semaphore, #tpu.memory_space<semaphore_mem>>)
    %scan3A_82 = arith.constant 0 : i32
    %scan3A_83 = arith.constant 0 : i32
    %scan3A_84 = arith.constant 20 : i32
    %scan3A_85 = arith.addi %scan3A_83, %scan3A_84 : i32
    %scan3A_86 = arith.constant 1 : i32
    scf.for %scan3A_132 = %scan3A_83 to %scan3A_85 step %scan3A_86  : i32 {
      %mul3A_133 = arith.constant 2 : i32
      %mul3A_134 = arith.muli %mul3A_133, %scan3A_132 : i32
      %add3A_135 = arith.constant 1 : i32
      %add3A_136 = arith.addi %mul3A_134, %add3A_135 : i32
      %mul3A_137 = arith.constant 80 : i32
      %mul3A_138 = arith.muli %add3A, %mul3A_137 : i32
      %mul3A_139 = arith.constant 2 : i32
      %mul3A_140 = arith.muli %add3A_136, %mul3A_139 : i32
      %add3A_141 = arith.addi %mul3A_138, %mul3A_140 : i32
      "tpu.region"() ({
        %run_scoped3A = tpu.sem_alloc : memref<!tpu.dma_semaphore, #tpu.memory_space<semaphore_mem>>
        %dma_start3A_572 = arith.constant 0 : i32
        %dma_start3A_573 = tpu.memref_slice %arg4[%add3A_141, %dma_start3A_572] : memref<2560x125xi32, #tpu.memory_space<hbm>> -> memref<2x125xi32, #tpu.memory_space<hbm>>
        %dma_start3A_574 = arith.constant 0 : i32
        %dma_start3A_575 = tpu.memref_slice %arg4[%add3A_141, %dma_start3A_574] : memref<2560x125xi32, #tpu.memory_space<hbm>> -> memref<2x125xi32, #tpu.memory_space<hbm>>
        tpu.enqueue_dma source(%dma_start3A_575 : memref<2x125xi32, #tpu.memory_space<hbm>>) target(%arg8 : memref<2x125xi32, #tpu.memory_space<vmem>>) target_semaphore(%run_scoped3A : memref<!tpu.dma_semaphore, #tpu.memory_space<semaphore_mem>>)
        %dma_wait3A_576 = arith.constant 0 : i32
        %dma_wait3A_577 = tpu.memref_slice %arg4[%add3A_141, %dma_wait3A_576] : memref<2560x125xi32, #tpu.memory_space<hbm>> -> memref<2x125xi32, #tpu.memory_space<hbm>>
        %dma_wait3A_578 = arith.constant 0 : i32
        %dma_wait3A_579 = tpu.memref_slice %arg4[%add3A_141, %dma_wait3A_578] : memref<2560x125xi32, #tpu.memory_space<hbm>> -> memref<2x125xi32, #tpu.memory_space<hbm>>
        tpu.wait_dma2 semaphore(%run_scoped3A : memref<!tpu.dma_semaphore, #tpu.memory_space<semaphore_mem>>) src(%dma_wait3A_579 : memref<2x125xi32, #tpu.memory_space<hbm>>) dst(%arg8 : memref<2x125xi32, #tpu.memory_space<vmem>>)
        tpu.yield
      }) : () -> ()
      "tpu.region"() ({
        %run_scoped3A = tpu.sem_alloc : memref<!tpu.dma_semaphore, #tpu.memory_space<semaphore_mem>>
        %dma_start3A_572 = arith.constant 0 : i32
        %dma_start3A_573 = tpu.memref_slice %arg5[%add3A_141, %dma_start3A_572] : memref<2560x125xi32, #tpu.memory_space<hbm>> -> memref<2x125xi32, #tpu.memory_space<hbm>>
        %dma_start3A_574 = arith.constant 0 : i32
        %dma_start3A_575 = tpu.memref_slice %arg5[%add3A_141, %dma_start3A_574] : memref<2560x125xi32, #tpu.memory_space<hbm>> -> memref<2x125xi32, #tpu.memory_space<hbm>>
        tpu.enqueue_dma source(%dma_start3A_575 : memref<2x125xi32, #tpu.memory_space<hbm>>) target(%arg10 : memref<2x125xi32, #tpu.memory_space<vmem>>) target_semaphore(%run_scoped3A : memref<!tpu.dma_semaphore, #tpu.memory_space<semaphore_mem>>)
        %dma_wait3A_576 = arith.constant 0 : i32
        %dma_wait3A_577 = tpu.memref_slice %arg5[%add3A_141, %dma_wait3A_576] : memref<2560x125xi32, #tpu.memory_space<hbm>> -> memref<2x125xi32, #tpu.memory_space<hbm>>
        %dma_wait3A_578 = arith.constant 0 : i32
        %dma_wait3A_579 = tpu.memref_slice %arg5[%add3A_141, %dma_wait3A_578] : memref<2560x125xi32, #tpu.memory_space<hbm>> -> memref<2x125xi32, #tpu.memory_space<hbm>>
        tpu.wait_dma2 semaphore(%run_scoped3A : memref<!tpu.dma_semaphore, #tpu.memory_space<semaphore_mem>>) src(%dma_wait3A_579 : memref<2x125xi32, #tpu.memory_space<hbm>>) dst(%arg10 : memref<2x125xi32, #tpu.memory_space<vmem>>)
        tpu.yield
      }) : () -> ()
      %dma_start3A_142 = arith.constant 0 : i32
      %dma_start3A_143 = arith.constant 0 : i32
      %dma_start3A_144 = arith.constant 0 : i32
      %dma_start3A_145 = tpu.memref_slice %arg12[%dma_start3A_143, %dma_start3A_144] : memref<250x80xf32, #tpu.memory_space<vmem>> -> memref<125x80xf32, #tpu.memory_space<vmem>>
      %dma_start3A_146 = arith.constant 0 : i32
      %dma_start3A_147 = tpu.memref_slice %arg8[%dma_start3A_142, %dma_start3A_146] : memref<2x125xi32, #tpu.memory_space<vmem>> -> memref<1x125xi32, #tpu.memory_space<vmem>>
      %dma_start3A_148 = tpu.memref_squeeze %dma_start3A_147 : memref<1x125xi32, #tpu.memory_space<vmem>> -> memref<125xi32, #tpu.memory_space<vmem>>
      %dma_start3A_149 = arith.constant 0 : i32
      %dma_start3A_150 = arith.constant 0 : i32
      %dma_start3A_151 = tpu.memref_slice %arg2[%dma_start3A_149, %dma_start3A_150] : memref<10000x80xf32, #tpu.memory_space<hbm>> -> memref<10000x80xf32, #tpu.memory_space<hbm>>
      tpu.enqueue_indirect_dma source(%dma_start3A_151 : memref<10000x80xf32, #tpu.memory_space<hbm>>) target(%dma_start3A_145 : memref<125x80xf32, #tpu.memory_space<vmem>>) offsets(%dma_start3A_148 : memref<125xi32, #tpu.memory_space<vmem>>) semaphore(%arg21 : memref<!tpu.dma_semaphore, #tpu.memory_space<semaphore_mem>>)
      %dma_start3A_152 = arith.constant 0 : i32
      %dma_start3A_153 = arith.constant 0 : i32
      %dma_start3A_154 = arith.constant 0 : i32
      %dma_start3A_155 = tpu.memref_slice %arg14[%dma_start3A_153, %dma_start3A_154] : memref<250x16xf32, #tpu.memory_space<vmem>> -> memref<125x16xf32, #tpu.memory_space<vmem>>
      %dma_start3A_156 = arith.constant 0 : i32
      %dma_start3A_157 = tpu.memref_slice %arg10[%dma_start3A_152, %dma_start3A_156] : memref<2x125xi32, #tpu.memory_space<vmem>> -> memref<1x125xi32, #tpu.memory_space<vmem>>
      %dma_start3A_158 = tpu.memref_squeeze %dma_start3A_157 : memref<1x125xi32, #tpu.memory_space<vmem>> -> memref<125xi32, #tpu.memory_space<vmem>>
      %dma_start3A_159 = arith.constant 0 : i32
      %dma_start3A_160 = arith.constant 0 : i32
      %dma_start3A_161 = tpu.memref_slice %arg3[%dma_start3A_159, %dma_start3A_160] : memref<10000x16xf32, #tpu.memory_space<hbm>> -> memref<10000x16xf32, #tpu.memory_space<hbm>>
      tpu.enqueue_indirect_dma source(%dma_start3A_161 : memref<10000x16xf32, #tpu.memory_space<hbm>>) target(%dma_start3A_155 : memref<125x16xf32, #tpu.memory_space<vmem>>) offsets(%dma_start3A_158 : memref<125xi32, #tpu.memory_space<vmem>>) semaphore(%arg23 : memref<!tpu.dma_semaphore, #tpu.memory_space<semaphore_mem>>)
      %dma_start3A_162 = arith.constant 1 : i32
      %dma_start3A_163 = arith.constant 125 : i32
      %dma_start3A_164 = arith.constant 0 : i32
      %dma_start3A_165 = tpu.memref_slice %arg12[%dma_start3A_163, %dma_start3A_164] : memref<250x80xf32, #tpu.memory_space<vmem>> -> memref<125x80xf32, #tpu.memory_space<vmem>>
      %dma_start3A_166 = arith.constant 0 : i32
      %dma_start3A_167 = tpu.memref_slice %arg8[%dma_start3A_162, %dma_start3A_166] : memref<2x125xi32, #tpu.memory_space<vmem>> -> memref<1x125xi32, #tpu.memory_space<vmem>>
      %dma_start3A_168 = tpu.memref_squeeze %dma_start3A_167 : memref<1x125xi32, #tpu.memory_space<vmem>> -> memref<125xi32, #tpu.memory_space<vmem>>
      %dma_start3A_169 = arith.constant 0 : i32
      %dma_start3A_170 = arith.constant 0 : i32
      %dma_start3A_171 = tpu.memref_slice %arg2[%dma_start3A_169, %dma_start3A_170] : memref<10000x80xf32, #tpu.memory_space<hbm>> -> memref<10000x80xf32, #tpu.memory_space<hbm>>
      tpu.enqueue_indirect_dma source(%dma_start3A_171 : memref<10000x80xf32, #tpu.memory_space<hbm>>) target(%dma_start3A_165 : memref<125x80xf32, #tpu.memory_space<vmem>>) offsets(%dma_start3A_168 : memref<125xi32, #tpu.memory_space<vmem>>) semaphore(%arg21 : memref<!tpu.dma_semaphore, #tpu.memory_space<semaphore_mem>>)
      %dma_start3A_172 = arith.constant 1 : i32
      %dma_start3A_173 = arith.constant 125 : i32
      %dma_start3A_174 = arith.constant 0 : i32
      %dma_start3A_175 = tpu.memref_slice %arg14[%dma_start3A_173, %dma_start3A_174] : memref<250x16xf32, #tpu.memory_space<vmem>> -> memref<125x16xf32, #tpu.memory_space<vmem>>
      %dma_start3A_176 = arith.constant 0 : i32
      %dma_start3A_177 = tpu.memref_slice %arg10[%dma_start3A_172, %dma_start3A_176] : memref<2x125xi32, #tpu.memory_space<vmem>> -> memref<1x125xi32, #tpu.memory_space<vmem>>
      %dma_start3A_178 = tpu.memref_squeeze %dma_start3A_177 : memref<1x125xi32, #tpu.memory_space<vmem>> -> memref<125xi32, #tpu.memory_space<vmem>>
      %dma_start3A_179 = arith.constant 0 : i32
      %dma_start3A_180 = arith.constant 0 : i32
      %dma_start3A_181 = tpu.memref_slice %arg3[%dma_start3A_179, %dma_start3A_180] : memref<10000x16xf32, #tpu.memory_space<hbm>> -> memref<10000x16xf32, #tpu.memory_space<hbm>>
      tpu.enqueue_indirect_dma source(%dma_start3A_181 : memref<10000x16xf32, #tpu.memory_space<hbm>>) target(%dma_start3A_175 : memref<125x16xf32, #tpu.memory_space<vmem>>) offsets(%dma_start3A_178 : memref<125xi32, #tpu.memory_space<vmem>>) semaphore(%arg23 : memref<!tpu.dma_semaphore, #tpu.memory_space<semaphore_mem>>)
      %dma_wait3A_182 = arith.constant 0 : i32
      %dma_wait3A_183 = arith.constant 0 : i32
      %dma_wait3A_184 = arith.constant 0 : i32
      %dma_wait3A_185 = tpu.memref_slice %arg11[%dma_wait3A_183, %dma_wait3A_184] : memref<250x80xf32, #tpu.memory_space<vmem>> -> memref<125x80xf32, #tpu.memory_space<vmem>>
      %dma_wait3A_186 = arith.constant 0 : i32
      %dma_wait3A_187 = tpu.memref_slice %arg7[%dma_wait3A_182, %dma_wait3A_186] : memref<2x125xi32, #tpu.memory_space<vmem>> -> memref<1x125xi32, #tpu.memory_space<vmem>>
      %dma_wait3A_188 = tpu.memref_squeeze %dma_wait3A_187 : memref<1x125xi32, #tpu.memory_space<vmem>> -> memref<125xi32, #tpu.memory_space<vmem>>
      %dma_wait3A_189 = arith.constant 0 : i32
      %dma_wait3A_190 = arith.constant 0 : i32
      %dma_wait3A_191 = tpu.memref_slice %arg2[%dma_wait3A_189, %dma_wait3A_190] : memref<10000x80xf32, #tpu.memory_space<hbm>> -> memref<10000x80xf32, #tpu.memory_space<hbm>>
      tpu.wait_indirect_dma semaphore(%arg20 : memref<!tpu.dma_semaphore, #tpu.memory_space<semaphore_mem>>) src(%dma_wait3A_191 : memref<10000x80xf32, #tpu.memory_space<hbm>>) dst(%dma_wait3A_185 : memref<125x80xf32, #tpu.memory_space<vmem>>)
      %dma_wait3A_192 = arith.constant 0 : i32
      %dma_wait3A_193 = arith.constant 0 : i32
      %dma_wait3A_194 = arith.constant 0 : i32
      %dma_wait3A_195 = tpu.memref_slice %arg13[%dma_wait3A_193, %dma_wait3A_194] : memref<250x16xf32, #tpu.memory_space<vmem>> -> memref<125x16xf32, #tpu.memory_space<vmem>>
      %dma_wait3A_196 = arith.constant 0 : i32
      %dma_wait3A_197 = tpu.memref_slice %arg9[%dma_wait3A_192, %dma_wait3A_196] : memref<2x125xi32, #tpu.memory_space<vmem>> -> memref<1x125xi32, #tpu.memory_space<vmem>>
      %dma_wait3A_198 = tpu.memref_squeeze %dma_wait3A_197 : memref<1x125xi32, #tpu.memory_space<vmem>> -> memref<125xi32, #tpu.memory_space<vmem>>
      %dma_wait3A_199 = arith.constant 0 : i32
      %dma_wait3A_200 = arith.constant 0 : i32
      %dma_wait3A_201 = tpu.memref_slice %arg3[%dma_wait3A_199, %dma_wait3A_200] : memref<10000x16xf32, #tpu.memory_space<hbm>> -> memref<10000x16xf32, #tpu.memory_space<hbm>>
      tpu.wait_indirect_dma semaphore(%arg22 : memref<!tpu.dma_semaphore, #tpu.memory_space<semaphore_mem>>) src(%dma_wait3A_201 : memref<10000x16xf32, #tpu.memory_space<hbm>>) dst(%dma_wait3A_195 : memref<125x16xf32, #tpu.memory_space<vmem>>)
      %dma_wait3A_202 = arith.constant 1 : i32
      %dma_wait3A_203 = arith.constant 125 : i32
      %dma_wait3A_204 = arith.constant 0 : i32
      %dma_wait3A_205 = tpu.memref_slice %arg11[%dma_wait3A_203, %dma_wait3A_204] : memref<250x80xf32, #tpu.memory_space<vmem>> -> memref<125x80xf32, #tpu.memory_space<vmem>>
      %dma_wait3A_206 = arith.constant 0 : i32
      %dma_wait3A_207 = tpu.memref_slice %arg7[%dma_wait3A_202, %dma_wait3A_206] : memref<2x125xi32, #tpu.memory_space<vmem>> -> memref<1x125xi32, #tpu.memory_space<vmem>>
      %dma_wait3A_208 = tpu.memref_squeeze %dma_wait3A_207 : memref<1x125xi32, #tpu.memory_space<vmem>> -> memref<125xi32, #tpu.memory_space<vmem>>
      %dma_wait3A_209 = arith.constant 0 : i32
      %dma_wait3A_210 = arith.constant 0 : i32
      %dma_wait3A_211 = tpu.memref_slice %arg2[%dma_wait3A_209, %dma_wait3A_210] : memref<10000x80xf32, #tpu.memory_space<hbm>> -> memref<10000x80xf32, #tpu.memory_space<hbm>>
      tpu.wait_indirect_dma semaphore(%arg20 : memref<!tpu.dma_semaphore, #tpu.memory_space<semaphore_mem>>) src(%dma_wait3A_211 : memref<10000x80xf32, #tpu.memory_space<hbm>>) dst(%dma_wait3A_205 : memref<125x80xf32, #tpu.memory_space<vmem>>)
      %dma_wait3A_212 = arith.constant 1 : i32
      %dma_wait3A_213 = arith.constant 125 : i32
      %dma_wait3A_214 = arith.constant 0 : i32
      %dma_wait3A_215 = tpu.memref_slice %arg13[%dma_wait3A_213, %dma_wait3A_214] : memref<250x16xf32, #tpu.memory_space<vmem>> -> memref<125x16xf32, #tpu.memory_space<vmem>>
      %dma_wait3A_216 = arith.constant 0 : i32
      %dma_wait3A_217 = tpu.memref_slice %arg9[%dma_wait3A_212, %dma_wait3A_216] : memref<2x125xi32, #tpu.memory_space<vmem>> -> memref<1x125xi32, #tpu.memory_space<vmem>>
      %dma_wait3A_218 = tpu.memref_squeeze %dma_wait3A_217 : memref<1x125xi32, #tpu.memory_space<vmem>> -> memref<125xi32, #tpu.memory_space<vmem>>
      %dma_wait3A_219 = arith.constant 0 : i32
      %dma_wait3A_220 = arith.constant 0 : i32
      %dma_wait3A_221 = tpu.memref_slice %arg3[%dma_wait3A_219, %dma_wait3A_220] : memref<10000x16xf32, #tpu.memory_space<hbm>> -> memref<10000x16xf32, #tpu.memory_space<hbm>>
      tpu.wait_indirect_dma semaphore(%arg22 : memref<!tpu.dma_semaphore, #tpu.memory_space<semaphore_mem>>) src(%dma_wait3A_221 : memref<10000x16xf32, #tpu.memory_space<hbm>>) dst(%dma_wait3A_215 : memref<125x16xf32, #tpu.memory_space<vmem>>)
      %gt3A = arith.constant 0 : i32
      %gt3A_222 = arith.cmpi sgt, %scan3A_132, %gt3A : i32
      %convert_element_type3A = arith.extui %gt3A_222 : i1 to i32
      %cond3A = arith.constant 0 : i32
      %cond3A_223 = arith.cmpi ne, %convert_element_type3A, %cond3A : i32
      scf.if %cond3A_223 {
        %dma_wait3A_572 = arith.constant 0 : i32
        %dma_wait3A_573 = arith.constant 0 : i32
        %dma_wait3A_574 = arith.constant 0 : i32
        %dma_wait3A_575 = tpu.memref_slice %arg15[%dma_wait3A_573, %dma_wait3A_574] : memref<250x72xf32, #tpu.memory_space<vmem>> -> memref<125x72xf32, #tpu.memory_space<vmem>>
        %dma_wait3A_576 = arith.constant 0 : i32
        %dma_wait3A_577 = tpu.memref_slice %arg17[%dma_wait3A_572, %dma_wait3A_576] : memref<2x125xi32, #tpu.memory_space<vmem>> -> memref<1x125xi32, #tpu.memory_space<vmem>>
        %dma_wait3A_578 = tpu.memref_squeeze %dma_wait3A_577 : memref<1x125xi32, #tpu.memory_space<vmem>> -> memref<125xi32, #tpu.memory_space<vmem>>
        %dma_wait3A_579 = arith.constant 0 : i32
        %dma_wait3A_580 = arith.constant 0 : i32
        %dma_wait3A_581 = tpu.memref_slice %arg19[%dma_wait3A_579, %dma_wait3A_580] : memref<10112x72xf32, #tpu.memory_space<vmem_shared>> -> memref<10112x72xf32, #tpu.memory_space<vmem_shared>>
        tpu.wait_indirect_dma semaphore(%arg24 : memref<!tpu.dma_semaphore, #tpu.memory_space<semaphore_mem>>) src(%dma_wait3A_575 : memref<125x72xf32, #tpu.memory_space<vmem>>) dst(%dma_wait3A_581 : memref<10112x72xf32, #tpu.memory_space<vmem_shared>>)
        %dma_wait3A_582 = arith.constant 1 : i32
        %dma_wait3A_583 = arith.constant 125 : i32
        %dma_wait3A_584 = arith.constant 0 : i32
        %dma_wait3A_585 = tpu.memref_slice %arg15[%dma_wait3A_583, %dma_wait3A_584] : memref<250x72xf32, #tpu.memory_space<vmem>> -> memref<125x72xf32, #tpu.memory_space<vmem>>
        %dma_wait3A_586 = arith.constant 0 : i32
        %dma_wait3A_587 = tpu.memref_slice %arg17[%dma_wait3A_582, %dma_wait3A_586] : memref<2x125xi32, #tpu.memory_space<vmem>> -> memref<1x125xi32, #tpu.memory_space<vmem>>
        %dma_wait3A_588 = tpu.memref_squeeze %dma_wait3A_587 : memref<1x125xi32, #tpu.memory_space<vmem>> -> memref<125xi32, #tpu.memory_space<vmem>>
        %dma_wait3A_589 = arith.constant 0 : i32
        %dma_wait3A_590 = arith.constant 0 : i32
        %dma_wait3A_591 = tpu.memref_slice %arg19[%dma_wait3A_589, %dma_wait3A_590] : memref<10112x72xf32, #tpu.memory_space<vmem_shared>> -> memref<10112x72xf32, #tpu.memory_space<vmem_shared>>
        tpu.wait_indirect_dma semaphore(%arg24 : memref<!tpu.dma_semaphore, #tpu.memory_space<semaphore_mem>>) src(%dma_wait3A_585 : memref<125x72xf32, #tpu.memory_space<vmem>>) dst(%dma_wait3A_591 : memref<10112x72xf32, #tpu.memory_space<vmem_shared>>)
      } else {
      }
      %parallel_loop3A = arith.constant 0 : i32
      %parallel_loop3A_224 = arith.constant 250 : i32
      %parallel_loop3A_225 = arith.constant 1 : i32
      scf.for %parallel_loop3A_572 = %parallel_loop3A to %parallel_loop3A_224 step %parallel_loop3A_225  : i32 {
        %parallel_loop3A_573 = arith.index_cast %parallel_loop3A_572 : i32 to index
        %parallel_loop3A_574 = arith.constant 64 : index
        %parallel_loop3A_575 = tpu.vector_load %arg11[%parallel_loop3A_573, %parallel_loop3A_574] {strides = array<i32>} : memref<250x80xf32, #tpu.memory_space<vmem>>, vector<16xf32>,
        %parallel_loop3A_576 = arith.index_cast %parallel_loop3A_572 : i32 to index
        %parallel_loop3A_577 = arith.constant 0 : index
        %parallel_loop3A_578 = tpu.vector_load %arg13[%parallel_loop3A_576, %parallel_loop3A_577] {strides = array<i32>} : memref<250x16xf32, #tpu.memory_space<vmem>>, vector<16xf32>,
        %parallel_loop3A_579 = arith.addf %parallel_loop3A_575, %parallel_loop3A_578 : vector<16xf32>
        %parallel_loop3A_580 = arith.constant 2.000000e-01 : f32
        %parallel_loop3A_581 = vector.broadcast %parallel_loop3A_580 : f32 to vector<16xf32>
        %parallel_loop3A_582 = arith.mulf %parallel_loop3A_579, %parallel_loop3A_581 : vector<16xf32>
        %parallel_loop3A_583 = arith.maximumf %parallel_loop3A_579, %parallel_loop3A_582 : vector<16xf32>
        %parallel_loop3A_584 = math.exp %parallel_loop3A_583 : vector<16xf32>
        %parallel_loop3A_585 = vector.broadcast %parallel_loop3A_572 : i32 to vector<16xi32>
        %parallel_loop3A_586 = tpu.iota {dimensions = array<i32: 0>} : vector<16xi32>
        %parallel_loop3A_587 = arith.constant 8 : i32
        %parallel_loop3A_588 = arith.constant 0 : i32
        %parallel_loop3A_589 = arith.cmpi eq, %parallel_loop3A_587, %parallel_loop3A_588 : i32
        %parallel_loop3A_590 = arith.constant 1 : i32
        %parallel_loop3A_591 = arith.select %parallel_loop3A_589, %parallel_loop3A_590, %parallel_loop3A_587 : i32
        %parallel_loop3A_592 = vector.broadcast %parallel_loop3A_591 : i32 to vector<16xi32>
        %parallel_loop3A_593 = arith.remsi %parallel_loop3A_586, %parallel_loop3A_592 : vector<16xi32>
        %parallel_loop3A_594 = arith.constant 0 : i32
        %parallel_loop3A_595 = vector.broadcast %parallel_loop3A_594 : i32 to vector<16xi32>
        %parallel_loop3A_596 = arith.cmpi ne, %parallel_loop3A_593, %parallel_loop3A_595 : vector<16xi32>
        %parallel_loop3A_597 = arith.constant 0 : i32
        %parallel_loop3A_598 = vector.broadcast %parallel_loop3A_597 : i32 to vector<16xi32>
        %parallel_loop3A_599 = arith.cmpi slt, %parallel_loop3A_593, %parallel_loop3A_598 : vector<16xi32>
        %parallel_loop3A_600 = arith.constant 0 : i32
        %parallel_loop3A_601 = arith.cmpi slt, %parallel_loop3A_591, %parallel_loop3A_600 : i32
        %parallel_loop3A_602 = vector.broadcast %parallel_loop3A_601 : i1 to vector<16xi1>
        %parallel_loop3A_603 = vector.broadcast %parallel_loop3A_602 : vector<16xi1> to vector<16xi1>
        %parallel_loop3A_604 = arith.xori %parallel_loop3A_599, %parallel_loop3A_603 : vector<16xi1>
        %parallel_loop3A_605 = arith.andi %parallel_loop3A_604, %parallel_loop3A_596 : vector<16xi1>
        %parallel_loop3A_606 = vector.broadcast %parallel_loop3A_591 : i32 to vector<16xi32>
        %parallel_loop3A_607 = arith.addi %parallel_loop3A_593, %parallel_loop3A_606 : vector<16xi32>
        %parallel_loop3A_608 = arith.select %parallel_loop3A_605, %parallel_loop3A_607, %parallel_loop3A_593 : vector<16xi1>, vector<16xi32>
        %parallel_loop3A_609 = arith.constant 64 : i32
        %parallel_loop3A_610 = vector.broadcast %parallel_loop3A_609 : i32 to vector<16xi32>
        %parallel_loop3A_611 = arith.addi %parallel_loop3A_610, %parallel_loop3A_608 : vector<16xi32>
        %parallel_loop3A_612 = arith.constant 8 : i32
        %parallel_loop3A_613 = vector.broadcast %parallel_loop3A_612 : i32 to vector<16xi32>
        %parallel_loop3A_614 = arith.cmpi slt, %parallel_loop3A_586, %parallel_loop3A_613 : vector<16xi32>
        tpu.vector_store_idx %arg15[%parallel_loop3A_585, %parallel_loop3A_611], %parallel_loop3A_584 masked %parallel_loop3A_614 : memref<250x72xf32, #tpu.memory_space<vmem>>[vector<16xi32>, vector<16xi32>], vector<16xf32>, vector<16xi1>
        %parallel_loop3A_615 = arith.constant 8 : i32
        %parallel_loop3A_616 = vector.broadcast %parallel_loop3A_615 : i32 to vector<16xi32>
        %parallel_loop3A_617 = arith.divsi %parallel_loop3A_586, %parallel_loop3A_616 : vector<16xi32>
        %parallel_loop3A_618 = arith.constant 0 : i32
        %parallel_loop3A_619 = vector.broadcast %parallel_loop3A_618 : i32 to vector<16xi32>
        %parallel_loop3A_620 = arith.cmpi sgt, %parallel_loop3A_586, %parallel_loop3A_619 : vector<16xi32>
        %parallel_loop3A_621 = arith.extui %parallel_loop3A_620 : vector<16xi1> to vector<16xi32>
        %parallel_loop3A_622 = arith.constant 0 : i32
        %parallel_loop3A_623 = vector.broadcast %parallel_loop3A_622 : i32 to vector<16xi32>
        %parallel_loop3A_624 = arith.cmpi slt, %parallel_loop3A_586, %parallel_loop3A_623 : vector<16xi32>
        %parallel_loop3A_625 = arith.extui %parallel_loop3A_624 : vector<16xi1> to vector<16xi32>
        %parallel_loop3A_626 = arith.subi %parallel_loop3A_621, %parallel_loop3A_625 : vector<16xi32>
        %parallel_loop3A_627 = arith.constant 0 : i32
        %parallel_loop3A_628 = arith.cmpi sgt, %parallel_loop3A_615, %parallel_loop3A_627 : i32
        %parallel_loop3A_629 = arith.extui %parallel_loop3A_628 : i1 to i32
        %parallel_loop3A_630 = arith.constant 0 : i32
        %parallel_loop3A_631 = arith.cmpi slt, %parallel_loop3A_615, %parallel_loop3A_630 : i32
        %parallel_loop3A_632 = arith.extui %parallel_loop3A_631 : i1 to i32
        %parallel_loop3A_633 = arith.subi %parallel_loop3A_629, %parallel_loop3A_632 : i32
        %parallel_loop3A_634 = vector.broadcast %parallel_loop3A_633 : i32 to vector<16xi32>
        %parallel_loop3A_635 = arith.cmpi ne, %parallel_loop3A_626, %parallel_loop3A_634 : vector<16xi32>
        %parallel_loop3A_636 = vector.broadcast %parallel_loop3A_615 : i32 to vector<16xi32>
        %parallel_loop3A_637 = arith.remsi %parallel_loop3A_586, %parallel_loop3A_636 : vector<16xi32>
        %parallel_loop3A_638 = arith.constant 0 : i32
        %parallel_loop3A_639 = vector.broadcast %parallel_loop3A_638 : i32 to vector<16xi32>
        %parallel_loop3A_640 = arith.cmpi ne, %parallel_loop3A_637, %parallel_loop3A_639 : vector<16xi32>
        %parallel_loop3A_641 = arith.andi %parallel_loop3A_635, %parallel_loop3A_640 : vector<16xi1>
        %parallel_loop3A_642 = arith.constant 1 : i32
        %parallel_loop3A_643 = vector.broadcast %parallel_loop3A_642 : i32 to vector<16xi32>
        %parallel_loop3A_644 = arith.subi %parallel_loop3A_617, %parallel_loop3A_643 : vector<16xi32>
        %parallel_loop3A_645 = arith.select %parallel_loop3A_641, %parallel_loop3A_644, %parallel_loop3A_617 : vector<16xi1>, vector<16xi32>
        %parallel_loop3A_646 = arith.constant 0 : i32
        %parallel_loop3A_647 = vector.broadcast %parallel_loop3A_646 : i32 to vector<16xi32>
        %parallel_loop3A_648 = arith.addi %parallel_loop3A_647, %parallel_loop3A_645 : vector<16xi32>
        %parallel_loop3A_649 = arith.index_cast %parallel_loop3A_572 : i32 to index
        %parallel_loop3A_650 = arith.constant 0 : index
        %parallel_loop3A_651 = tpu.vector_load %arg11[%parallel_loop3A_649, %parallel_loop3A_650] {strides = array<i32>} : memref<250x80xf32, #tpu.memory_space<vmem>>, vector<16xf32>,
        %parallel_loop3A_652 = vector.shape_cast %parallel_loop3A_648 : vector<16xi32> to vector<16x1xi32>
        %parallel_loop3A_653 = vector.shape_cast %parallel_loop3A_652 : vector<16x1xi32> to vector<16xi32>
        %parallel_loop3A_654 = tpu.dynamic_gather %parallel_loop3A_584[%parallel_loop3A_653] in [0] : vector<16xf32>, vector<16xi32> -> vector<16xf32>
        %parallel_loop3A_655 = arith.mulf %parallel_loop3A_651, %parallel_loop3A_654 : vector<16xf32>
        %parallel_loop3A_656 = arith.index_cast %parallel_loop3A_572 : i32 to index
        %parallel_loop3A_657 = arith.constant 0 : index
        %parallel_loop3A_658 = tpu.vector_load %arg15[%parallel_loop3A_656, %parallel_loop3A_657] {strides = array<i32>} : memref<250x72xf32, #tpu.memory_space<vmem>>, vector<16xf32>,
        tpu.vector_store %arg15[%parallel_loop3A_656, %parallel_loop3A_657], %parallel_loop3A_655 {strides = array<i32>} : memref<250x72xf32, #tpu.memory_space<vmem>>, vector<16xf32>,
        %parallel_loop3A_659 = arith.constant 8 : i32
        %parallel_loop3A_660 = vector.broadcast %parallel_loop3A_659 : i32 to vector<16xi32>
        %parallel_loop3A_661 = arith.divsi %parallel_loop3A_586, %parallel_loop3A_660 : vector<16xi32>
        %parallel_loop3A_662 = arith.constant 0 : i32
        %parallel_loop3A_663 = vector.broadcast %parallel_loop3A_662 : i32 to vector<16xi32>
        %parallel_loop3A_664 = arith.cmpi sgt, %parallel_loop3A_586, %parallel_loop3A_663 : vector<16xi32>
        %parallel_loop3A_665 = arith.extui %parallel_loop3A_664 : vector<16xi1> to vector<16xi32>
        %parallel_loop3A_666 = arith.constant 0 : i32
        %parallel_loop3A_667 = vector.broadcast %parallel_loop3A_666 : i32 to vector<16xi32>
        %parallel_loop3A_668 = arith.cmpi slt, %parallel_loop3A_586, %parallel_loop3A_667 : vector<16xi32>
        %parallel_loop3A_669 = arith.extui %parallel_loop3A_668 : vector<16xi1> to vector<16xi32>
        %parallel_loop3A_670 = arith.subi %parallel_loop3A_665, %parallel_loop3A_669 : vector<16xi32>
        %parallel_loop3A_671 = arith.constant 0 : i32
        %parallel_loop3A_672 = arith.cmpi sgt, %parallel_loop3A_659, %parallel_loop3A_671 : i32
        %parallel_loop3A_673 = arith.extui %parallel_loop3A_672 : i1 to i32
        %parallel_loop3A_674 = arith.constant 0 : i32
        %parallel_loop3A_675 = arith.cmpi slt, %parallel_loop3A_659, %parallel_loop3A_674 : i32
        %parallel_loop3A_676 = arith.extui %parallel_loop3A_675 : i1 to i32
        %parallel_loop3A_677 = arith.subi %parallel_loop3A_673, %parallel_loop3A_676 : i32
        %parallel_loop3A_678 = vector.broadcast %parallel_loop3A_677 : i32 to vector<16xi32>
        %parallel_loop3A_679 = arith.cmpi ne, %parallel_loop3A_670, %parallel_loop3A_678 : vector<16xi32>
        %parallel_loop3A_680 = vector.broadcast %parallel_loop3A_659 : i32 to vector<16xi32>
        %parallel_loop3A_681 = arith.remsi %parallel_loop3A_586, %parallel_loop3A_680 : vector<16xi32>
        %parallel_loop3A_682 = arith.constant 0 : i32
        %parallel_loop3A_683 = vector.broadcast %parallel_loop3A_682 : i32 to vector<16xi32>
        %parallel_loop3A_684 = arith.cmpi ne, %parallel_loop3A_681, %parallel_loop3A_683 : vector<16xi32>
        %parallel_loop3A_685 = arith.andi %parallel_loop3A_679, %parallel_loop3A_684 : vector<16xi1>
        %parallel_loop3A_686 = arith.constant 1 : i32
        %parallel_loop3A_687 = vector.broadcast %parallel_loop3A_686 : i32 to vector<16xi32>
        %parallel_loop3A_688 = arith.subi %parallel_loop3A_661, %parallel_loop3A_687 : vector<16xi32>
        %parallel_loop3A_689 = arith.select %parallel_loop3A_685, %parallel_loop3A_688, %parallel_loop3A_661 : vector<16xi1>, vector<16xi32>
        %parallel_loop3A_690 = arith.constant 2 : i32
        %parallel_loop3A_691 = vector.broadcast %parallel_loop3A_690 : i32 to vector<16xi32>
        %parallel_loop3A_692 = arith.addi %parallel_loop3A_691, %parallel_loop3A_689 : vector<16xi32>
        %parallel_loop3A_693 = arith.index_cast %parallel_loop3A_572 : i32 to index
        %parallel_loop3A_694 = arith.constant 16 : index
        %parallel_loop3A_695 = tpu.vector_load %arg11[%parallel_loop3A_693, %parallel_loop3A_694] {strides = array<i32>} : memref<250x80xf32, #tpu.memory_space<vmem>>, vector<16xf32>,
        %parallel_loop3A_696 = vector.shape_cast %parallel_loop3A_692 : vector<16xi32> to vector<16x1xi32>
        %parallel_loop3A_697 = vector.shape_cast %parallel_loop3A_696 : vector<16x1xi32> to vector<16xi32>
        %parallel_loop3A_698 = tpu.dynamic_gather %parallel_loop3A_584[%parallel_loop3A_697] in [0] : vector<16xf32>, vector<16xi32> -> vector<16xf32>
        %parallel_loop3A_699 = arith.mulf %parallel_loop3A_695, %parallel_loop3A_698 : vector<16xf32>
        %parallel_loop3A_700 = arith.index_cast %parallel_loop3A_572 : i32 to index
        %parallel_loop3A_701 = arith.constant 16 : index
        %parallel_loop3A_702 = tpu.vector_load %arg15[%parallel_loop3A_700, %parallel_loop3A_701] {strides = array<i32>} : memref<250x72xf32, #tpu.memory_space<vmem>>, vector<16xf32>,
        tpu.vector_store %arg15[%parallel_loop3A_700, %parallel_loop3A_701], %parallel_loop3A_699 {strides = array<i32>} : memref<250x72xf32, #tpu.memory_space<vmem>>, vector<16xf32>,
        %parallel_loop3A_703 = arith.constant 8 : i32
        %parallel_loop3A_704 = vector.broadcast %parallel_loop3A_703 : i32 to vector<16xi32>
        %parallel_loop3A_705 = arith.divsi %parallel_loop3A_586, %parallel_loop3A_704 : vector<16xi32>
        %parallel_loop3A_706 = arith.constant 0 : i32
        %parallel_loop3A_707 = vector.broadcast %parallel_loop3A_706 : i32 to vector<16xi32>
        %parallel_loop3A_708 = arith.cmpi sgt, %parallel_loop3A_586, %parallel_loop3A_707 : vector<16xi32>
        %parallel_loop3A_709 = arith.extui %parallel_loop3A_708 : vector<16xi1> to vector<16xi32>
        %parallel_loop3A_710 = arith.constant 0 : i32
        %parallel_loop3A_711 = vector.broadcast %parallel_loop3A_710 : i32 to vector<16xi32>
        %parallel_loop3A_712 = arith.cmpi slt, %parallel_loop3A_586, %parallel_loop3A_711 : vector<16xi32>
        %parallel_loop3A_713 = arith.extui %parallel_loop3A_712 : vector<16xi1> to vector<16xi32>
        %parallel_loop3A_714 = arith.subi %parallel_loop3A_709, %parallel_loop3A_713 : vector<16xi32>
        %parallel_loop3A_715 = arith.constant 0 : i32
        %parallel_loop3A_716 = arith.cmpi sgt, %parallel_loop3A_703, %parallel_loop3A_715 : i32
        %parallel_loop3A_717 = arith.extui %parallel_loop3A_716 : i1 to i32
        %parallel_loop3A_718 = arith.constant 0 : i32
        %parallel_loop3A_719 = arith.cmpi slt, %parallel_loop3A_703, %parallel_loop3A_718 : i32
        %parallel_loop3A_720 = arith.extui %parallel_loop3A_719 : i1 to i32
        %parallel_loop3A_721 = arith.subi %parallel_loop3A_717, %parallel_loop3A_720 : i32
        %parallel_loop3A_722 = vector.broadcast %parallel_loop3A_721 : i32 to vector<16xi32>
        %parallel_loop3A_723 = arith.cmpi ne, %parallel_loop3A_714, %parallel_loop3A_722 : vector<16xi32>
        %parallel_loop3A_724 = vector.broadcast %parallel_loop3A_703 : i32 to vector<16xi32>
        %parallel_loop3A_725 = arith.remsi %parallel_loop3A_586, %parallel_loop3A_724 : vector<16xi32>
        %parallel_loop3A_726 = arith.constant 0 : i32
        %parallel_loop3A_727 = vector.broadcast %parallel_loop3A_726 : i32 to vector<16xi32>
        %parallel_loop3A_728 = arith.cmpi ne, %parallel_loop3A_725, %parallel_loop3A_727 : vector<16xi32>
        %parallel_loop3A_729 = arith.andi %parallel_loop3A_723, %parallel_loop3A_728 : vector<16xi1>
        %parallel_loop3A_730 = arith.constant 1 : i32
        %parallel_loop3A_731 = vector.broadcast %parallel_loop3A_730 : i32 to vector<16xi32>
        %parallel_loop3A_732 = arith.subi %parallel_loop3A_705, %parallel_loop3A_731 : vector<16xi32>
        %parallel_loop3A_733 = arith.select %parallel_loop3A_729, %parallel_loop3A_732, %parallel_loop3A_705 : vector<16xi1>, vector<16xi32>
        %parallel_loop3A_734 = arith.constant 4 : i32
        %parallel_loop3A_735 = vector.broadcast %parallel_loop3A_734 : i32 to vector<16xi32>
        %parallel_loop3A_736 = arith.addi %parallel_loop3A_735, %parallel_loop3A_733 : vector<16xi32>
        %parallel_loop3A_737 = arith.index_cast %parallel_loop3A_572 : i32 to index
        %parallel_loop3A_738 = arith.constant 32 : index
        %parallel_loop3A_739 = tpu.vector_load %arg11[%parallel_loop3A_737, %parallel_loop3A_738] {strides = array<i32>} : memref<250x80xf32, #tpu.memory_space<vmem>>, vector<16xf32>,
        %parallel_loop3A_740 = vector.shape_cast %parallel_loop3A_736 : vector<16xi32> to vector<16x1xi32>
        %parallel_loop3A_741 = vector.shape_cast %parallel_loop3A_740 : vector<16x1xi32> to vector<16xi32>
        %parallel_loop3A_742 = tpu.dynamic_gather %parallel_loop3A_584[%parallel_loop3A_741] in [0] : vector<16xf32>, vector<16xi32> -> vector<16xf32>
        %parallel_loop3A_743 = arith.mulf %parallel_loop3A_739, %parallel_loop3A_742 : vector<16xf32>
        %parallel_loop3A_744 = arith.index_cast %parallel_loop3A_572 : i32 to index
        %parallel_loop3A_745 = arith.constant 32 : index
        %parallel_loop3A_746 = tpu.vector_load %arg15[%parallel_loop3A_744, %parallel_loop3A_745] {strides = array<i32>} : memref<250x72xf32, #tpu.memory_space<vmem>>, vector<16xf32>,
        tpu.vector_store %arg15[%parallel_loop3A_744, %parallel_loop3A_745], %parallel_loop3A_743 {strides = array<i32>} : memref<250x72xf32, #tpu.memory_space<vmem>>, vector<16xf32>,
        %parallel_loop3A_747 = arith.constant 8 : i32
        %parallel_loop3A_748 = vector.broadcast %parallel_loop3A_747 : i32 to vector<16xi32>
        %parallel_loop3A_749 = arith.divsi %parallel_loop3A_586, %parallel_loop3A_748 : vector<16xi32>
        %parallel_loop3A_750 = arith.constant 0 : i32
        %parallel_loop3A_751 = vector.broadcast %parallel_loop3A_750 : i32 to vector<16xi32>
        %parallel_loop3A_752 = arith.cmpi sgt, %parallel_loop3A_586, %parallel_loop3A_751 : vector<16xi32>
        %parallel_loop3A_753 = arith.extui %parallel_loop3A_752 : vector<16xi1> to vector<16xi32>
        %parallel_loop3A_754 = arith.constant 0 : i32
        %parallel_loop3A_755 = vector.broadcast %parallel_loop3A_754 : i32 to vector<16xi32>
        %parallel_loop3A_756 = arith.cmpi slt, %parallel_loop3A_586, %parallel_loop3A_755 : vector<16xi32>
        %parallel_loop3A_757 = arith.extui %parallel_loop3A_756 : vector<16xi1> to vector<16xi32>
        %parallel_loop3A_758 = arith.subi %parallel_loop3A_753, %parallel_loop3A_757 : vector<16xi32>
        %parallel_loop3A_759 = arith.constant 0 : i32
        %parallel_loop3A_760 = arith.cmpi sgt, %parallel_loop3A_747, %parallel_loop3A_759 : i32
        %parallel_loop3A_761 = arith.extui %parallel_loop3A_760 : i1 to i32
        %parallel_loop3A_762 = arith.constant 0 : i32
        %parallel_loop3A_763 = arith.cmpi slt, %parallel_loop3A_747, %parallel_loop3A_762 : i32
        %parallel_loop3A_764 = arith.extui %parallel_loop3A_763 : i1 to i32
        %parallel_loop3A_765 = arith.subi %parallel_loop3A_761, %parallel_loop3A_764 : i32
        %parallel_loop3A_766 = vector.broadcast %parallel_loop3A_765 : i32 to vector<16xi32>
        %parallel_loop3A_767 = arith.cmpi ne, %parallel_loop3A_758, %parallel_loop3A_766 : vector<16xi32>
        %parallel_loop3A_768 = vector.broadcast %parallel_loop3A_747 : i32 to vector<16xi32>
        %parallel_loop3A_769 = arith.remsi %parallel_loop3A_586, %parallel_loop3A_768 : vector<16xi32>
        %parallel_loop3A_770 = arith.constant 0 : i32
        %parallel_loop3A_771 = vector.broadcast %parallel_loop3A_770 : i32 to vector<16xi32>
        %parallel_loop3A_772 = arith.cmpi ne, %parallel_loop3A_769, %parallel_loop3A_771 : vector<16xi32>
        %parallel_loop3A_773 = arith.andi %parallel_loop3A_767, %parallel_loop3A_772 : vector<16xi1>
        %parallel_loop3A_774 = arith.constant 1 : i32
        %parallel_loop3A_775 = vector.broadcast %parallel_loop3A_774 : i32 to vector<16xi32>
        %parallel_loop3A_776 = arith.subi %parallel_loop3A_749, %parallel_loop3A_775 : vector<16xi32>
        %parallel_loop3A_777 = arith.select %parallel_loop3A_773, %parallel_loop3A_776, %parallel_loop3A_749 : vector<16xi1>, vector<16xi32>
        %parallel_loop3A_778 = arith.constant 6 : i32
        %parallel_loop3A_779 = vector.broadcast %parallel_loop3A_778 : i32 to vector<16xi32>
        %parallel_loop3A_780 = arith.addi %parallel_loop3A_779, %parallel_loop3A_777 : vector<16xi32>
        %parallel_loop3A_781 = arith.index_cast %parallel_loop3A_572 : i32 to index
        %parallel_loop3A_782 = arith.constant 48 : index
        %parallel_loop3A_783 = tpu.vector_load %arg11[%parallel_loop3A_781, %parallel_loop3A_782] {strides = array<i32>} : memref<250x80xf32, #tpu.memory_space<vmem>>, vector<16xf32>,
        %parallel_loop3A_784 = vector.shape_cast %parallel_loop3A_780 : vector<16xi32> to vector<16x1xi32>
        %parallel_loop3A_785 = vector.shape_cast %parallel_loop3A_784 : vector<16x1xi32> to vector<16xi32>
        %parallel_loop3A_786 = tpu.dynamic_gather %parallel_loop3A_584[%parallel_loop3A_785] in [0] : vector<16xf32>, vector<16xi32> -> vector<16xf32>
        %parallel_loop3A_787 = arith.mulf %parallel_loop3A_783, %parallel_loop3A_786 : vector<16xf32>
        %parallel_loop3A_788 = arith.index_cast %parallel_loop3A_572 : i32 to index
        %parallel_loop3A_789 = arith.constant 48 : index
        %parallel_loop3A_790 = tpu.vector_load %arg15[%parallel_loop3A_788, %parallel_loop3A_789] {strides = array<i32>} : memref<250x72xf32, #tpu.memory_space<vmem>>, vector<16xf32>,
        tpu.vector_store %arg15[%parallel_loop3A_788, %parallel_loop3A_789], %parallel_loop3A_787 {strides = array<i32>} : memref<250x72xf32, #tpu.memory_space<vmem>>, vector<16xf32>,
      } {sc.loop_unroll_factor = 4 : i64, sc.parallel_access}
      %get3A = arith.constant 0 : i32
      %get3A_226 = arith.index_cast %get3A : i32 to index
      %get3A_227 = arith.constant 0 : index
      %get3A_228 = tpu.vector_load %arg9[%get3A_226, %get3A_227] {strides = array<i32>} : memref<2x125xi32, #tpu.memory_space<vmem>>, vector<16xi32>,
      %swap3A = arith.constant 0 : i32
      %swap3A_229 = arith.index_cast %swap3A : i32 to index
      %swap3A_230 = arith.constant 0 : index
      %swap3A_231 = tpu.vector_load %arg17[%swap3A_229, %swap3A_230] {strides = array<i32>} : memref<2x125xi32, #tpu.memory_space<vmem>>, vector<16xi32>,
      tpu.vector_store %arg17[%swap3A_229, %swap3A_230], %get3A_228 {strides = array<i32>} : memref<2x125xi32, #tpu.memory_space<vmem>>, vector<16xi32>,
      %get3A_232 = arith.constant 0 : i32
      %get3A_233 = arith.index_cast %get3A_232 : i32 to index
      %get3A_234 = arith.constant 16 : index
      %get3A_235 = tpu.vector_load %arg9[%get3A_233, %get3A_234] {strides = array<i32>} : memref<2x125xi32, #tpu.memory_space<vmem>>, vector<16xi32>,
      %swap3A_236 = arith.constant 0 : i32
      %swap3A_237 = arith.index_cast %swap3A_236 : i32 to index
      %swap3A_238 = arith.constant 16 : index
      %swap3A_239 = tpu.vector_load %arg17[%swap3A_237, %swap3A_238] {strides = array<i32>} : memref<2x125xi32, #tpu.memory_space<vmem>>, vector<16xi32>,
      tpu.vector_store %arg17[%swap3A_237, %swap3A_238], %get3A_235 {strides = array<i32>} : memref<2x125xi32, #tpu.memory_space<vmem>>, vector<16xi32>,
      %get3A_240 = arith.constant 0 : i32
      %get3A_241 = arith.index_cast %get3A_240 : i32 to index
      %get3A_242 = arith.constant 32 : index
      %get3A_243 = tpu.vector_load %arg9[%get3A_241, %get3A_242] {strides = array<i32>} : memref<2x125xi32, #tpu.memory_space<vmem>>, vector<16xi32>,
      %swap3A_244 = arith.constant 0 : i32
      %swap3A_245 = arith.index_cast %swap3A_244 : i32 to index
      %swap3A_246 = arith.constant 32 : index
      %swap3A_247 = tpu.vector_load %arg17[%swap3A_245, %swap3A_246] {strides = array<i32>} : memref<2x125xi32, #tpu.memory_space<vmem>>, vector<16xi32>,
      tpu.vector_store %arg17[%swap3A_245, %swap3A_246], %get3A_243 {strides = array<i32>} : memref<2x125xi32, #tpu.memory_space<vmem>>, vector<16xi32>,
      %get3A_248 = arith.constant 0 : i32
      %get3A_249 = arith.index_cast %get3A_248 : i32 to index
      %get3A_250 = arith.constant 48 : index
      %get3A_251 = tpu.vector_load %arg9[%get3A_249, %get3A_250] {strides = array<i32>} : memref<2x125xi32, #tpu.memory_space<vmem>>, vector<16xi32>,
      %swap3A_252 = arith.constant 0 : i32
      %swap3A_253 = arith.index_cast %swap3A_252 : i32 to index
      %swap3A_254 = arith.constant 48 : index
      %swap3A_255 = tpu.vector_load %arg17[%swap3A_253, %swap3A_254] {strides = array<i32>} : memref<2x125xi32, #tpu.memory_space<vmem>>, vector<16xi32>,
      tpu.vector_store %arg17[%swap3A_253, %swap3A_254], %get3A_251 {strides = array<i32>} : memref<2x125xi32, #tpu.memory_space<vmem>>, vector<16xi32>,
      %get3A_256 = arith.constant 0 : i32
      %get3A_257 = arith.index_cast %get3A_256 : i32 to index
      %get3A_258 = arith.constant 64 : index
      %get3A_259 = tpu.vector_load %arg9[%get3A_257, %get3A_258] {strides = array<i32>} : memref<2x125xi32, #tpu.memory_space<vmem>>, vector<16xi32>,
      %swap3A_260 = arith.constant 0 : i32
      %swap3A_261 = arith.index_cast %swap3A_260 : i32 to index
      %swap3A_262 = arith.constant 64 : index
      %swap3A_263 = tpu.vector_load %arg17[%swap3A_261, %swap3A_262] {strides = array<i32>} : memref<2x125xi32, #tpu.memory_space<vmem>>, vector<16xi32>,
      tpu.vector_store %arg17[%swap3A_261, %swap3A_262], %get3A_259 {strides = array<i32>} : memref<2x125xi32, #tpu.memory_space<vmem>>, vector<16xi32>,
      %get3A_264 = arith.constant 0 : i32
      %get3A_265 = arith.index_cast %get3A_264 : i32 to index
      %get3A_266 = arith.constant 80 : index
      %get3A_267 = tpu.vector_load %arg9[%get3A_265, %get3A_266] {strides = array<i32>} : memref<2x125xi32, #tpu.memory_space<vmem>>, vector<16xi32>,
      %swap3A_268 = arith.constant 0 : i32
      %swap3A_269 = arith.index_cast %swap3A_268 : i32 to index
      %swap3A_270 = arith.constant 80 : index
      %swap3A_271 = tpu.vector_load %arg17[%swap3A_269, %swap3A_270] {strides = array<i32>} : memref<2x125xi32, #tpu.memory_space<vmem>>, vector<16xi32>,
      tpu.vector_store %arg17[%swap3A_269, %swap3A_270], %get3A_267 {strides = array<i32>} : memref<2x125xi32, #tpu.memory_space<vmem>>, vector<16xi32>,
      %get3A_272 = arith.constant 0 : i32
      %get3A_273 = arith.index_cast %get3A_272 : i32 to index
      %get3A_274 = arith.constant 96 : index
      %get3A_275 = tpu.vector_load %arg9[%get3A_273, %get3A_274] {strides = array<i32>} : memref<2x125xi32, #tpu.memory_space<vmem>>, vector<16xi32>,
      %swap3A_276 = arith.constant 0 : i32
      %swap3A_277 = arith.index_cast %swap3A_276 : i32 to index
      %swap3A_278 = arith.constant 96 : index
      %swap3A_279 = tpu.vector_load %arg17[%swap3A_277, %swap3A_278] {strides = array<i32>} : memref<2x125xi32, #tpu.memory_space<vmem>>, vector<16xi32>,
      tpu.vector_store %arg17[%swap3A_277, %swap3A_278], %get3A_275 {strides = array<i32>} : memref<2x125xi32, #tpu.memory_space<vmem>>, vector<16xi32>,
      %get3A_280 = arith.constant 0 : i32
      %get3A_281 = arith.index_cast %get3A_280 : i32 to index
      %get3A_282 = arith.constant 109 : index
      %get3A_283 = tpu.vector_load %arg9[%get3A_281, %get3A_282] {strides = array<i32>} : memref<2x125xi32, #tpu.memory_space<vmem>>, vector<16xi32>,
      %swap3A_284 = arith.constant 0 : i32
      %swap3A_285 = arith.index_cast %swap3A_284 : i32 to index
      %swap3A_286 = arith.constant 109 : index
      %swap3A_287 = tpu.vector_load %arg17[%swap3A_285, %swap3A_286] {strides = array<i32>} : memref<2x125xi32, #tpu.memory_space<vmem>>, vector<16xi32>,
      tpu.vector_store %arg17[%swap3A_285, %swap3A_286], %get3A_283 {strides = array<i32>} : memref<2x125xi32, #tpu.memory_space<vmem>>, vector<16xi32>,
      %get3A_288 = arith.constant 1 : i32
      %get3A_289 = arith.index_cast %get3A_288 : i32 to index
      %get3A_290 = arith.constant 0 : index
      %get3A_291 = tpu.vector_load %arg9[%get3A_289, %get3A_290] {strides = array<i32>} : memref<2x125xi32, #tpu.memory_space<vmem>>, vector<16xi32>,
      %swap3A_292 = arith.constant 1 : i32
      %swap3A_293 = arith.index_cast %swap3A_292 : i32 to index
      %swap3A_294 = arith.constant 0 : index
      %swap3A_295 = tpu.vector_load %arg17[%swap3A_293, %swap3A_294] {strides = array<i32>} : memref<2x125xi32, #tpu.memory_space<vmem>>, vector<16xi32>,
      tpu.vector_store %arg17[%swap3A_293, %swap3A_294], %get3A_291 {strides = array<i32>} : memref<2x125xi32, #tpu.memory_space<vmem>>, vector<16xi32>,
      %get3A_296 = arith.constant 1 : i32
      %get3A_297 = arith.index_cast %get3A_296 : i32 to index
      %get3A_298 = arith.constant 16 : index
      %get3A_299 = tpu.vector_load %arg9[%get3A_297, %get3A_298] {strides = array<i32>} : memref<2x125xi32, #tpu.memory_space<vmem>>, vector<16xi32>,
      %swap3A_300 = arith.constant 1 : i32
      %swap3A_301 = arith.index_cast %swap3A_300 : i32 to index
      %swap3A_302 = arith.constant 16 : index
      %swap3A_303 = tpu.vector_load %arg17[%swap3A_301, %swap3A_302] {strides = array<i32>} : memref<2x125xi32, #tpu.memory_space<vmem>>, vector<16xi32>,
      tpu.vector_store %arg17[%swap3A_301, %swap3A_302], %get3A_299 {strides = array<i32>} : memref<2x125xi32, #tpu.memory_space<vmem>>, vector<16xi32>,
      %get3A_304 = arith.constant 1 : i32
      %get3A_305 = arith.index_cast %get3A_304 : i32 to index
      %get3A_306 = arith.constant 32 : index
      %get3A_307 = tpu.vector_load %arg9[%get3A_305, %get3A_306] {strides = array<i32>} : memref<2x125xi32, #tpu.memory_space<vmem>>, vector<16xi32>,
      %swap3A_308 = arith.constant 1 : i32
      %swap3A_309 = arith.index_cast %swap3A_308 : i32 to index
      %swap3A_310 = arith.constant 32 : index
      %swap3A_311 = tpu.vector_load %arg17[%swap3A_309, %swap3A_310] {strides = array<i32>} : memref<2x125xi32, #tpu.memory_space<vmem>>, vector<16xi32>,
      tpu.vector_store %arg17[%swap3A_309, %swap3A_310], %get3A_307 {strides = array<i32>} : memref<2x125xi32, #tpu.memory_space<vmem>>, vector<16xi32>,
      %get3A_312 = arith.constant 1 : i32
      %get3A_313 = arith.index_cast %get3A_312 : i32 to index
      %get3A_314 = arith.constant 48 : index
      %get3A_315 = tpu.vector_load %arg9[%get3A_313, %get3A_314] {strides = array<i32>} : memref<2x125xi32, #tpu.memory_space<vmem>>, vector<16xi32>,
      %swap3A_316 = arith.constant 1 : i32
      %swap3A_317 = arith.index_cast %swap3A_316 : i32 to index
      %swap3A_318 = arith.constant 48 : index
      %swap3A_319 = tpu.vector_load %arg17[%swap3A_317, %swap3A_318] {strides = array<i32>} : memref<2x125xi32, #tpu.memory_space<vmem>>, vector<16xi32>,
      tpu.vector_store %arg17[%swap3A_317, %swap3A_318], %get3A_315 {strides = array<i32>} : memref<2x125xi32, #tpu.memory_space<vmem>>, vector<16xi32>,
      %get3A_320 = arith.constant 1 : i32
      %get3A_321 = arith.index_cast %get3A_320 : i32 to index
      %get3A_322 = arith.constant 64 : index
      %get3A_323 = tpu.vector_load %arg9[%get3A_321, %get3A_322] {strides = array<i32>} : memref<2x125xi32, #tpu.memory_space<vmem>>, vector<16xi32>,
      %swap3A_324 = arith.constant 1 : i32
      %swap3A_325 = arith.index_cast %swap3A_324 : i32 to index
      %swap3A_326 = arith.constant 64 : index
      %swap3A_327 = tpu.vector_load %arg17[%swap3A_325, %swap3A_326] {strides = array<i32>} : memref<2x125xi32, #tpu.memory_space<vmem>>, vector<16xi32>,
      tpu.vector_store %arg17[%swap3A_325, %swap3A_326], %get3A_323 {strides = array<i32>} : memref<2x125xi32, #tpu.memory_space<vmem>>, vector<16xi32>,
      %get3A_328 = arith.constant 1 : i32
      %get3A_329 = arith.index_cast %get3A_328 : i32 to index
      %get3A_330 = arith.constant 80 : index
      %get3A_331 = tpu.vector_load %arg9[%get3A_329, %get3A_330] {strides = array<i32>} : memref<2x125xi32, #tpu.memory_space<vmem>>, vector<16xi32>,
      %swap3A_332 = arith.constant 1 : i32
      %swap3A_333 = arith.index_cast %swap3A_332 : i32 to index
      %swap3A_334 = arith.constant 80 : index
      %swap3A_335 = tpu.vector_load %arg17[%swap3A_333, %swap3A_334] {strides = array<i32>} : memref<2x125xi32, #tpu.memory_space<vmem>>, vector<16xi32>,
      tpu.vector_store %arg17[%swap3A_333, %swap3A_334], %get3A_331 {strides = array<i32>} : memref<2x125xi32, #tpu.memory_space<vmem>>, vector<16xi32>,
      %get3A_336 = arith.constant 1 : i32
      %get3A_337 = arith.index_cast %get3A_336 : i32 to index
      %get3A_338 = arith.constant 96 : index
      %get3A_339 = tpu.vector_load %arg9[%get3A_337, %get3A_338] {strides = array<i32>} : memref<2x125xi32, #tpu.memory_space<vmem>>, vector<16xi32>,
      %swap3A_340 = arith.constant 1 : i32
      %swap3A_341 = arith.index_cast %swap3A_340 : i32 to index
      %swap3A_342 = arith.constant 96 : index
      %swap3A_343 = tpu.vector_load %arg17[%swap3A_341, %swap3A_342] {strides = array<i32>} : memref<2x125xi32, #tpu.memory_space<vmem>>, vector<16xi32>,
      tpu.vector_store %arg17[%swap3A_341, %swap3A_342], %get3A_339 {strides = array<i32>} : memref<2x125xi32, #tpu.memory_space<vmem>>, vector<16xi32>,
      %get3A_344 = arith.constant 1 : i32
      %get3A_345 = arith.index_cast %get3A_344 : i32 to index
      %get3A_346 = arith.constant 109 : index
      %get3A_347 = tpu.vector_load %arg9[%get3A_345, %get3A_346] {strides = array<i32>} : memref<2x125xi32, #tpu.memory_space<vmem>>, vector<16xi32>,
      %swap3A_348 = arith.constant 1 : i32
      %swap3A_349 = arith.index_cast %swap3A_348 : i32 to index
      %swap3A_350 = arith.constant 109 : index
      %swap3A_351 = tpu.vector_load %arg17[%swap3A_349, %swap3A_350] {strides = array<i32>} : memref<2x125xi32, #tpu.memory_space<vmem>>, vector<16xi32>,
      tpu.vector_store %arg17[%swap3A_349, %swap3A_350], %get3A_347 {strides = array<i32>} : memref<2x125xi32, #tpu.memory_space<vmem>>, vector<16xi32>,
      %dma_start3A_352 = arith.constant 0 : i32
      %dma_start3A_353 = arith.constant 0 : i32
      %dma_start3A_354 = arith.constant 0 : i32
      %dma_start3A_355 = tpu.memref_slice %arg15[%dma_start3A_353, %dma_start3A_354] : memref<250x72xf32, #tpu.memory_space<vmem>> -> memref<125x72xf32, #tpu.memory_space<vmem>>
      %dma_start3A_356 = arith.constant 0 : i32
      %dma_start3A_357 = tpu.memref_slice %arg17[%dma_start3A_352, %dma_start3A_356] : memref<2x125xi32, #tpu.memory_space<vmem>> -> memref<1x125xi32, #tpu.memory_space<vmem>>
      %dma_start3A_358 = tpu.memref_squeeze %dma_start3A_357 : memref<1x125xi32, #tpu.memory_space<vmem>> -> memref<125xi32, #tpu.memory_space<vmem>>
      %dma_start3A_359 = arith.constant 0 : i32
      %dma_start3A_360 = arith.constant 0 : i32
      %dma_start3A_361 = tpu.memref_slice %arg19[%dma_start3A_359, %dma_start3A_360] : memref<10112x72xf32, #tpu.memory_space<vmem_shared>> -> memref<10112x72xf32, #tpu.memory_space<vmem_shared>>
      tpu.enqueue_indirect_dma source(%dma_start3A_355 : memref<125x72xf32, #tpu.memory_space<vmem>>) target(%dma_start3A_361 : memref<10112x72xf32, #tpu.memory_space<vmem_shared>>) offsets(%dma_start3A_358 : memref<125xi32, #tpu.memory_space<vmem>>) semaphore(%arg24 : memref<!tpu.dma_semaphore, #tpu.memory_space<semaphore_mem>>) {add = true}
      %dma_start3A_362 = arith.constant 1 : i32
      %dma_start3A_363 = arith.constant 125 : i32
      %dma_start3A_364 = arith.constant 0 : i32
      %dma_start3A_365 = tpu.memref_slice %arg15[%dma_start3A_363, %dma_start3A_364] : memref<250x72xf32, #tpu.memory_space<vmem>> -> memref<125x72xf32, #tpu.memory_space<vmem>>
      %dma_start3A_366 = arith.constant 0 : i32
      %dma_start3A_367 = tpu.memref_slice %arg17[%dma_start3A_362, %dma_start3A_366] : memref<2x125xi32, #tpu.memory_space<vmem>> -> memref<1x125xi32, #tpu.memory_space<vmem>>
      %dma_start3A_368 = tpu.memref_squeeze %dma_start3A_367 : memref<1x125xi32, #tpu.memory_space<vmem>> -> memref<125xi32, #tpu.memory_space<vmem>>
      %dma_start3A_369 = arith.constant 0 : i32
      %dma_start3A_370 = arith.constant 0 : i32
      %dma_start3A_371 = tpu.memref_slice %arg19[%dma_start3A_369, %dma_start3A_370] : memref<10112x72xf32, #tpu.memory_space<vmem_shared>> -> memref<10112x72xf32, #tpu.memory_space<vmem_shared>>
      tpu.enqueue_indirect_dma source(%dma_start3A_365 : memref<125x72xf32, #tpu.memory_space<vmem>>) target(%dma_start3A_371 : memref<10112x72xf32, #tpu.memory_space<vmem_shared>>) offsets(%dma_start3A_368 : memref<125xi32, #tpu.memory_space<vmem>>) semaphore(%arg24 : memref<!tpu.dma_semaphore, #tpu.memory_space<semaphore_mem>>) {add = true}
      %lt3A = arith.constant 19 : i32
      %lt3A_372 = arith.cmpi slt, %scan3A_132, %lt3A : i32
      %convert_element_type3A_373 = arith.extui %lt3A_372 : i1 to i32
      %cond3A_374 = arith.constant 0 : i32
      %cond3A_375 = arith.cmpi ne, %convert_element_type3A_373, %cond3A_374 : i32
      scf.if %cond3A_375 {
        %mul3A_572 = arith.constant 2 : i32
        %mul3A_573 = arith.muli %mul3A_572, %scan3A_132 : i32
        %add3A_574 = arith.constant 2 : i32
        %add3A_575 = arith.addi %mul3A_573, %add3A_574 : i32
        %mul3A_576 = arith.constant 80 : i32
        %mul3A_577 = arith.muli %add3A, %mul3A_576 : i32
        %mul3A_578 = arith.constant 2 : i32
        %mul3A_579 = arith.muli %add3A_575, %mul3A_578 : i32
        %add3A_580 = arith.addi %mul3A_577, %mul3A_579 : i32
        "tpu.region"() ({
          %run_scoped3A = tpu.sem_alloc : memref<!tpu.dma_semaphore, #tpu.memory_space<semaphore_mem>>
          %dma_start3A_621 = arith.constant 0 : i32
          %dma_start3A_622 = tpu.memref_slice %arg4[%add3A_580, %dma_start3A_621] : memref<2560x125xi32, #tpu.memory_space<hbm>> -> memref<2x125xi32, #tpu.memory_space<hbm>>
          %dma_start3A_623 = arith.constant 0 : i32
          %dma_start3A_624 = tpu.memref_slice %arg4[%add3A_580, %dma_start3A_623] : memref<2560x125xi32, #tpu.memory_space<hbm>> -> memref<2x125xi32, #tpu.memory_space<hbm>>
          tpu.enqueue_dma source(%dma_start3A_624 : memref<2x125xi32, #tpu.memory_space<hbm>>) target(%arg7 : memref<2x125xi32, #tpu.memory_space<vmem>>) target_semaphore(%run_scoped3A : memref<!tpu.dma_semaphore, #tpu.memory_space<semaphore_mem>>)
          %dma_wait3A_625 = arith.constant 0 : i32
          %dma_wait3A_626 = tpu.memref_slice %arg4[%add3A_580, %dma_wait3A_625] : memref<2560x125xi32, #tpu.memory_space<hbm>> -> memref<2x125xi32, #tpu.memory_space<hbm>>
          %dma_wait3A_627 = arith.constant 0 : i32
          %dma_wait3A_628 = tpu.memref_slice %arg4[%add3A_580, %dma_wait3A_627] : memref<2560x125xi32, #tpu.memory_space<hbm>> -> memref<2x125xi32, #tpu.memory_space<hbm>>
          tpu.wait_dma2 semaphore(%run_scoped3A : memref<!tpu.dma_semaphore, #tpu.memory_space<semaphore_mem>>) src(%dma_wait3A_628 : memref<2x125xi32, #tpu.memory_space<hbm>>) dst(%arg7 : memref<2x125xi32, #tpu.memory_space<vmem>>)
          tpu.yield
        }) : () -> ()
        "tpu.region"() ({
          %run_scoped3A = tpu.sem_alloc : memref<!tpu.dma_semaphore, #tpu.memory_space<semaphore_mem>>
          %dma_start3A_621 = arith.constant 0 : i32
          %dma_start3A_622 = tpu.memref_slice %arg5[%add3A_580, %dma_start3A_621] : memref<2560x125xi32, #tpu.memory_space<hbm>> -> memref<2x125xi32, #tpu.memory_space<hbm>>
          %dma_start3A_623 = arith.constant 0 : i32
          %dma_start3A_624 = tpu.memref_slice %arg5[%add3A_580, %dma_start3A_623] : memref<2560x125xi32, #tpu.memory_space<hbm>> -> memref<2x125xi32, #tpu.memory_space<hbm>>
          tpu.enqueue_dma source(%dma_start3A_624 : memref<2x125xi32, #tpu.memory_space<hbm>>) target(%arg9 : memref<2x125xi32, #tpu.memory_space<vmem>>) target_semaphore(%run_scoped3A : memref<!tpu.dma_semaphore, #tpu.memory_space<semaphore_mem>>)
          %dma_wait3A_625 = arith.constant 0 : i32
          %dma_wait3A_626 = tpu.memref_slice %arg5[%add3A_580, %dma_wait3A_625] : memref<2560x125xi32, #tpu.memory_space<hbm>> -> memref<2x125xi32, #tpu.memory_space<hbm>>
          %dma_wait3A_627 = arith.constant 0 : i32
          %dma_wait3A_628 = tpu.memref_slice %arg5[%add3A_580, %dma_wait3A_627] : memref<2560x125xi32, #tpu.memory_space<hbm>> -> memref<2x125xi32, #tpu.memory_space<hbm>>
          tpu.wait_dma2 semaphore(%run_scoped3A : memref<!tpu.dma_semaphore, #tpu.memory_space<semaphore_mem>>) src(%dma_wait3A_628 : memref<2x125xi32, #tpu.memory_space<hbm>>) dst(%arg9 : memref<2x125xi32, #tpu.memory_space<vmem>>)
          tpu.yield
        }) : () -> ()
        %dma_start3A_581 = arith.constant 0 : i32
        %dma_start3A_582 = arith.constant 0 : i32
        %dma_start3A_583 = arith.constant 0 : i32
        %dma_start3A_584 = tpu.memref_slice %arg11[%dma_start3A_582, %dma_start3A_583] : memref<250x80xf32, #tpu.memory_space<vmem>> -> memref<125x80xf32, #tpu.memory_space<vmem>>
        %dma_start3A_585 = arith.constant 0 : i32
        %dma_start3A_586 = tpu.memref_slice %arg7[%dma_start3A_581, %dma_start3A_585] : memref<2x125xi32, #tpu.memory_space<vmem>> -> memref<1x125xi32, #tpu.memory_space<vmem>>
        %dma_start3A_587 = tpu.memref_squeeze %dma_start3A_586 : memref<1x125xi32, #tpu.memory_space<vmem>> -> memref<125xi32, #tpu.memory_space<vmem>>
        %dma_start3A_588 = arith.constant 0 : i32
        %dma_start3A_589 = arith.constant 0 : i32
        %dma_start3A_590 = tpu.memref_slice %arg2[%dma_start3A_588, %dma_start3A_589] : memref<10000x80xf32, #tpu.memory_space<hbm>> -> memref<10000x80xf32, #tpu.memory_space<hbm>>
        tpu.enqueue_indirect_dma source(%dma_start3A_590 : memref<10000x80xf32, #tpu.memory_space<hbm>>) target(%dma_start3A_584 : memref<125x80xf32, #tpu.memory_space<vmem>>) offsets(%dma_start3A_587 : memref<125xi32, #tpu.memory_space<vmem>>) semaphore(%arg20 : memref<!tpu.dma_semaphore, #tpu.memory_space<semaphore_mem>>)
        %dma_start3A_591 = arith.constant 0 : i32
        %dma_start3A_592 = arith.constant 0 : i32
        %dma_start3A_593 = arith.constant 0 : i32
        %dma_start3A_594 = tpu.memref_slice %arg13[%dma_start3A_592, %dma_start3A_593] : memref<250x16xf32, #tpu.memory_space<vmem>> -> memref<125x16xf32, #tpu.memory_space<vmem>>
        %dma_start3A_595 = arith.constant 0 : i32
        %dma_start3A_596 = tpu.memref_slice %arg9[%dma_start3A_591, %dma_start3A_595] : memref<2x125xi32, #tpu.memory_space<vmem>> -> memref<1x125xi32, #tpu.memory_space<vmem>>
        %dma_start3A_597 = tpu.memref_squeeze %dma_start3A_596 : memref<1x125xi32, #tpu.memory_space<vmem>> -> memref<125xi32, #tpu.memory_space<vmem>>
        %dma_start3A_598 = arith.constant 0 : i32
        %dma_start3A_599 = arith.constant 0 : i32
        %dma_start3A_600 = tpu.memref_slice %arg3[%dma_start3A_598, %dma_start3A_599] : memref<10000x16xf32, #tpu.memory_space<hbm>> -> memref<10000x16xf32, #tpu.memory_space<hbm>>
        tpu.enqueue_indirect_dma source(%dma_start3A_600 : memref<10000x16xf32, #tpu.memory_space<hbm>>) target(%dma_start3A_594 : memref<125x16xf32, #tpu.memory_space<vmem>>) offsets(%dma_start3A_597 : memref<125xi32, #tpu.memory_space<vmem>>) semaphore(%arg22 : memref<!tpu.dma_semaphore, #tpu.memory_space<semaphore_mem>>)
        %dma_start3A_601 = arith.constant 1 : i32
        %dma_start3A_602 = arith.constant 125 : i32
        %dma_start3A_603 = arith.constant 0 : i32
        %dma_start3A_604 = tpu.memref_slice %arg11[%dma_start3A_602, %dma_start3A_603] : memref<250x80xf32, #tpu.memory_space<vmem>> -> memref<125x80xf32, #tpu.memory_space<vmem>>
        %dma_start3A_605 = arith.constant 0 : i32
        %dma_start3A_606 = tpu.memref_slice %arg7[%dma_start3A_601, %dma_start3A_605] : memref<2x125xi32, #tpu.memory_space<vmem>> -> memref<1x125xi32, #tpu.memory_space<vmem>>
        %dma_start3A_607 = tpu.memref_squeeze %dma_start3A_606 : memref<1x125xi32, #tpu.memory_space<vmem>> -> memref<125xi32, #tpu.memory_space<vmem>>
        %dma_start3A_608 = arith.constant 0 : i32
        %dma_start3A_609 = arith.constant 0 : i32
        %dma_start3A_610 = tpu.memref_slice %arg2[%dma_start3A_608, %dma_start3A_609] : memref<10000x80xf32, #tpu.memory_space<hbm>> -> memref<10000x80xf32, #tpu.memory_space<hbm>>
        tpu.enqueue_indirect_dma source(%dma_start3A_610 : memref<10000x80xf32, #tpu.memory_space<hbm>>) target(%dma_start3A_604 : memref<125x80xf32, #tpu.memory_space<vmem>>) offsets(%dma_start3A_607 : memref<125xi32, #tpu.memory_space<vmem>>) semaphore(%arg20 : memref<!tpu.dma_semaphore, #tpu.memory_space<semaphore_mem>>)
        %dma_start3A_611 = arith.constant 1 : i32
        %dma_start3A_612 = arith.constant 125 : i32
        %dma_start3A_613 = arith.constant 0 : i32
        %dma_start3A_614 = tpu.memref_slice %arg13[%dma_start3A_612, %dma_start3A_613] : memref<250x16xf32, #tpu.memory_space<vmem>> -> memref<125x16xf32, #tpu.memory_space<vmem>>
        %dma_start3A_615 = arith.constant 0 : i32
        %dma_start3A_616 = tpu.memref_slice %arg9[%dma_start3A_611, %dma_start3A_615] : memref<2x125xi32, #tpu.memory_space<vmem>> -> memref<1x125xi32, #tpu.memory_space<vmem>>
        %dma_start3A_617 = tpu.memref_squeeze %dma_start3A_616 : memref<1x125xi32, #tpu.memory_space<vmem>> -> memref<125xi32, #tpu.memory_space<vmem>>
        %dma_start3A_618 = arith.constant 0 : i32
        %dma_start3A_619 = arith.constant 0 : i32
        %dma_start3A_620 = tpu.memref_slice %arg3[%dma_start3A_618, %dma_start3A_619] : memref<10000x16xf32, #tpu.memory_space<hbm>> -> memref<10000x16xf32, #tpu.memory_space<hbm>>
        tpu.enqueue_indirect_dma source(%dma_start3A_620 : memref<10000x16xf32, #tpu.memory_space<hbm>>) target(%dma_start3A_614 : memref<125x16xf32, #tpu.memory_space<vmem>>) offsets(%dma_start3A_617 : memref<125xi32, #tpu.memory_space<vmem>>) semaphore(%arg22 : memref<!tpu.dma_semaphore, #tpu.memory_space<semaphore_mem>>)
      } else {
      }
      %dma_wait3A_376 = arith.constant 0 : i32
      %dma_wait3A_377 = arith.constant 0 : i32
      %dma_wait3A_378 = arith.constant 0 : i32
      %dma_wait3A_379 = tpu.memref_slice %arg12[%dma_wait3A_377, %dma_wait3A_378] : memref<250x80xf32, #tpu.memory_space<vmem>> -> memref<125x80xf32, #tpu.memory_space<vmem>>
      %dma_wait3A_380 = arith.constant 0 : i32
      %dma_wait3A_381 = tpu.memref_slice %arg8[%dma_wait3A_376, %dma_wait3A_380] : memref<2x125xi32, #tpu.memory_space<vmem>> -> memref<1x125xi32, #tpu.memory_space<vmem>>
      %dma_wait3A_382 = tpu.memref_squeeze %dma_wait3A_381 : memref<1x125xi32, #tpu.memory_space<vmem>> -> memref<125xi32, #tpu.memory_space<vmem>>
      %dma_wait3A_383 = arith.constant 0 : i32
      %dma_wait3A_384 = arith.constant 0 : i32
      %dma_wait3A_385 = tpu.memref_slice %arg2[%dma_wait3A_383, %dma_wait3A_384] : memref<10000x80xf32, #tpu.memory_space<hbm>> -> memref<10000x80xf32, #tpu.memory_space<hbm>>
      tpu.wait_indirect_dma semaphore(%arg21 : memref<!tpu.dma_semaphore, #tpu.memory_space<semaphore_mem>>) src(%dma_wait3A_385 : memref<10000x80xf32, #tpu.memory_space<hbm>>) dst(%dma_wait3A_379 : memref<125x80xf32, #tpu.memory_space<vmem>>)
      %dma_wait3A_386 = arith.constant 0 : i32
      %dma_wait3A_387 = arith.constant 0 : i32
      %dma_wait3A_388 = arith.constant 0 : i32
      %dma_wait3A_389 = tpu.memref_slice %arg14[%dma_wait3A_387, %dma_wait3A_388] : memref<250x16xf32, #tpu.memory_space<vmem>> -> memref<125x16xf32, #tpu.memory_space<vmem>>
      %dma_wait3A_390 = arith.constant 0 : i32
      %dma_wait3A_391 = tpu.memref_slice %arg10[%dma_wait3A_386, %dma_wait3A_390] : memref<2x125xi32, #tpu.memory_space<vmem>> -> memref<1x125xi32, #tpu.memory_space<vmem>>
      %dma_wait3A_392 = tpu.memref_squeeze %dma_wait3A_391 : memref<1x125xi32, #tpu.memory_space<vmem>> -> memref<125xi32, #tpu.memory_space<vmem>>
      %dma_wait3A_393 = arith.constant 0 : i32
      %dma_wait3A_394 = arith.constant 0 : i32
      %dma_wait3A_395 = tpu.memref_slice %arg3[%dma_wait3A_393, %dma_wait3A_394] : memref<10000x16xf32, #tpu.memory_space<hbm>> -> memref<10000x16xf32, #tpu.memory_space<hbm>>
      tpu.wait_indirect_dma semaphore(%arg23 : memref<!tpu.dma_semaphore, #tpu.memory_space<semaphore_mem>>) src(%dma_wait3A_395 : memref<10000x16xf32, #tpu.memory_space<hbm>>) dst(%dma_wait3A_389 : memref<125x16xf32, #tpu.memory_space<vmem>>)
      %dma_wait3A_396 = arith.constant 1 : i32
      %dma_wait3A_397 = arith.constant 125 : i32
      %dma_wait3A_398 = arith.constant 0 : i32
      %dma_wait3A_399 = tpu.memref_slice %arg12[%dma_wait3A_397, %dma_wait3A_398] : memref<250x80xf32, #tpu.memory_space<vmem>> -> memref<125x80xf32, #tpu.memory_space<vmem>>
      %dma_wait3A_400 = arith.constant 0 : i32
      %dma_wait3A_401 = tpu.memref_slice %arg8[%dma_wait3A_396, %dma_wait3A_400] : memref<2x125xi32, #tpu.memory_space<vmem>> -> memref<1x125xi32, #tpu.memory_space<vmem>>
      %dma_wait3A_402 = tpu.memref_squeeze %dma_wait3A_401 : memref<1x125xi32, #tpu.memory_space<vmem>> -> memref<125xi32, #tpu.memory_space<vmem>>
      %dma_wait3A_403 = arith.constant 0 : i32
      %dma_wait3A_404 = arith.constant 0 : i32
      %dma_wait3A_405 = tpu.memref_slice %arg2[%dma_wait3A_403, %dma_wait3A_404] : memref<10000x80xf32, #tpu.memory_space<hbm>> -> memref<10000x80xf32, #tpu.memory_space<hbm>>
      tpu.wait_indirect_dma semaphore(%arg21 : memref<!tpu.dma_semaphore, #tpu.memory_space<semaphore_mem>>) src(%dma_wait3A_405 : memref<10000x80xf32, #tpu.memory_space<hbm>>) dst(%dma_wait3A_399 : memref<125x80xf32, #tpu.memory_space<vmem>>)
      %dma_wait3A_406 = arith.constant 1 : i32
      %dma_wait3A_407 = arith.constant 125 : i32
      %dma_wait3A_408 = arith.constant 0 : i32
      %dma_wait3A_409 = tpu.memref_slice %arg14[%dma_wait3A_407, %dma_wait3A_408] : memref<250x16xf32, #tpu.memory_space<vmem>> -> memref<125x16xf32, #tpu.memory_space<vmem>>
      %dma_wait3A_410 = arith.constant 0 : i32
      %dma_wait3A_411 = tpu.memref_slice %arg10[%dma_wait3A_406, %dma_wait3A_410] : memref<2x125xi32, #tpu.memory_space<vmem>> -> memref<1x125xi32, #tpu.memory_space<vmem>>
      %dma_wait3A_412 = tpu.memref_squeeze %dma_wait3A_411 : memref<1x125xi32, #tpu.memory_space<vmem>> -> memref<125xi32, #tpu.memory_space<vmem>>
      %dma_wait3A_413 = arith.constant 0 : i32
      %dma_wait3A_414 = arith.constant 0 : i32
      %dma_wait3A_415 = tpu.memref_slice %arg3[%dma_wait3A_413, %dma_wait3A_414] : memref<10000x16xf32, #tpu.memory_space<hbm>> -> memref<10000x16xf32, #tpu.memory_space<hbm>>
      tpu.wait_indirect_dma semaphore(%arg23 : memref<!tpu.dma_semaphore, #tpu.memory_space<semaphore_mem>>) src(%dma_wait3A_415 : memref<10000x16xf32, #tpu.memory_space<hbm>>) dst(%dma_wait3A_409 : memref<125x16xf32, #tpu.memory_space<vmem>>)
      %gt3A_416 = arith.constant 0 : i32
      %gt3A_417 = arith.cmpi sgt, %scan3A_132, %gt3A_416 : i32
      %convert_element_type3A_418 = arith.extui %gt3A_417 : i1 to i32
      %cond3A_419 = arith.constant 0 : i32
      %cond3A_420 = arith.cmpi ne, %convert_element_type3A_418, %cond3A_419 : i32
      scf.if %cond3A_420 {
        %dma_wait3A_572 = arith.constant 0 : i32
        %dma_wait3A_573 = arith.constant 0 : i32
        %dma_wait3A_574 = arith.constant 0 : i32
        %dma_wait3A_575 = tpu.memref_slice %arg16[%dma_wait3A_573, %dma_wait3A_574] : memref<250x72xf32, #tpu.memory_space<vmem>> -> memref<125x72xf32, #tpu.memory_space<vmem>>
        %dma_wait3A_576 = arith.constant 0 : i32
        %dma_wait3A_577 = tpu.memref_slice %arg18[%dma_wait3A_572, %dma_wait3A_576] : memref<2x125xi32, #tpu.memory_space<vmem>> -> memref<1x125xi32, #tpu.memory_space<vmem>>
        %dma_wait3A_578 = tpu.memref_squeeze %dma_wait3A_577 : memref<1x125xi32, #tpu.memory_space<vmem>> -> memref<125xi32, #tpu.memory_space<vmem>>
        %dma_wait3A_579 = arith.constant 0 : i32
        %dma_wait3A_580 = arith.constant 0 : i32
        %dma_wait3A_581 = tpu.memref_slice %arg19[%dma_wait3A_579, %dma_wait3A_580] : memref<10112x72xf32, #tpu.memory_space<vmem_shared>> -> memref<10112x72xf32, #tpu.memory_space<vmem_shared>>
        tpu.wait_indirect_dma semaphore(%arg25 : memref<!tpu.dma_semaphore, #tpu.memory_space<semaphore_mem>>) src(%dma_wait3A_575 : memref<125x72xf32, #tpu.memory_space<vmem>>) dst(%dma_wait3A_581 : memref<10112x72xf32, #tpu.memory_space<vmem_shared>>)
        %dma_wait3A_582 = arith.constant 1 : i32
        %dma_wait3A_583 = arith.constant 125 : i32
        %dma_wait3A_584 = arith.constant 0 : i32
        %dma_wait3A_585 = tpu.memref_slice %arg16[%dma_wait3A_583, %dma_wait3A_584] : memref<250x72xf32, #tpu.memory_space<vmem>> -> memref<125x72xf32, #tpu.memory_space<vmem>>
        %dma_wait3A_586 = arith.constant 0 : i32
        %dma_wait3A_587 = tpu.memref_slice %arg18[%dma_wait3A_582, %dma_wait3A_586] : memref<2x125xi32, #tpu.memory_space<vmem>> -> memref<1x125xi32, #tpu.memory_space<vmem>>
        %dma_wait3A_588 = tpu.memref_squeeze %dma_wait3A_587 : memref<1x125xi32, #tpu.memory_space<vmem>> -> memref<125xi32, #tpu.memory_space<vmem>>
        %dma_wait3A_589 = arith.constant 0 : i32
        %dma_wait3A_590 = arith.constant 0 : i32
        %dma_wait3A_591 = tpu.memref_slice %arg19[%dma_wait3A_589, %dma_wait3A_590] : memref<10112x72xf32, #tpu.memory_space<vmem_shared>> -> memref<10112x72xf32, #tpu.memory_space<vmem_shared>>
        tpu.wait_indirect_dma semaphore(%arg25 : memref<!tpu.dma_semaphore, #tpu.memory_space<semaphore_mem>>) src(%dma_wait3A_585 : memref<125x72xf32, #tpu.memory_space<vmem>>) dst(%dma_wait3A_591 : memref<10112x72xf32, #tpu.memory_space<vmem_shared>>)
      } else {
      }
      %parallel_loop3A_421 = arith.constant 0 : i32
      %parallel_loop3A_422 = arith.constant 250 : i32
      %parallel_loop3A_423 = arith.constant 1 : i32
      scf.for %parallel_loop3A_572 = %parallel_loop3A_421 to %parallel_loop3A_422 step %parallel_loop3A_423  : i32 {
        %parallel_loop3A_573 = arith.index_cast %parallel_loop3A_572 : i32 to index
        %parallel_loop3A_574 = arith.constant 64 : index
        %parallel_loop3A_575 = tpu.vector_load %arg12[%parallel_loop3A_573, %parallel_loop3A_574] {strides = array<i32>} : memref<250x80xf32, #tpu.memory_space<vmem>>, vector<16xf32>,
        %parallel_loop3A_576 = arith.index_cast %parallel_loop3A_572 : i32 to index
        %parallel_loop3A_577 = arith.constant 0 : index
        %parallel_loop3A_578 = tpu.vector_load %arg14[%parallel_loop3A_576, %parallel_loop3A_577] {strides = array<i32>} : memref<250x16xf32, #tpu.memory_space<vmem>>, vector<16xf32>,
        %parallel_loop3A_579 = arith.addf %parallel_loop3A_575, %parallel_loop3A_578 : vector<16xf32>
        %parallel_loop3A_580 = arith.constant 2.000000e-01 : f32
        %parallel_loop3A_581 = vector.broadcast %parallel_loop3A_580 : f32 to vector<16xf32>
        %parallel_loop3A_582 = arith.mulf %parallel_loop3A_579, %parallel_loop3A_581 : vector<16xf32>
        %parallel_loop3A_583 = arith.maximumf %parallel_loop3A_579, %parallel_loop3A_582 : vector<16xf32>
        %parallel_loop3A_584 = math.exp %parallel_loop3A_583 : vector<16xf32>
        %parallel_loop3A_585 = vector.broadcast %parallel_loop3A_572 : i32 to vector<16xi32>
        %parallel_loop3A_586 = tpu.iota {dimensions = array<i32: 0>} : vector<16xi32>
        %parallel_loop3A_587 = arith.constant 8 : i32
        %parallel_loop3A_588 = arith.constant 0 : i32
        %parallel_loop3A_589 = arith.cmpi eq, %parallel_loop3A_587, %parallel_loop3A_588 : i32
        %parallel_loop3A_590 = arith.constant 1 : i32
        %parallel_loop3A_591 = arith.select %parallel_loop3A_589, %parallel_loop3A_590, %parallel_loop3A_587 : i32
        %parallel_loop3A_592 = vector.broadcast %parallel_loop3A_591 : i32 to vector<16xi32>
        %parallel_loop3A_593 = arith.remsi %parallel_loop3A_586, %parallel_loop3A_592 : vector<16xi32>
        %parallel_loop3A_594 = arith.constant 0 : i32
        %parallel_loop3A_595 = vector.broadcast %parallel_loop3A_594 : i32 to vector<16xi32>
        %parallel_loop3A_596 = arith.cmpi ne, %parallel_loop3A_593, %parallel_loop3A_595 : vector<16xi32>
        %parallel_loop3A_597 = arith.constant 0 : i32
        %parallel_loop3A_598 = vector.broadcast %parallel_loop3A_597 : i32 to vector<16xi32>
        %parallel_loop3A_599 = arith.cmpi slt, %parallel_loop3A_593, %parallel_loop3A_598 : vector<16xi32>
        %parallel_loop3A_600 = arith.constant 0 : i32
        %parallel_loop3A_601 = arith.cmpi slt, %parallel_loop3A_591, %parallel_loop3A_600 : i32
        %parallel_loop3A_602 = vector.broadcast %parallel_loop3A_601 : i1 to vector<16xi1>
        %parallel_loop3A_603 = vector.broadcast %parallel_loop3A_602 : vector<16xi1> to vector<16xi1>
        %parallel_loop3A_604 = arith.xori %parallel_loop3A_599, %parallel_loop3A_603 : vector<16xi1>
        %parallel_loop3A_605 = arith.andi %parallel_loop3A_604, %parallel_loop3A_596 : vector<16xi1>
        %parallel_loop3A_606 = vector.broadcast %parallel_loop3A_591 : i32 to vector<16xi32>
        %parallel_loop3A_607 = arith.addi %parallel_loop3A_593, %parallel_loop3A_606 : vector<16xi32>
        %parallel_loop3A_608 = arith.select %parallel_loop3A_605, %parallel_loop3A_607, %parallel_loop3A_593 : vector<16xi1>, vector<16xi32>
        %parallel_loop3A_609 = arith.constant 64 : i32
        %parallel_loop3A_610 = vector.broadcast %parallel_loop3A_609 : i32 to vector<16xi32>
        %parallel_loop3A_611 = arith.addi %parallel_loop3A_610, %parallel_loop3A_608 : vector<16xi32>
        %parallel_loop3A_612 = arith.constant 8 : i32
        %parallel_loop3A_613 = vector.broadcast %parallel_loop3A_612 : i32 to vector<16xi32>
        %parallel_loop3A_614 = arith.cmpi slt, %parallel_loop3A_586, %parallel_loop3A_613 : vector<16xi32>
        tpu.vector_store_idx %arg16[%parallel_loop3A_585, %parallel_loop3A_611], %parallel_loop3A_584 masked %parallel_loop3A_614 : memref<250x72xf32, #tpu.memory_space<vmem>>[vector<16xi32>, vector<16xi32>], vector<16xf32>, vector<16xi1>
        %parallel_loop3A_615 = arith.constant 8 : i32
        %parallel_loop3A_616 = vector.broadcast %parallel_loop3A_615 : i32 to vector<16xi32>
        %parallel_loop3A_617 = arith.divsi %parallel_loop3A_586, %parallel_loop3A_616 : vector<16xi32>
        %parallel_loop3A_618 = arith.constant 0 : i32
        %parallel_loop3A_619 = vector.broadcast %parallel_loop3A_618 : i32 to vector<16xi32>
        %parallel_loop3A_620 = arith.cmpi sgt, %parallel_loop3A_586, %parallel_loop3A_619 : vector<16xi32>
        %parallel_loop3A_621 = arith.extui %parallel_loop3A_620 : vector<16xi1> to vector<16xi32>
        %parallel_loop3A_622 = arith.constant 0 : i32
        %parallel_loop3A_623 = vector.broadcast %parallel_loop3A_622 : i32 to vector<16xi32>
        %parallel_loop3A_624 = arith.cmpi slt, %parallel_loop3A_586, %parallel_loop3A_623 : vector<16xi32>
        %parallel_loop3A_625 = arith.extui %parallel_loop3A_624 : vector<16xi1> to vector<16xi32>
        %parallel_loop3A_626 = arith.subi %parallel_loop3A_621, %parallel_loop3A_625 : vector<16xi32>
        %parallel_loop3A_627 = arith.constant 0 : i32
        %parallel_loop3A_628 = arith.cmpi sgt, %parallel_loop3A_615, %parallel_loop3A_627 : i32
        %parallel_loop3A_629 = arith.extui %parallel_loop3A_628 : i1 to i32
        %parallel_loop3A_630 = arith.constant 0 : i32
        %parallel_loop3A_631 = arith.cmpi slt, %parallel_loop3A_615, %parallel_loop3A_630 : i32
        %parallel_loop3A_632 = arith.extui %parallel_loop3A_631 : i1 to i32
        %parallel_loop3A_633 = arith.subi %parallel_loop3A_629, %parallel_loop3A_632 : i32
        %parallel_loop3A_634 = vector.broadcast %parallel_loop3A_633 : i32 to vector<16xi32>
        %parallel_loop3A_635 = arith.cmpi ne, %parallel_loop3A_626, %parallel_loop3A_634 : vector<16xi32>
        %parallel_loop3A_636 = vector.broadcast %parallel_loop3A_615 : i32 to vector<16xi32>
        %parallel_loop3A_637 = arith.remsi %parallel_loop3A_586, %parallel_loop3A_636 : vector<16xi32>
        %parallel_loop3A_638 = arith.constant 0 : i32
        %parallel_loop3A_639 = vector.broadcast %parallel_loop3A_638 : i32 to vector<16xi32>
        %parallel_loop3A_640 = arith.cmpi ne, %parallel_loop3A_637, %parallel_loop3A_639 : vector<16xi32>
        %parallel_loop3A_641 = arith.andi %parallel_loop3A_635, %parallel_loop3A_640 : vector<16xi1>
        %parallel_loop3A_642 = arith.constant 1 : i32
        %parallel_loop3A_643 = vector.broadcast %parallel_loop3A_642 : i32 to vector<16xi32>
        %parallel_loop3A_644 = arith.subi %parallel_loop3A_617, %parallel_loop3A_643 : vector<16xi32>
        %parallel_loop3A_645 = arith.select %parallel_loop3A_641, %parallel_loop3A_644, %parallel_loop3A_617 : vector<16xi1>, vector<16xi32>
        %parallel_loop3A_646 = arith.constant 0 : i32
        %parallel_loop3A_647 = vector.broadcast %parallel_loop3A_646 : i32 to vector<16xi32>
        %parallel_loop3A_648 = arith.addi %parallel_loop3A_647, %parallel_loop3A_645 : vector<16xi32>
        %parallel_loop3A_649 = arith.index_cast %parallel_loop3A_572 : i32 to index
        %parallel_loop3A_650 = arith.constant 0 : index
        %parallel_loop3A_651 = tpu.vector_load %arg12[%parallel_loop3A_649, %parallel_loop3A_650] {strides = array<i32>} : memref<250x80xf32, #tpu.memory_space<vmem>>, vector<16xf32>,
        %parallel_loop3A_652 = vector.shape_cast %parallel_loop3A_648 : vector<16xi32> to vector<16x1xi32>
        %parallel_loop3A_653 = vector.shape_cast %parallel_loop3A_652 : vector<16x1xi32> to vector<16xi32>
        %parallel_loop3A_654 = tpu.dynamic_gather %parallel_loop3A_584[%parallel_loop3A_653] in [0] : vector<16xf32>, vector<16xi32> -> vector<16xf32>
        %parallel_loop3A_655 = arith.mulf %parallel_loop3A_651, %parallel_loop3A_654 : vector<16xf32>
        %parallel_loop3A_656 = arith.index_cast %parallel_loop3A_572 : i32 to index
        %parallel_loop3A_657 = arith.constant 0 : index
        %parallel_loop3A_658 = tpu.vector_load %arg16[%parallel_loop3A_656, %parallel_loop3A_657] {strides = array<i32>} : memref<250x72xf32, #tpu.memory_space<vmem>>, vector<16xf32>,
        tpu.vector_store %arg16[%parallel_loop3A_656, %parallel_loop3A_657], %parallel_loop3A_655 {strides = array<i32>} : memref<250x72xf32, #tpu.memory_space<vmem>>, vector<16xf32>,
        %parallel_loop3A_659 = arith.constant 8 : i32
        %parallel_loop3A_660 = vector.broadcast %parallel_loop3A_659 : i32 to vector<16xi32>
        %parallel_loop3A_661 = arith.divsi %parallel_loop3A_586, %parallel_loop3A_660 : vector<16xi32>
        %parallel_loop3A_662 = arith.constant 0 : i32
        %parallel_loop3A_663 = vector.broadcast %parallel_loop3A_662 : i32 to vector<16xi32>
        %parallel_loop3A_664 = arith.cmpi sgt, %parallel_loop3A_586, %parallel_loop3A_663 : vector<16xi32>
        %parallel_loop3A_665 = arith.extui %parallel_loop3A_664 : vector<16xi1> to vector<16xi32>
        %parallel_loop3A_666 = arith.constant 0 : i32
        %parallel_loop3A_667 = vector.broadcast %parallel_loop3A_666 : i32 to vector<16xi32>
        %parallel_loop3A_668 = arith.cmpi slt, %parallel_loop3A_586, %parallel_loop3A_667 : vector<16xi32>
        %parallel_loop3A_669 = arith.extui %parallel_loop3A_668 : vector<16xi1> to vector<16xi32>
        %parallel_loop3A_670 = arith.subi %parallel_loop3A_665, %parallel_loop3A_669 : vector<16xi32>
        %parallel_loop3A_671 = arith.constant 0 : i32
        %parallel_loop3A_672 = arith.cmpi sgt, %parallel_loop3A_659, %parallel_loop3A_671 : i32
        %parallel_loop3A_673 = arith.extui %parallel_loop3A_672 : i1 to i32
        %parallel_loop3A_674 = arith.constant 0 : i32
        %parallel_loop3A_675 = arith.cmpi slt, %parallel_loop3A_659, %parallel_loop3A_674 : i32
        %parallel_loop3A_676 = arith.extui %parallel_loop3A_675 : i1 to i32
        %parallel_loop3A_677 = arith.subi %parallel_loop3A_673, %parallel_loop3A_676 : i32
        %parallel_loop3A_678 = vector.broadcast %parallel_loop3A_677 : i32 to vector<16xi32>
        %parallel_loop3A_679 = arith.cmpi ne, %parallel_loop3A_670, %parallel_loop3A_678 : vector<16xi32>
        %parallel_loop3A_680 = vector.broadcast %parallel_loop3A_659 : i32 to vector<16xi32>
        %parallel_loop3A_681 = arith.remsi %parallel_loop3A_586, %parallel_loop3A_680 : vector<16xi32>
        %parallel_loop3A_682 = arith.constant 0 : i32
        %parallel_loop3A_683 = vector.broadcast %parallel_loop3A_682 : i32 to vector<16xi32>
        %parallel_loop3A_684 = arith.cmpi ne, %parallel_loop3A_681, %parallel_loop3A_683 : vector<16xi32>
        %parallel_loop3A_685 = arith.andi %parallel_loop3A_679, %parallel_loop3A_684 : vector<16xi1>
        %parallel_loop3A_686 = arith.constant 1 : i32
        %parallel_loop3A_687 = vector.broadcast %parallel_loop3A_686 : i32 to vector<16xi32>
        %parallel_loop3A_688 = arith.subi %parallel_loop3A_661, %parallel_loop3A_687 : vector<16xi32>
        %parallel_loop3A_689 = arith.select %parallel_loop3A_685, %parallel_loop3A_688, %parallel_loop3A_661 : vector<16xi1>, vector<16xi32>
        %parallel_loop3A_690 = arith.constant 2 : i32
        %parallel_loop3A_691 = vector.broadcast %parallel_loop3A_690 : i32 to vector<16xi32>
        %parallel_loop3A_692 = arith.addi %parallel_loop3A_691, %parallel_loop3A_689 : vector<16xi32>
        %parallel_loop3A_693 = arith.index_cast %parallel_loop3A_572 : i32 to index
        %parallel_loop3A_694 = arith.constant 16 : index
        %parallel_loop3A_695 = tpu.vector_load %arg12[%parallel_loop3A_693, %parallel_loop3A_694] {strides = array<i32>} : memref<250x80xf32, #tpu.memory_space<vmem>>, vector<16xf32>,
        %parallel_loop3A_696 = vector.shape_cast %parallel_loop3A_692 : vector<16xi32> to vector<16x1xi32>
        %parallel_loop3A_697 = vector.shape_cast %parallel_loop3A_696 : vector<16x1xi32> to vector<16xi32>
        %parallel_loop3A_698 = tpu.dynamic_gather %parallel_loop3A_584[%parallel_loop3A_697] in [0] : vector<16xf32>, vector<16xi32> -> vector<16xf32>
        %parallel_loop3A_699 = arith.mulf %parallel_loop3A_695, %parallel_loop3A_698 : vector<16xf32>
        %parallel_loop3A_700 = arith.index_cast %parallel_loop3A_572 : i32 to index
        %parallel_loop3A_701 = arith.constant 16 : index
        %parallel_loop3A_702 = tpu.vector_load %arg16[%parallel_loop3A_700, %parallel_loop3A_701] {strides = array<i32>} : memref<250x72xf32, #tpu.memory_space<vmem>>, vector<16xf32>,
        tpu.vector_store %arg16[%parallel_loop3A_700, %parallel_loop3A_701], %parallel_loop3A_699 {strides = array<i32>} : memref<250x72xf32, #tpu.memory_space<vmem>>, vector<16xf32>,
        %parallel_loop3A_703 = arith.constant 8 : i32
        %parallel_loop3A_704 = vector.broadcast %parallel_loop3A_703 : i32 to vector<16xi32>
        %parallel_loop3A_705 = arith.divsi %parallel_loop3A_586, %parallel_loop3A_704 : vector<16xi32>
        %parallel_loop3A_706 = arith.constant 0 : i32
        %parallel_loop3A_707 = vector.broadcast %parallel_loop3A_706 : i32 to vector<16xi32>
        %parallel_loop3A_708 = arith.cmpi sgt, %parallel_loop3A_586, %parallel_loop3A_707 : vector<16xi32>
        %parallel_loop3A_709 = arith.extui %parallel_loop3A_708 : vector<16xi1> to vector<16xi32>
        %parallel_loop3A_710 = arith.constant 0 : i32
        %parallel_loop3A_711 = vector.broadcast %parallel_loop3A_710 : i32 to vector<16xi32>
        %parallel_loop3A_712 = arith.cmpi slt, %parallel_loop3A_586, %parallel_loop3A_711 : vector<16xi32>
        %parallel_loop3A_713 = arith.extui %parallel_loop3A_712 : vector<16xi1> to vector<16xi32>
        %parallel_loop3A_714 = arith.subi %parallel_loop3A_709, %parallel_loop3A_713 : vector<16xi32>
        %parallel_loop3A_715 = arith.constant 0 : i32
        %parallel_loop3A_716 = arith.cmpi sgt, %parallel_loop3A_703, %parallel_loop3A_715 : i32
        %parallel_loop3A_717 = arith.extui %parallel_loop3A_716 : i1 to i32
        %parallel_loop3A_718 = arith.constant 0 : i32
        %parallel_loop3A_719 = arith.cmpi slt, %parallel_loop3A_703, %parallel_loop3A_718 : i32
        %parallel_loop3A_720 = arith.extui %parallel_loop3A_719 : i1 to i32
        %parallel_loop3A_721 = arith.subi %parallel_loop3A_717, %parallel_loop3A_720 : i32
        %parallel_loop3A_722 = vector.broadcast %parallel_loop3A_721 : i32 to vector<16xi32>
        %parallel_loop3A_723 = arith.cmpi ne, %parallel_loop3A_714, %parallel_loop3A_722 : vector<16xi32>
        %parallel_loop3A_724 = vector.broadcast %parallel_loop3A_703 : i32 to vector<16xi32>
        %parallel_loop3A_725 = arith.remsi %parallel_loop3A_586, %parallel_loop3A_724 : vector<16xi32>
        %parallel_loop3A_726 = arith.constant 0 : i32
        %parallel_loop3A_727 = vector.broadcast %parallel_loop3A_726 : i32 to vector<16xi32>
        %parallel_loop3A_728 = arith.cmpi ne, %parallel_loop3A_725, %parallel_loop3A_727 : vector<16xi32>
        %parallel_loop3A_729 = arith.andi %parallel_loop3A_723, %parallel_loop3A_728 : vector<16xi1>
        %parallel_loop3A_730 = arith.constant 1 : i32
        %parallel_loop3A_731 = vector.broadcast %parallel_loop3A_730 : i32 to vector<16xi32>
        %parallel_loop3A_732 = arith.subi %parallel_loop3A_705, %parallel_loop3A_731 : vector<16xi32>
        %parallel_loop3A_733 = arith.select %parallel_loop3A_729, %parallel_loop3A_732, %parallel_loop3A_705 : vector<16xi1>, vector<16xi32>
        %parallel_loop3A_734 = arith.constant 4 : i32
        %parallel_loop3A_735 = vector.broadcast %parallel_loop3A_734 : i32 to vector<16xi32>
        %parallel_loop3A_736 = arith.addi %parallel_loop3A_735, %parallel_loop3A_733 : vector<16xi32>
        %parallel_loop3A_737 = arith.index_cast %parallel_loop3A_572 : i32 to index
        %parallel_loop3A_738 = arith.constant 32 : index
        %parallel_loop3A_739 = tpu.vector_load %arg12[%parallel_loop3A_737, %parallel_loop3A_738] {strides = array<i32>} : memref<250x80xf32, #tpu.memory_space<vmem>>, vector<16xf32>,
        %parallel_loop3A_740 = vector.shape_cast %parallel_loop3A_736 : vector<16xi32> to vector<16x1xi32>
        %parallel_loop3A_741 = vector.shape_cast %parallel_loop3A_740 : vector<16x1xi32> to vector<16xi32>
        %parallel_loop3A_742 = tpu.dynamic_gather %parallel_loop3A_584[%parallel_loop3A_741] in [0] : vector<16xf32>, vector<16xi32> -> vector<16xf32>
        %parallel_loop3A_743 = arith.mulf %parallel_loop3A_739, %parallel_loop3A_742 : vector<16xf32>
        %parallel_loop3A_744 = arith.index_cast %parallel_loop3A_572 : i32 to index
        %parallel_loop3A_745 = arith.constant 32 : index
        %parallel_loop3A_746 = tpu.vector_load %arg16[%parallel_loop3A_744, %parallel_loop3A_745] {strides = array<i32>} : memref<250x72xf32, #tpu.memory_space<vmem>>, vector<16xf32>,
        tpu.vector_store %arg16[%parallel_loop3A_744, %parallel_loop3A_745], %parallel_loop3A_743 {strides = array<i32>} : memref<250x72xf32, #tpu.memory_space<vmem>>, vector<16xf32>,
        %parallel_loop3A_747 = arith.constant 8 : i32
        %parallel_loop3A_748 = vector.broadcast %parallel_loop3A_747 : i32 to vector<16xi32>
        %parallel_loop3A_749 = arith.divsi %parallel_loop3A_586, %parallel_loop3A_748 : vector<16xi32>
        %parallel_loop3A_750 = arith.constant 0 : i32
        %parallel_loop3A_751 = vector.broadcast %parallel_loop3A_750 : i32 to vector<16xi32>
        %parallel_loop3A_752 = arith.cmpi sgt, %parallel_loop3A_586, %parallel_loop3A_751 : vector<16xi32>
        %parallel_loop3A_753 = arith.extui %parallel_loop3A_752 : vector<16xi1> to vector<16xi32>
        %parallel_loop3A_754 = arith.constant 0 : i32
        %parallel_loop3A_755 = vector.broadcast %parallel_loop3A_754 : i32 to vector<16xi32>
        %parallel_loop3A_756 = arith.cmpi slt, %parallel_loop3A_586, %parallel_loop3A_755 : vector<16xi32>
        %parallel_loop3A_757 = arith.extui %parallel_loop3A_756 : vector<16xi1> to vector<16xi32>
        %parallel_loop3A_758 = arith.subi %parallel_loop3A_753, %parallel_loop3A_757 : vector<16xi32>
        %parallel_loop3A_759 = arith.constant 0 : i32
        %parallel_loop3A_760 = arith.cmpi sgt, %parallel_loop3A_747, %parallel_loop3A_759 : i32
        %parallel_loop3A_761 = arith.extui %parallel_loop3A_760 : i1 to i32
        %parallel_loop3A_762 = arith.constant 0 : i32
        %parallel_loop3A_763 = arith.cmpi slt, %parallel_loop3A_747, %parallel_loop3A_762 : i32
        %parallel_loop3A_764 = arith.extui %parallel_loop3A_763 : i1 to i32
        %parallel_loop3A_765 = arith.subi %parallel_loop3A_761, %parallel_loop3A_764 : i32
        %parallel_loop3A_766 = vector.broadcast %parallel_loop3A_765 : i32 to vector<16xi32>
        %parallel_loop3A_767 = arith.cmpi ne, %parallel_loop3A_758, %parallel_loop3A_766 : vector<16xi32>
        %parallel_loop3A_768 = vector.broadcast %parallel_loop3A_747 : i32 to vector<16xi32>
        %parallel_loop3A_769 = arith.remsi %parallel_loop3A_586, %parallel_loop3A_768 : vector<16xi32>
        %parallel_loop3A_770 = arith.constant 0 : i32
        %parallel_loop3A_771 = vector.broadcast %parallel_loop3A_770 : i32 to vector<16xi32>
        %parallel_loop3A_772 = arith.cmpi ne, %parallel_loop3A_769, %parallel_loop3A_771 : vector<16xi32>
        %parallel_loop3A_773 = arith.andi %parallel_loop3A_767, %parallel_loop3A_772 : vector<16xi1>
        %parallel_loop3A_774 = arith.constant 1 : i32
        %parallel_loop3A_775 = vector.broadcast %parallel_loop3A_774 : i32 to vector<16xi32>
        %parallel_loop3A_776 = arith.subi %parallel_loop3A_749, %parallel_loop3A_775 : vector<16xi32>
        %parallel_loop3A_777 = arith.select %parallel_loop3A_773, %parallel_loop3A_776, %parallel_loop3A_749 : vector<16xi1>, vector<16xi32>
        %parallel_loop3A_778 = arith.constant 6 : i32
        %parallel_loop3A_779 = vector.broadcast %parallel_loop3A_778 : i32 to vector<16xi32>
        %parallel_loop3A_780 = arith.addi %parallel_loop3A_779, %parallel_loop3A_777 : vector<16xi32>
        %parallel_loop3A_781 = arith.index_cast %parallel_loop3A_572 : i32 to index
        %parallel_loop3A_782 = arith.constant 48 : index
        %parallel_loop3A_783 = tpu.vector_load %arg12[%parallel_loop3A_781, %parallel_loop3A_782] {strides = array<i32>} : memref<250x80xf32, #tpu.memory_space<vmem>>, vector<16xf32>,
        %parallel_loop3A_784 = vector.shape_cast %parallel_loop3A_780 : vector<16xi32> to vector<16x1xi32>
        %parallel_loop3A_785 = vector.shape_cast %parallel_loop3A_784 : vector<16x1xi32> to vector<16xi32>
        %parallel_loop3A_786 = tpu.dynamic_gather %parallel_loop3A_584[%parallel_loop3A_785] in [0] : vector<16xf32>, vector<16xi32> -> vector<16xf32>
        %parallel_loop3A_787 = arith.mulf %parallel_loop3A_783, %parallel_loop3A_786 : vector<16xf32>
        %parallel_loop3A_788 = arith.index_cast %parallel_loop3A_572 : i32 to index
        %parallel_loop3A_789 = arith.constant 48 : index
        %parallel_loop3A_790 = tpu.vector_load %arg16[%parallel_loop3A_788, %parallel_loop3A_789] {strides = array<i32>} : memref<250x72xf32, #tpu.memory_space<vmem>>, vector<16xf32>,
        tpu.vector_store %arg16[%parallel_loop3A_788, %parallel_loop3A_789], %parallel_loop3A_787 {strides = array<i32>} : memref<250x72xf32, #tpu.memory_space<vmem>>, vector<16xf32>,
      } {sc.loop_unroll_factor = 4 : i64, sc.parallel_access}
      %get3A_424 = arith.constant 0 : i32
      %get3A_425 = arith.index_cast %get3A_424 : i32 to index
      %get3A_426 = arith.constant 0 : index
      %get3A_427 = tpu.vector_load %arg10[%get3A_425, %get3A_426] {strides = array<i32>} : memref<2x125xi32, #tpu.memory_space<vmem>>, vector<16xi32>,
      %swap3A_428 = arith.constant 0 : i32
      %swap3A_429 = arith.index_cast %swap3A_428 : i32 to index
      %swap3A_430 = arith.constant 0 : index
      %swap3A_431 = tpu.vector_load %arg18[%swap3A_429, %swap3A_430] {strides = array<i32>} : memref<2x125xi32, #tpu.memory_space<vmem>>, vector<16xi32>,
      tpu.vector_store %arg18[%swap3A_429, %swap3A_430], %get3A_427 {strides = array<i32>} : memref<2x125xi32, #tpu.memory_space<vmem>>, vector<16xi32>,
      %get3A_432 = arith.constant 0 : i32
      %get3A_433 = arith.index_cast %get3A_432 : i32 to index
      %get3A_434 = arith.constant 16 : index
      %get3A_435 = tpu.vector_load %arg10[%get3A_433, %get3A_434] {strides = array<i32>} : memref<2x125xi32, #tpu.memory_space<vmem>>, vector<16xi32>,
      %swap3A_436 = arith.constant 0 : i32
      %swap3A_437 = arith.index_cast %swap3A_436 : i32 to index
      %swap3A_438 = arith.constant 16 : index
      %swap3A_439 = tpu.vector_load %arg18[%swap3A_437, %swap3A_438] {strides = array<i32>} : memref<2x125xi32, #tpu.memory_space<vmem>>, vector<16xi32>,
      tpu.vector_store %arg18[%swap3A_437, %swap3A_438], %get3A_435 {strides = array<i32>} : memref<2x125xi32, #tpu.memory_space<vmem>>, vector<16xi32>,
      %get3A_440 = arith.constant 0 : i32
      %get3A_441 = arith.index_cast %get3A_440 : i32 to index
      %get3A_442 = arith.constant 32 : index
      %get3A_443 = tpu.vector_load %arg10[%get3A_441, %get3A_442] {strides = array<i32>} : memref<2x125xi32, #tpu.memory_space<vmem>>, vector<16xi32>,
      %swap3A_444 = arith.constant 0 : i32
      %swap3A_445 = arith.index_cast %swap3A_444 : i32 to index
      %swap3A_446 = arith.constant 32 : index
      %swap3A_447 = tpu.vector_load %arg18[%swap3A_445, %swap3A_446] {strides = array<i32>} : memref<2x125xi32, #tpu.memory_space<vmem>>, vector<16xi32>,
      tpu.vector_store %arg18[%swap3A_445, %swap3A_446], %get3A_443 {strides = array<i32>} : memref<2x125xi32, #tpu.memory_space<vmem>>, vector<16xi32>,
      %get3A_448 = arith.constant 0 : i32
      %get3A_449 = arith.index_cast %get3A_448 : i32 to index
      %get3A_450 = arith.constant 48 : index
      %get3A_451 = tpu.vector_load %arg10[%get3A_449, %get3A_450] {strides = array<i32>} : memref<2x125xi32, #tpu.memory_space<vmem>>, vector<16xi32>,
      %swap3A_452 = arith.constant 0 : i32
      %swap3A_453 = arith.index_cast %swap3A_452 : i32 to index
      %swap3A_454 = arith.constant 48 : index
      %swap3A_455 = tpu.vector_load %arg18[%swap3A_453, %swap3A_454] {strides = array<i32>} : memref<2x125xi32, #tpu.memory_space<vmem>>, vector<16xi32>,
      tpu.vector_store %arg18[%swap3A_453, %swap3A_454], %get3A_451 {strides = array<i32>} : memref<2x125xi32, #tpu.memory_space<vmem>>, vector<16xi32>,
      %get3A_456 = arith.constant 0 : i32
      %get3A_457 = arith.index_cast %get3A_456 : i32 to index
      %get3A_458 = arith.constant 64 : index
      %get3A_459 = tpu.vector_load %arg10[%get3A_457, %get3A_458] {strides = array<i32>} : memref<2x125xi32, #tpu.memory_space<vmem>>, vector<16xi32>,
      %swap3A_460 = arith.constant 0 : i32
      %swap3A_461 = arith.index_cast %swap3A_460 : i32 to index
      %swap3A_462 = arith.constant 64 : index
      %swap3A_463 = tpu.vector_load %arg18[%swap3A_461, %swap3A_462] {strides = array<i32>} : memref<2x125xi32, #tpu.memory_space<vmem>>, vector<16xi32>,
      tpu.vector_store %arg18[%swap3A_461, %swap3A_462], %get3A_459 {strides = array<i32>} : memref<2x125xi32, #tpu.memory_space<vmem>>, vector<16xi32>,
      %get3A_464 = arith.constant 0 : i32
      %get3A_465 = arith.index_cast %get3A_464 : i32 to index
      %get3A_466 = arith.constant 80 : index
      %get3A_467 = tpu.vector_load %arg10[%get3A_465, %get3A_466] {strides = array<i32>} : memref<2x125xi32, #tpu.memory_space<vmem>>, vector<16xi32>,
      %swap3A_468 = arith.constant 0 : i32
      %swap3A_469 = arith.index_cast %swap3A_468 : i32 to index
      %swap3A_470 = arith.constant 80 : index
      %swap3A_471 = tpu.vector_load %arg18[%swap3A_469, %swap3A_470] {strides = array<i32>} : memref<2x125xi32, #tpu.memory_space<vmem>>, vector<16xi32>,
      tpu.vector_store %arg18[%swap3A_469, %swap3A_470], %get3A_467 {strides = array<i32>} : memref<2x125xi32, #tpu.memory_space<vmem>>, vector<16xi32>,
      %get3A_472 = arith.constant 0 : i32
      %get3A_473 = arith.index_cast %get3A_472 : i32 to index
      %get3A_474 = arith.constant 96 : index
      %get3A_475 = tpu.vector_load %arg10[%get3A_473, %get3A_474] {strides = array<i32>} : memref<2x125xi32, #tpu.memory_space<vmem>>, vector<16xi32>,
      %swap3A_476 = arith.constant 0 : i32
      %swap3A_477 = arith.index_cast %swap3A_476 : i32 to index
      %swap3A_478 = arith.constant 96 : index
      %swap3A_479 = tpu.vector_load %arg18[%swap3A_477, %swap3A_478] {strides = array<i32>} : memref<2x125xi32, #tpu.memory_space<vmem>>, vector<16xi32>,
      tpu.vector_store %arg18[%swap3A_477, %swap3A_478], %get3A_475 {strides = array<i32>} : memref<2x125xi32, #tpu.memory_space<vmem>>, vector<16xi32>,
      %get3A_480 = arith.constant 0 : i32
      %get3A_481 = arith.index_cast %get3A_480 : i32 to index
      %get3A_482 = arith.constant 109 : index
      %get3A_483 = tpu.vector_load %arg10[%get3A_481, %get3A_482] {strides = array<i32>} : memref<2x125xi32, #tpu.memory_space<vmem>>, vector<16xi32>,
      %swap3A_484 = arith.constant 0 : i32
      %swap3A_485 = arith.index_cast %swap3A_484 : i32 to index
      %swap3A_486 = arith.constant 109 : index
      %swap3A_487 = tpu.vector_load %arg18[%swap3A_485, %swap3A_486] {strides = array<i32>} : memref<2x125xi32, #tpu.memory_space<vmem>>, vector<16xi32>,
      tpu.vector_store %arg18[%swap3A_485, %swap3A_486], %get3A_483 {strides = array<i32>} : memref<2x125xi32, #tpu.memory_space<vmem>>, vector<16xi32>,
      %get3A_488 = arith.constant 1 : i32
      %get3A_489 = arith.index_cast %get3A_488 : i32 to index
      %get3A_490 = arith.constant 0 : index
      %get3A_491 = tpu.vector_load %arg10[%get3A_489, %get3A_490] {strides = array<i32>} : memref<2x125xi32, #tpu.memory_space<vmem>>, vector<16xi32>,
      %swap3A_492 = arith.constant 1 : i32
      %swap3A_493 = arith.index_cast %swap3A_492 : i32 to index
      %swap3A_494 = arith.constant 0 : index
      %swap3A_495 = tpu.vector_load %arg18[%swap3A_493, %swap3A_494] {strides = array<i32>} : memref<2x125xi32, #tpu.memory_space<vmem>>, vector<16xi32>,
      tpu.vector_store %arg18[%swap3A_493, %swap3A_494], %get3A_491 {strides = array<i32>} : memref<2x125xi32, #tpu.memory_space<vmem>>, vector<16xi32>,
      %get3A_496 = arith.constant 1 : i32
      %get3A_497 = arith.index_cast %get3A_496 : i32 to index
      %get3A_498 = arith.constant 16 : index
      %get3A_499 = tpu.vector_load %arg10[%get3A_497, %get3A_498] {strides = array<i32>} : memref<2x125xi32, #tpu.memory_space<vmem>>, vector<16xi32>,
      %swap3A_500 = arith.constant 1 : i32
      %swap3A_501 = arith.index_cast %swap3A_500 : i32 to index
      %swap3A_502 = arith.constant 16 : index
      %swap3A_503 = tpu.vector_load %arg18[%swap3A_501, %swap3A_502] {strides = array<i32>} : memref<2x125xi32, #tpu.memory_space<vmem>>, vector<16xi32>,
      tpu.vector_store %arg18[%swap3A_501, %swap3A_502], %get3A_499 {strides = array<i32>} : memref<2x125xi32, #tpu.memory_space<vmem>>, vector<16xi32>,
      %get3A_504 = arith.constant 1 : i32
      %get3A_505 = arith.index_cast %get3A_504 : i32 to index
      %get3A_506 = arith.constant 32 : index
      %get3A_507 = tpu.vector_load %arg10[%get3A_505, %get3A_506] {strides = array<i32>} : memref<2x125xi32, #tpu.memory_space<vmem>>, vector<16xi32>,
      %swap3A_508 = arith.constant 1 : i32
      %swap3A_509 = arith.index_cast %swap3A_508 : i32 to index
      %swap3A_510 = arith.constant 32 : index
      %swap3A_511 = tpu.vector_load %arg18[%swap3A_509, %swap3A_510] {strides = array<i32>} : memref<2x125xi32, #tpu.memory_space<vmem>>, vector<16xi32>,
      tpu.vector_store %arg18[%swap3A_509, %swap3A_510], %get3A_507 {strides = array<i32>} : memref<2x125xi32, #tpu.memory_space<vmem>>, vector<16xi32>,
      %get3A_512 = arith.constant 1 : i32
      %get3A_513 = arith.index_cast %get3A_512 : i32 to index
      %get3A_514 = arith.constant 48 : index
      %get3A_515 = tpu.vector_load %arg10[%get3A_513, %get3A_514] {strides = array<i32>} : memref<2x125xi32, #tpu.memory_space<vmem>>, vector<16xi32>,
      %swap3A_516 = arith.constant 1 : i32
      %swap3A_517 = arith.index_cast %swap3A_516 : i32 to index
      %swap3A_518 = arith.constant 48 : index
      %swap3A_519 = tpu.vector_load %arg18[%swap3A_517, %swap3A_518] {strides = array<i32>} : memref<2x125xi32, #tpu.memory_space<vmem>>, vector<16xi32>,
      tpu.vector_store %arg18[%swap3A_517, %swap3A_518], %get3A_515 {strides = array<i32>} : memref<2x125xi32, #tpu.memory_space<vmem>>, vector<16xi32>,
      %get3A_520 = arith.constant 1 : i32
      %get3A_521 = arith.index_cast %get3A_520 : i32 to index
      %get3A_522 = arith.constant 64 : index
      %get3A_523 = tpu.vector_load %arg10[%get3A_521, %get3A_522] {strides = array<i32>} : memref<2x125xi32, #tpu.memory_space<vmem>>, vector<16xi32>,
      %swap3A_524 = arith.constant 1 : i32
      %swap3A_525 = arith.index_cast %swap3A_524 : i32 to index
      %swap3A_526 = arith.constant 64 : index
      %swap3A_527 = tpu.vector_load %arg18[%swap3A_525, %swap3A_526] {strides = array<i32>} : memref<2x125xi32, #tpu.memory_space<vmem>>, vector<16xi32>,
      tpu.vector_store %arg18[%swap3A_525, %swap3A_526], %get3A_523 {strides = array<i32>} : memref<2x125xi32, #tpu.memory_space<vmem>>, vector<16xi32>,
      %get3A_528 = arith.constant 1 : i32
      %get3A_529 = arith.index_cast %get3A_528 : i32 to index
      %get3A_530 = arith.constant 80 : index
      %get3A_531 = tpu.vector_load %arg10[%get3A_529, %get3A_530] {strides = array<i32>} : memref<2x125xi32, #tpu.memory_space<vmem>>, vector<16xi32>,
      %swap3A_532 = arith.constant 1 : i32
      %swap3A_533 = arith.index_cast %swap3A_532 : i32 to index
      %swap3A_534 = arith.constant 80 : index
      %swap3A_535 = tpu.vector_load %arg18[%swap3A_533, %swap3A_534] {strides = array<i32>} : memref<2x125xi32, #tpu.memory_space<vmem>>, vector<16xi32>,
      tpu.vector_store %arg18[%swap3A_533, %swap3A_534], %get3A_531 {strides = array<i32>} : memref<2x125xi32, #tpu.memory_space<vmem>>, vector<16xi32>,
      %get3A_536 = arith.constant 1 : i32
      %get3A_537 = arith.index_cast %get3A_536 : i32 to index
      %get3A_538 = arith.constant 96 : index
      %get3A_539 = tpu.vector_load %arg10[%get3A_537, %get3A_538] {strides = array<i32>} : memref<2x125xi32, #tpu.memory_space<vmem>>, vector<16xi32>,
      %swap3A_540 = arith.constant 1 : i32
      %swap3A_541 = arith.index_cast %swap3A_540 : i32 to index
      %swap3A_542 = arith.constant 96 : index
      %swap3A_543 = tpu.vector_load %arg18[%swap3A_541, %swap3A_542] {strides = array<i32>} : memref<2x125xi32, #tpu.memory_space<vmem>>, vector<16xi32>,
      tpu.vector_store %arg18[%swap3A_541, %swap3A_542], %get3A_539 {strides = array<i32>} : memref<2x125xi32, #tpu.memory_space<vmem>>, vector<16xi32>,
      %get3A_544 = arith.constant 1 : i32
      %get3A_545 = arith.index_cast %get3A_544 : i32 to index
      %get3A_546 = arith.constant 109 : index
      %get3A_547 = tpu.vector_load %arg10[%get3A_545, %get3A_546] {strides = array<i32>} : memref<2x125xi32, #tpu.memory_space<vmem>>, vector<16xi32>,
      %swap3A_548 = arith.constant 1 : i32
      %swap3A_549 = arith.index_cast %swap3A_548 : i32 to index
      %swap3A_550 = arith.constant 109 : index
      %swap3A_551 = tpu.vector_load %arg18[%swap3A_549, %swap3A_550] {strides = array<i32>} : memref<2x125xi32, #tpu.memory_space<vmem>>, vector<16xi32>,
      tpu.vector_store %arg18[%swap3A_549, %swap3A_550], %get3A_547 {strides = array<i32>} : memref<2x125xi32, #tpu.memory_space<vmem>>, vector<16xi32>,
      %dma_start3A_552 = arith.constant 0 : i32
      %dma_start3A_553 = arith.constant 0 : i32
      %dma_start3A_554 = arith.constant 0 : i32
      %dma_start3A_555 = tpu.memref_slice %arg16[%dma_start3A_553, %dma_start3A_554] : memref<250x72xf32, #tpu.memory_space<vmem>> -> memref<125x72xf32, #tpu.memory_space<vmem>>
      %dma_start3A_556 = arith.constant 0 : i32
      %dma_start3A_557 = tpu.memref_slice %arg18[%dma_start3A_552, %dma_start3A_556] : memref<2x125xi32, #tpu.memory_space<vmem>> -> memref<1x125xi32, #tpu.memory_space<vmem>>
      %dma_start3A_558 = tpu.memref_squeeze %dma_start3A_557 : memref<1x125xi32, #tpu.memory_space<vmem>> -> memref<125xi32, #tpu.memory_space<vmem>>
      %dma_start3A_559 = arith.constant 0 : i32
      %dma_start3A_560 = arith.constant 0 : i32
      %dma_start3A_561 = tpu.memref_slice %arg19[%dma_start3A_559, %dma_start3A_560] : memref<10112x72xf32, #tpu.memory_space<vmem_shared>> -> memref<10112x72xf32, #tpu.memory_space<vmem_shared>>
      tpu.enqueue_indirect_dma source(%dma_start3A_555 : memref<125x72xf32, #tpu.memory_space<vmem>>) target(%dma_start3A_561 : memref<10112x72xf32, #tpu.memory_space<vmem_shared>>) offsets(%dma_start3A_558 : memref<125xi32, #tpu.memory_space<vmem>>) semaphore(%arg25 : memref<!tpu.dma_semaphore, #tpu.memory_space<semaphore_mem>>) {add = true}
      %dma_start3A_562 = arith.constant 1 : i32
      %dma_start3A_563 = arith.constant 125 : i32
      %dma_start3A_564 = arith.constant 0 : i32
      %dma_start3A_565 = tpu.memref_slice %arg16[%dma_start3A_563, %dma_start3A_564] : memref<250x72xf32, #tpu.memory_space<vmem>> -> memref<125x72xf32, #tpu.memory_space<vmem>>
      %dma_start3A_566 = arith.constant 0 : i32
      %dma_start3A_567 = tpu.memref_slice %arg18[%dma_start3A_562, %dma_start3A_566] : memref<2x125xi32, #tpu.memory_space<vmem>> -> memref<1x125xi32, #tpu.memory_space<vmem>>
      %dma_start3A_568 = tpu.memref_squeeze %dma_start3A_567 : memref<1x125xi32, #tpu.memory_space<vmem>> -> memref<125xi32, #tpu.memory_space<vmem>>
      %dma_start3A_569 = arith.constant 0 : i32
      %dma_start3A_570 = arith.constant 0 : i32
      %dma_start3A_571 = tpu.memref_slice %arg19[%dma_start3A_569, %dma_start3A_570] : memref<10112x72xf32, #tpu.memory_space<vmem_shared>> -> memref<10112x72xf32, #tpu.memory_space<vmem_shared>>
      tpu.enqueue_indirect_dma source(%dma_start3A_565 : memref<125x72xf32, #tpu.memory_space<vmem>>) target(%dma_start3A_571 : memref<10112x72xf32, #tpu.memory_space<vmem_shared>>) offsets(%dma_start3A_568 : memref<125xi32, #tpu.memory_space<vmem>>) semaphore(%arg25 : memref<!tpu.dma_semaphore, #tpu.memory_space<semaphore_mem>>) {add = true}
    }
    %scan3A_87 = arith.constant 20 : i32
    %dma_wait3A = arith.constant 0 : i32
    %dma_wait3A_88 = arith.constant 0 : i32
    %dma_wait3A_89 = arith.constant 0 : i32
    %dma_wait3A_90 = tpu.memref_slice %arg15[%dma_wait3A_88, %dma_wait3A_89] : memref<250x72xf32, #tpu.memory_space<vmem>> -> memref<125x72xf32, #tpu.memory_space<vmem>>
    %dma_wait3A_91 = arith.constant 0 : i32
    %dma_wait3A_92 = tpu.memref_slice %arg17[%dma_wait3A, %dma_wait3A_91] : memref<2x125xi32, #tpu.memory_space<vmem>> -> memref<1x125xi32, #tpu.memory_space<vmem>>
    %dma_wait3A_93 = tpu.memref_squeeze %dma_wait3A_92 : memref<1x125xi32, #tpu.memory_space<vmem>> -> memref<125xi32, #tpu.memory_space<vmem>>
    %dma_wait3A_94 = arith.constant 0 : i32
    %dma_wait3A_95 = arith.constant 0 : i32
    %dma_wait3A_96 = tpu.memref_slice %arg19[%dma_wait3A_94, %dma_wait3A_95] : memref<10112x72xf32, #tpu.memory_space<vmem_shared>> -> memref<10112x72xf32, #tpu.memory_space<vmem_shared>>
    tpu.wait_indirect_dma semaphore(%arg24 : memref<!tpu.dma_semaphore, #tpu.memory_space<semaphore_mem>>) src(%dma_wait3A_90 : memref<125x72xf32, #tpu.memory_space<vmem>>) dst(%dma_wait3A_96 : memref<10112x72xf32, #tpu.memory_space<vmem_shared>>)
    %dma_wait3A_97 = arith.constant 1 : i32
    %dma_wait3A_98 = arith.constant 125 : i32
    %dma_wait3A_99 = arith.constant 0 : i32
    %dma_wait3A_100 = tpu.memref_slice %arg15[%dma_wait3A_98, %dma_wait3A_99] : memref<250x72xf32, #tpu.memory_space<vmem>> -> memref<125x72xf32, #tpu.memory_space<vmem>>
    %dma_wait3A_101 = arith.constant 0 : i32
    %dma_wait3A_102 = tpu.memref_slice %arg17[%dma_wait3A_97, %dma_wait3A_101] : memref<2x125xi32, #tpu.memory_space<vmem>> -> memref<1x125xi32, #tpu.memory_space<vmem>>
    %dma_wait3A_103 = tpu.memref_squeeze %dma_wait3A_102 : memref<1x125xi32, #tpu.memory_space<vmem>> -> memref<125xi32, #tpu.memory_space<vmem>>
    %dma_wait3A_104 = arith.constant 0 : i32
    %dma_wait3A_105 = arith.constant 0 : i32
    %dma_wait3A_106 = tpu.memref_slice %arg19[%dma_wait3A_104, %dma_wait3A_105] : memref<10112x72xf32, #tpu.memory_space<vmem_shared>> -> memref<10112x72xf32, #tpu.memory_space<vmem_shared>>
    tpu.wait_indirect_dma semaphore(%arg24 : memref<!tpu.dma_semaphore, #tpu.memory_space<semaphore_mem>>) src(%dma_wait3A_100 : memref<125x72xf32, #tpu.memory_space<vmem>>) dst(%dma_wait3A_106 : memref<10112x72xf32, #tpu.memory_space<vmem_shared>>)
    %dma_wait3A_107 = arith.constant 0 : i32
    %dma_wait3A_108 = arith.constant 0 : i32
    %dma_wait3A_109 = arith.constant 0 : i32
    %dma_wait3A_110 = tpu.memref_slice %arg16[%dma_wait3A_108, %dma_wait3A_109] : memref<250x72xf32, #tpu.memory_space<vmem>> -> memref<125x72xf32, #tpu.memory_space<vmem>>
    %dma_wait3A_111 = arith.constant 0 : i32
    %dma_wait3A_112 = tpu.memref_slice %arg18[%dma_wait3A_107, %dma_wait3A_111] : memref<2x125xi32, #tpu.memory_space<vmem>> -> memref<1x125xi32, #tpu.memory_space<vmem>>
    %dma_wait3A_113 = tpu.memref_squeeze %dma_wait3A_112 : memref<1x125xi32, #tpu.memory_space<vmem>> -> memref<125xi32, #tpu.memory_space<vmem>>
    %dma_wait3A_114 = arith.constant 0 : i32
    %dma_wait3A_115 = arith.constant 0 : i32
    %dma_wait3A_116 = tpu.memref_slice %arg19[%dma_wait3A_114, %dma_wait3A_115] : memref<10112x72xf32, #tpu.memory_space<vmem_shared>> -> memref<10112x72xf32, #tpu.memory_space<vmem_shared>>
    tpu.wait_indirect_dma semaphore(%arg25 : memref<!tpu.dma_semaphore, #tpu.memory_space<semaphore_mem>>) src(%dma_wait3A_110 : memref<125x72xf32, #tpu.memory_space<vmem>>) dst(%dma_wait3A_116 : memref<10112x72xf32, #tpu.memory_space<vmem_shared>>)
    %dma_wait3A_117 = arith.constant 1 : i32
    %dma_wait3A_118 = arith.constant 125 : i32
    %dma_wait3A_119 = arith.constant 0 : i32
    %dma_wait3A_120 = tpu.memref_slice %arg16[%dma_wait3A_118, %dma_wait3A_119] : memref<250x72xf32, #tpu.memory_space<vmem>> -> memref<125x72xf32, #tpu.memory_space<vmem>>
    %dma_wait3A_121 = arith.constant 0 : i32
    %dma_wait3A_122 = tpu.memref_slice %arg18[%dma_wait3A_117, %dma_wait3A_121] : memref<2x125xi32, #tpu.memory_space<vmem>> -> memref<1x125xi32, #tpu.memory_space<vmem>>
    %dma_wait3A_123 = tpu.memref_squeeze %dma_wait3A_122 : memref<1x125xi32, #tpu.memory_space<vmem>> -> memref<125xi32, #tpu.memory_space<vmem>>
    %dma_wait3A_124 = arith.constant 0 : i32
    %dma_wait3A_125 = arith.constant 0 : i32
    %dma_wait3A_126 = tpu.memref_slice %arg19[%dma_wait3A_124, %dma_wait3A_125] : memref<10112x72xf32, #tpu.memory_space<vmem_shared>> -> memref<10112x72xf32, #tpu.memory_space<vmem_shared>>
    tpu.wait_indirect_dma semaphore(%arg25 : memref<!tpu.dma_semaphore, #tpu.memory_space<semaphore_mem>>) src(%dma_wait3A_120 : memref<125x72xf32, #tpu.memory_space<vmem>>) dst(%dma_wait3A_126 : memref<10112x72xf32, #tpu.memory_space<vmem_shared>>)
    %barrier3A_127 = arith.constant 0 : index
    tpu.barrier barrier_id(%barrier3A_127)
    %mul3A_128 = arith.constant 632 : i32
    %mul3A_129 = arith.muli %arg1, %mul3A_128 : i32
    %mul3A_130 = arith.constant 632 : i32
    %mul3A_131 = arith.muli %arg1, %mul3A_130 : i32
    "tpu.region"() ({
      %run_scoped3A = tpu.sem_alloc : memref<!tpu.dma_semaphore, #tpu.memory_space<semaphore_mem>>
      %dma_start3A_132 = arith.constant 0 : i32
      %dma_start3A_133 = tpu.memref_slice %arg6[%arg0, %mul3A_131, %dma_start3A_132] : memref<2x10112x72xf32, #tpu.memory_space<hbm>> -> memref<1x632x72xf32, #tpu.memory_space<hbm>>
      %dma_start3A_134 = tpu.memref_squeeze %dma_start3A_133 : memref<1x632x72xf32, #tpu.memory_space<hbm>> -> memref<632x72xf32, #tpu.memory_space<hbm>>
      %dma_start3A_135 = arith.constant 0 : i32
      %dma_start3A_136 = tpu.memref_slice %arg19[%mul3A_129, %dma_start3A_135] : memref<10112x72xf32, #tpu.memory_space<vmem_shared>> -> memref<632x72xf32, #tpu.memory_space<vmem_shared>>
      tpu.enqueue_dma source(%dma_start3A_136 : memref<632x72xf32, #tpu.memory_space<vmem_shared>>) target(%dma_start3A_134 : memref<632x72xf32, #tpu.memory_space<hbm>>) target_semaphore(%run_scoped3A : memref<!tpu.dma_semaphore, #tpu.memory_space<semaphore_mem>>)
      %dma_wait3A_137 = arith.constant 0 : i32
      %dma_wait3A_138 = tpu.memref_slice %arg6[%arg0, %mul3A_131, %dma_wait3A_137] : memref<2x10112x72xf32, #tpu.memory_space<hbm>> -> memref<1x632x72xf32, #tpu.memory_space<hbm>>
      %dma_wait3A_139 = tpu.memref_squeeze %dma_wait3A_138 : memref<1x632x72xf32, #tpu.memory_space<hbm>> -> memref<632x72xf32, #tpu.memory_space<hbm>>
      %dma_wait3A_140 = arith.constant 0 : i32
      %dma_wait3A_141 = tpu.memref_slice %arg19[%mul3A_129, %dma_wait3A_140] : memref<10112x72xf32, #tpu.memory_space<vmem_shared>> -> memref<632x72xf32, #tpu.memory_space<vmem_shared>>
      tpu.wait_dma2 semaphore(%run_scoped3A : memref<!tpu.dma_semaphore, #tpu.memory_space<semaphore_mem>>) src(%dma_wait3A_141 : memref<632x72xf32, #tpu.memory_space<vmem_shared>>) dst(%dma_wait3A_139 : memref<632x72xf32, #tpu.memory_space<hbm>>)
      tpu.yield
    }) : () -> ()
    return
  }
}

module attributes {stable_mosaic.version = 14 : i64} {
  func.func @_tc1_body(%arg0: i32, %arg1: memref<1000x128xf32, #tpu.memory_space<vmem>>, %arg2: memref<128x64xf32, #tpu.memory_space<vmem>>, %arg3: memref<64x16xf32, #tpu.memory_space<vmem>>, %arg4: memref<64x16xf32, #tpu.memory_space<vmem>>, %arg5: memref<1000x80xf32, #tpu.memory_space<vmem>>, %arg6: memref<1000x16xf32, #tpu.memory_space<vmem>>) attributes {dimension_semantics = [#tpu.dimension_semantics<arbitrary>], iteration_bounds = array<i64: 10>, scalar_prefetch = 0 : i64, scratch_operands = 0 : i64, tpu.core_type = #tpu.core_type<tc>, window_params = [{transform_indices = @transform_0, window_bounds = array<i64: 1000, 128>}, {pipeline_mode = #tpu.pipeline_mode<synchronous>, transform_indices = @transform_1, window_bounds = array<i64: 128, 64>}, {pipeline_mode = #tpu.pipeline_mode<synchronous>, transform_indices = @transform_2, window_bounds = array<i64: 64, 16>}, {pipeline_mode = #tpu.pipeline_mode<synchronous>, transform_indices = @transform_3, window_bounds = array<i64: 64, 16>}, {transform_indices = @transform_4, window_bounds = array<i64: 1000, 80>}, {transform_indices = @transform_5, window_bounds = array<i64: 1000, 16>}]} {
    %get3A = arith.constant 0 : index
    %get3A_0 = arith.constant 0 : index
    %get3A_1 = vector.load %arg1[%get3A, %get3A_0] : memref<1000x128xf32, #tpu.memory_space<vmem>>, vector<1000x128xf32>
    %get3A_2 = arith.constant 0 : index
    %get3A_3 = arith.constant 0 : index
    %get3A_4 = vector.load %arg2[%get3A_2, %get3A_3] : memref<128x64xf32, #tpu.memory_space<vmem>>, vector<128x64xf32>
    %dot_general3A = arith.constant dense<0.000000e+00> : vector<1000x64xf32>
    %dot_general3A_5 = tpu.matmul %get3A_1, %get3A_4, %dot_general3A {dimension_numbers = #tpu.dot_dimension_numbers<[1], [0], [0], [1], [0, 0, 1, 1], [], []>, transpose_lhs_hint = false} : vector<1000x128xf32>, vector<128x64xf32>, vector<1000x64xf32> -> vector<1000x64xf32>
    %get3A_6 = arith.constant 0 : index
    %get3A_7 = arith.constant 0 : index
    %get3A_8 = vector.load %arg3[%get3A_6, %get3A_7] : memref<64x16xf32, #tpu.memory_space<vmem>>, vector<64x16xf32>
    %dot_general3A_9 = arith.constant dense<0.000000e+00> : vector<1000x16xf32>
    %dot_general3A_10 = tpu.matmul %dot_general3A_5, %get3A_8, %dot_general3A_9 {dimension_numbers = #tpu.dot_dimension_numbers<[1], [0], [0], [1], [0, 0, 1, 1], [], []>, transpose_lhs_hint = false} : vector<1000x64xf32>, vector<64x16xf32>, vector<1000x16xf32> -> vector<1000x16xf32>
    %concatenate3A = tpu.concatenate %dot_general3A_5, %dot_general3A_10 in 1 : vector<1000x64xf32>, vector<1000x16xf32> -> vector<1000x80xf32>
    %swap3A = arith.constant 0 : index
    %swap3A_11 = arith.constant 0 : index
    %swap3A_12 = vector.load %arg5[%swap3A, %swap3A_11] : memref<1000x80xf32, #tpu.memory_space<vmem>>, vector<1000x80xf32>
    tpu.vector_store %arg5[%swap3A, %swap3A_11], %concatenate3A {strides = array<i32>} : memref<1000x80xf32, #tpu.memory_space<vmem>>, vector<1000x80xf32>,
    %get3A_13 = arith.constant 0 : index
    %get3A_14 = arith.constant 0 : index
    %get3A_15 = vector.load %arg4[%get3A_13, %get3A_14] : memref<64x16xf32, #tpu.memory_space<vmem>>, vector<64x16xf32>
    %dot_general3A_16 = arith.constant dense<0.000000e+00> : vector<1000x16xf32>
    %dot_general3A_17 = tpu.matmul %dot_general3A_5, %get3A_15, %dot_general3A_16 {dimension_numbers = #tpu.dot_dimension_numbers<[1], [0], [0], [1], [0, 0, 1, 1], [], []>, transpose_lhs_hint = false} : vector<1000x64xf32>, vector<64x16xf32>, vector<1000x16xf32> -> vector<1000x16xf32>
    %swap3A_18 = arith.constant 0 : index
    %swap3A_19 = arith.constant 0 : index
    %swap3A_20 = vector.load %arg6[%swap3A_18, %swap3A_19] : memref<1000x16xf32, #tpu.memory_space<vmem>>, vector<1000x16xf32>
    tpu.vector_store %arg6[%swap3A_18, %swap3A_19], %dot_general3A_17 {strides = array<i32>} : memref<1000x16xf32, #tpu.memory_space<vmem>>, vector<1000x16xf32>,
    return
  }
  func.func @transform_0(%arg0: i32) -> (i32, i32) {
    %c0_i32 = arith.constant 0 : i32
    %c0_i32_0 = arith.constant 0 : i32
    return %arg0, %c0_i32 : i32, i32
  }
  func.func @transform_1(%arg0: i32) -> (i32, i32) {
    %c0_i32 = arith.constant 0 : i32
    %c0_i32_0 = arith.constant 0 : i32
    %c0_i32_1 = arith.constant 0 : i32
    return %c0_i32, %c0_i32_0 : i32, i32
  }
  func.func @transform_2(%arg0: i32) -> (i32, i32) {
    %c0_i32 = arith.constant 0 : i32
    %c0_i32_0 = arith.constant 0 : i32
    %c0_i32_1 = arith.constant 0 : i32
    return %c0_i32, %c0_i32_0 : i32, i32
  }
  func.func @transform_3(%arg0: i32) -> (i32, i32) {
    %c0_i32 = arith.constant 0 : i32
    %c0_i32_0 = arith.constant 0 : i32
    %c0_i32_1 = arith.constant 0 : i32
    return %c0_i32, %c0_i32_0 : i32, i32
  }
  func.func @transform_4(%arg0: i32) -> (i32, i32) {
    %c0_i32 = arith.constant 0 : i32
    %c0_i32_0 = arith.constant 0 : i32
    return %arg0, %c0_i32 : i32, i32
  }
  func.func @transform_5(%arg0: i32) -> (i32, i32) {
    %c0_i32 = arith.constant 0 : i32
    %c0_i32_0 = arith.constant 0 : i32
    return %arg0, %c0_i32 : i32, i32
  }
}

module attributes {stable_mosaic.version = 14 : i64} {
  func.func @_tc2_body(%arg0: i32, %arg1: memref<2x1000x72xf32, #tpu.memory_space<vmem>>, %arg2: memref<8x64xf32, #tpu.memory_space<vmem>>, %arg3: memref<1x64xf32, #tpu.memory_space<vmem>>, %arg4: memref<64x64xf32, #tpu.memory_space<vmem>>, %arg5: memref<64x16xf32, #tpu.memory_space<vmem>>, %arg6: memref<64x16xf32, #tpu.memory_space<vmem>>, %arg7: memref<1000x80xf32, #tpu.memory_space<vmem>>, %arg8: memref<1000x16xf32, #tpu.memory_space<vmem>>) attributes {dimension_semantics = [#tpu.dimension_semantics<arbitrary>], iteration_bounds = array<i64: 10>, scalar_prefetch = 0 : i64, scratch_operands = 0 : i64, tpu.core_type = #tpu.core_type<tc>, window_params = [{transform_indices = @transform_0, window_bounds = array<i64: 2, 1000, 72>}, {pipeline_mode = #tpu.pipeline_mode<synchronous>, transform_indices = @transform_1, window_bounds = array<i64: 8, 64>}, {pipeline_mode = #tpu.pipeline_mode<synchronous>, transform_indices = @transform_2, window_bounds = array<i64: 1, 64>}, {pipeline_mode = #tpu.pipeline_mode<synchronous>, transform_indices = @transform_3, window_bounds = array<i64: 64, 64>}, {pipeline_mode = #tpu.pipeline_mode<synchronous>, transform_indices = @transform_4, window_bounds = array<i64: 64, 16>}, {pipeline_mode = #tpu.pipeline_mode<synchronous>, transform_indices = @transform_5, window_bounds = array<i64: 64, 16>}, {transform_indices = @transform_6, window_bounds = array<i64: 1000, 80>}, {transform_indices = @transform_7, window_bounds = array<i64: 1000, 16>}]} {
    %get3A = arith.constant 0 : index
    %get3A_0 = arith.constant 0 : index
    %get3A_1 = arith.constant 0 : index
    %get3A_2 = vector.load %arg1[%get3A, %get3A_0, %get3A_1] : memref<2x1000x72xf32, #tpu.memory_space<vmem>>, vector<1x1000x72xf32>
    %get3A_3 = vector.shape_cast %get3A_2 : vector<1x1000x72xf32> to vector<1000x72xf32>
    %get3A_4 = arith.constant 1 : index
    %get3A_5 = arith.constant 0 : index
    %get3A_6 = arith.constant 0 : index
    %get3A_7 = vector.load %arg1[%get3A_4, %get3A_5, %get3A_6] : memref<2x1000x72xf32, #tpu.memory_space<vmem>>, vector<1x1000x72xf32>
    %get3A_8 = vector.shape_cast %get3A_7 : vector<1x1000x72xf32> to vector<1000x72xf32>
    %add3A = arith.addf %get3A_3, %get3A_8 : vector<1000x72xf32>
    %slice3A = vector.extract_strided_slice %add3A {offsets = [0, 0], sizes = [1000, 64], strides = [1, 1]} : vector<1000x72xf32> to vector<1000x64xf32>
    %slice3A_9 = vector.extract_strided_slice %add3A {offsets = [0, 64], sizes = [1000, 8], strides = [1, 1]} : vector<1000x72xf32> to vector<1000x8xf32>
    %get3A_10 = arith.constant 0 : index
    %get3A_11 = arith.constant 0 : index
    %get3A_12 = vector.load %arg2[%get3A_10, %get3A_11] : memref<8x64xf32, #tpu.memory_space<vmem>>, vector<8x64xf32>
    %dot_general3A = arith.constant dense<0.000000e+00> : vector<1000x64xf32>
    %dot_general3A_13 = tpu.matmul %slice3A_9, %get3A_12, %dot_general3A {dimension_numbers = #tpu.dot_dimension_numbers<[1], [0], [0], [1], [0, 0, 1, 1], [], []>, transpose_lhs_hint = false} : vector<1000x8xf32>, vector<8x64xf32>, vector<1000x64xf32> -> vector<1000x64xf32>
    %add3A_14 = arith.constant 1.000000e-16 : f32
    %add3A_15 = vector.broadcast %add3A_14 : f32 to vector<1000x64xf32>
    %add3A_16 = arith.addf %dot_general3A_13, %add3A_15 : vector<1000x64xf32>
    %div3A = arith.divf %slice3A, %add3A_16 : vector<1000x64xf32>
    %get3A_17 = arith.constant 0 : index
    %get3A_18 = arith.constant 0 : index
    %get3A_19 = vector.load %arg3[%get3A_17, %get3A_18] : memref<1x64xf32, #tpu.memory_space<vmem>>, vector<1x64xf32>
    %add3A_20 = vector.broadcast %get3A_19 : vector<1x64xf32> to vector<1000x64xf32>
    %add3A_21 = arith.addf %div3A, %add3A_20 : vector<1000x64xf32>
    %gt3A = arith.constant 0.000000e+00 : f32
    %gt3A_22 = vector.broadcast %gt3A : f32 to vector<1000x64xf32>
    %gt3A_23 = arith.cmpf ogt, %add3A_21, %gt3A_22 : vector<1000x64xf32>
    %min3A = arith.constant 0.000000e+00 : f32
    %min3A_24 = vector.broadcast %min3A : f32 to vector<1000x64xf32>
    %min3A_25 = arith.minimumf %add3A_21, %min3A_24 : vector<1000x64xf32>
    %exp3A = math.exp %min3A_25 : vector<1000x64xf32>
    %sub3A = arith.constant 1.000000e+00 : f32
    %sub3A_26 = vector.broadcast %sub3A : f32 to vector<1000x64xf32>
    %sub3A_27 = arith.subf %exp3A, %sub3A_26 : vector<1000x64xf32>
    %select_n3A = arith.select %gt3A_23, %add3A_21, %sub3A_27 : vector<1000x64xi1>, vector<1000x64xf32>
    %get3A_28 = arith.constant 0 : index
    %get3A_29 = arith.constant 0 : index
    %get3A_30 = vector.load %arg4[%get3A_28, %get3A_29] : memref<64x64xf32, #tpu.memory_space<vmem>>, vector<64x64xf32>
    %dot_general3A_31 = arith.constant dense<0.000000e+00> : vector<1000x64xf32>
    %dot_general3A_32 = tpu.matmul %select_n3A, %get3A_30, %dot_general3A_31 {dimension_numbers = #tpu.dot_dimension_numbers<[1], [0], [0], [1], [0, 0, 1, 1], [], []>, transpose_lhs_hint = false} : vector<1000x64xf32>, vector<64x64xf32>, vector<1000x64xf32> -> vector<1000x64xf32>
    %get3A_33 = arith.constant 0 : index
    %get3A_34 = arith.constant 0 : index
    %get3A_35 = vector.load %arg5[%get3A_33, %get3A_34] : memref<64x16xf32, #tpu.memory_space<vmem>>, vector<64x16xf32>
    %dot_general3A_36 = arith.constant dense<0.000000e+00> : vector<1000x16xf32>
    %dot_general3A_37 = tpu.matmul %dot_general3A_32, %get3A_35, %dot_general3A_36 {dimension_numbers = #tpu.dot_dimension_numbers<[1], [0], [0], [1], [0, 0, 1, 1], [], []>, transpose_lhs_hint = false} : vector<1000x64xf32>, vector<64x16xf32>, vector<1000x16xf32> -> vector<1000x16xf32>
    %concatenate3A = tpu.concatenate %dot_general3A_32, %dot_general3A_37 in 1 : vector<1000x64xf32>, vector<1000x16xf32> -> vector<1000x80xf32>
    %swap3A = arith.constant 0 : index
    %swap3A_38 = arith.constant 0 : index
    %swap3A_39 = vector.load %arg7[%swap3A, %swap3A_38] : memref<1000x80xf32, #tpu.memory_space<vmem>>, vector<1000x80xf32>
    tpu.vector_store %arg7[%swap3A, %swap3A_38], %concatenate3A {strides = array<i32>} : memref<1000x80xf32, #tpu.memory_space<vmem>>, vector<1000x80xf32>,
    %get3A_40 = arith.constant 0 : index
    %get3A_41 = arith.constant 0 : index
    %get3A_42 = vector.load %arg6[%get3A_40, %get3A_41] : memref<64x16xf32, #tpu.memory_space<vmem>>, vector<64x16xf32>
    %dot_general3A_43 = arith.constant dense<0.000000e+00> : vector<1000x16xf32>
    %dot_general3A_44 = tpu.matmul %dot_general3A_32, %get3A_42, %dot_general3A_43 {dimension_numbers = #tpu.dot_dimension_numbers<[1], [0], [0], [1], [0, 0, 1, 1], [], []>, transpose_lhs_hint = false} : vector<1000x64xf32>, vector<64x16xf32>, vector<1000x16xf32> -> vector<1000x16xf32>
    %swap3A_45 = arith.constant 0 : index
    %swap3A_46 = arith.constant 0 : index
    %swap3A_47 = vector.load %arg8[%swap3A_45, %swap3A_46] : memref<1000x16xf32, #tpu.memory_space<vmem>>, vector<1000x16xf32>
    tpu.vector_store %arg8[%swap3A_45, %swap3A_46], %dot_general3A_44 {strides = array<i32>} : memref<1000x16xf32, #tpu.memory_space<vmem>>, vector<1000x16xf32>,
    return
  }
  func.func @transform_0(%arg0: i32) -> (i32, i32, i32) {
    %c0_i32 = arith.constant 0 : i32
    %c0_i32_0 = arith.constant 0 : i32
    %c0_i32_1 = arith.constant 0 : i32
    return %c0_i32, %arg0, %c0_i32_0 : i32, i32, i32
  }
  func.func @transform_1(%arg0: i32) -> (i32, i32) {
    %c0_i32 = arith.constant 0 : i32
    %c0_i32_0 = arith.constant 0 : i32
    %c0_i32_1 = arith.constant 0 : i32
    return %c0_i32, %c0_i32_0 : i32, i32
  }
  func.func @transform_2(%arg0: i32) -> (i32, i32) {
    %c0_i32 = arith.constant 0 : i32
    %c0_i32_0 = arith.constant 0 : i32
    %c0_i32_1 = arith.constant 0 : i32
    return %c0_i32, %c0_i32_0 : i32, i32
  }
  func.func @transform_3(%arg0: i32) -> (i32, i32) {
    %c0_i32 = arith.constant 0 : i32
    %c0_i32_0 = arith.constant 0 : i32
    %c0_i32_1 = arith.constant 0 : i32
    return %c0_i32, %c0_i32_0 : i32, i32
  }
  func.func @transform_4(%arg0: i32) -> (i32, i32) {
    %c0_i32 = arith.constant 0 : i32
    %c0_i32_0 = arith.constant 0 : i32
    %c0_i32_1 = arith.constant 0 : i32
    return %c0_i32, %c0_i32_0 : i32, i32
  }
  func.func @transform_5(%arg0: i32) -> (i32, i32) {
    %c0_i32 = arith.constant 0 : i32
    %c0_i32_0 = arith.constant 0 : i32
    %c0_i32_1 = arith.constant 0 : i32
    return %c0_i32, %c0_i32_0 : i32, i32
  }
  func.func @transform_6(%arg0: i32) -> (i32, i32) {
    %c0_i32 = arith.constant 0 : i32
    %c0_i32_0 = arith.constant 0 : i32
    return %arg0, %c0_i32 : i32, i32
  }
  func.func @transform_7(%arg0: i32) -> (i32, i32) {
    %c0_i32 = arith.constant 0 : i32
    %c0_i32_0 = arith.constant 0 : i32
    return %arg0, %c0_i32 : i32, i32
  }
}

module attributes {stable_mosaic.version = 14 : i64} {
  func.func @_tc3_body(%arg0: i32, %arg1: memref<2x1000x72xf32, #tpu.memory_space<vmem>>, %arg2: memref<8x64xf32, #tpu.memory_space<vmem>>, %arg3: memref<1x64xf32, #tpu.memory_space<vmem>>, %arg4: memref<1000x64xf32, #tpu.memory_space<vmem>>) attributes {dimension_semantics = [#tpu.dimension_semantics<arbitrary>], iteration_bounds = array<i64: 10>, scalar_prefetch = 0 : i64, scratch_operands = 0 : i64, tpu.core_type = #tpu.core_type<tc>, window_params = [{transform_indices = @transform_0, window_bounds = array<i64: 2, 1000, 72>}, {pipeline_mode = #tpu.pipeline_mode<synchronous>, transform_indices = @transform_1, window_bounds = array<i64: 8, 64>}, {pipeline_mode = #tpu.pipeline_mode<synchronous>, transform_indices = @transform_2, window_bounds = array<i64: 1, 64>}, {transform_indices = @transform_3, window_bounds = array<i64: 1000, 64>}]} {
    %get3A = arith.constant 0 : index
    %get3A_0 = arith.constant 0 : index
    %get3A_1 = arith.constant 0 : index
    %get3A_2 = vector.load %arg1[%get3A, %get3A_0, %get3A_1] : memref<2x1000x72xf32, #tpu.memory_space<vmem>>, vector<1x1000x72xf32>
    %get3A_3 = vector.shape_cast %get3A_2 : vector<1x1000x72xf32> to vector<1000x72xf32>
    %get3A_4 = arith.constant 1 : index
    %get3A_5 = arith.constant 0 : index
    %get3A_6 = arith.constant 0 : index
    %get3A_7 = vector.load %arg1[%get3A_4, %get3A_5, %get3A_6] : memref<2x1000x72xf32, #tpu.memory_space<vmem>>, vector<1x1000x72xf32>
    %get3A_8 = vector.shape_cast %get3A_7 : vector<1x1000x72xf32> to vector<1000x72xf32>
    %add3A = arith.addf %get3A_3, %get3A_8 : vector<1000x72xf32>
    %slice3A = vector.extract_strided_slice %add3A {offsets = [0, 0], sizes = [1000, 64], strides = [1, 1]} : vector<1000x72xf32> to vector<1000x64xf32>
    %slice3A_9 = vector.extract_strided_slice %add3A {offsets = [0, 64], sizes = [1000, 8], strides = [1, 1]} : vector<1000x72xf32> to vector<1000x8xf32>
    %get3A_10 = arith.constant 0 : index
    %get3A_11 = arith.constant 0 : index
    %get3A_12 = vector.load %arg2[%get3A_10, %get3A_11] : memref<8x64xf32, #tpu.memory_space<vmem>>, vector<8x64xf32>
    %dot_general3A = arith.constant dense<0.000000e+00> : vector<1000x64xf32>
    %dot_general3A_13 = tpu.matmul %slice3A_9, %get3A_12, %dot_general3A {dimension_numbers = #tpu.dot_dimension_numbers<[1], [0], [0], [1], [0, 0, 1, 1], [], []>, transpose_lhs_hint = false} : vector<1000x8xf32>, vector<8x64xf32>, vector<1000x64xf32> -> vector<1000x64xf32>
    %add3A_14 = arith.constant 1.000000e-16 : f32
    %add3A_15 = vector.broadcast %add3A_14 : f32 to vector<1000x64xf32>
    %add3A_16 = arith.addf %dot_general3A_13, %add3A_15 : vector<1000x64xf32>
    %div3A = arith.divf %slice3A, %add3A_16 : vector<1000x64xf32>
    %get3A_17 = arith.constant 0 : index
    %get3A_18 = arith.constant 0 : index
    %get3A_19 = vector.load %arg3[%get3A_17, %get3A_18] : memref<1x64xf32, #tpu.memory_space<vmem>>, vector<1x64xf32>
    %add3A_20 = vector.broadcast %get3A_19 : vector<1x64xf32> to vector<1000x64xf32>
    %add3A_21 = arith.addf %div3A, %add3A_20 : vector<1000x64xf32>
    %reduce_max3A = arith.constant dense<0xFF800000> : vector<1000xf32>
    %reduce_max3A_22 = vector.multi_reduction <maximumf>, %add3A_21, %reduce_max3A [1] : vector<1000x64xf32> to vector<1000xf32>
    %broadcast_in_dim3A = vector.shape_cast %reduce_max3A_22 : vector<1000xf32> to vector<1000x1xf32>
    %sub3A = vector.broadcast %broadcast_in_dim3A : vector<1000x1xf32> to vector<1000x64xf32>
    %sub3A_23 = arith.subf %add3A_21, %sub3A : vector<1000x64xf32>
    %exp3A = math.exp %sub3A_23 : vector<1000x64xf32>
    %reduce_sum3A = arith.constant dense<0.000000e+00> : vector<1000xf32>
    %reduce_sum3A_24 = vector.multi_reduction <add>, %exp3A, %reduce_sum3A [1] : vector<1000x64xf32> to vector<1000xf32>
    %broadcast_in_dim3A_25 = vector.shape_cast %reduce_sum3A_24 : vector<1000xf32> to vector<1000x1xf32>
    %log3A = math.log %broadcast_in_dim3A_25 : vector<1000x1xf32>
    %sub3A_26 = vector.broadcast %log3A : vector<1000x1xf32> to vector<1000x64xf32>
    %sub3A_27 = arith.subf %sub3A_23, %sub3A_26 : vector<1000x64xf32>
    %swap3A = arith.constant 0 : index
    %swap3A_28 = arith.constant 0 : index
    %swap3A_29 = vector.load %arg4[%swap3A, %swap3A_28] : memref<1000x64xf32, #tpu.memory_space<vmem>>, vector<1000x64xf32>
    tpu.vector_store %arg4[%swap3A, %swap3A_28], %sub3A_27 {strides = array<i32>} : memref<1000x64xf32, #tpu.memory_space<vmem>>, vector<1000x64xf32>,
    return
  }
  func.func @transform_0(%arg0: i32) -> (i32, i32, i32) {
    %c0_i32 = arith.constant 0 : i32
    %c0_i32_0 = arith.constant 0 : i32
    %c0_i32_1 = arith.constant 0 : i32
    return %c0_i32, %arg0, %c0_i32_0 : i32, i32, i32
  }
  func.func @transform_1(%arg0: i32) -> (i32, i32) {
    %c0_i32 = arith.constant 0 : i32
    %c0_i32_0 = arith.constant 0 : i32
    %c0_i32_1 = arith.constant 0 : i32
    return %c0_i32, %c0_i32_0 : i32, i32
  }
  func.func @transform_2(%arg0: i32) -> (i32, i32) {
    %c0_i32 = arith.constant 0 : i32
    %c0_i32_0 = arith.constant 0 : i32
    %c0_i32_1 = arith.constant 0 : i32
    return %c0_i32, %c0_i32_0 : i32, i32
  }
  func.func @transform_3(%arg0: i32) -> (i32, i32) {
    %c0_i32 = arith.constant 0 : i32
    %c0_i32_0 = arith.constant 0 : i32
    return %arg0, %c0_i32 : i32, i32
  }
}

</mosaic_0001>

<sc_bundles>
// kernel: kernel.10.cloned.1.call-start
scs
__scs_entry_jumppad:
0x0: {  	(pc) =	sbr.rel $0x88, $3  }
0x1: {  	(tag) =	ssettag $0x0;
	lr =	simm.s32 $0x1  }
0x2: {  	[smem:$0x3F97] =	sst lr;
	_ =	strace $0xD0000000  }
0x3: {  	_ = 	snop  }
0x4: {  	_ = 	snop  }
0x5: {  	_ = 	snop  }
0x6: {  	_ = 	snop  }
0x7: {  	_ = 	snop  }
__scs_overlays_trampoline_lowered:
0x8: {  	[smem:$0x3FA6] =	sst s0  }
0x9: {  	[smem:$0x3FA7] =	sst s1  }
0xa: {  	[smem:$0x3FA8] =	sst s2  }
0xb: {  	[smem:$0x3FA9] =	sst s3  }
0xc: {  	[smem:$0x3FAA] =	sst s4  }
0xd: {  	[smem:$0x3FAB] =	sst s5  }
0xe: {  	[smem:$0x3FAC] =	sst s6  }
0xf: {  	[smem:$0x3FAD] =	sst s7  }
0x10: {  	[smem:$0x3FAE] =	sst s8  }
0x11: {  	[smem:$0x3FAF] =	sst s9;
	s0 =	simm.s32 @!p0 $0x0  }
0x12: {  	s1 =	sld [smem:$0x3F95];
	s0 =	simm.s32 @p0 $0x1  }
0x13: {  	[smem:$0x3FB0] =	sst s0;
	s0 =	simm.s32 @!p1 $0x0  }
0x14: {  	s2 =	sld [smem:$0x3F94];
	s0 =	simm.s32 @p1 $0x1  }
0x15: {  	[smem:$0x3FB1] =	sst s0;
	s0 =	simm.s32 @!p2 $0x0  }
0x16: {  	s3 =	sld [smem:$0x3FDB];
	s0 =	simm.s32 @p2 $0x1  }
0x17: {  	s4 =	simm.s32 $0x1BF5;
	[smem:$0x3FB3] =	sst s0  }
0x18: {  	s0 =	sld [smem:$0x3F96];
	_ =	swait.ge [sflag:s4], $0x0  }
0x19: {  	s7 =	sld [smem:$0x3F97]  }
0x1a: {  	s8 =	sadd.s32 $0xFFFFE003, lr  }
0x1b: {  	s9 =	sadd.s32 $0xFFFFFEF7, lr;
	s5 =	simm.s32 $0xFFFFFFFF;
	p2 =	slt.u32 s8, $0xFFFFF086  }
0x1c: {  	p1 =	slt.u32 s9, $0xF7A;
	s5 =	simm.s32 @!p2 $0x0  }
0x1d: {  	s5 =	simm.s32 @p1 $0x1;
	p0 =	seq.s32 s7, s2  }
0x1e: {  	s7 =	smul.u32 @!p0 $0xF7A, s2;
	p2 =	seq.s32 @!p0 s5, $0x0  }
0x1f: {  	s9 =	smul.u32 $0xF7A, s1;
	s8 =	simm.s32 @!p0 $0x1BF5;
	p2 =	por !p2, p0  }
0x20: {  	[sflag:s8] =	ssyncset.s32 @!p0 $0xFFFFF086;
	s6 =	sadd.s32 @!p0 s3, s7;
	s7 =	simm.s32 @!p0 $0x108  }
0x21: {  	s3 =	sadd.s32 s3, s9;
	s6 =	sadd.s32 @!p0 $0x88, s6;
	s7 =	simm.s32 @p2 $0x1082  }
0x22: {  	[simem:s7], [sflag:s8] =	dma.local @!p0 [hbm:s6], $0xF7A  }
0x23: {  	s9 =	sor.u32 $0xD0000000, s2;
	s6 =	simm.s32 $0x108;
	_ =	swait.ge @!p0 [sflag:s8], $0x0  }
0x24: {  	s3 =	sadd.s32 $0x88, s3;
	s6 =	simm.s32 @!p1 $0x1082;
	[sflag:s4] =	ssyncset.s32 $0xFFFFF086  }
0x25: {  	[simem:s6], [sflag:s4] =	dma.local [hbm:s3], $0xF7A  }
0x26: {  	[smem:$0x3F97] =	sst s1;
	(tag) =	ssettag s2;
	_ =	strace s9  }
0x27: {  	s1 =	sld [smem:$0x3FA7]  }
0x28: {  	s2 =	sld [smem:$0x3FA8]  }
0x29: {  	s4 =	sld [smem:$0x3FAA]  }
0x2a: {  	p0 =	seq.s32 s5, $0x0;
	s5 =	sld [smem:$0x3FAB]  }
0x2b: {  	s6 =	sld [smem:$0x3FAC]  }
0x2c: {  	s7 =	sld [smem:$0x3FAD]  }
0x2d: {  	s3 =	simm.s32 $0x108;
	s8 =	sld [smem:$0x3FAE]  }
0x2e: {  	s3 =	simm.s32 @!p0 $0x1082;
	s9 =	sld [smem:$0x3FAF]  }
0x2f: {  	lr =	sadd.s32 s0, s3;
	s0 =	sld [smem:$0x3FA6]  }
0x30: {  	s3 =	sld [smem:$0x3FA9]  }
0x31: {  	[smem:$0x3FB2] =	sst s10  }
0x32: {  	s10 =	sld [smem:$0x3FB0];
	_ =	sdelay $0x3  }
0x33: {  	p0 =	seq.s32 s10, $0x1;
	s10 =	sld [smem:$0x3FB2];
	_ =	sdelay $0x3  }
0x34: {  	[smem:$0x3FB2] =	sst s10  }
0x35: {  	s10 =	sld [smem:$0x3FB1];
	_ =	sdelay $0x3  }
0x36: {  	p1 =	seq.s32 s10, $0x1;
	s10 =	sld [smem:$0x3FB2];
	_ =	sdelay $0x3  }
0x37: {  	[smem:$0x3FB2] =	sst s10  }
0x38: {  	s10 =	sld [smem:$0x3FB3]  }
0x39: {  	_ = 	snop;
	(pc) =	sbr.ind lr, $3  }
0x3a: {  	_ = 	snop  }
0x3b: {  	_ = 	snop  }
0x3c: {  	p2 =	seq.s32 s10, $0x1;
	s10 =	sld [smem:$0x3FB2]  }
0x3d: {  	_ =	shalt  }
0x3e: {  	_ =	shalt  }
0x3f: {  	_ =	shalt  }
0x40: {  	_ =	shalt  }
0x41: {  	_ =	shalt  }
0x42: {  	_ =	shalt  }
0x43: {  	_ =	shalt  }
0x44: {  	_ =	shalt  }
0x45: {  	_ =	shalt  }
0x46: {  	_ =	shalt  }
0x47: {  	_ =	shalt  }
0x48: {  	_ =	shalt  }
0x49: {  	_ =	shalt  }
0x4a: {  	_ =	shalt  }
0x4b: {  	_ =	shalt  }
0x4c: {  	_ =	shalt  }
0x4d: {  	_ =	shalt  }
0x4e: {  	_ =	shalt  }
0x4f: {  	_ =	shalt  }
0x50: {  	_ =	shalt  }
0x51: {  	_ =	shalt  }
0x52: {  	_ =	shalt  }
0x53: {  	_ =	shalt  }
0x54: {  	_ =	shalt  }
0x55: {  	_ =	shalt  }
0x56: {  	_ =	shalt  }
0x57: {  	_ =	shalt  }
0x58: {  	_ =	shalt  }
0x59: {  	_ =	shalt  }
0x5a: {  	_ =	shalt  }
0x5b: {  	_ =	shalt  }
0x5c: {  	_ =	shalt  }
0x5d: {  	_ =	shalt  }
0x5e: {  	_ =	shalt  }
0x5f: {  	_ =	shalt  }
0x60: {  	_ =	shalt  }
0x61: {  	_ =	shalt  }
0x62: {  	_ =	shalt  }
0x63: {  	_ =	shalt  }
0x64: {  	_ =	shalt  }
0x65: {  	_ =	shalt  }
0x66: {  	_ =	shalt  }
0x67: {  	_ =	shalt  }
0x68: {  	_ =	shalt  }
0x69: {  	_ =	shalt  }
0x6a: {  	_ =	shalt  }
0x6b: {  	_ =	shalt  }
0x6c: {  	_ =	shalt  }
0x6d: {  	_ =	shalt  }
0x6e: {  	_ =	shalt  }
0x6f: {  	_ =	shalt  }
0x70: {  	_ =	shalt  }
0x71: {  	_ =	shalt  }
0x72: {  	_ =	shalt  }
0x73: {  	_ =	shalt  }
0x74: {  	_ =	shalt  }
0x75: {  	_ =	shalt  }
0x76: {  	_ =	shalt  }
0x77: {  	_ =	shalt  }
0x78: {  	_ =	shalt  }
0x79: {  	_ =	shalt  }
0x7a: {  	_ =	shalt  }
0x7b: {  	_ =	shalt  }
0x7c: {  	_ =	shalt  }
0x7d: {  	_ =	shalt  }
0x7e: {  	_ =	shalt  }
0x7f: {  	_ =	shalt  }
0x80: {  	_ =	shalt  }
0x81: {  	_ =	shalt  }
0x82: {  	_ =	shalt  }
0x83: {  	_ =	shalt  }
0x84: {  	_ =	shalt  }
0x85: {  	_ =	shalt  }
0x86: {  	_ =	shalt  }
0x87: {  	_ =	shalt  }
.Lfunc_end0:
.L_simem_size_0:
called_computation.1_lowered:
.L_overlay_start_0:
0x88: {  	s2 =	sld [smem:$0x3FD9]  }
0x89: {  	s3 =	sld [smem:$0x3FFE];
	_ =	sdelay $0x1  }
0x8a: {  	s1 =	srdreg.scid  }
0x8b: {  	s0 =	sand.u32 $0x1, s1  }
0x8c: {  	s17 =	sshll.u32 s0, $0xA;
	s2 =	sadd.s32 s3, s2  }
0x8d: {  	s2 =	sadd.s32 s2, s17  }
0x8e: {  	[smem:$0x3FBE] =	sst s2  }
0x8f: {  	_ = 	snop  }
0x90: {  	s2 =	sld [smem:$0x3FD0];
	(tm) =	ssettm $0x1  }
0x91: {  	s18 =	sld [smem:$0x3FFB];
	_ =	sdelay $0x3  }
0x92: {  	_ =	strace s18  }
0x93: {  	s3 =	sld [smem:$0x3FFC];
	_ =	sdelay $0x3  }
0x94: {  	_ =	strace s3  }
0x95: {  	s3 =	sld [smem:$0x3FFD];
	_ =	sdelay $0x3  }
0x96: {  	_ =	strace s3  }
0x97: {  	_ =	strace $0x8FFFFFFF  }
0x98: {  	s19 =	sld [smem:$0x3FDB];
	_ =	sdelay $0x1  }
0x99: {  	s4 =	simm.s32 $_scs_section_size  }
0x9a: {  	s5 =	simm.s32 $_size__tile_overlayer_lowered;
	s6 =	simm.s32 $_tile_overlayer_lowered  }
0x9b: {  	s22 =	simm.s32 $0x1BFF;
	s21 =	sshll.u32 s6, $0x1;
	s3 =	sadd.s32 s4, s19  }
0x9c: {  	s7 =	simm.s32 $0x0;
	s20 =	sshll.u32 s5, $0x1;
	s5 =	sadd.s32 s21, s3  }
0x9d: {  	[timem:s7], [sflag:s22] =	dma.local [hbm:s5], s20  }
0x9e: {  	_ =	swait.ge [sflag:s22], s20  }
0x9f: {  	s4 =	ssub.s32 $0x0, s20;
	[sflag:s22] =	ssyncset.done $0x0  }
0xa0: {  	[sflag:s22] =	ssyncadd.s32 s4;
	_ =	sdelay $0x1  }
0xa1: {  	s23 =	simm.s32 $0x1B8B  }
0xa2: {  	_ =	swait.ge [sflag:s23], $0x1  }
0xa3: {  	[sflag:s23] =	ssyncset.done $0x0  }
0xa4: {  	s25 =	simm.s32 $0x1B8E;
	s24 =	sld [smem:$0x3FFE];
	[sflag:s23] =	ssyncadd.s32 $0xFFFFFFFF  }
0xa5: {  	s26 =	simm.s32 $execute0_lowered;
	[smem:$0x3FD2] =	sst s25  }
0xa6: {  	s5 =	sshll.u32 s26, $0x1;
	_ =	strace $0x80000049;
	[dreg:$0x1] =	wrdreg $0xFFFFFFFF  }
0xa7: {  	s28 =	simm.s32 $_size_execute0_lowered;
	s3 =	sadd.s32 s3, s5;
	[dreg:$0x0] =	wrdreg $0x0  }
0xa8: {  	s5 =	sshll.u32 s28, $0x1;
	[dreg:$0x2] =	wrdreg s3  }
0xa9: {  	[dreg:$0x3] =	wrdreg s5  }
0xaa: {  	[dreg:$0x4] =	wrdreg $0xC0  }
0xab: {  	_ =	task [dreg:s7], $0x5FFFF  }
0xac: {  	[dreg:$0x1] =	wrdreg $0xFFFFFFFF  }
0xad: {  	[dreg:$0x0] =	wrdreg $0x60  }
0xae: {  	[dreg:$0x2] =	wrdreg s24  }
0xaf: {  	[dreg:$0x3] =	wrdreg s2  }
0xb0: {  	[dreg:$0x4] =	wrdreg $0x14E200  }
0xb1: {  	[dreg:$0x5] =	wrdreg $0x9  }
0xb2: {  	_ =	task.clear_ibuf [dreg:s7], $0x6FFFF;
	_ =	strace $0x90000049  }
0xb3: {  	s29 =	simm.s32 $0x9;
	_ =	strace $0x8000004B  }
0xb4: {  	_ =	swait.ge [sflag:s29], $0x1  }
0xb5: {  	[sflag:s29] =	ssyncadd.s32 $0xFFFFFFFF  }
0xb6: {  	_ =	strace $0x9000004B  }
0xb7: {  	_ =	sfence  }
0xb8: {  	s30 =	sld [smem:$0x0];
	_ =	sdelay $0x2  }
0xb9: {  	s31 =	sshll.u32 s1, $0xD;
	s1 =	sshrl.u32 s1, $0x2  }
0xba: {  	s3 =	sand.u32 $0x4000, s31;
	s1 =	sadd.s32 s1, s30  }
0xbb: {  	s0 =	sor.u32 s3, s0;
	s1 =	sshll.u32 s1, $0x11  }
0xbc: {  	s0 =	sor.u32 s1, s0  }
0xbd: {  	s0 =	sadd.s32 $0x8F2B, s0  }
0xbe: {  	[sflag:s0] =	ssyncadd.remote.s32 $0x1  }
0xbf: {  	_ =	sfence.sel $0xFFFF  }
0xc0: {  	[dreg:$0x0] =	wrdreg $0xFFFFFFFF;
	(pc) =	sbr.abs _section_cstart, $3  }
0xc1: {  	[dreg:$0x1] =	wrdreg $0xFFFFFFFF  }
0xc2: {  	_ =	task.clear_ibuf [dreg:s7], $0x2FFFF;
	_ =	strace $0x9FFFFFFF  }
0xc3: {  	(tm) =	ssettm $0x7FFFFFFF  }
tec
execute0_lowered:
.L_overlay_start_1:
0x0: {  	(tag) =	ssettag $0x1  }
0x1: {  	s0 =	rddreg [dreg:$0x0]  }
0x2: {  	s11 =	rddreg [dreg:$0x1]  }
0x3: {  	s1 =	srdreg.scid;
	s10 =	stileid.u32  }
0x4: {  	s3 =	rddreg [dreg:$0x2];
	s5 =	simm.s32 $0x0;
	s28 =	simm.s32 $0x300  }
0x5: {  	s14 =	simm.s32 $0x2;
	s15 =	simm.s32 $0x4;
	s2 =	smul.u32 $0xB1C0, s10  }
0x6: {  	s16 =	simm.s32 $0x105D0;
	s1 =	sand.u32 $0x1, s1;
	s8 =	smul.u32 $0x2C700, s10  }
0x7: {  	[smem:$0x7FF] =	sst s5;
	s5 =	sadd.s32 $0xBC00, s0;
	s6 =	sadd.s32 $0x24400, s0  }
0x8: {  	s7 =	sadd.s32 $0x1C00, s0;
	s10 =	sshll.u32 s10, $0x1;
	s8 =	sshrl.u32 s8, $0x2  }
0x9: {  	s4 =	smul.u32 $0xB1C00, s1;
	s12 =	sadd.s32 s2, s3;
	s8 =	sadd.s32 s8, s3  }
0xa: {  	_ =	strace $0x8000004A;
	[dreg:$0x4] =	wrdreg s12;
	s20 =	sadd.s32 $0x1638, s8  }
0xb: {  	s19 =	ssub.s32 $0x2, s1;
	s21 =	sadd.s32 $0x2C70, s8;
	[dreg:$0x5] =	wrdreg s20  }
0xc: {  	s1 =	sor.u32 s1, s10;
	s22 =	sadd.s32 $0x42A8, s8;
	[dreg:$0x6] =	wrdreg s21  }
0xd: {  	s10 =	simm.s32 $0x3;
	s23 =	sadd.s32 $0x58E0, s8;
	[dreg:$0x7] =	wrdreg s22  }
0xe: {  	s9 =	sshrl.u32 s19, $0x1;
	s25 =	sadd.s32 $0x6F18, s8;
	[dreg:$0x8] =	wrdreg s23  }
0xf: {  	s24 =	smul.u32 $0x500, s1;
	s26 =	sadd.s32 $0x8550, s8;
	[dreg:$0x9] =	wrdreg s25  }
0x10: {  	s1 =	smul.u32 $0x50, s1;
	s8 =	sadd.s32 $0x9B88, s8;
	[dreg:$0xa] =	wrdreg s26  }
0x11: {  	s4 =	sadd.s32 s2, s4;
	s29 =	sadd.s32 s11, s24;
	[dreg:$0xb] =	wrdreg s8  }
0x12: {  	s4 =	sshrl.u32 s4, $0x3;
	s2 =	sadd.s32 s7, s24;
	[dreg:$0xc] =	wrdreg s29  }
0x13: {  	s30 =	sor.u32 $0x2, s1;
	s1 =	sor.u32 $0x4, s1;
	[dreg:$0xd] =	wrdreg s2  }
0x14: {  	s0 =	sadd.s32 s4, s0;
	s4 =	ssub.s32 s19, s9;
	[dreg:$0xe] =	wrdreg s30  }
0x15: {  	s19 =	smov.u32 s11;
	[dreg:$0xf] =	wrdreg s1;
	s22 =	simm.s32 $0xBF80  }
0x16: {  	s23 =	simm.s32 $0x7;
	s25 =	simm.s32 $0x7D;
	s0 =	sadd.s32 $0x29400, s0  }
0x17: {  	v1 =	vlaneseq.u32;
	s26 =	simm.s32 $0x100;
	s31 =	smax.u32 s4, $0x1;
	[dreg:$0x10] =	wrdreg s0  }
0x18: {  	v0 =	vimm.f32 $0.0e+00;
	v2 =	vimm.s32 $0x0;
	v1 =	vand.u32 $0x7, v1;
	s9 =	simm.s32 $0x1;
	s1 =	simm.s32 $0x0;
	[dreg:$0x11] =	wrdreg s31  }
.LBB2_1:
0x19: {  	s0 =	simm.s32 $0x0  }
0x1a: {  	[dreg:$0x12] =	wrdreg s1;
	s1 =	simm.s32 $0x120;
	[tilespmem:s0+$0xBFA0] =	vst v0  }
.LBB2_2:
0x1b: {  	p0 =	sne.s32 s1, $0x57C0;
	[tilespmem:s0+$0xBF90] =	vst v0;
	s2 =	smov.u32 s1;
	s1 =	sadd.s32 $0x120, s1  }
.Ltmp0:
0x1c: {  	[tilespmem:s0+$0xBFB0] =	vst v0;
	(pc) =	sbr.rel @p0 .LBB2_2-.Ltmp0, $4  }
0x1d: {  	[tilespmem:s0+$0xBFB8] =	vst v0  }
0x1e: {  	[tilespmem:s0+$0xBF80] =	vst v0  }
0x1f: {  	s0 =	sshra.s32 s2, $0x2  }
0x20: {  	[tilespmem:s0+$0xBFA0] =	vst v0  }
0x21: {  	[tilespmem:s0+$0xBF90] =	vst v0  }
0x22: {  	[tilespmem:s0+$0xBFB0] =	vst v0  }
0x23: {  	[tilespmem:s0+$0xBF80] =	vst v0  }
0x24: {  	[tilespmem:s0+$0xBFB8] =	vst v0  }
0x25: {  	[spmem:s12] =	stream.linear.scatter [tilespmem:s22], [sflag:$0x7], $0x1638, $0x38;
	v63 =	vld [tilespmem:$0x0]  }
0x26: {  	_ =	swait.ge [sflag:s23], $0x1638  }
0x27: {  	[sflag:s23] =	ssyncset.done $0x0  }
0x28: {  	s31 =	rddreg [dreg:$0x5];
	[sflag:s23] =	ssyncadd.s32 $0xFFFFE9C8  }
0x29: {  	[spmem:s31] =	stream.linear.scatter [tilespmem:s22], [sflag:$0x7], $0x1638, $0x38;
	v63 =	vld [tilespmem:$0x0]  }
0x2a: {  	_ =	swait.ge [sflag:s23], $0x1638  }
0x2b: {  	[sflag:s23] =	ssyncset.done $0x0  }
0x2c: {  	s1 =	rddreg [dreg:$0x6];
	[sflag:s23] =	ssyncadd.s32 $0xFFFFE9C8  }
0x2d: {  	[spmem:s1] =	stream.linear.scatter [tilespmem:s22], [sflag:$0x7], $0x1638, $0x38;
	v63 =	vld [tilespmem:$0x0]  }
0x2e: {  	_ =	swait.ge [sflag:s23], $0x1638  }
0x2f: {  	[sflag:s23] =	ssyncset.done $0x0  }
0x30: {  	s2 =	rddreg [dreg:$0x7];
	[sflag:s23] =	ssyncadd.s32 $0xFFFFE9C8  }
0x31: {  	[spmem:s2] =	stream.linear.scatter [tilespmem:s22], [sflag:$0x7], $0x1638, $0x38;
	v63 =	vld [tilespmem:$0x0]  }
0x32: {  	_ =	swait.ge [sflag:s23], $0x1638  }
0x33: {  	[sflag:s23] =	ssyncset.done $0x0  }
0x34: {  	s4 =	rddreg [dreg:$0x8];
	[sflag:s23] =	ssyncadd.s32 $0xFFFFE9C8  }
0x35: {  	[spmem:s4] =	stream.linear.scatter [tilespmem:s22], [sflag:$0x7], $0x1638, $0x38;
	v63 =	vld [tilespmem:$0x0]  }
0x36: {  	_ =	swait.ge [sflag:s23], $0x1638  }
0x37: {  	[sflag:s23] =	ssyncset.done $0x0  }
0x38: {  	s8 =	rddreg [dreg:$0x9];
	[sflag:s23] =	ssyncadd.s32 $0xFFFFE9C8  }
0x39: {  	[spmem:s8] =	stream.linear.scatter [tilespmem:s22], [sflag:$0x7], $0x1638, $0x38;
	v63 =	vld [tilespmem:$0x0]  }
0x3a: {  	_ =	swait.ge [sflag:s23], $0x1638  }
0x3b: {  	[sflag:s23] =	ssyncset.done $0x0  }
0x3c: {  	s11 =	rddreg [dreg:$0xa];
	[sflag:s23] =	ssyncadd.s32 $0xFFFFE9C8  }
0x3d: {  	[spmem:s11] =	stream.linear.scatter [tilespmem:s22], [sflag:$0x7], $0x1638, $0x38;
	v63 =	vld [tilespmem:$0x0]  }
0x3e: {  	_ =	swait.ge [sflag:s23], $0x1638  }
0x3f: {  	[sflag:s23] =	ssyncset.done $0x0  }
0x40: {  	s12 =	rddreg [dreg:$0xb];
	[sflag:s23] =	ssyncadd.s32 $0xFFFFE9C8  }
0x41: {  	[spmem:s12] =	stream.linear.scatter [tilespmem:s22], [sflag:$0x7], $0x1638, $0x38;
	v63 =	vld [tilespmem:$0x0]  }
0x42: {  	_ =	swait.ge [sflag:s23], $0x1638  }
0x43: {  	[sflag:s23] =	ssyncset.done $0x0  }
0x44: {  	[sflag:s23] =	ssyncadd.s32 $0xFFFFE9C8  }
0x45: {  	[bflag:$0x0] =	sbarrier.arrive $0xFFFF  }
0x46: {  	s2 =	simm.s32 $0x0;
	s13 =	rddreg [dreg:$0xc]  }
0x47: {  	[tilespmem:s2], [sflag:$0x7] =	stream.linear.gather [hbm4b:s13+s2], $0x100, $0x38;
	v63 =	vld [tilespmem:$0x0]  }
0x48: {  	_ =	swait.ge [sflag:s23], $0x100  }
0x49: {  	[sflag:s23] =	ssyncset.done $0x0  }
0x4a: {  	s1 =	simm.s32 $0x200;
	s17 =	rddreg [dreg:$0xd];
	[sflag:s23] =	ssyncadd.s32 $0xFFFFFF00  }
0x4b: {  	[tilespmem:s1], [sflag:$0x7] =	stream.linear.gather [hbm4b:s17+s2], $0x100, $0x38;
	v63 =	vld [tilespmem:$0x0]  }
0x4c: {  	_ =	swait.ge [sflag:s23], $0x100  }
0x4d: {  	[sflag:s23] =	ssyncset.done $0x0  }
0x4e: {  	s18 =	simm.s32 $0x400;
	[sflag:s23] =	ssyncadd.s32 $0xFFFFFF00  }
0x4f: {  	[tilespmem:s18], [sflag:$0x1] =	stream.indirect.gather [hbm4b:s5+s25], $0x50, s2, s25, $0xb8;
	v63 =	vld [tilespmem:$0x0]  }
0x50: {  	s20 =	simm.s32 $0xA040  }
0x51: {  	[tilespmem:s20], [sflag:$0x3] =	stream.indirect.gather [hbm4b:s6+s25], $0x10, s1, s25, $0xb8;
	v63 =	vld [tilespmem:$0x0]  }
0x52: {  	s21 =	simm.s32 $0x80;
	s24 =	simm.s32 $0x2B10  }
0x53: {  	[tilespmem:s24], [sflag:$0x1] =	stream.indirect.gather [hbm4b:s5+s25], $0x50, s21, s25, $0xb8;
	v63 =	vld [tilespmem:$0x0]  }
0x54: {  	s30 =	simm.s32 $0x280;
	s29 =	simm.s32 $0x0;
	s31 =	simm.s32 $0xA810  }
0x55: {  	[tilespmem:s31], [sflag:$0x3] =	stream.indirect.gather [hbm4b:s6+s25], $0x10, s30, s25, $0xb8;
	v63 =	vld [tilespmem:$0x0]  }
.LBB2_4:
0x56: {  	s30 =	sshll.u32 s29, $0x2;
	s0 =	rddreg [dreg:$0xe]  }
0x57: {  	s0 =	sadd.s32 s30, s0  }
0x58: {  	s0 =	sshll.u32 s0, $0x4  }
0x59: {  	s0 =	sand.u32 $0x1FFFFFE0, s0  }
0x5a: {  	s2 =	simm.s32 $0x0;
	s1 =	sadd.s32 s19, s0  }
0x5b: {  	[tilespmem:s26], [sflag:$0x7] =	stream.linear.gather [hbm4b:s1+s2], $0x100, $0x38;
	v63 =	vld [tilespmem:$0x0]  }
0x5c: {  	_ =	swait.ge [sflag:s23], $0x100  }
0x5d: {  	[sflag:s23] =	ssyncset.done $0x0  }
0x5e: {  	s0 =	sadd.s32 s7, s0;
	[sflag:s23] =	ssyncadd.s32 $0xFFFFFF00  }
0x5f: {  	[tilespmem:s28], [sflag:$0x7] =	stream.linear.gather [hbm4b:s0+s2], $0x100, $0x38;
	v63 =	vld [tilespmem:$0x0]  }
0x60: {  	_ =	swait.ge [sflag:s23], $0x100  }
0x61: {  	[sflag:s23] =	ssyncset.done $0x0  }
0x62: {  	s24 =	simm.s32 $0x5220;
	[sflag:s23] =	ssyncadd.s32 $0xFFFFFF00  }
0x63: {  	[tilespmem:s24], [sflag:$0x2] =	stream.indirect.gather [hbm4b:s5+s25], $0x50, s26, s25, $0xb8;
	v63 =	vld [tilespmem:$0x0]  }
0x64: {  	s1 =	simm.s32 $0xAFE0  }
0x65: {  	[tilespmem:s1], [sflag:$0x4] =	stream.indirect.gather [hbm4b:s6+s25], $0x10, s28, s25, $0xb8;
	v63 =	vld [tilespmem:$0x0]  }
0x66: {  	s4 =	simm.s32 $0x7930;
	s2 =	simm.s32 $0x180  }
0x67: {  	[tilespmem:s4], [sflag:$0x2] =	stream.indirect.gather [hbm4b:s5+s25], $0x50, s2, s25, $0xb8;
	v63 =	vld [tilespmem:$0x0]  }
0x68: {  	s8 =	simm.s32 $0x380;
	s11 =	simm.s32 $0xB7B0  }
0x69: {  	[tilespmem:s11], [sflag:$0x4] =	stream.indirect.gather [hbm4b:s6+s25], $0x10, s8, s25, $0xb8;
	v63 =	vld [tilespmem:$0x0]  }
0x6a: {  	_ =	swait.ge [sflag:s9], $0x2710  }
0x6b: {  	[sflag:s9] =	ssyncset.done $0x0  }
0x6c: {  	[sflag:s9] =	ssyncadd.s32 $0xFFFFD8F0  }
0x6d: {  	_ =	swait.ge [sflag:s10], $0x7D0  }
0x6e: {  	[sflag:s10] =	ssyncset.done $0x0  }
0x6f: {  	[sflag:s10] =	ssyncadd.s32 $0xFFFFF830  }
0x70: {  	_ =	swait.ge [sflag:s9], $0x2710  }
0x71: {  	[sflag:s9] =	ssyncset.done $0x0  }
0x72: {  	[sflag:s9] =	ssyncadd.s32 $0xFFFFD8F0  }
0x73: {  	_ =	swait.ge [sflag:s10], $0x7D0  }
0x74: {  	p0 =	seq.s32 s29, $0x0;
	[sflag:s10] =	ssyncset.done $0x0  }
0x75: {  	s0 =	simm.s32 @!p0 $0x5;
	[sflag:s10] =	ssyncadd.s32 $0xFFFFF830  }
0x76: {  	_ =	swait.ge @!p0 [sflag:s0], $0x2328  }
0x77: {  	[sflag:s0] =	ssyncset.done @!p0 $0x0  }
0x78: {  	[sflag:s0] =	ssyncadd.s32 @!p0 $0xFFFFDCD8  }
0x79: {  	_ =	swait.ge @!p0 [sflag:s0], $0x2328  }
0x7a: {  	[sflag:s0] =	ssyncset.done @!p0 $0x0  }
0x7b: {  	s20 =	simm.s32 $0x4A0;
	[sflag:s0] =	ssyncadd.s32 @!p0 $0xFFFFDCD8  }
0x7c: {  	s12 =	simm.s32 $0xA060;
	v3 =	vld [tilespmem:s20+$0x90]  }
0x7d: {  	v4 =	vld [tilespmem:s12+$0x10];
	_ =	sdelay $0x4  }
0x7e: {  	v3 =	vadd.f32 v4, v3  }
0x7f: {  	v6 =	vld [tilespmem:s20+$0xFFFFFFF0]  }
0x80: {  	v7 =	vld [tilespmem:s12+$0xFFFFFFF0];
	v5 =	vmul.f32 $2.000000030e-01, v3  }
0x81: {  	v8 =	vld [tilespmem:s12+$0x0]  }
0x82: {  	v10 =	vld [tilespmem:s20+$0xFFFFFFA0];
	v3 =	vmax.f32 v3, v5  }
0x83: {  	s13 =	simm.s32 $0x3;
	v5 =	vld [tilespmem:s20+$0x40];
	v3 =	vmul.f32 $1.442695020e+00, v3  }
0x84: {  	v9 =	vmov s13;
	v4 =	vld [tilespmem:s12+$0xFFFFFFE0]  }
0x85: {  	v9 =	vmul.u32 $0x48, v9;
	(erf) = vpow2.f32 v3  }
0x86: {  	s31 =	simm.s32 $0x5E0  }
0x87: {  	s17 =	simm.s32 $0xA0A0;
	v6 =	vadd.f32 v7, v6;
	v7 =	vld [tilespmem:s31+$0x90];
	v3 =	vadd.s32 $0x40, v9  }
0x88: {  	v3 =	vbroadcast v3, $0x0;
	v5 =	vadd.f32 v8, v5;
	v8 =	vld [tilespmem:s17+$0x10]  }
0x89: {  	v4 =	vadd.f32 v4, v10;
	v9 =	vmul.f32 $2.000000030e-01, v6  }
0x8a: {  	v3 =	vor.u32 v1, v3;
	v10 =	vmul.f32 $2.000000030e-01, v5  }
0x8b: {  	v11 =	vmul.f32 $2.000000030e-01, v4;
	v6 =	vmax.f32 v6, v9  }
0x8c: {  	v6 =	vmul.f32 $1.442695020e+00, v6;
	v5 =	vmax.f32 v5, v10  }
0x8d: {  	s18 =	simm.s32 $0x0;
	v4 =	vmax.f32 v4, v11;
	v5 =	vmul.f32 $1.442695020e+00, v5;
	v7 =	vadd.f32 v8, v7  }
0x8e: {  	s21 =	simm.s32 $0x1;
	v4 =	vmul.f32 $1.442695020e+00, v4;
	v8 =	vmov s18;
	v9 =	vpop (erf);
	(erf) = vpow2.f32 v6  }
0x8f: {  	v13 =	vld [tilespmem:s31+$0x40];
	v6 =	vmul.f32 $2.000000030e-01, v7;
	[tilespmem:v3+s22+$0x0] =	vst.idx.msk $0xff, v9;
	v3 =	vmov s21;
	(erf) = vpow2.f32 v5  }
0x90: {  	s2 =	simm.s32 $0x7;
	v11 =	vld [tilespmem:s31+$0xFFFFFFF0];
	v8 =	vmul.u32 $0x48, v8;
	v3 =	vmul.u32 $0x48, v3;
	(erf) = vpow2.f32 v4  }
0x91: {  	v14 =	vmov s2;
	v5 =	vld [tilespmem:s20+$0x50];
	v6 =	vmax.f32 v7, v6  }
0x92: {  	v4 =	vld [tilespmem:s17+$0xFFFFFFE0];
	v7 =	vadd.s32 $0x40, v8;
	v6 =	vmul.f32 $1.442695020e+00, v6;
	v3 =	vadd.s32 $0x40, v3  }
0x93: {  	s24 =	simm.s32 $0x2;
	v14 =	vmul.u32 $0x48, v14;
	v8 =	vld [tilespmem:s17+$0xFFFFFFF0];
	v7 =	vbroadcast v7, $0x0;
	v12 =	vbroadcast v3, $0x0  }
0x94: {  	v10 =	vmov s24;
	v3 =	vperm.xlane v9, v2;
	v9 =	vld [tilespmem:s17+$0x0];
	(erf) = vpow2.f32 v6  }
0x95: {  	v6 =	vmul.u32 $0x48, v10;
	v7 =	vor.u32 v1, v7;
	v10 =	vld [tilespmem:s31+$0xFFFFFFA0]  }
0x96: {  	v14 =	vadd.s32 $0x40, v14;
	v12 =	vor.u32 v1, v12;
	v5 =	vmul.f32 v3, v5  }
0x97: {  	v14 =	vbroadcast v14, $0x0;
	s24 =	simm.s32 $0xC010;
	v6 =	vadd.s32 $0x40, v6;
	v15 =	vpop (erf)  }
0x98: {  	v6 =	vbroadcast v6, $0x0;
	[tilespmem:s24+$0x48] =	vst v5;
	v5 =	vadd.f32 v8, v11;
	v16 =	vpop (erf)  }
0x99: {  	s4 =	simm.s32 $0xA0E0;
	v11 =	vld [tilespmem:s20+$0x60];
	v9 =	vadd.f32 v9, v13;
	v13 =	vor.u32 v1, v14;
	v8 =	vpop (erf)  }
0x9a: {  	s1 =	simm.s32 $0x720;
	v19 =	vld [tilespmem:s4+$0xFFFFFFE0];
	v6 =	vor.u32 v1, v6;
	v4 =	vadd.f32 v4, v10;
	[tilespmem:v7+s22+$0x0] =	vst.idx.msk $0xff, v8;
	v7 =	vmul.f32 $2.000000030e-01, v5  }
0x9b: {  	v20 =	vld [tilespmem:s1+$0xFFFFFFF0];
	[tilespmem:v12+s22+$0x0] =	vst.idx.msk $0xff, v15;
	v12 =	vmul.f32 $2.000000030e-01, v9  }
0x9c: {  	v17 =	vmul.f32 $2.000000030e-01, v4;
	v10 =	vld [tilespmem:s20+$0xFFFFFF60];
	v5 =	vmax.f32 v5, v7  }
0x9d: {  	v7 =	vmax.f32 v9, v12;
	v12 =	vld [tilespmem:s1+$0x90];
	v9 =	vpop (erf);
	v5 =	vmul.f32 $1.442695020e+00, v5  }
0x9e: {  	s8 =	simm.s32 $0x4;
	v4 =	vmax.f32 v4, v17;
	v17 =	vld [tilespmem:s4+$0x10];
	v11 =	vmul.f32 v11, v3;
	v7 =	vmul.f32 $1.442695020e+00, v7;
	[tilespmem:v13+s22+$0x0] =	vst.idx.msk $0xff, v9  }
0x9f: {  	v13 =	vmov s8;
	[tilespmem:v6+s22+$0x0] =	vst.idx.msk $0xff, v16;
	v4 =	vmul.f32 $1.442695020e+00, v4;
	(erf) = vpow2.f32 v5;
	v5 =	vld [tilespmem:s31+$0x50]  }
0xa0: {  	v21 =	vld [tilespmem:s1+$0x40];
	v8 =	vperm.xlane v8, v2;
	v6 =	vmul.u32 $0x48, v13;
	[tilespmem:s24+$0x58] =	vst v11;
	(erf) = vpow2.f32 v7  }
0xa1: {  	s11 =	simm.s32 $0x5;
	v9 =	vperm.xlane v9, v2;
	v18 =	vld [tilespmem:s20+$0x70];
	(erf) = vpow2.f32 v4  }
0xa2: {  	v23 =	vld [tilespmem:s4+$0x0];
	v11 =	vperm.xlane v15, v2;
	v7 =	vmov s11;
	v6 =	vadd.s32 $0x40, v6  }
0xa3: {  	v14 =	vld [tilespmem:s20+$0xFFFFFFB0];
	v10 =	vmul.f32 v8, v10;
	v4 =	vmul.u32 $0x48, v7;
	v12 =	vadd.f32 v17, v12  }
0xa4: {  	s12 =	simm.s32 $0x6;
	v13 =	vld [tilespmem:s20+$0x0];
	v6 =	vbroadcast v6, $0x0;
	v5 =	vmul.f32 v9, v5  }
0xa5: {  	s0 =	simm.s32 $0xC130;
	v15 =	vld [tilespmem:s1+$0xFFFFFFA0];
	v7 =	vmov s12;
	[tilespmem:s24+$0xFFFFFF70] =	vst v10;
	v4 =	vadd.s32 $0x40, v4;
	v22 =	vmul.f32 $2.000000030e-01, v12  }
0xa6: {  	s13 =	simm.s32 $0xB;
	v17 =	vld [tilespmem:s4+$0xFFFFFFF0];
	v6 =	vor.u32 v1, v6;
	v4 =	vbroadcast v4, $0x0;
	v10 =	vmul.f32 v18, v3;
	[tilespmem:s0+$0x48] =	vst v5  }
0xa7: {  	v25 =	vmov s13;
	v7 =	vmul.u32 $0x48, v7;
	v5 =	vld [tilespmem:s31+$0x60]  }
0xa8: {  	v25 =	vmul.u32 $0x48, v25;
	v12 =	vmax.f32 v12, v22;
	v4 =	vor.u32 v1, v4;
	v18 =	vpop (erf)  }
0xa9: {  	v14 =	vmul.f32 v11, v14;
	v7 =	vadd.s32 $0x40, v7;
	v22 =	vmul.f32 $1.442695020e+00, v12;
	v24 =	vpop (erf)  }
0xaa: {  	v15 =	vadd.f32 v19, v15;
	v7 =	vbroadcast v7, $0x0;
	v12 =	vperm.xlane v16, v2;
	v16 =	vld [tilespmem:s20+$0xFFFFFF70];
	[tilespmem:s24+$0x68] =	vst v10;
	v10 =	vpop (erf)  }
0xab: {  	s11 =	simm.s32 $0x860;
	(erf) = vpow2.f32 v22;
	[tilespmem:v6+s22+$0x0] =	vst.idx.msk $0xff, v10;
	v6 =	vadd.f32 v17, v20;
	v17 =	vadd.f32 v23, v21  }
0xac: {  	s4 =	simm.s32 $0xA120;
	v28 =	vld [tilespmem:s11+$0xFFFFFFF0];
	v13 =	vmul.f32 v12, v13;
	v20 =	vadd.s32 $0x40, v25;
	v5 =	vmul.f32 v5, v9  }
0xad: {  	v27 =	vld [tilespmem:s4+$0xFFFFFFE0];
	[tilespmem:v4+s22+$0x0] =	vst.idx.msk $0xff, v18;
	v19 =	vbroadcast v20, $0x0;
	v23 =	vmul.f32 $2.000000030e-01, v17  }
0xae: {  	v29 =	vld [tilespmem:s4+$0xFFFFFFF0];
	v7 =	vor.u32 v1, v7;
	v21 =	vmul.f32 $2.000000030e-01, v6;
	[tilespmem:s0+$0x58] =	vst v5;
	v5 =	vmul.f32 $2.000000030e-01, v15  }
0xaf: {  	v16 =	vmul.f32 v16, v8;
	v4 =	vld [tilespmem:s31+$0xFFFFFF60];
	v19 =	vor.u32 v1, v19;
	v17 =	vmax.f32 v17, v23  }
0xb0: {  	[tilespmem:s24+$0xFFFFFFB8] =	vst v14;
	v6 =	vmax.f32 v6, v21;
	v21 =	vld [tilespmem:s31+$0x70];
	v5 =	vmax.f32 v15, v5;
	v15 =	vmul.f32 $1.442695020e+00, v17  }
0xb1: {  	s17 =	simm.s32 $0x8;
	v30 =	vld [tilespmem:s4+$0x0];
	[tilespmem:s24+$0x0] =	vst v13;
	v6 =	vmul.f32 $1.442695020e+00, v6  }
0xb2: {  	s18 =	simm.s32 $0x9;
	v22 =	vld [tilespmem:s20+$0x80];
	v14 =	vperm.xlane v10, v2;
	[tilespmem:s24+$0xFFFFFF80] =	vst v16;
	v16 =	vmov s17  }
0xb3: {  	v13 =	vld [tilespmem:s20+$0xFFFFFFC0];
	[tilespmem:v7+s22+$0x0] =	vst.idx.msk $0xff, v24;
	v23 =	vmov s18;
	v5 =	vmul.f32 $1.442695020e+00, v5;
	(erf) = vpow2.f32 v6  }
0xb4: {  	v20 =	vld [tilespmem:s31+$0x0];
	v4 =	vmul.f32 v14, v4;
	v6 =	vmul.u32 $0x48, v16;
	(erf) = vpow2.f32 v15;
	v15 =	vpop (erf)  }
0xb5: {  	v16 =	vld [tilespmem:s11+$0x90];
	(erf) = vpow2.f32 v5;
	v5 =	vmul.f32 v21, v9;
	[tilespmem:v19+s22+$0x0] =	vst.idx.msk $0xff, v15;
	v19 =	vmul.u32 $0x48, v23  }
0xb6: {  	s21 =	simm.s32 $0xA;
	[tilespmem:s0+$0xFFFFFF70] =	vst v4;
	v21 =	vld [tilespmem:s4+$0x10];
	v4 =	vadd.s32 $0x40, v6  }
0xb7: {  	v23 =	vmov s21;
	v25 =	vld [tilespmem:s1+$0x50];
	[tilespmem:s0+$0x68] =	vst v5;
	v5 =	vbroadcast v4, $0x0;
	v4 =	vadd.s32 $0x40, v19  }
0xb8: {  	v6 =	vmul.u32 $0x48, v23;
	v23 =	vld [tilespmem:s31+$0xFFFFFF70];
	v26 =	vbroadcast v4, $0x0  }
0xb9: {  	v7 =	vld [tilespmem:s31+$0xFFFFFFB0];
	v4 =	vperm.xlane v18, v2;
	v18 =	vor.u32 v1, v5;
	v5 =	vperm.xlane v24, v2  }
0xba: {  	v10 =	vld [tilespmem:s20+$0x10];
	v13 =	vmul.f32 v13, v11;
	v15 =	vperm.xlane v15, v2;
	v6 =	vadd.s32 $0x40, v6  }
0xbb: {  	v17 =	vld [tilespmem:s20+$0xFFFFFF80];
	v6 =	vbroadcast v6, $0x0;
	v16 =	vadd.f32 v21, v16;
	v20 =	vmul.f32 v5, v20  }
0xbc: {  	s18 =	simm.s32 $0xA160;
	[tilespmem:s24+$0xFFFFFFC8] =	vst v13;
	v21 =	vmul.f32 v22, v3;
	v22 =	vld [tilespmem:s11+$0x40];
	v26 =	vor.u32 v1, v26;
	v25 =	vmul.f32 v15, v25  }
0xbd: {  	s8 =	simm.s32 $0xC;
	s12 =	simm.s32 $0xC250;
	v36 =	vld [tilespmem:s18+$0x0];
	v23 =	vmul.f32 v23, v14;
	[tilespmem:s0+$0x0] =	vst v20  }
0xbe: {  	v13 =	vmov s8;
	v19 =	vld [tilespmem:s31+$0x80];
	v7 =	vmul.f32 v4, v7;
	v3 =	vor.u32 v1, v6;
	[tilespmem:s12+$0x48] =	vst v25  }
0xbf: {  	v13 =	vmul.u32 $0x48, v13;
	v6 =	vpop (erf);
	v25 =	vmul.f32 $2.000000030e-01, v16;
	[tilespmem:s0+$0xFFFFFF80] =	vst v23;
	v23 =	vld [tilespmem:s31+$0x10]  }
0xc0: {  	v10 =	vmul.f32 v10, v12;
	v17 =	vmul.f32 v17, v8;
	[tilespmem:s0+$0xFFFFFFB8] =	vst v7;
	v24 =	vpop (erf);
	v32 =	vld [tilespmem:s1+$0x60]  }
0xc1: {  	s4 =	simm.s32 $0xF;
	v13 =	vadd.s32 $0x40, v13;
	v20 =	vadd.f32 v30, v22;
	v22 =	vld [tilespmem:s31+$0xFFFFFFC0];
	v31 =	vpop (erf);
	v16 =	vmax.f32 v16, v25;
	[tilespmem:v26+s22+$0x0] =	vst.idx.msk $0xff, v6  }
0xc2: {  	v26 =	vadd.f32 v29, v28;
	v29 =	vmov s4;
	[tilespmem:v18+s22+$0x0] =	vst.idx.msk $0xff, v31;
	v18 =	vld [tilespmem:s11+$0xFFFFFFA0];
	v16 =	vmul.f32 $1.442695020e+00, v16  }
0xc3: {  	v13 =	vbroadcast v13, $0x0;
	[tilespmem:v3+s22+$0x0] =	vst.idx.msk $0xff, v24;
	v28 =	vld [tilespmem:s1+$0xFFFFFFB0];
	v3 =	vperm.xlane v6, v2;
	v6 =	vmul.u32 $0x48, v29  }
0xc4: {  	v9 =	vmul.f32 v19, v9;
	v25 =	vld [tilespmem:s1+$0xFFFFFF60];
	(erf) = vpow2.f32 v16  }
0xc5: {  	v33 =	vld [tilespmem:s1+$0x0];
	v16 =	vmul.f32 $2.000000030e-01, v26;
	v6 =	vadd.s32 $0x40, v6;
	v29 =	vmul.f32 v32, v15  }
0xc6: {  	[tilespmem:s24+$0x78] =	vst v21;
	v21 =	vmul.f32 v23, v5;
	v23 =	vld [tilespmem:s18+$0xFFFFFFF0];
	v6 =	vbroadcast v6, $0x0  }
0xc7: {  	v16 =	vmax.f32 v26, v16;
	v26 =	vld [tilespmem:s31+$0xFFFFFF80];
	v18 =	vadd.f32 v27, v18;
	v27 =	vmul.f32 $2.000000030e-01, v20;
	[tilespmem:s12+$0x58] =	vst v29  }
0xc8: {  	[tilespmem:s24+$0x10] =	vst v10;
	v7 =	vperm.xlane v31, v2;
	v16 =	vmul.f32 $1.442695020e+00, v16;
	v30 =	vld [tilespmem:s1+$0x70]  }
0xc9: {  	s13 =	simm.s32 $0xD;
	[tilespmem:s24+$0xFFFFFF90] =	vst v17;
	v29 =	vmul.f32 $2.000000030e-01, v18;
	v10 =	vmax.f32 v20, v27;
	v20 =	vld [tilespmem:s20+$0xFFFFFFD0];
	v27 =	vor.u32 v1, v6  }
0xca: {  	s8 =	simm.s32 $0x11;
	v6 =	vmul.f32 v7, v25;
	v25 =	vmov s13;
	(erf) = vpow2.f32 v16;
	v16 =	vld [tilespmem:s20+$0xFFFFFF90];
	s13 =	simm.s32 $0x9A0  }
0xcb: {  	v54 =	vmov s8;
	v22 =	vmul.f32 v22, v4;
	v10 =	vmul.f32 $1.442695020e+00, v10;
	v34 =	vld [tilespmem:s13+$0xFFFFFFF0]  }
0xcc: {  	s17 =	simm.s32 $0xE;
	v28 =	vmul.f32 v3, v28;
	v25 =	vmul.u32 $0x48, v25;
	v17 =	vmax.f32 v18, v29;
	v18 =	vld [tilespmem:s20+$0x20];
	[tilespmem:s12+$0xFFFFFF70] =	vst v6  }
0xcd: {  	v6 =	vmov s17;
	v17 =	vmul.f32 $1.442695020e+00, v17;
	(erf) = vpow2.f32 v10;
	v10 =	vld [tilespmem:s1+$0xFFFFFF70]  }
0xce: {  	[tilespmem:s0+$0x78] =	vst v9;
	v26 =	vmul.f32 v26, v14;
	v29 =	vmul.u32 $0x48, v6;
	v6 =	vperm.xlane v24, v2;
	v24 =	vld [tilespmem:s18+$0x10];
	v31 =	vpop (erf)  }
0xcf: {  	v19 =	vadd.s32 $0x40, v25;
	v30 =	vmul.f32 v30, v15;
	(erf) = vpow2.f32 v17;
	v17 =	vld [tilespmem:s13+$0x90];
	[tilespmem:v27+s22+$0x0] =	vst.idx.msk $0xff, v31  }
0xd0: {  	v53 =	vor.u32 v1, v13;
	[tilespmem:s0+$0x10] =	vst v21;
	v19 =	vbroadcast v19, $0x0;
	v20 =	vmul.f32 v20, v11;
	v27 =	vld [tilespmem:s11+$0x50]  }
0xd1: {  	[tilespmem:s12+$0xFFFFFFB8] =	vst v28;
	v25 =	vadd.s32 $0x40, v29;
	v16 =	vmul.f32 v16, v8;
	v13 =	vperm.xlane v31, v2;
	v31 =	vld [tilespmem:s13+$0x40]  }
0xd2: {  	s21 =	simm.s32 $0x10;
	[tilespmem:s12+$0x68] =	vst v30;
	v25 =	vbroadcast v25, $0x0;
	v30 =	vmul.f32 v6, v33;
	v19 =	vor.u32 v1, v19  }
0xd3: {  	[tilespmem:s0+$0xFFFFFF90] =	vst v26;
	v23 =	vadd.f32 v23, v34;
	v29 =	vld [tilespmem:s1+$0x80];
	v28 =	vmul.f32 v10, v7;
	v10 =	vmov s21  }
0xd4: {  	v18 =	vmul.f32 v18, v12;
	[tilespmem:s24+$0xFFFFFFD8] =	vst v20;
	v25 =	vor.u32 v1, v25;
	s21 =	simm.s32 $0x12;
	v37 =	vmul.u32 $0x48, v10  }
0xd5: {  	v52 =	vld [tilespmem:s18+$0xFFFFFFE0];
	s18 =	simm.s32 $0x13;
	[tilespmem:s12+$0x0] =	vst v30;
	v21 =	vmov s21;
	v17 =	vadd.f32 v24, v17;
	v27 =	vmul.f32 v13, v27  }
0xd6: {  	s17 =	simm.s32 $0xC370;
	v8 =	vpop (erf);
	[tilespmem:s24+$0x20] =	vst v18;
	v24 =	vld [tilespmem:s13+$0xFFFFFFA0];
	v30 =	vadd.f32 v36, v31;
	v31 =	vmov s18;
	v20 =	vmul.u32 $0x48, v21  }
0xd7: {  	v59 =	vld [tilespmem:s31+$0x20];
	v9 =	vperm.xlane v8, v2;
	v31 =	vmul.u32 $0x48, v31;
	[tilespmem:s17+$0x48] =	vst v27;
	v27 =	vmul.f32 $2.000000030e-01, v17  }
0xd8: {  	[tilespmem:v19+s22+$0x0] =	vst.idx.msk $0xff, v8;
	v35 =	vpop (erf);
	v15 =	vmul.f32 v29, v15;
	v57 =	vmul.f32 $2.000000030e-01, v30;
	v20 =	vadd.s32 $0x40, v20;
	v29 =	vld [tilespmem:s11+$0x60]  }
0xd9: {  	v56 =	vld [tilespmem:s1+$0xFFFFFFC0];
	v8 =	vperm.xlane v35, v2;
	[tilespmem:v25+s22+$0x0] =	vst.idx.msk $0xff, v35;
	v26 =	vadd.s32 $0x40, v31;
	v17 =	vmax.f32 v17, v27  }
0xda: {  	v60 =	vld [tilespmem:s20+$0x30];
	v20 =	vbroadcast v20, $0x0;
	v19 =	vpop (erf);
	[tilespmem:s12+$0x78] =	vst v15;
	v15 =	vadd.s32 $0x40, v37;
	v17 =	vmul.f32 $1.442695020e+00, v17  }
0xdb: {  	v25 =	vld [tilespmem:s11+$0xFFFFFFB0];
	[tilespmem:v53+s22+$0x0] =	vst.idx.msk $0xff, v19;
	v10 =	vperm.xlane v19, v2;
	v27 =	vmul.f32 $2.000000030e-01, v23;
	v24 =	vadd.f32 v52, v24  }
0xdc: {  	[tilespmem:s0+$0xFFFFFFC8] =	vst v22;
	v19 =	vmul.u32 $0x48, v54;
	v58 =	vbroadcast v15, $0x0;
	v55 =	vld [tilespmem:s11+$0xFFFFFF60];
	(erf) = vpow2.f32 v17  }
0xdd: {  	[tilespmem:s12+$0xFFFFFF80] =	vst v28;
	v31 =	vld [tilespmem:s31+$0xFFFFFFD0];
	v23 =	vmax.f32 v23, v27;
	v27 =	vmul.f32 $2.000000030e-01, v24;
	v28 =	vmul.f32 v29, v13  }
0xde: {  	v22 =	vld [tilespmem:s11+$0x0];
	v15 =	vadd.s32 $0x40, v19;
	v23 =	vmul.f32 $1.442695020e+00, v23;
	v29 =	vmax.f32 v30, v57  }
0xdf: {  	v19 =	vbroadcast v26, $0x0;
	v26 =	vld [tilespmem:s31+$0xFFFFFF90];
	v24 =	vmax.f32 v24, v27;
	v18 =	vmul.f32 $1.442695020e+00, v29;
	[tilespmem:s17+$0x58] =	vst v28  }
0xe0: {  	[tilespmem:s24+$0xFFFFFFA0] =	vst v16;
	(erf) = vpow2.f32 v23;
	v16 =	vmul.f32 $1.442695020e+00, v24;
	v21 =	vld [tilespmem:s11+$0x70]  }
0xe1: {  	v17 =	vld [tilespmem:s1+$0x10];
	v19 =	vor.u32 v1, v19;
	v23 =	vmul.f32 v10, v55;
	(erf) = vpow2.f32 v18  }
0xe2: {  	v24 =	vmul.f32 v9, v25;
	v29 =	vld [tilespmem:s20+$0xFFFFFFE0];
	(erf) = vpow2.f32 v16  }
0xe3: {  	v15 =	vbroadcast v15, $0x0;
	v30 =	vld [tilespmem:s1+$0xFFFFFF80];
	v18 =	vmul.f32 v8, v22;
	[tilespmem:s17+$0xFFFFFF70] =	vst v23  }
0xe4: {  	s8 =	simm.s32 $0xA1A0;
	v25 =	vor.u32 v1, v20;
	[tilespmem:s17+$0xFFFFFFB8] =	vst v24;
	v61 =	vld [tilespmem:s11+$0xFFFFFF70]  }
0xe5: {  	v27 =	vld [tilespmem:s8+$0x10];
	s20 =	simm.s32 $0xAE0;
	v14 =	vmul.f32 v26, v14;
	v23 =	vor.u32 v1, v15;
	[tilespmem:s17+$0x0] =	vst v18;
	v28 =	vpop (erf);
	v21 =	vmul.f32 v21, v13  }
0xe6: {  	v22 =	vld [tilespmem:s20+$0x90];
	v16 =	vmul.f32 v56, v3;
	v62 =	vmul.f32 v17, v6;
	[tilespmem:v19+s22+$0x0] =	vst.idx.msk $0xff, v28  }
0xe7: {  	v17 =	vmul.f32 v59, v5;
	v15 =	vmul.f32 v29, v11;
	v29 =	vor.u32 v1, v58;
	v26 =	vld [tilespmem:s13+$0x50];
	[tilespmem:s17+$0x68] =	vst v21  }
0xe8: {  	v18 =	vmul.f32 v30, v7;
	[tilespmem:s12+$0xFFFFFFC8] =	vst v16;
	v16 =	vmul.f32 v60, v12;
	v24 =	vld [tilespmem:s11+$0x80]  }
0xe9: {  	s2 =	simm.s32 $0xC370;
	s4 =	simm.s32 $0x18;
	s21 =	simm.s32 $0x14;
	[tilespmem:s12+$0x10] =	vst v62;
	v19 =	vmul.f32 v31, v4;
	v21 =	vld [tilespmem:s8+$0xFFFFFFE0];
	v11 =	vpop (erf);
	v30 =	vmul.f32 v61, v10  }
.LBB2_5:
0xea: {  	p1 =	slt.u32 s4, $0xF4;
	v31 =	vld [tilespmem:s20+$0xFFFFFFF0];
	[tilespmem:v23+s22+$0x0] =	vst.idx.msk $0xff, v11;
	v11 =	vperm.xlane v11, v2;
	v23 =	vperm.xlane v28, v2;
	v12 =	vpop (erf)  }
0xeb: {  	v28 =	vmov s21;
	v32 =	vld [tilespmem:s8+$0xFFFFFFF0];
	[tilespmem:v25+s22+$0x0] =	vst.idx.msk $0xff, v12;
	v20 =	vperm.xlane v12, v2;
	v12 =	vpop (erf)  }
0xec: {  	s18 =	sadd.s32 $0x1, s21;
	v25 =	vmul.u32 $0x48, v28;
	v28 =	vld [tilespmem:s20+$0x40];
	[tilespmem:v29+s22+$0x0] =	vst.idx.msk $0xff, v12;
	v12 =	vperm.xlane v12, v2;
	v26 =	vmul.f32 v23, v26  }
0xed: {  	s2 =	sadd.s32 $0x120, s2;
	v22 =	vadd.f32 v27, v22;
	v29 =	vmov s18;
	s18 =	sadd.s32 $0x2, s21;
	v33 =	vld [tilespmem:s8+$0x0];
	[tilespmem:s17+$0xFFFFFF80] =	vst v30;
	v24 =	vmul.f32 v24, v13;
	v13 =	vmovc v23  }
0xee: {  	v27 =	vmul.u32 $0x48, v29;
	v29 =	vmov s18;
	v23 =	vld [tilespmem:s20+$0xFFFFFFA0];
	[tilespmem:s2+$0x48] =	vst v26  }
0xef: {  	v25 =	vadd.s32 $0x40, v25;
	v26 =	vmul.u32 $0x48, v29;
	v29 =	vmul.f32 $2.000000030e-01, v22;
	v30 =	vld [tilespmem:s13+$0xFFFFFF60];
	[tilespmem:s17+$0x78] =	vst v24  }
0xf0: {  	v24 =	vbroadcast v25, $0x0;
	v27 =	vadd.s32 $0x40, v27;
	v25 =	vadd.f32 v32, v31;
	v31 =	vld [tilespmem:s13+$0x60];
	[tilespmem:s12+$0xFFFFFF90] =	vst v18  }
0xf1: {  	v18 =	vbroadcast v27, $0x0;
	v26 =	vadd.s32 $0x40, v26;
	v22 =	vmax.f32 v22, v29;
	v27 =	vld [tilespmem:s13+$0xFFFFFFB0];
	[tilespmem:s0+$0xFFFFFFD8] =	vst v19  }
0xf2: {  	s18 =	sadd.s32 $0x3, s21;
	s21 =	smov.u32 s4;
	v22 =	vmul.f32 $1.442695020e+00, v22;
	v19 =	vmul.f32 $2.000000030e-01, v25;
	v28 =	vadd.f32 v33, v28;
	v29 =	vld [tilespmem:s13+$0x0];
	[tilespmem:s0+$0x20] =	vst v17  }
0xf3: {  	v17 =	vadd.f32 v21, v23;
	v21 =	vbroadcast v26, $0x0;
	v23 =	vmov s18;
	v26 =	vld [tilespmem:s11+$0xFFFFFFC0];
	[tilespmem:s0+$0xFFFFFFA0] =	vst v14  }
0xf4: {  	v14 =	vmul.f32 $2.000000030e-01, v28;
	v23 =	vmul.u32 $0x48, v23;
	(erf) = vpow2.f32 v22;
	v22 =	vld [tilespmem:s11+$0x10];
	[tilespmem:s24+$0xFFFFFFE8] =	vst v15  }
0xf5: {  	v19 =	vmax.f32 v25, v19;
	v15 =	vmul.f32 $2.000000030e-01, v17;
	v25 =	vmul.f32 v31, v13;
	v31 =	vld [tilespmem:s11+$0xFFFFFF80];
	[tilespmem:s24+$0x30] =	vst v16;
	s24 =	smov.u32 s0;
	s0 =	smov.u32 s12;
	s12 =	smov.u32 s17  }
0xf6: {  	v16 =	vmul.f32 $1.442695020e+00, v19;
	s17 =	smov.u32 s2;
	v14 =	vmax.f32 v28, v14;
	v19 =	vadd.s32 $0x40, v23;
	v32 =	vld [tilespmem:s1+$0xFFFFFFD0]  }
0xf7: {  	v15 =	vmax.f32 v17, v15;
	v14 =	vmul.f32 $1.442695020e+00, v14;
	v17 =	vbroadcast v19, $0x0;
	[tilespmem:s2+$0x58] =	vst v25;
	v33 =	vld [tilespmem:s1+$0x20]  }
0xf8: {  	v15 =	vmul.f32 $1.442695020e+00, v15;
	(erf) = vpow2.f32 v16;
	v16 =	vld [tilespmem:s13+$0x70]  }
0xf9: {  	v17 =	vor.u32 v1, v17;
	(erf) = vpow2.f32 v14;
	v14 =	vmul.f32 v12, v30;
	v30 =	vld [tilespmem:s1+$0xFFFFFF90]  }
0xfa: {  	(erf) = vpow2.f32 v15;
	v15 =	vmul.f32 v11, v27;
	v34 =	vld [tilespmem:s31+$0xFFFFFFE0]  }
0xfb: {  	v35 =	vmul.f32 v26, v9;
	[tilespmem:s2+$0xFFFFFF70] =	vst v14;
	v14 =	vmul.f32 v20, v29;
	v36 =	vld [tilespmem:s31+$0x30];
	s31 =	smov.u32 s1;
	s1 =	smov.u32 s11;
	s11 =	smov.u32 s13  }
0xfc: {  	v23 =	vor.u32 v1, v18;
	v18 =	vmul.f32 v31, v10;
	v31 =	vmul.f32 v22, v8;
	s13 =	smov.u32 s20;
	s20 =	sadd.s32 $0x140, s20;
	v37 =	vld [tilespmem:s11+$0xFFFFFF70];
	[tilespmem:s2+$0xFFFFFFB8] =	vst v15  }
.Ltmp1:
0xfd: {  	s8 =	sadd.s32 $0x40, s8;
	v25 =	vor.u32 v1, v21;
	v19 =	vmul.f32 v32, v3;
	v22 =	vld [tilespmem:s20+$0x90];
	v28 =	vpop (erf);
	[tilespmem:s2+$0x0] =	vst v14;
	v15 =	vmul.f32 v16, v13;
	(pc) =	sbr.rel @p1 .LBB2_5-.Ltmp1, $4  }
0xfe: {  	v27 =	vld [tilespmem:s8+$0x10];
	[tilespmem:v17+s22+$0x0] =	vst.idx.msk $0xff, v28;
	v14 =	vmul.f32 v30, v7;
	v17 =	vmul.f32 v33, v6;
	v7 =	vmov v10  }
0xff: {  	v29 =	vor.u32 v1, v24;
	v26 =	vld [tilespmem:s13+$0x50];
	[tilespmem:s2+$0x68] =	vst v15;
	v15 =	vmul.f32 v34, v4;
	v4 =	vmovc v3;
	v3 =	vmov v9  }
0x100: {  	v9 =	vmovc v11;
	v24 =	vld [tilespmem:s11+$0x80];
	[tilespmem:s12+$0xFFFFFFC8] =	vst v35;
	v16 =	vmul.f32 v36, v5;
	v5 =	vmovc v6;
	v6 =	vmov v8;
	v8 =	vmov v20  }
0x101: {  	s4 =	sadd.s32 $0x4, s4;
	v10 =	vmov v12;
	v21 =	vld [tilespmem:s8+$0xFFFFFFE0];
	v11 =	vpop (erf);
	v30 =	vmul.f32 v37, v12;
	[tilespmem:s12+$0x10] =	vst v31  }
0x102: {  	_ =	sdelay $0x2  }
0x103: {  	v43 =	vld [tilespmem:s20+$0xFFFFFFF0]  }
0x104: {  	v44 =	vld [tilespmem:s8+$0xFFFFFFF0];
	[tilespmem:v23+s22+$0x0] =	vst.idx.msk $0xff, v11  }
0x105: {  	v31 =	vld [tilespmem:s20+$0x40];
	[tilespmem:s12+$0xFFFFFF90] =	vst v18  }
0x106: {  	v28 =	vperm.xlane v28, v2;
	v47 =	vld [tilespmem:s8+$0x0];
	[tilespmem:s0+$0xFFFFFFD8] =	vst v19;
	v12 =	vadd.f32 v27, v22  }
0x107: {  	s4 =	sadd.s32 $0x3, s21;
	[tilespmem:s0+$0x20] =	vst v17;
	v34 =	vld [tilespmem:s11+$0xFFFFFFC0]  }
0x108: {  	v32 =	vld [tilespmem:s20+$0xFFFFFFA0];
	[tilespmem:s0+$0xFFFFFFA0] =	vst v14;
	v45 =	vmov s4;
	v26 =	vmul.f32 v28, v26;
	v20 =	vmul.f32 $2.000000030e-01, v12  }
0x109: {  	v11 =	vperm.xlane v11, v2;
	[tilespmem:s24+$0xFFFFFFE8] =	vst v15;
	s4 =	sadd.s32 $0x120, s2;
	v57 =	vld [tilespmem:s13+$0xFFFFFFB0];
	v27 =	vmul.u32 $0x48, v45  }
0x10a: {  	v46 =	vpop (erf);
	v52 =	vmov s21;
	v13 =	vmul.f32 v24, v13;
	[tilespmem:s4+$0x48] =	vst v26;
	v12 =	vmax.f32 v12, v20  }
0x10b: {  	[tilespmem:v25+s22+$0x0] =	vst.idx.msk $0xff, v46;
	v27 =	vadd.s32 $0x40, v27;
	v20 =	vadd.f32 v44, v43;
	v49 =	vld [tilespmem:s13+$0x60];
	v12 =	vmul.f32 $1.442695020e+00, v12  }
0x10c: {  	[tilespmem:s24+$0x30] =	vst v16;
	v48 =	vpop (erf);
	v62 =	vld [tilespmem:s13+$0x0];
	v27 =	vbroadcast v27, $0x0;
	v23 =	vadd.f32 v47, v31;
	v45 =	vmul.f32 v34, v9  }
0x10d: {  	s18 =	sadd.s32 $0x1, s21;
	v37 =	vld [tilespmem:s11+$0x10];
	[tilespmem:v29+s22+$0x0] =	vst.idx.msk $0xff, v48;
	v21 =	vadd.f32 v21, v32;
	v51 =	vmul.f32 $2.000000030e-01, v20;
	(erf) = vpow2.f32 v12  }
0x10e: {  	[tilespmem:s17+$0xFFFFFF80] =	vst v30;
	v59 =	vmov s18;
	v54 =	vld [tilespmem:s13+$0xFFFFFF60];
	v38 =	vmul.f32 v11, v57;
	v53 =	vmul.f32 $2.000000030e-01, v23  }
0x10f: {  	[tilespmem:s17+$0x78] =	vst v13;
	v55 =	vmul.f32 $2.000000030e-01, v21;
	v12 =	vperm.xlane v46, v2;
	v13 =	vmax.f32 v20, v51;
	v51 =	vld [tilespmem:s1+$0xFFFFFFD0]  }
0x110: {  	v50 =	vor.u32 v1, v27;
	[tilespmem:s17+$0xFFFFFFC8] =	vst v45;
	v22 =	vmul.f32 v49, v28;
	v58 =	vmul.f32 $1.442695020e+00, v13  }
0x111: {  	[tilespmem:s4+$0xFFFFFFB8] =	vst v38;
	v18 =	vmax.f32 v23, v53;
	v53 =	vld [tilespmem:s1+$0x20];
	v13 =	vperm.xlane v48, v2;
	v42 =	vmul.f32 v12, v62  }
0x112: {  	v19 =	vmax.f32 v21, v55;
	v55 =	vld [tilespmem:s1+$0xFFFFFF90];
	v60 =	vmul.f32 $1.442695020e+00, v18;
	v48 =	vmul.f32 v37, v8;
	[tilespmem:s4+$0x58] =	vst v22  }
0x113: {  	s21 =	sadd.s32 $0x2, s21;
	v23 =	vmul.u32 $0x48, v59;
	v59 =	vld [tilespmem:s31+$0x30];
	v31 =	vmul.f32 $1.442695020e+00, v19;
	v35 =	vmul.f32 v13, v54;
	[tilespmem:s4+$0x0] =	vst v42  }
0x114: {  	v30 =	vmov s21;
	v49 =	vld [tilespmem:s11+$0xFFFFFF80];
	(erf) = vpow2.f32 v58;
	[tilespmem:s17+$0x10] =	vst v48;
	v22 =	vmul.f32 v51, v3  }
0x115: {  	v33 =	vmul.u32 $0x48, v30;
	v26 =	vmul.u32 $0x48, v52;
	v62 =	vld [tilespmem:s13+$0xFFFFFFC0];
	(erf) = vpow2.f32 v60;
	[tilespmem:s4+$0xFFFFFF70] =	vst v35  }
0x116: {  	v36 =	vadd.s32 $0x40, v23;
	v32 =	vld [tilespmem:s13+$0x70];
	v24 =	vmul.f32 v53, v6;
	[tilespmem:s12+$0xFFFFFFD8] =	vst v22;
	v56 =	vpop (erf);
	(erf) = vpow2.f32 v31  }
0x117: {  	v39 =	vbroadcast v36, $0x0;
	v7 =	vmul.f32 v55, v7;
	[tilespmem:v50+s22+$0x0] =	vst.idx.msk $0xff, v56  }
0x118: {  	v17 =	vadd.s32 $0x40, v33;
	v41 =	vadd.s32 $0x40, v26;
	v5 =	vmul.f32 v59, v5;
	[tilespmem:s12+$0x20] =	vst v24;
	v61 =	vld [tilespmem:s20+$0x50]  }
0x119: {  	v43 =	vbroadcast v41, $0x0;
	v16 =	vor.u32 v1, v39;
	v15 =	vmul.f32 v49, v10;
	[tilespmem:s12+$0xFFFFFFA0] =	vst v7  }
0x11a: {  	v17 =	vbroadcast v17, $0x0;
	v58 =	vld [tilespmem:s31+$0xFFFFFFE0];
	v34 =	vmul.f32 v62, v11;
	[tilespmem:s0+$0x30] =	vst v5  }
0x11b: {  	v14 =	vor.u32 v1, v43;
	v27 =	vld [tilespmem:s13+$0x10];
	[tilespmem:s17+$0xFFFFFF90] =	vst v15;
	v20 =	vperm.xlane v56, v2;
	v44 =	vmul.f32 v32, v28  }
0x11c: {  	v17 =	vor.u32 v1, v17;
	v47 =	vld [tilespmem:s13+$0xFFFFFF70];
	[tilespmem:s4+$0xFFFFFFC8] =	vst v34  }
0x11d: {  	v35 =	vld [tilespmem:s11+$0x20];
	[tilespmem:s4+$0x68] =	vst v44;
	v50 =	vpop (erf);
	v40 =	vmul.f32 v20, v61  }
0x11e: {  	s24 =	sadd.s32 $0x120, s4;
	v18 =	vld [tilespmem:s13+$0x80];
	[tilespmem:v16+s22+$0x0] =	vst.idx.msk $0xff, v50;
	v52 =	vpop (erf)  }
0x11f: {  	v60 =	vld [tilespmem:s20+$0xFFFFFFB0];
	[tilespmem:s24+$0x48] =	vst v40;
	v54 =	vpop (erf)  }
0x120: {  	v4 =	vmul.f32 v58, v4;
	v46 =	vld [tilespmem:s20+$0x60];
	[tilespmem:v14+s22+$0x0] =	vst.idx.msk $0xff, v54  }
0x121: {  	v21 =	vmul.f32 v47, v13;
	[tilespmem:v17+s22+$0x0] =	vst.idx.msk $0xff, v52;
	v57 =	vld [tilespmem:s20+$0xFFFFFF60]  }
0x122: {  	[tilespmem:s0+$0xFFFFFFE8] =	vst v4;
	v4 =	vmul.f32 v35, v8;
	v26 =	vperm.xlane v50, v2;
	v61 =	vld [tilespmem:s20+$0x0]  }
0x123: {  	v41 =	vld [tilespmem:s1+$0x30];
	[tilespmem:s4+$0xFFFFFF80] =	vst v21;
	v21 =	vmul.f32 v27, v12;
	v56 =	vmul.f32 v18, v28  }
0x124: {  	v39 =	vld [tilespmem:s11+$0xFFFFFF90];
	[tilespmem:s17+$0x20] =	vst v4;
	v17 =	vperm.xlane v54, v2;
	v30 =	vmul.f32 v26, v60  }
0x125: {  	v43 =	vld [tilespmem:s13+$0xFFFFFFD0];
	[tilespmem:s4+$0x10] =	vst v21;
	v28 =	vperm.xlane v52, v2;
	v19 =	vmul.f32 v46, v20  }
0x126: {  	[tilespmem:s24+$0xFFFFFFB8] =	vst v30;
	v18 =	vmul.f32 v17, v57  }
0x127: {  	v32 =	vmul.f32 v28, v61;
	v37 =	vld [tilespmem:s20+$0xFFFFFFC0];
	[tilespmem:s24+$0x58] =	vst v19  }
0x128: {  	v48 =	vmul.f32 v41, v6;
	v19 =	vld [tilespmem:s20+$0x70];
	[tilespmem:s24+$0xFFFFFF70] =	vst v18  }
0x129: {  	v45 =	vmul.f32 v39, v10;
	[tilespmem:s24+$0x0] =	vst v32;
	v29 =	vld [tilespmem:s20+$0xFFFFFF70]  }
0x12a: {  	v4 =	vmul.f32 v43, v11;
	[tilespmem:s12+$0x30] =	vst v48;
	v38 =	vld [tilespmem:s20+$0x10]  }
0x12b: {  	v31 =	vld [tilespmem:s13+$0xFFFFFF80];
	[tilespmem:s17+$0xFFFFFFA0] =	vst v45  }
0x12c: {  	[tilespmem:s4+$0xFFFFFFD8] =	vst v4;
	v40 =	vld [tilespmem:s1+$0xFFFFFFE0];
	v16 =	vmul.f32 v37, v26  }
0x12d: {  	v33 =	vld [tilespmem:s11+$0xFFFFFFD0];
	[tilespmem:s4+$0x78] =	vst v56;
	v25 =	vmul.f32 v19, v20  }
0x12e: {  	v46 =	vld [tilespmem:s13+$0x20];
	[tilespmem:s24+$0xFFFFFFC8] =	vst v16;
	v36 =	vmul.f32 v29, v17  }
0x12f: {  	v44 =	vmul.f32 v38, v28;
	v47 =	vld [tilespmem:s20+$0xFFFFFFD0];
	[tilespmem:s24+$0x68] =	vst v25  }
0x130: {  	v15 =	vmul.f32 v31, v13;
	v7 =	vld [tilespmem:s20+$0x80];
	[tilespmem:s24+$0xFFFFFF80] =	vst v36  }
0x131: {  	v3 =	vmul.f32 v40, v3;
	[tilespmem:s24+$0x10] =	vst v44;
	v42 =	vld [tilespmem:s20+$0xFFFFFF80]  }
0x132: {  	[tilespmem:s4+$0xFFFFFF90] =	vst v15;
	v18 =	vmul.f32 v33, v9;
	v49 =	vld [tilespmem:s20+$0x20]  }
0x133: {  	[tilespmem:s12+$0xFFFFFFE8] =	vst v3;
	v3 =	vld [tilespmem:s13+$0xFFFFFF90];
	v53 =	vmul.f32 v46, v12  }
0x134: {  	v52 =	vld [tilespmem:s11+$0x30];
	[tilespmem:s17+$0xFFFFFFD8] =	vst v18;
	v5 =	vmul.f32 v47, v26  }
0x135: {  	v55 =	vld [tilespmem:s13+$0xFFFFFFE0];
	[tilespmem:s4+$0x20] =	vst v53;
	v7 =	vmul.f32 v7, v20  }
0x136: {  	v51 =	vld [tilespmem:s11+$0xFFFFFFE0];
	[tilespmem:s24+$0xFFFFFFD8] =	vst v5;
	v50 =	vmul.f32 v42, v17  }
0x137: {  	v56 =	vld [tilespmem:s13+$0x30];
	[tilespmem:s24+$0x78] =	vst v7;
	v7 =	vmul.f32 v49, v28  }
0x138: {  	v3 =	vmul.f32 v3, v13;
	v58 =	vld [tilespmem:s20+$0xFFFFFFE0];
	[tilespmem:s24+$0xFFFFFF90] =	vst v50  }
0x139: {  	v59 =	vmul.f32 v52, v8;
	v54 =	vld [tilespmem:s20+$0xFFFFFF90];
	[tilespmem:s24+$0x20] =	vst v7  }
0x13a: {  	v60 =	vmul.f32 v55, v11;
	[tilespmem:s4+$0xFFFFFFA0] =	vst v3;
	v3 =	vld [tilespmem:s20+$0x30]  }
0x13b: {  	[tilespmem:s17+$0x30] =	vst v59;
	v57 =	vmul.f32 v51, v9  }
0x13c: {  	[tilespmem:s4+$0xFFFFFFE8] =	vst v60;
	v61 =	vmul.f32 v56, v12  }
0x13d: {  	[tilespmem:s17+$0xFFFFFFE8] =	vst v57;
	v62 =	vmul.f32 v58, v26  }
0x13e: {  	[tilespmem:s4+$0x30] =	vst v61;
	v4 =	vmul.f32 v54, v17  }
0x13f: {  	[tilespmem:s24+$0xFFFFFFE8] =	vst v62;
	v3 =	vmul.f32 v3, v28  }
0x140: {  	s8 =	simm.s32 $0x0;
	[tilespmem:s24+$0xFFFFFFA0] =	vst v4  }
0x141: {  	s0 =	simm.s32 $0xF8;
	s1 =	simm.s32 $0xAFC0;
	s4 =	simm.s32 $0x10540;
	[tilespmem:s24+$0x30] =	vst v3  }
.LBB2_7:
0x142: {  	s2 =	sshra.s32 s8, $0x2;
	v4 =	vld [tilespmem:s1+$0x0]  }
0x143: {  	v3 =	vld [tilespmem:s2+$0x51C0];
	_ =	sdelay $0x4  }
0x144: {  	v3 =	vadd.f32 v4, v3;
	_ =	sdelay $0x1  }
0x145: {  	v4 =	vmul.f32 $2.000000030e-01, v3;
	_ =	sdelay $0x1  }
0x146: {  	v3 =	vmax.f32 v3, v4  }
0x147: {  	v3 =	vmul.f32 $1.442695020e+00, v3  }
0x148: {  	v61 =	vmov s0  }
0x149: {  	(erf) = vpow2.f32 v3;
	v3 =	vmul.u32 $0x48, v61;
	_ =	sdelay $0x1  }
0x14a: {  	v3 =	vadd.s32 $0x40, v3  }
0x14b: {  	v3 =	vbroadcast v3, $0x0;
	_ =	sdelay $0x1  }
0x14c: {  	v3 =	vor.u32 v1, v3;
	_ =	sdelay $0x3  }
0x14d: {  	v62 =	vpop (erf)  }
0x14e: {  	[tilespmem:v3+s22+$0x0] =	vst.idx.msk $0xff, v62  }
0x14f: {  	v3 =	vld [tilespmem:s2+$0x5180];
	_ =	sdelay $0x2  }
0x150: {  	v4 =	vperm.xlane v62, v2;
	_ =	sdelay $0x1  }
0x151: {  	v3 =	vmul.f32 v4, v3;
	_ =	sdelay $0x1  }
0x152: {  	[tilespmem:s4+$0x0] =	vst v3  }
0x153: {  	v3 =	vld [tilespmem:s2+$0x5190];
	_ =	sdelay $0x4  }
0x154: {  	v3 =	vmul.f32 v3, v4;
	_ =	sdelay $0x1  }
0x155: {  	[tilespmem:s4+$0x10] =	vst v3  }
0x156: {  	v3 =	vld [tilespmem:s2+$0x51A0];
	_ =	sdelay $0x4  }
0x157: {  	v3 =	vmul.f32 v3, v4;
	_ =	sdelay $0x1  }
0x158: {  	[tilespmem:s4+$0x20] =	vst v3  }
0x159: {  	v3 =	vld [tilespmem:s2+$0x51B0];
	_ =	sdelay $0x1  }
0x15a: {  	p1 =	sne.s32 s8, $0x140  }
.Ltmp2:
0x15b: {  	_ = 	snop;
	(pc) =	sbr.rel @p1 .LBB2_7-.Ltmp2, $4  }
0x15c: {  	_ = 	snop  }
0x15d: {  	v3 =	vmul.f32 v3, v4  }
0x15e: {  	s0 =	sadd.s32 $0x1, s0  }
0x15f: {  	s1 =	sadd.s32 $0x10, s1;
	s8 =	sadd.s32 $0x140, s8;
	[tilespmem:s4+$0x30] =	vst v3;
	s4 =	sadd.s32 $0x48, s4  }
0x160: {  	v3 =	vld [tilespmem:$0x200]  }
0x161: {  	v4 =	vld [tilespmem:$0x210]  }
0x162: {  	v6 =	vld [tilespmem:$0x230]  }
0x163: {  	v7 =	vld [tilespmem:$0x240]  }
0x164: {  	v5 =	vld [tilespmem:$0x220]  }
0x165: {  	[tilespmem:$0x14C20] =	vst v3;
	v3 =	vld [tilespmem:$0x250]  }
0x166: {  	[tilespmem:$0x14C30] =	vst v4;
	v4 =	vld [tilespmem:$0x260]  }
0x167: {  	[tilespmem:$0x14C50] =	vst v6;
	v6 =	vld [tilespmem:$0x280]  }
0x168: {  	[tilespmem:$0x14C60] =	vst v7;
	v7 =	vld [tilespmem:$0x290]  }
0x169: {  	[tilespmem:$0x14C40] =	vst v5;
	v5 =	vld [tilespmem:$0x26D]  }
0x16a: {  	[tilespmem:$0x14C70] =	vst v3;
	v3 =	vld [tilespmem:$0x2A0]  }
0x16b: {  	[tilespmem:$0x14C80] =	vst v4;
	v4 =	vld [tilespmem:$0x2B0]  }
0x16c: {  	[tilespmem:$0x14CA0] =	vst v6;
	v6 =	vld [tilespmem:$0x2D0]  }
0x16d: {  	[tilespmem:$0x14CB0] =	vst v7;
	v7 =	vld [tilespmem:$0x2E0]  }
0x16e: {  	[tilespmem:$0x14C8D] =	vst v5;
	v5 =	vld [tilespmem:$0x2C0]  }
0x16f: {  	[tilespmem:$0x14CC0] =	vst v3;
	v3 =	vld [tilespmem:$0x2ED]  }
0x170: {  	[tilespmem:$0x14CD0] =	vst v4  }
0x171: {  	[tilespmem:$0x14CF0] =	vst v6  }
0x172: {  	[tilespmem:$0x14D00] =	vst v7  }
0x173: {  	[tilespmem:$0x14CE0] =	vst v5  }
0x174: {  	s0 =	simm.s32 $0x14C20;
	[tilespmem:$0x14D0D] =	vst v3  }
0x175: {  	[spmem:s3] =	stream.indirect.scatter.add.f32 [tilespmem:s22], [sflag:$0x5], $0x48, s0, s25, $0xb8;
	v63 =	vld [tilespmem:$0x0]  }
0x176: {  	p1 =	seq.s32 s29, $0x13;
	s0 =	rddreg [dreg:$0xf]  }
0x177: {  	s4 =	simm.s32 $0x14CA0;
	s1 =	simm.s32 $0xE2A8;
	s0 =	sadd.s32 @!p1 s30, s0  }
0x178: {  	[spmem:s3] =	stream.indirect.scatter.add.f32 [tilespmem:s1], [sflag:$0x5], $0x48, s4, s25, $0xb8;
	v63 =	vld [tilespmem:$0x0]  }
0x179: {  	s0 =	sshll.u32 @!p1 s0, $0x4  }
0x17a: {  	s0 =	sand.u32 @!p1 $0x1FFFFFC0, s0  }
0x17b: {  	s2 =	simm.s32 @!p1 $0x0;
	s1 =	sadd.s32 @!p1 s19, s0  }
0x17c: {  	[tilespmem:s2], [sflag:$0x7] =	stream.linear.gather @!p1 [hbm4b:s1+s2], $0x100, $0x38;
	v63 =	vld [tilespmem:$0x0]  }
0x17d: {  	s1 =	simm.s32 @!p1 $0x7  }
0x17e: {  	_ =	swait.ge @!p1 [sflag:s1], $0x100  }
0x17f: {  	[sflag:s1] =	ssyncset.done @!p1 $0x0  }
0x180: {  	s4 =	simm.s32 @!p1 $0x200;
	s0 =	sadd.s32 @!p1 s7, s0;
	[sflag:s1] =	ssyncadd.s32 @!p1 $0xFFFFFF00  }
0x181: {  	[tilespmem:s4], [sflag:$0x7] =	stream.linear.gather @!p1 [hbm4b:s0+s2], $0x100, $0x38;
	v63 =	vld [tilespmem:$0x0]  }
0x182: {  	_ =	swait.ge @!p1 [sflag:s1], $0x100  }
0x183: {  	[sflag:s1] =	ssyncset.done @!p1 $0x0  }
0x184: {  	s0 =	simm.s32 @!p1 $0x7D;
	[sflag:s1] =	ssyncadd.s32 @!p1 $0xFFFFFF00;
	s1 =	simm.s32 @!p1 $0x400  }
0x185: {  	[tilespmem:s1], [sflag:$0x1] =	stream.indirect.gather @!p1 [hbm4b:s5+s0], $0x50, s2, s0, $0xb8;
	v63 =	vld [tilespmem:$0x0]  }
0x186: {  	s1 =	simm.s32 @!p1 $0xA040  }
0x187: {  	[tilespmem:s1], [sflag:$0x3] =	stream.indirect.gather @!p1 [hbm4b:s6+s0], $0x10, s4, s0, $0xb8;
	v63 =	vld [tilespmem:$0x0]  }
0x188: {  	s2 =	simm.s32 @!p1 $0x2B10;
	s1 =	simm.s32 @!p1 $0x80  }
0x189: {  	[tilespmem:s2], [sflag:$0x1] =	stream.indirect.gather @!p1 [hbm4b:s5+s0], $0x50, s1, s0, $0xb8;
	v63 =	vld [tilespmem:$0x0]  }
0x18a: {  	s1 =	simm.s32 @!p1 $0x280;
	s2 =	simm.s32 @!p1 $0xA810  }
0x18b: {  	[tilespmem:s2], [sflag:$0x3] =	stream.indirect.gather @!p1 [hbm4b:s6+s0], $0x10, s1, s0, $0xb8;
	v63 =	vld [tilespmem:$0x0]  }
0x18c: {  	_ =	swait.ge [sflag:s14], $0x2710  }
0x18d: {  	[sflag:s14] =	ssyncset.done $0x0  }
0x18e: {  	[sflag:s14] =	ssyncadd.s32 $0xFFFFD8F0  }
0x18f: {  	_ =	swait.ge [sflag:s15], $0x7D0  }
0x190: {  	[sflag:s15] =	ssyncset.done $0x0  }
0x191: {  	[sflag:s15] =	ssyncadd.s32 $0xFFFFF830  }
0x192: {  	_ =	swait.ge [sflag:s14], $0x2710  }
0x193: {  	[sflag:s14] =	ssyncset.done $0x0  }
0x194: {  	[sflag:s14] =	ssyncadd.s32 $0xFFFFD8F0  }
0x195: {  	_ =	swait.ge [sflag:s15], $0x7D0  }
0x196: {  	[sflag:s15] =	ssyncset.done $0x0  }
0x197: {  	s0 =	simm.s32 @!p0 $0x6;
	[sflag:s15] =	ssyncadd.s32 $0xFFFFF830  }
0x198: {  	_ =	swait.ge @!p0 [sflag:s0], $0x2328  }
0x199: {  	[sflag:s0] =	ssyncset.done @!p0 $0x0  }
0x19a: {  	[sflag:s0] =	ssyncadd.s32 @!p0 $0xFFFFDCD8  }
0x19b: {  	_ =	swait.ge @!p0 [sflag:s0], $0x2328  }
0x19c: {  	[sflag:s0] =	ssyncset.done @!p0 $0x0  }
0x19d: {  	s20 =	simm.s32 $0x52C0;
	[sflag:s0] =	ssyncadd.s32 @!p0 $0xFFFFDCD8  }
0x19e: {  	s8 =	simm.s32 $0xB000;
	v3 =	vld [tilespmem:s20+$0x90]  }
0x19f: {  	v4 =	vld [tilespmem:s8+$0x10];
	_ =	sdelay $0x4  }
0x1a0: {  	v3 =	vadd.f32 v4, v3  }
0x1a1: {  	v6 =	vld [tilespmem:s20+$0xFFFFFFF0]  }
0x1a2: {  	v7 =	vld [tilespmem:s8+$0xFFFFFFF0];
	v5 =	vmul.f32 $2.000000030e-01, v3  }
0x1a3: {  	v8 =	vld [tilespmem:s8+$0x0]  }
0x1a4: {  	v10 =	vld [tilespmem:s20+$0xFFFFFFA0];
	v3 =	vmax.f32 v3, v5  }
0x1a5: {  	s11 =	simm.s32 $0x3;
	v5 =	vld [tilespmem:s20+$0x40];
	v3 =	vmul.f32 $1.442695020e+00, v3  }
0x1a6: {  	v9 =	vmov s11;
	v4 =	vld [tilespmem:s8+$0xFFFFFFE0]  }
0x1a7: {  	v9 =	vmul.u32 $0x48, v9;
	(erf) = vpow2.f32 v3  }
0x1a8: {  	s31 =	simm.s32 $0x5400  }
0x1a9: {  	s12 =	simm.s32 $0xB040;
	v6 =	vadd.f32 v7, v6;
	v7 =	vld [tilespmem:s31+$0x90];
	v3 =	vadd.s32 $0x40, v9  }
0x1aa: {  	v3 =	vbroadcast v3, $0x0;
	v5 =	vadd.f32 v8, v5;
	v8 =	vld [tilespmem:s12+$0x10]  }
0x1ab: {  	v4 =	vadd.f32 v4, v10;
	v9 =	vmul.f32 $2.000000030e-01, v6  }
0x1ac: {  	v3 =	vor.u32 v1, v3;
	v10 =	vmul.f32 $2.000000030e-01, v5  }
0x1ad: {  	v11 =	vmul.f32 $2.000000030e-01, v4;
	v6 =	vmax.f32 v6, v9  }
0x1ae: {  	v6 =	vmul.f32 $1.442695020e+00, v6;
	v5 =	vmax.f32 v5, v10  }
0x1af: {  	s30 =	simm.s32 $0x0;
	v4 =	vmax.f32 v4, v11;
	v5 =	vmul.f32 $1.442695020e+00, v5;
	v7 =	vadd.f32 v8, v7  }
0x1b0: {  	s13 =	simm.s32 $0x1;
	v4 =	vmul.f32 $1.442695020e+00, v4;
	v8 =	vmov s30;
	v9 =	vpop (erf);
	(erf) = vpow2.f32 v6  }
0x1b1: {  	v13 =	vld [tilespmem:s31+$0x40];
	v6 =	vmul.f32 $2.000000030e-01, v7;
	[tilespmem:v3+s16+$0x0] =	vst.idx.msk $0xff, v9;
	v3 =	vmov s13;
	(erf) = vpow2.f32 v5  }
0x1b2: {  	s18 =	simm.s32 $0x7;
	v11 =	vld [tilespmem:s31+$0xFFFFFFF0];
	v8 =	vmul.u32 $0x48, v8;
	v3 =	vmul.u32 $0x48, v3;
	(erf) = vpow2.f32 v4  }
0x1b3: {  	v14 =	vmov s18;
	v5 =	vld [tilespmem:s20+$0x50];
	v6 =	vmax.f32 v7, v6  }
0x1b4: {  	v4 =	vld [tilespmem:s12+$0xFFFFFFE0];
	v7 =	vadd.s32 $0x40, v8;
	v6 =	vmul.f32 $1.442695020e+00, v6;
	v3 =	vadd.s32 $0x40, v3  }
0x1b5: {  	s17 =	simm.s32 $0x2;
	v14 =	vmul.u32 $0x48, v14;
	v8 =	vld [tilespmem:s12+$0xFFFFFFF0];
	v7 =	vbroadcast v7, $0x0;
	v12 =	vbroadcast v3, $0x0  }
0x1b6: {  	v10 =	vmov s17;
	v3 =	vperm.xlane v9, v2;
	v9 =	vld [tilespmem:s12+$0x0];
	(erf) = vpow2.f32 v6  }
0x1b7: {  	v6 =	vmul.u32 $0x48, v10;
	v7 =	vor.u32 v1, v7;
	v10 =	vld [tilespmem:s31+$0xFFFFFFA0]  }
0x1b8: {  	v14 =	vadd.s32 $0x40, v14;
	v12 =	vor.u32 v1, v12;
	v5 =	vmul.f32 v3, v5  }
0x1b9: {  	s24 =	simm.s32 $0x10660;
	v14 =	vbroadcast v14, $0x0;
	v6 =	vadd.s32 $0x40, v6;
	v15 =	vpop (erf)  }
0x1ba: {  	v6 =	vbroadcast v6, $0x0;
	[tilespmem:s24+$0x48] =	vst v5;
	v5 =	vadd.f32 v8, v11;
	v16 =	vpop (erf)  }
0x1bb: {  	s21 =	simm.s32 $0xB080;
	v11 =	vld [tilespmem:s20+$0x60];
	v9 =	vadd.f32 v9, v13;
	v13 =	vor.u32 v1, v14;
	v8 =	vpop (erf)  }
0x1bc: {  	s1 =	simm.s32 $0x5540;
	v19 =	vld [tilespmem:s21+$0xFFFFFFE0];
	v6 =	vor.u32 v1, v6;
	v4 =	vadd.f32 v4, v10;
	[tilespmem:v7+s16+$0x0] =	vst.idx.msk $0xff, v8;
	v7 =	vmul.f32 $2.000000030e-01, v5  }
0x1bd: {  	v20 =	vld [tilespmem:s1+$0xFFFFFFF0];
	[tilespmem:v12+s16+$0x0] =	vst.idx.msk $0xff, v15;
	v12 =	vmul.f32 $2.000000030e-01, v9  }
0x1be: {  	v17 =	vmul.f32 $2.000000030e-01, v4;
	v10 =	vld [tilespmem:s20+$0xFFFFFF60];
	v5 =	vmax.f32 v5, v7  }
0x1bf: {  	v7 =	vmax.f32 v9, v12;
	v12 =	vld [tilespmem:s1+$0x90];
	v9 =	vpop (erf);
	v5 =	vmul.f32 $1.442695020e+00, v5  }
0x1c0: {  	s4 =	simm.s32 $0x4;
	v4 =	vmax.f32 v4, v17;
	v17 =	vld [tilespmem:s21+$0x10];
	v11 =	vmul.f32 v11, v3;
	v7 =	vmul.f32 $1.442695020e+00, v7;
	[tilespmem:v13+s16+$0x0] =	vst.idx.msk $0xff, v9  }
0x1c1: {  	v13 =	vmov s4;
	[tilespmem:v6+s16+$0x0] =	vst.idx.msk $0xff, v16;
	v4 =	vmul.f32 $1.442695020e+00, v4;
	(erf) = vpow2.f32 v5;
	v5 =	vld [tilespmem:s31+$0x50]  }
0x1c2: {  	v21 =	vld [tilespmem:s1+$0x40];
	v8 =	vperm.xlane v8, v2;
	v6 =	vmul.u32 $0x48, v13;
	[tilespmem:s24+$0x58] =	vst v11;
	(erf) = vpow2.f32 v7  }
0x1c3: {  	s8 =	simm.s32 $0x5;
	v9 =	vperm.xlane v9, v2;
	v18 =	vld [tilespmem:s20+$0x70];
	(erf) = vpow2.f32 v4  }
0x1c4: {  	v23 =	vld [tilespmem:s21+$0x0];
	v11 =	vperm.xlane v15, v2;
	v7 =	vmov s8;
	v6 =	vadd.s32 $0x40, v6  }
0x1c5: {  	v14 =	vld [tilespmem:s20+$0xFFFFFFB0];
	v10 =	vmul.f32 v8, v10;
	v4 =	vmul.u32 $0x48, v7;
	v12 =	vadd.f32 v17, v12  }
0x1c6: {  	s11 =	simm.s32 $0x6;
	v13 =	vld [tilespmem:s20+$0x0];
	v6 =	vbroadcast v6, $0x0;
	v5 =	vmul.f32 v9, v5  }
0x1c7: {  	s0 =	simm.s32 $0x10780;
	v15 =	vld [tilespmem:s1+$0xFFFFFFA0];
	v7 =	vmov s11;
	[tilespmem:s24+$0xFFFFFF70] =	vst v10;
	v4 =	vadd.s32 $0x40, v4;
	v22 =	vmul.f32 $2.000000030e-01, v12  }
0x1c8: {  	s12 =	simm.s32 $0xB;
	v17 =	vld [tilespmem:s21+$0xFFFFFFF0];
	v6 =	vor.u32 v1, v6;
	v4 =	vbroadcast v4, $0x0;
	v10 =	vmul.f32 v18, v3;
	[tilespmem:s0+$0x48] =	vst v5  }
0x1c9: {  	v25 =	vmov s12;
	v7 =	vmul.u32 $0x48, v7;
	v5 =	vld [tilespmem:s31+$0x60]  }
0x1ca: {  	v25 =	vmul.u32 $0x48, v25;
	v12 =	vmax.f32 v12, v22;
	v4 =	vor.u32 v1, v4;
	v18 =	vpop (erf)  }
0x1cb: {  	v14 =	vmul.f32 v11, v14;
	v7 =	vadd.s32 $0x40, v7;
	v22 =	vmul.f32 $1.442695020e+00, v12;
	v24 =	vpop (erf)  }
0x1cc: {  	v15 =	vadd.f32 v19, v15;
	v7 =	vbroadcast v7, $0x0;
	v12 =	vperm.xlane v16, v2;
	v16 =	vld [tilespmem:s20+$0xFFFFFF70];
	[tilespmem:s24+$0x68] =	vst v10;
	v10 =	vpop (erf)  }
0x1cd: {  	s18 =	simm.s32 $0xB0C0;
	(erf) = vpow2.f32 v22;
	[tilespmem:v6+s16+$0x0] =	vst.idx.msk $0xff, v10;
	v6 =	vadd.f32 v17, v20;
	v17 =	vadd.f32 v23, v21  }
0x1ce: {  	v27 =	vld [tilespmem:s18+$0xFFFFFFE0];
	v13 =	vmul.f32 v12, v13;
	v20 =	vadd.s32 $0x40, v25;
	v5 =	vmul.f32 v5, v9  }
0x1cf: {  	v29 =	vld [tilespmem:s18+$0xFFFFFFF0];
	[tilespmem:v4+s16+$0x0] =	vst.idx.msk $0xff, v18;
	v19 =	vbroadcast v20, $0x0;
	v23 =	vmul.f32 $2.000000030e-01, v17  }
0x1d0: {  	v30 =	vld [tilespmem:s18+$0x0];
	v7 =	vor.u32 v1, v7;
	v21 =	vmul.f32 $2.000000030e-01, v6;
	[tilespmem:s0+$0x58] =	vst v5;
	v5 =	vmul.f32 $2.000000030e-01, v15  }
0x1d1: {  	v16 =	vmul.f32 v16, v8;
	v4 =	vld [tilespmem:s31+$0xFFFFFF60];
	v19 =	vor.u32 v1, v19;
	v17 =	vmax.f32 v17, v23  }
0x1d2: {  	s11 =	simm.s32 $0x5680;
	[tilespmem:s24+$0xFFFFFFB8] =	vst v14;
	v6 =	vmax.f32 v6, v21;
	v21 =	vld [tilespmem:s31+$0x70];
	v5 =	vmax.f32 v15, v5;
	v15 =	vmul.f32 $1.442695020e+00, v17  }
0x1d3: {  	s13 =	simm.s32 $0x8;
	v28 =	vld [tilespmem:s11+$0xFFFFFFF0];
	[tilespmem:s24+$0x0] =	vst v13;
	v6 =	vmul.f32 $1.442695020e+00, v6  }
0x1d4: {  	s17 =	simm.s32 $0x9;
	v22 =	vld [tilespmem:s20+$0x80];
	v14 =	vperm.xlane v10, v2;
	[tilespmem:s24+$0xFFFFFF80] =	vst v16;
	v16 =	vmov s13  }
0x1d5: {  	v13 =	vld [tilespmem:s20+$0xFFFFFFC0];
	[tilespmem:v7+s16+$0x0] =	vst.idx.msk $0xff, v24;
	v23 =	vmov s17;
	v5 =	vmul.f32 $1.442695020e+00, v5;
	(erf) = vpow2.f32 v6  }
0x1d6: {  	v20 =	vld [tilespmem:s31+$0x0];
	v4 =	vmul.f32 v14, v4;
	v6 =	vmul.u32 $0x48, v16;
	(erf) = vpow2.f32 v15;
	v15 =	vpop (erf)  }
0x1d7: {  	v16 =	vld [tilespmem:s11+$0x90];
	(erf) = vpow2.f32 v5;
	v5 =	vmul.f32 v21, v9;
	[tilespmem:v19+s16+$0x0] =	vst.idx.msk $0xff, v15;
	v19 =	vmul.u32 $0x48, v23  }
0x1d8: {  	s21 =	simm.s32 $0xA;
	[tilespmem:s0+$0xFFFFFF70] =	vst v4;
	v21 =	vld [tilespmem:s18+$0x10];
	v4 =	vadd.s32 $0x40, v6  }
0x1d9: {  	v23 =	vmov s21;
	v25 =	vld [tilespmem:s1+$0x50];
	[tilespmem:s0+$0x68] =	vst v5;
	v5 =	vbroadcast v4, $0x0;
	v4 =	vadd.s32 $0x40, v19  }
0x1da: {  	v6 =	vmul.u32 $0x48, v23;
	v23 =	vld [tilespmem:s31+$0xFFFFFF70];
	v26 =	vbroadcast v4, $0x0  }
0x1db: {  	v7 =	vld [tilespmem:s31+$0xFFFFFFB0];
	v4 =	vperm.xlane v18, v2;
	v18 =	vor.u32 v1, v5;
	v5 =	vperm.xlane v24, v2  }
0x1dc: {  	v10 =	vld [tilespmem:s20+$0x10];
	v13 =	vmul.f32 v13, v11;
	v15 =	vperm.xlane v15, v2;
	v6 =	vadd.s32 $0x40, v6  }
0x1dd: {  	v17 =	vld [tilespmem:s20+$0xFFFFFF80];
	v6 =	vbroadcast v6, $0x0;
	v16 =	vadd.f32 v21, v16;
	v20 =	vmul.f32 v5, v20  }
0x1de: {  	[tilespmem:s24+$0xFFFFFFC8] =	vst v13;
	s18 =	simm.s32 $0xB100;
	v21 =	vmul.f32 v22, v3;
	v22 =	vld [tilespmem:s11+$0x40];
	v26 =	vor.u32 v1, v26;
	v25 =	vmul.f32 v15, v25  }
0x1df: {  	s12 =	simm.s32 $0x108A0;
	s8 =	simm.s32 $0xC;
	v36 =	vld [tilespmem:s18+$0x0];
	v23 =	vmul.f32 v23, v14;
	[tilespmem:s0+$0x0] =	vst v20  }
0x1e0: {  	v13 =	vmov s8;
	v19 =	vld [tilespmem:s31+$0x80];
	v7 =	vmul.f32 v4, v7;
	v3 =	vor.u32 v1, v6;
	[tilespmem:s12+$0x48] =	vst v25  }
0x1e1: {  	v13 =	vmul.u32 $0x48, v13;
	v6 =	vpop (erf);
	v25 =	vmul.f32 $2.000000030e-01, v16;
	[tilespmem:s0+$0xFFFFFF80] =	vst v23;
	v23 =	vld [tilespmem:s31+$0x10]  }
0x1e2: {  	v10 =	vmul.f32 v10, v12;
	v17 =	vmul.f32 v17, v8;
	[tilespmem:s0+$0xFFFFFFB8] =	vst v7;
	v24 =	vpop (erf);
	v32 =	vld [tilespmem:s1+$0x60]  }
0x1e3: {  	s4 =	simm.s32 $0xF;
	v13 =	vadd.s32 $0x40, v13;
	v20 =	vadd.f32 v30, v22;
	v22 =	vld [tilespmem:s31+$0xFFFFFFC0];
	v31 =	vpop (erf);
	v16 =	vmax.f32 v16, v25;
	[tilespmem:v26+s16+$0x0] =	vst.idx.msk $0xff, v6  }
0x1e4: {  	v26 =	vadd.f32 v29, v28;
	v29 =	vmov s4;
	[tilespmem:v18+s16+$0x0] =	vst.idx.msk $0xff, v31;
	v18 =	vld [tilespmem:s11+$0xFFFFFFA0];
	v16 =	vmul.f32 $1.442695020e+00, v16  }
0x1e5: {  	v13 =	vbroadcast v13, $0x0;
	[tilespmem:v3+s16+$0x0] =	vst.idx.msk $0xff, v24;
	v28 =	vld [tilespmem:s1+$0xFFFFFFB0];
	v3 =	vperm.xlane v6, v2;
	v6 =	vmul.u32 $0x48, v29  }
0x1e6: {  	v9 =	vmul.f32 v19, v9;
	v25 =	vld [tilespmem:s1+$0xFFFFFF60];
	(erf) = vpow2.f32 v16  }
0x1e7: {  	v33 =	vld [tilespmem:s1+$0x0];
	v16 =	vmul.f32 $2.000000030e-01, v26;
	v6 =	vadd.s32 $0x40, v6;
	v29 =	vmul.f32 v32, v15  }
0x1e8: {  	[tilespmem:s24+$0x78] =	vst v21;
	v21 =	vmul.f32 v23, v5;
	v23 =	vld [tilespmem:s18+$0xFFFFFFF0];
	v6 =	vbroadcast v6, $0x0  }
0x1e9: {  	v16 =	vmax.f32 v26, v16;
	v26 =	vld [tilespmem:s31+$0xFFFFFF80];
	v18 =	vadd.f32 v27, v18;
	v27 =	vmul.f32 $2.000000030e-01, v20;
	[tilespmem:s12+$0x58] =	vst v29  }
0x1ea: {  	[tilespmem:s24+$0x10] =	vst v10;
	v7 =	vperm.xlane v31, v2;
	v16 =	vmul.f32 $1.442695020e+00, v16;
	v30 =	vld [tilespmem:s1+$0x70]  }
0x1eb: {  	s13 =	simm.s32 $0xD;
	[tilespmem:s24+$0xFFFFFF90] =	vst v17;
	v29 =	vmul.f32 $2.000000030e-01, v18;
	v10 =	vmax.f32 v20, v27;
	v20 =	vld [tilespmem:s20+$0xFFFFFFD0];
	v27 =	vor.u32 v1, v6  }
0x1ec: {  	s8 =	simm.s32 $0x11;
	v6 =	vmul.f32 v7, v25;
	v25 =	vmov s13;
	(erf) = vpow2.f32 v16;
	v16 =	vld [tilespmem:s20+$0xFFFFFF90];
	s13 =	simm.s32 $0x57C0  }
0x1ed: {  	v54 =	vmov s8;
	v22 =	vmul.f32 v22, v4;
	v10 =	vmul.f32 $1.442695020e+00, v10;
	v34 =	vld [tilespmem:s13+$0xFFFFFFF0]  }
0x1ee: {  	s17 =	simm.s32 $0xE;
	v28 =	vmul.f32 v3, v28;
	v25 =	vmul.u32 $0x48, v25;
	v17 =	vmax.f32 v18, v29;
	v18 =	vld [tilespmem:s20+$0x20];
	[tilespmem:s12+$0xFFFFFF70] =	vst v6  }
0x1ef: {  	v6 =	vmov s17;
	v17 =	vmul.f32 $1.442695020e+00, v17;
	(erf) = vpow2.f32 v10;
	v10 =	vld [tilespmem:s1+$0xFFFFFF70]  }
0x1f0: {  	[tilespmem:s0+$0x78] =	vst v9;
	v26 =	vmul.f32 v26, v14;
	v29 =	vmul.u32 $0x48, v6;
	v6 =	vperm.xlane v24, v2;
	v24 =	vld [tilespmem:s18+$0x10];
	v31 =	vpop (erf)  }
0x1f1: {  	v19 =	vadd.s32 $0x40, v25;
	v30 =	vmul.f32 v30, v15;
	(erf) = vpow2.f32 v17;
	v17 =	vld [tilespmem:s13+$0x90];
	[tilespmem:v27+s16+$0x0] =	vst.idx.msk $0xff, v31  }
0x1f2: {  	v53 =	vor.u32 v1, v13;
	[tilespmem:s0+$0x10] =	vst v21;
	v19 =	vbroadcast v19, $0x0;
	v20 =	vmul.f32 v20, v11;
	v27 =	vld [tilespmem:s11+$0x50]  }
0x1f3: {  	[tilespmem:s12+$0xFFFFFFB8] =	vst v28;
	v25 =	vadd.s32 $0x40, v29;
	v16 =	vmul.f32 v16, v8;
	v13 =	vperm.xlane v31, v2;
	v31 =	vld [tilespmem:s13+$0x40]  }
0x1f4: {  	s21 =	simm.s32 $0x10;
	[tilespmem:s12+$0x68] =	vst v30;
	v25 =	vbroadcast v25, $0x0;
	v30 =	vmul.f32 v6, v33;
	v19 =	vor.u32 v1, v19  }
0x1f5: {  	[tilespmem:s0+$0xFFFFFF90] =	vst v26;
	v23 =	vadd.f32 v23, v34;
	v29 =	vld [tilespmem:s1+$0x80];
	v28 =	vmul.f32 v10, v7;
	v10 =	vmov s21  }
0x1f6: {  	v18 =	vmul.f32 v18, v12;
	[tilespmem:s24+$0xFFFFFFD8] =	vst v20;
	v25 =	vor.u32 v1, v25;
	s21 =	simm.s32 $0x12;
	v37 =	vmul.u32 $0x48, v10  }
0x1f7: {  	v52 =	vld [tilespmem:s18+$0xFFFFFFE0];
	s18 =	simm.s32 $0x13;
	[tilespmem:s12+$0x0] =	vst v30;
	v21 =	vmov s21;
	v17 =	vadd.f32 v24, v17;
	v27 =	vmul.f32 v13, v27  }
0x1f8: {  	s17 =	simm.s32 $0x109C0;
	v8 =	vpop (erf);
	[tilespmem:s24+$0x20] =	vst v18;
	v24 =	vld [tilespmem:s13+$0xFFFFFFA0];
	v30 =	vadd.f32 v36, v31;
	v31 =	vmov s18;
	v20 =	vmul.u32 $0x48, v21  }
0x1f9: {  	v59 =	vld [tilespmem:s31+$0x20];
	v9 =	vperm.xlane v8, v2;
	v31 =	vmul.u32 $0x48, v31;
	[tilespmem:s17+$0x48] =	vst v27;
	v27 =	vmul.f32 $2.000000030e-01, v17  }
0x1fa: {  	[tilespmem:v19+s16+$0x0] =	vst.idx.msk $0xff, v8;
	v35 =	vpop (erf);
	v15 =	vmul.f32 v29, v15;
	v57 =	vmul.f32 $2.000000030e-01, v30;
	v20 =	vadd.s32 $0x40, v20;
	v29 =	vld [tilespmem:s11+$0x60]  }
0x1fb: {  	v56 =	vld [tilespmem:s1+$0xFFFFFFC0];
	v8 =	vperm.xlane v35, v2;
	[tilespmem:v25+s16+$0x0] =	vst.idx.msk $0xff, v35;
	v26 =	vadd.s32 $0x40, v31;
	v17 =	vmax.f32 v17, v27  }
0x1fc: {  	v60 =	vld [tilespmem:s20+$0x30];
	v20 =	vbroadcast v20, $0x0;
	v19 =	vpop (erf);
	[tilespmem:s12+$0x78] =	vst v15;
	v15 =	vadd.s32 $0x40, v37;
	v17 =	vmul.f32 $1.442695020e+00, v17  }
0x1fd: {  	v25 =	vld [tilespmem:s11+$0xFFFFFFB0];
	[tilespmem:v53+s16+$0x0] =	vst.idx.msk $0xff, v19;
	v10 =	vperm.xlane v19, v2;
	v27 =	vmul.f32 $2.000000030e-01, v23;
	v24 =	vadd.f32 v52, v24  }
0x1fe: {  	[tilespmem:s0+$0xFFFFFFC8] =	vst v22;
	v19 =	vmul.u32 $0x48, v54;
	v58 =	vbroadcast v15, $0x0;
	v55 =	vld [tilespmem:s11+$0xFFFFFF60];
	(erf) = vpow2.f32 v17  }
0x1ff: {  	[tilespmem:s12+$0xFFFFFF80] =	vst v28;
	v31 =	vld [tilespmem:s31+$0xFFFFFFD0];
	v23 =	vmax.f32 v23, v27;
	v27 =	vmul.f32 $2.000000030e-01, v24;
	v28 =	vmul.f32 v29, v13  }
0x200: {  	v22 =	vld [tilespmem:s11+$0x0];
	v15 =	vadd.s32 $0x40, v19;
	v23 =	vmul.f32 $1.442695020e+00, v23;
	v29 =	vmax.f32 v30, v57  }
0x201: {  	v19 =	vbroadcast v26, $0x0;
	v26 =	vld [tilespmem:s31+$0xFFFFFF90];
	v24 =	vmax.f32 v24, v27;
	v18 =	vmul.f32 $1.442695020e+00, v29;
	[tilespmem:s17+$0x58] =	vst v28  }
0x202: {  	[tilespmem:s24+$0xFFFFFFA0] =	vst v16;
	(erf) = vpow2.f32 v23;
	v16 =	vmul.f32 $1.442695020e+00, v24;
	v21 =	vld [tilespmem:s11+$0x70]  }
0x203: {  	v17 =	vld [tilespmem:s1+$0x10];
	v19 =	vor.u32 v1, v19;
	v23 =	vmul.f32 v10, v55;
	(erf) = vpow2.f32 v18  }
0x204: {  	v24 =	vmul.f32 v9, v25;
	v29 =	vld [tilespmem:s20+$0xFFFFFFE0];
	(erf) = vpow2.f32 v16  }
0x205: {  	v15 =	vbroadcast v15, $0x0;
	v30 =	vld [tilespmem:s1+$0xFFFFFF80];
	v18 =	vmul.f32 v8, v22;
	[tilespmem:s17+$0xFFFFFF70] =	vst v23  }
0x206: {  	s8 =	simm.s32 $0xB140;
	v25 =	vor.u32 v1, v20;
	[tilespmem:s17+$0xFFFFFFB8] =	vst v24;
	v61 =	vld [tilespmem:s11+$0xFFFFFF70]  }
0x207: {  	v27 =	vld [tilespmem:s8+$0x10];
	s20 =	simm.s32 $0x5900;
	v14 =	vmul.f32 v26, v14;
	v23 =	vor.u32 v1, v15;
	[tilespmem:s17+$0x0] =	vst v18;
	v28 =	vpop (erf);
	v21 =	vmul.f32 v21, v13  }
0x208: {  	v22 =	vld [tilespmem:s20+$0x90];
	v16 =	vmul.f32 v56, v3;
	v62 =	vmul.f32 v17, v6;
	[tilespmem:v19+s16+$0x0] =	vst.idx.msk $0xff, v28  }
0x209: {  	v17 =	vmul.f32 v59, v5;
	v15 =	vmul.f32 v29, v11;
	v29 =	vor.u32 v1, v58;
	v26 =	vld [tilespmem:s13+$0x50];
	[tilespmem:s17+$0x68] =	vst v21  }
0x20a: {  	v18 =	vmul.f32 v30, v7;
	[tilespmem:s12+$0xFFFFFFC8] =	vst v16;
	v16 =	vmul.f32 v60, v12;
	v24 =	vld [tilespmem:s11+$0x80]  }
0x20b: {  	s2 =	simm.s32 $0x109C0;
	s4 =	simm.s32 $0x18;
	s21 =	simm.s32 $0x14;
	[tilespmem:s12+$0x10] =	vst v62;
	v19 =	vmul.f32 v31, v4;
	v21 =	vld [tilespmem:s8+$0xFFFFFFE0];
	v11 =	vpop (erf);
	v30 =	vmul.f32 v61, v10  }
.LBB2_9:
0x20c: {  	p0 =	slt.u32 s4, $0xF4;
	v31 =	vld [tilespmem:s20+$0xFFFFFFF0];
	[tilespmem:v23+s16+$0x0] =	vst.idx.msk $0xff, v11;
	v11 =	vperm.xlane v11, v2;
	v23 =	vperm.xlane v28, v2;
	v12 =	vpop (erf)  }
0x20d: {  	v28 =	vmov s21;
	v32 =	vld [tilespmem:s8+$0xFFFFFFF0];
	[tilespmem:v25+s16+$0x0] =	vst.idx.msk $0xff, v12;
	v20 =	vperm.xlane v12, v2;
	v12 =	vpop (erf)  }
0x20e: {  	s18 =	sadd.s32 $0x1, s21;
	v25 =	vmul.u32 $0x48, v28;
	v28 =	vld [tilespmem:s20+$0x40];
	[tilespmem:v29+s16+$0x0] =	vst.idx.msk $0xff, v12;
	v12 =	vperm.xlane v12, v2;
	v26 =	vmul.f32 v23, v26  }
0x20f: {  	s2 =	sadd.s32 $0x120, s2;
	v22 =	vadd.f32 v27, v22;
	v29 =	vmov s18;
	s18 =	sadd.s32 $0x2, s21;
	v33 =	vld [tilespmem:s8+$0x0];
	[tilespmem:s17+$0xFFFFFF80] =	vst v30;
	v24 =	vmul.f32 v24, v13;
	v13 =	vmovc v23  }
0x210: {  	v27 =	vmul.u32 $0x48, v29;
	v29 =	vmov s18;
	v23 =	vld [tilespmem:s20+$0xFFFFFFA0];
	[tilespmem:s2+$0x48] =	vst v26  }
0x211: {  	v25 =	vadd.s32 $0x40, v25;
	v26 =	vmul.u32 $0x48, v29;
	v29 =	vmul.f32 $2.000000030e-01, v22;
	v30 =	vld [tilespmem:s13+$0xFFFFFF60];
	[tilespmem:s17+$0x78] =	vst v24  }
0x212: {  	v24 =	vbroadcast v25, $0x0;
	v27 =	vadd.s32 $0x40, v27;
	v25 =	vadd.f32 v32, v31;
	v31 =	vld [tilespmem:s13+$0x60];
	[tilespmem:s12+$0xFFFFFF90] =	vst v18  }
0x213: {  	v18 =	vbroadcast v27, $0x0;
	v26 =	vadd.s32 $0x40, v26;
	v22 =	vmax.f32 v22, v29;
	v27 =	vld [tilespmem:s13+$0xFFFFFFB0];
	[tilespmem:s0+$0xFFFFFFD8] =	vst v19  }
0x214: {  	s18 =	sadd.s32 $0x3, s21;
	s21 =	smov.u32 s4;
	v22 =	vmul.f32 $1.442695020e+00, v22;
	v19 =	vmul.f32 $2.000000030e-01, v25;
	v28 =	vadd.f32 v33, v28;
	v29 =	vld [tilespmem:s13+$0x0];
	[tilespmem:s0+$0x20] =	vst v17  }
0x215: {  	v17 =	vadd.f32 v21, v23;
	v21 =	vbroadcast v26, $0x0;
	v23 =	vmov s18;
	v26 =	vld [tilespmem:s11+$0xFFFFFFC0];
	[tilespmem:s0+$0xFFFFFFA0] =	vst v14  }
0x216: {  	v14 =	vmul.f32 $2.000000030e-01, v28;
	v23 =	vmul.u32 $0x48, v23;
	(erf) = vpow2.f32 v22;
	v22 =	vld [tilespmem:s11+$0x10];
	[tilespmem:s24+$0xFFFFFFE8] =	vst v15  }
0x217: {  	v19 =	vmax.f32 v25, v19;
	v15 =	vmul.f32 $2.000000030e-01, v17;
	v25 =	vmul.f32 v31, v13;
	v31 =	vld [tilespmem:s11+$0xFFFFFF80];
	[tilespmem:s24+$0x30] =	vst v16;
	s24 =	smov.u32 s0;
	s0 =	smov.u32 s12;
	s12 =	smov.u32 s17  }
0x218: {  	v16 =	vmul.f32 $1.442695020e+00, v19;
	s17 =	smov.u32 s2;
	v14 =	vmax.f32 v28, v14;
	v19 =	vadd.s32 $0x40, v23;
	v32 =	vld [tilespmem:s1+$0xFFFFFFD0]  }
0x219: {  	v15 =	vmax.f32 v17, v15;
	v14 =	vmul.f32 $1.442695020e+00, v14;
	v17 =	vbroadcast v19, $0x0;
	[tilespmem:s2+$0x58] =	vst v25;
	v33 =	vld [tilespmem:s1+$0x20]  }
0x21a: {  	v15 =	vmul.f32 $1.442695020e+00, v15;
	(erf) = vpow2.f32 v16;
	v16 =	vld [tilespmem:s13+$0x70]  }
0x21b: {  	v17 =	vor.u32 v1, v17;
	(erf) = vpow2.f32 v14;
	v14 =	vmul.f32 v12, v30;
	v30 =	vld [tilespmem:s1+$0xFFFFFF90]  }
0x21c: {  	(erf) = vpow2.f32 v15;
	v15 =	vmul.f32 v11, v27;
	v34 =	vld [tilespmem:s31+$0xFFFFFFE0]  }
0x21d: {  	v35 =	vmul.f32 v26, v9;
	[tilespmem:s2+$0xFFFFFF70] =	vst v14;
	v14 =	vmul.f32 v20, v29;
	v36 =	vld [tilespmem:s31+$0x30];
	s31 =	smov.u32 s1;
	s1 =	smov.u32 s11;
	s11 =	smov.u32 s13  }
0x21e: {  	v23 =	vor.u32 v1, v18;
	v18 =	vmul.f32 v31, v10;
	v31 =	vmul.f32 v22, v8;
	s13 =	smov.u32 s20;
	s20 =	sadd.s32 $0x140, s20;
	v37 =	vld [tilespmem:s11+$0xFFFFFF70];
	[tilespmem:s2+$0xFFFFFFB8] =	vst v15  }
.Ltmp3:
0x21f: {  	s8 =	sadd.s32 $0x40, s8;
	v25 =	vor.u32 v1, v21;
	v19 =	vmul.f32 v32, v3;
	v22 =	vld [tilespmem:s20+$0x90];
	v28 =	vpop (erf);
	[tilespmem:s2+$0x0] =	vst v14;
	v15 =	vmul.f32 v16, v13;
	(pc) =	sbr.rel @p0 .LBB2_9-.Ltmp3, $4  }
0x220: {  	v27 =	vld [tilespmem:s8+$0x10];
	[tilespmem:v17+s16+$0x0] =	vst.idx.msk $0xff, v28;
	v14 =	vmul.f32 v30, v7;
	v17 =	vmul.f32 v33, v6;
	v7 =	vmov v10  }
0x221: {  	v29 =	vor.u32 v1, v24;
	v26 =	vld [tilespmem:s13+$0x50];
	[tilespmem:s2+$0x68] =	vst v15;
	v15 =	vmul.f32 v34, v4;
	v4 =	vmovc v3;
	v3 =	vmov v9  }
0x222: {  	v9 =	vmovc v11;
	v24 =	vld [tilespmem:s11+$0x80];
	[tilespmem:s12+$0xFFFFFFC8] =	vst v35;
	v16 =	vmul.f32 v36, v5;
	v5 =	vmovc v6;
	v6 =	vmov v8;
	v8 =	vmov v20  }
0x223: {  	s4 =	sadd.s32 $0x4, s4;
	v10 =	vmov v12;
	v21 =	vld [tilespmem:s8+$0xFFFFFFE0];
	v11 =	vpop (erf);
	v30 =	vmul.f32 v37, v12;
	[tilespmem:s12+$0x10] =	vst v31  }
0x224: {  	_ =	sdelay $0x2  }
0x225: {  	v43 =	vld [tilespmem:s20+$0xFFFFFFF0]  }
0x226: {  	v44 =	vld [tilespmem:s8+$0xFFFFFFF0];
	[tilespmem:v23+s16+$0x0] =	vst.idx.msk $0xff, v11  }
0x227: {  	v31 =	vld [tilespmem:s20+$0x40];
	[tilespmem:s12+$0xFFFFFF90] =	vst v18  }
0x228: {  	v28 =	vperm.xlane v28, v2;
	v47 =	vld [tilespmem:s8+$0x0];
	[tilespmem:s0+$0xFFFFFFD8] =	vst v19;
	v12 =	vadd.f32 v27, v22  }
0x229: {  	s4 =	sadd.s32 $0x3, s21;
	[tilespmem:s0+$0x20] =	vst v17;
	v34 =	vld [tilespmem:s11+$0xFFFFFFC0]  }
0x22a: {  	v32 =	vld [tilespmem:s20+$0xFFFFFFA0];
	[tilespmem:s0+$0xFFFFFFA0] =	vst v14;
	v45 =	vmov s4;
	v26 =	vmul.f32 v28, v26;
	v20 =	vmul.f32 $2.000000030e-01, v12  }
0x22b: {  	v11 =	vperm.xlane v11, v2;
	[tilespmem:s24+$0xFFFFFFE8] =	vst v15;
	s4 =	sadd.s32 $0x120, s2;
	v57 =	vld [tilespmem:s13+$0xFFFFFFB0];
	v27 =	vmul.u32 $0x48, v45  }
0x22c: {  	v46 =	vpop (erf);
	v52 =	vmov s21;
	v13 =	vmul.f32 v24, v13;
	[tilespmem:s4+$0x48] =	vst v26;
	v12 =	vmax.f32 v12, v20  }
0x22d: {  	[tilespmem:v25+s16+$0x0] =	vst.idx.msk $0xff, v46;
	v27 =	vadd.s32 $0x40, v27;
	v20 =	vadd.f32 v44, v43;
	v49 =	vld [tilespmem:s13+$0x60];
	v12 =	vmul.f32 $1.442695020e+00, v12  }
0x22e: {  	[tilespmem:s24+$0x30] =	vst v16;
	v48 =	vpop (erf);
	v62 =	vld [tilespmem:s13+$0x0];
	v27 =	vbroadcast v27, $0x0;
	v23 =	vadd.f32 v47, v31;
	v45 =	vmul.f32 v34, v9  }
0x22f: {  	s18 =	sadd.s32 $0x1, s21;
	v37 =	vld [tilespmem:s11+$0x10];
	[tilespmem:v29+s16+$0x0] =	vst.idx.msk $0xff, v48;
	v21 =	vadd.f32 v21, v32;
	v51 =	vmul.f32 $2.000000030e-01, v20;
	(erf) = vpow2.f32 v12  }
0x230: {  	[tilespmem:s17+$0xFFFFFF80] =	vst v30;
	v59 =	vmov s18;
	v54 =	vld [tilespmem:s13+$0xFFFFFF60];
	v38 =	vmul.f32 v11, v57;
	v53 =	vmul.f32 $2.000000030e-01, v23  }
0x231: {  	[tilespmem:s17+$0x78] =	vst v13;
	v55 =	vmul.f32 $2.000000030e-01, v21;
	v12 =	vperm.xlane v46, v2;
	v13 =	vmax.f32 v20, v51;
	v51 =	vld [tilespmem:s1+$0xFFFFFFD0]  }
0x232: {  	v50 =	vor.u32 v1, v27;
	[tilespmem:s17+$0xFFFFFFC8] =	vst v45;
	v22 =	vmul.f32 v49, v28;
	v58 =	vmul.f32 $1.442695020e+00, v13  }
0x233: {  	[tilespmem:s4+$0xFFFFFFB8] =	vst v38;
	v18 =	vmax.f32 v23, v53;
	v53 =	vld [tilespmem:s1+$0x20];
	v13 =	vperm.xlane v48, v2;
	v42 =	vmul.f32 v12, v62  }
0x234: {  	v19 =	vmax.f32 v21, v55;
	v55 =	vld [tilespmem:s1+$0xFFFFFF90];
	v60 =	vmul.f32 $1.442695020e+00, v18;
	v48 =	vmul.f32 v37, v8;
	[tilespmem:s4+$0x58] =	vst v22  }
0x235: {  	s21 =	sadd.s32 $0x2, s21;
	v23 =	vmul.u32 $0x48, v59;
	v59 =	vld [tilespmem:s31+$0x30];
	v31 =	vmul.f32 $1.442695020e+00, v19;
	v35 =	vmul.f32 v13, v54;
	[tilespmem:s4+$0x0] =	vst v42  }
0x236: {  	v30 =	vmov s21;
	v49 =	vld [tilespmem:s11+$0xFFFFFF80];
	(erf) = vpow2.f32 v58;
	[tilespmem:s17+$0x10] =	vst v48;
	v22 =	vmul.f32 v51, v3  }
0x237: {  	v33 =	vmul.u32 $0x48, v30;
	v26 =	vmul.u32 $0x48, v52;
	v62 =	vld [tilespmem:s13+$0xFFFFFFC0];
	(erf) = vpow2.f32 v60;
	[tilespmem:s4+$0xFFFFFF70] =	vst v35  }
0x238: {  	v36 =	vadd.s32 $0x40, v23;
	v32 =	vld [tilespmem:s13+$0x70];
	v24 =	vmul.f32 v53, v6;
	[tilespmem:s12+$0xFFFFFFD8] =	vst v22;
	v56 =	vpop (erf);
	(erf) = vpow2.f32 v31  }
0x239: {  	v39 =	vbroadcast v36, $0x0;
	v7 =	vmul.f32 v55, v7;
	[tilespmem:v50+s16+$0x0] =	vst.idx.msk $0xff, v56  }
0x23a: {  	v17 =	vadd.s32 $0x40, v33;
	v41 =	vadd.s32 $0x40, v26;
	v5 =	vmul.f32 v59, v5;
	[tilespmem:s12+$0x20] =	vst v24;
	v61 =	vld [tilespmem:s20+$0x50]  }
0x23b: {  	v43 =	vbroadcast v41, $0x0;
	v16 =	vor.u32 v1, v39;
	v15 =	vmul.f32 v49, v10;
	[tilespmem:s12+$0xFFFFFFA0] =	vst v7  }
0x23c: {  	v17 =	vbroadcast v17, $0x0;
	v58 =	vld [tilespmem:s31+$0xFFFFFFE0];
	v34 =	vmul.f32 v62, v11;
	[tilespmem:s0+$0x30] =	vst v5  }
0x23d: {  	v14 =	vor.u32 v1, v43;
	v27 =	vld [tilespmem:s13+$0x10];
	[tilespmem:s17+$0xFFFFFF90] =	vst v15;
	v20 =	vperm.xlane v56, v2;
	v44 =	vmul.f32 v32, v28  }
0x23e: {  	v17 =	vor.u32 v1, v17;
	v47 =	vld [tilespmem:s13+$0xFFFFFF70];
	[tilespmem:s4+$0xFFFFFFC8] =	vst v34  }
0x23f: {  	v35 =	vld [tilespmem:s11+$0x20];
	[tilespmem:s4+$0x68] =	vst v44;
	v50 =	vpop (erf);
	v40 =	vmul.f32 v20, v61  }
0x240: {  	s24 =	sadd.s32 $0x120, s4;
	v18 =	vld [tilespmem:s13+$0x80];
	[tilespmem:v16+s16+$0x0] =	vst.idx.msk $0xff, v50;
	v52 =	vpop (erf)  }
0x241: {  	v60 =	vld [tilespmem:s20+$0xFFFFFFB0];
	[tilespmem:s24+$0x48] =	vst v40;
	v54 =	vpop (erf)  }
0x242: {  	v4 =	vmul.f32 v58, v4;
	v46 =	vld [tilespmem:s20+$0x60];
	[tilespmem:v14+s16+$0x0] =	vst.idx.msk $0xff, v54  }
0x243: {  	v21 =	vmul.f32 v47, v13;
	[tilespmem:v17+s16+$0x0] =	vst.idx.msk $0xff, v52;
	v57 =	vld [tilespmem:s20+$0xFFFFFF60]  }
0x244: {  	[tilespmem:s0+$0xFFFFFFE8] =	vst v4;
	v4 =	vmul.f32 v35, v8;
	v26 =	vperm.xlane v50, v2;
	v61 =	vld [tilespmem:s20+$0x0]  }
0x245: {  	v41 =	vld [tilespmem:s1+$0x30];
	[tilespmem:s4+$0xFFFFFF80] =	vst v21;
	v21 =	vmul.f32 v27, v12;
	v56 =	vmul.f32 v18, v28  }
0x246: {  	v39 =	vld [tilespmem:s11+$0xFFFFFF90];
	[tilespmem:s17+$0x20] =	vst v4;
	v17 =	vperm.xlane v54, v2;
	v30 =	vmul.f32 v26, v60  }
0x247: {  	v43 =	vld [tilespmem:s13+$0xFFFFFFD0];
	[tilespmem:s4+$0x10] =	vst v21;
	v28 =	vperm.xlane v52, v2;
	v19 =	vmul.f32 v46, v20  }
0x248: {  	[tilespmem:s24+$0xFFFFFFB8] =	vst v30;
	v18 =	vmul.f32 v17, v57  }
0x249: {  	v32 =	vmul.f32 v28, v61;
	v37 =	vld [tilespmem:s20+$0xFFFFFFC0];
	[tilespmem:s24+$0x58] =	vst v19  }
0x24a: {  	v48 =	vmul.f32 v41, v6;
	v19 =	vld [tilespmem:s20+$0x70];
	[tilespmem:s24+$0xFFFFFF70] =	vst v18  }
0x24b: {  	v45 =	vmul.f32 v39, v10;
	[tilespmem:s24+$0x0] =	vst v32;
	v29 =	vld [tilespmem:s20+$0xFFFFFF70]  }
0x24c: {  	v4 =	vmul.f32 v43, v11;
	[tilespmem:s12+$0x30] =	vst v48;
	v38 =	vld [tilespmem:s20+$0x10]  }
0x24d: {  	v31 =	vld [tilespmem:s13+$0xFFFFFF80];
	[tilespmem:s17+$0xFFFFFFA0] =	vst v45  }
0x24e: {  	[tilespmem:s4+$0xFFFFFFD8] =	vst v4;
	v40 =	vld [tilespmem:s1+$0xFFFFFFE0];
	v16 =	vmul.f32 v37, v26  }
0x24f: {  	v33 =	vld [tilespmem:s11+$0xFFFFFFD0];
	[tilespmem:s4+$0x78] =	vst v56;
	v25 =	vmul.f32 v19, v20  }
0x250: {  	v46 =	vld [tilespmem:s13+$0x20];
	[tilespmem:s24+$0xFFFFFFC8] =	vst v16;
	v36 =	vmul.f32 v29, v17  }
0x251: {  	v44 =	vmul.f32 v38, v28;
	v47 =	vld [tilespmem:s20+$0xFFFFFFD0];
	[tilespmem:s24+$0x68] =	vst v25  }
0x252: {  	v15 =	vmul.f32 v31, v13;
	v7 =	vld [tilespmem:s20+$0x80];
	[tilespmem:s24+$0xFFFFFF80] =	vst v36  }
0x253: {  	v3 =	vmul.f32 v40, v3;
	[tilespmem:s24+$0x10] =	vst v44;
	v42 =	vld [tilespmem:s20+$0xFFFFFF80]  }
0x254: {  	[tilespmem:s4+$0xFFFFFF90] =	vst v15;
	v18 =	vmul.f32 v33, v9;
	v49 =	vld [tilespmem:s20+$0x20]  }
0x255: {  	[tilespmem:s12+$0xFFFFFFE8] =	vst v3;
	v3 =	vld [tilespmem:s13+$0xFFFFFF90];
	v53 =	vmul.f32 v46, v12  }
0x256: {  	v52 =	vld [tilespmem:s11+$0x30];
	[tilespmem:s17+$0xFFFFFFD8] =	vst v18;
	v5 =	vmul.f32 v47, v26  }
0x257: {  	v55 =	vld [tilespmem:s13+$0xFFFFFFE0];
	[tilespmem:s4+$0x20] =	vst v53;
	v7 =	vmul.f32 v7, v20  }
0x258: {  	v51 =	vld [tilespmem:s11+$0xFFFFFFE0];
	[tilespmem:s24+$0xFFFFFFD8] =	vst v5;
	v50 =	vmul.f32 v42, v17  }
0x259: {  	v56 =	vld [tilespmem:s13+$0x30];
	[tilespmem:s24+$0x78] =	vst v7;
	v7 =	vmul.f32 v49, v28  }
0x25a: {  	v3 =	vmul.f32 v3, v13;
	v58 =	vld [tilespmem:s20+$0xFFFFFFE0];
	[tilespmem:s24+$0xFFFFFF90] =	vst v50  }
0x25b: {  	v59 =	vmul.f32 v52, v8;
	v54 =	vld [tilespmem:s20+$0xFFFFFF90];
	[tilespmem:s24+$0x20] =	vst v7  }
0x25c: {  	v60 =	vmul.f32 v55, v11;
	[tilespmem:s4+$0xFFFFFFA0] =	vst v3;
	v3 =	vld [tilespmem:s20+$0x30]  }
0x25d: {  	[tilespmem:s17+$0x30] =	vst v59;
	v57 =	vmul.f32 v51, v9  }
0x25e: {  	[tilespmem:s4+$0xFFFFFFE8] =	vst v60;
	v61 =	vmul.f32 v56, v12  }
0x25f: {  	[tilespmem:s17+$0xFFFFFFE8] =	vst v57;
	v62 =	vmul.f32 v58, v26  }
0x260: {  	[tilespmem:s4+$0x30] =	vst v61;
	v4 =	vmul.f32 v54, v17  }
0x261: {  	[tilespmem:s24+$0xFFFFFFE8] =	vst v62;
	v3 =	vmul.f32 v3, v28  }
0x262: {  	[tilespmem:s24+$0xFFFFFFA0] =	vst v4  }
0x263: {  	s0 =	simm.s32 $0xF8;
	s1 =	simm.s32 $0xBF60;
	s4 =	simm.s32 $0x14B90;
	[tilespmem:s24+$0x30] =	vst v3  }
.LBB2_11:
0x264: {  	s2 =	sshra.s32 s30, $0x2;
	v4 =	vld [tilespmem:s1+$0x0]  }
0x265: {  	v3 =	vld [tilespmem:s2+$0x9FE0];
	_ =	sdelay $0x4  }
0x266: {  	v3 =	vadd.f32 v4, v3;
	_ =	sdelay $0x1  }
0x267: {  	v4 =	vmul.f32 $2.000000030e-01, v3;
	_ =	sdelay $0x1  }
0x268: {  	v3 =	vmax.f32 v3, v4  }
0x269: {  	v3 =	vmul.f32 $1.442695020e+00, v3  }
0x26a: {  	v61 =	vmov s0  }
0x26b: {  	(erf) = vpow2.f32 v3;
	v3 =	vmul.u32 $0x48, v61;
	_ =	sdelay $0x1  }
0x26c: {  	v3 =	vadd.s32 $0x40, v3  }
0x26d: {  	v3 =	vbroadcast v3, $0x0;
	_ =	sdelay $0x1  }
0x26e: {  	v3 =	vor.u32 v1, v3;
	_ =	sdelay $0x3  }
0x26f: {  	v62 =	vpop (erf)  }
0x270: {  	[tilespmem:v3+s16+$0x0] =	vst.idx.msk $0xff, v62  }
0x271: {  	v3 =	vld [tilespmem:s2+$0x9FA0];
	_ =	sdelay $0x2  }
0x272: {  	v4 =	vperm.xlane v62, v2;
	_ =	sdelay $0x1  }
0x273: {  	v3 =	vmul.f32 v4, v3;
	_ =	sdelay $0x1  }
0x274: {  	[tilespmem:s4+$0x0] =	vst v3  }
0x275: {  	v3 =	vld [tilespmem:s2+$0x9FB0];
	_ =	sdelay $0x4  }
0x276: {  	v3 =	vmul.f32 v3, v4;
	_ =	sdelay $0x1  }
0x277: {  	[tilespmem:s4+$0x10] =	vst v3  }
0x278: {  	v3 =	vld [tilespmem:s2+$0x9FC0];
	_ =	sdelay $0x4  }
0x279: {  	v3 =	vmul.f32 v3, v4;
	_ =	sdelay $0x1  }
0x27a: {  	[tilespmem:s4+$0x20] =	vst v3  }
0x27b: {  	v3 =	vld [tilespmem:s2+$0x9FD0];
	_ =	sdelay $0x1  }
0x27c: {  	p0 =	sne.s32 s30, $0x140  }
.Ltmp4:
0x27d: {  	_ = 	snop;
	(pc) =	sbr.rel @p0 .LBB2_11-.Ltmp4, $4  }
0x27e: {  	_ = 	snop  }
0x27f: {  	v3 =	vmul.f32 v3, v4  }
0x280: {  	s0 =	sadd.s32 $0x1, s0  }
0x281: {  	s1 =	sadd.s32 $0x10, s1;
	s30 =	sadd.s32 $0x140, s30;
	[tilespmem:s4+$0x30] =	vst v3;
	s4 =	sadd.s32 $0x48, s4  }
0x282: {  	v3 =	vld [tilespmem:$0x300]  }
0x283: {  	v4 =	vld [tilespmem:$0x310]  }
0x284: {  	v5 =	vld [tilespmem:$0x320]  }
0x285: {  	v6 =	vld [tilespmem:$0x330]  }
0x286: {  	v7 =	vld [tilespmem:$0x340]  }
0x287: {  	[tilespmem:$0x14D20] =	vst v3;
	v3 =	vld [tilespmem:$0x350]  }
0x288: {  	v55 =	vld [tilespmem:$0x360];
	[tilespmem:$0x14D30] =	vst v4  }
0x289: {  	v57 =	vld [tilespmem:$0x380];
	[tilespmem:$0x14D40] =	vst v5  }
0x28a: {  	v58 =	vld [tilespmem:$0x390];
	[tilespmem:$0x14D50] =	vst v6  }
0x28b: {  	v59 =	vld [tilespmem:$0x3B0];
	[tilespmem:$0x14D60] =	vst v7  }
0x28c: {  	[tilespmem:$0x14D70] =	vst v3;
	v3 =	vld [tilespmem:$0x3A0]  }
0x28d: {  	v60 =	vld [tilespmem:$0x3C0];
	[tilespmem:$0x14D80] =	vst v55  }
0x28e: {  	v61 =	vld [tilespmem:$0x3D0];
	[tilespmem:$0x14DA0] =	vst v57  }
0x28f: {  	v62 =	vld [tilespmem:$0x3E0];
	[tilespmem:$0x14DB0] =	vst v58  }
0x290: {  	v56 =	vld [tilespmem:$0x36D];
	[tilespmem:$0x14DD0] =	vst v59  }
0x291: {  	[tilespmem:$0x14DC0] =	vst v3;
	v3 =	vld [tilespmem:$0x3ED]  }
0x292: {  	[tilespmem:$0x14DE0] =	vst v60  }
0x293: {  	s29 =	sadd.s32 $0x1, s29;
	[tilespmem:$0x14DF0] =	vst v61  }
0x294: {  	p0 =	sne.s32 s29, $0x14;
	[tilespmem:$0x14E00] =	vst v62  }
.Ltmp5:
0x295: {  	[tilespmem:$0x14D8D] =	vst v56;
	(pc) =	sbr.rel @p0 .LBB2_4-.Ltmp5, $4  }
0x296: {  	s0 =	simm.s32 $0x14D20;
	[tilespmem:$0x14E0D] =	vst v3  }
0x297: {  	[spmem:s3] =	stream.indirect.scatter.add.f32 [tilespmem:s16], [sflag:$0x6], $0x48, s0, s25, $0xb8;
	v63 =	vld [tilespmem:$0x0]  }
0x298: {  	s31 =	simm.s32 $0x14DA0;
	s1 =	simm.s32 $0x128F8  }
0x299: {  	[spmem:s3] =	stream.indirect.scatter.add.f32 [tilespmem:s1], [sflag:$0x6], $0x48, s31, s25, $0xb8;
	v63 =	vld [tilespmem:$0x0]  }
0x29a: {  	s0 =	simm.s32 $0x5  }
0x29b: {  	_ =	swait.ge [sflag:s0], $0x2328  }
0x29c: {  	[sflag:s0] =	ssyncset.done $0x0  }
0x29d: {  	[sflag:s0] =	ssyncadd.s32 $0xFFFFDCD8  }
0x29e: {  	_ =	swait.ge [sflag:s0], $0x2328  }
0x29f: {  	[sflag:s0] =	ssyncset.done $0x0  }
0x2a0: {  	s24 =	simm.s32 $0x6;
	[sflag:s0] =	ssyncadd.s32 $0xFFFFDCD8  }
0x2a1: {  	_ =	swait.ge [sflag:s24], $0x2328  }
0x2a2: {  	[sflag:s24] =	ssyncset.done $0x0  }
0x2a3: {  	[sflag:s24] =	ssyncadd.s32 $0xFFFFDCD8  }
0x2a4: {  	_ =	swait.ge [sflag:s24], $0x2328  }
0x2a5: {  	[sflag:s24] =	ssyncset.done $0x0  }
0x2a6: {  	[sflag:s24] =	ssyncadd.s32 $0xFFFFDCD8  }
0x2a7: {  	s29 =	stileid.u32;
	[bflag:$0x0] =	sbarrier.arrive $0xFFFF  }
0x2a8: {  	s0 =	sshll.u32 s29, $0x6;
	s12 =	rddreg [dreg:$0x4]  }
0x2a9: {  	s0 =	sor.u32 $0x1C07, s0;
	s2 =	rddreg [dreg:$0x10];
	s1 =	sshrl.u32 s12, $0x3  }
0x2aa: {  	[hbm:s2], [sflag:s0] =	dma.local [spmem:s1], $0x1638  }
0x2ab: {  	_ =	swait.ge [sflag:s23], $0x1638  }
0x2ac: {  	s30 =	rddreg [dreg:$0x12]  }
0x2ad: {  	s31 =	rddreg [dreg:$0x11];
	s1 =	sadd.s32 $0x1, s30  }
0x2ae: {  	p0 =	sne.s32 s1, s31  }
.Ltmp6:
0x2af: {  	_ = 	snop;
	(pc) =	sbr.rel @p0 .LBB2_1-.Ltmp6, $3  }
0x2b0: {  	_ =	sdelay $0x1  }
0x2b1: {  	[sflag:s23] =	ssyncset.done $0x0  }
0x2b2: {  	[sflag:s23] =	ssyncadd.s32 $0xFFFFE9C8  }
0x2b3: {  	_ =	sfence.sel $0x180000  }
0x2b4: {  	[bflag:$0x0] =	sbarrier.arrive $0xFFFF  }
0x2b5: {  	_ =	strace $0x9000004A  }
0x2b6: {  	s0 =	stileid.u32;
	[bflag:$0x2] =	sbarrier.arrive $0xFFFF  }
0x2b7: {  	p0 =	sne.s32 s0, $0x0;
	s0 =	rddreg [dreg:$0x3]  }
0x2b8: {  	s0 =	sadd.s32 @!p0 $0x100000, s0  }
0x2b9: {  	[sflag:s0] =	ssyncadd.tile.s32 @!p0 $0x1;
	_ =	shalt  }
.Lfunc_end2:
_tile_overlayer_lowered:
.L_overlay_start_2:
0x2ba: {  	(tag) =	ssettag $0x2  }
0x2bb: {  	s0 =	rddreg [dreg:$0x0];
	s2 =	stileid.u32  }
0x2bc: {  	s1 =	rddreg [dreg:$0x1];
	p0 =	sne.s32 s2, $0x0  }
0x2bd: {  	s3 =	rddreg [dreg:$0x2];
	[bflag:$0x3] =	sbarrier.arrive $0xFFFF;
	s2 =	simm.s32 @!p0 $0x1C07  }
0x2be: {  	[timem:s3], [sflag:s2] =	dma.local @!p0 [hbm:s0], s1  }
0x2bf: {  	s0 =	simm.s32 @!p0 $0x7  }
0x2c0: {  	_ =	swait.ge @!p0 [sflag:s0], s1  }
0x2c1: {  	s1 =	ssub.s32 @!p0 $0x0, s1;
	[sflag:s0] =	ssyncset.done @!p0 $0x0  }
0x2c2: {  	[sflag:s0] =	ssyncadd.s32 @!p0 s1  }
0x2c3: {  	[bflag:$0x3] =	sbarrier.arrive $0xFFFF  }
0x2c4: {  	_ =	shalt  }

// kernel: kernel.7.cloned.1.call-start
scs
__scs_entry_jumppad:
0x0: {  	(pc) =	sbr.rel $0x88, $3  }
0x1: {  	(tag) =	ssettag $0x0;
	lr =	simm.s32 $0x1  }
0x2: {  	[smem:$0x3F97] =	sst lr;
	_ =	strace $0xD0000000  }
0x3: {  	_ = 	snop  }
0x4: {  	_ = 	snop  }
0x5: {  	_ = 	snop  }
0x6: {  	_ = 	snop  }
0x7: {  	_ = 	snop  }
__scs_overlays_trampoline_lowered:
0x8: {  	[smem:$0x3FA6] =	sst s0  }
0x9: {  	[smem:$0x3FA7] =	sst s1  }
0xa: {  	[smem:$0x3FA8] =	sst s2  }
0xb: {  	[smem:$0x3FA9] =	sst s3  }
0xc: {  	[smem:$0x3FAA] =	sst s4  }
0xd: {  	[smem:$0x3FAB] =	sst s5  }
0xe: {  	[smem:$0x3FAC] =	sst s6  }
0xf: {  	[smem:$0x3FAD] =	sst s7  }
0x10: {  	[smem:$0x3FAE] =	sst s8  }
0x11: {  	[smem:$0x3FAF] =	sst s9;
	s0 =	simm.s32 @!p0 $0x0  }
0x12: {  	s1 =	sld [smem:$0x3F95];
	s0 =	simm.s32 @p0 $0x1  }
0x13: {  	[smem:$0x3FB0] =	sst s0;
	s0 =	simm.s32 @!p1 $0x0  }
0x14: {  	s2 =	sld [smem:$0x3F94];
	s0 =	simm.s32 @p1 $0x1  }
0x15: {  	[smem:$0x3FB1] =	sst s0;
	s0 =	simm.s32 @!p2 $0x0  }
0x16: {  	s3 =	sld [smem:$0x3FDB];
	s0 =	simm.s32 @p2 $0x1  }
0x17: {  	s4 =	simm.s32 $0x1BF5;
	[smem:$0x3FB3] =	sst s0  }
0x18: {  	s0 =	sld [smem:$0x3F96];
	_ =	swait.ge [sflag:s4], $0x0  }
0x19: {  	s7 =	sld [smem:$0x3F97]  }
0x1a: {  	s8 =	sadd.s32 $0xFFFFE003, lr  }
0x1b: {  	s9 =	sadd.s32 $0xFFFFFEF7, lr;
	s5 =	simm.s32 $0xFFFFFFFF;
	p2 =	slt.u32 s8, $0xFFFFF086  }
0x1c: {  	p1 =	slt.u32 s9, $0xF7A;
	s5 =	simm.s32 @!p2 $0x0  }
0x1d: {  	s5 =	simm.s32 @p1 $0x1;
	p0 =	seq.s32 s7, s2  }
0x1e: {  	s7 =	smul.u32 @!p0 $0xF7A, s2;
	p2 =	seq.s32 @!p0 s5, $0x0  }
0x1f: {  	s9 =	smul.u32 $0xF7A, s1;
	s8 =	simm.s32 @!p0 $0x1BF5;
	p2 =	por !p2, p0  }
0x20: {  	[sflag:s8] =	ssyncset.s32 @!p0 $0xFFFFF086;
	s6 =	sadd.s32 @!p0 s3, s7;
	s7 =	simm.s32 @!p0 $0x108  }
0x21: {  	s3 =	sadd.s32 s3, s9;
	s6 =	sadd.s32 @!p0 $0x88, s6;
	s7 =	simm.s32 @p2 $0x1082  }
0x22: {  	[simem:s7], [sflag:s8] =	dma.local @!p0 [hbm:s6], $0xF7A  }
0x23: {  	s9 =	sor.u32 $0xD0000000, s2;
	s6 =	simm.s32 $0x108;
	_ =	swait.ge @!p0 [sflag:s8], $0x0  }
0x24: {  	s3 =	sadd.s32 $0x88, s3;
	s6 =	simm.s32 @!p1 $0x1082;
	[sflag:s4] =	ssyncset.s32 $0xFFFFF086  }
0x25: {  	[simem:s6], [sflag:s4] =	dma.local [hbm:s3], $0xF7A  }
0x26: {  	[smem:$0x3F97] =	sst s1;
	(tag) =	ssettag s2;
	_ =	strace s9  }
0x27: {  	s1 =	sld [smem:$0x3FA7]  }
0x28: {  	s2 =	sld [smem:$0x3FA8]  }
0x29: {  	s4 =	sld [smem:$0x3FAA]  }
0x2a: {  	p0 =	seq.s32 s5, $0x0;
	s5 =	sld [smem:$0x3FAB]  }
0x2b: {  	s6 =	sld [smem:$0x3FAC]  }
0x2c: {  	s7 =	sld [smem:$0x3FAD]  }
0x2d: {  	s3 =	simm.s32 $0x108;
	s8 =	sld [smem:$0x3FAE]  }
0x2e: {  	s3 =	simm.s32 @!p0 $0x1082;
	s9 =	sld [smem:$0x3FAF]  }
0x2f: {  	lr =	sadd.s32 s0, s3;
	s0 =	sld [smem:$0x3FA6]  }
0x30: {  	s3 =	sld [smem:$0x3FA9]  }
0x31: {  	[smem:$0x3FB2] =	sst s10  }
0x32: {  	s10 =	sld [smem:$0x3FB0];
	_ =	sdelay $0x3  }
0x33: {  	p0 =	seq.s32 s10, $0x1;
	s10 =	sld [smem:$0x3FB2];
	_ =	sdelay $0x3  }
0x34: {  	[smem:$0x3FB2] =	sst s10  }
0x35: {  	s10 =	sld [smem:$0x3FB1];
	_ =	sdelay $0x3  }
0x36: {  	p1 =	seq.s32 s10, $0x1;
	s10 =	sld [smem:$0x3FB2];
	_ =	sdelay $0x3  }
0x37: {  	[smem:$0x3FB2] =	sst s10  }
0x38: {  	s10 =	sld [smem:$0x3FB3]  }
0x39: {  	_ = 	snop;
	(pc) =	sbr.ind lr, $3  }
0x3a: {  	_ = 	snop  }
0x3b: {  	_ = 	snop  }
0x3c: {  	p2 =	seq.s32 s10, $0x1;
	s10 =	sld [smem:$0x3FB2]  }
0x3d: {  	_ =	shalt  }
0x3e: {  	_ =	shalt  }
0x3f: {  	_ =	shalt  }
0x40: {  	_ =	shalt  }
0x41: {  	_ =	shalt  }
0x42: {  	_ =	shalt  }
0x43: {  	_ =	shalt  }
0x44: {  	_ =	shalt  }
0x45: {  	_ =	shalt  }
0x46: {  	_ =	shalt  }
0x47: {  	_ =	shalt  }
0x48: {  	_ =	shalt  }
0x49: {  	_ =	shalt  }
0x4a: {  	_ =	shalt  }
0x4b: {  	_ =	shalt  }
0x4c: {  	_ =	shalt  }
0x4d: {  	_ =	shalt  }
0x4e: {  	_ =	shalt  }
0x4f: {  	_ =	shalt  }
0x50: {  	_ =	shalt  }
0x51: {  	_ =	shalt  }
0x52: {  	_ =	shalt  }
0x53: {  	_ =	shalt  }
0x54: {  	_ =	shalt  }
0x55: {  	_ =	shalt  }
0x56: {  	_ =	shalt  }
0x57: {  	_ =	shalt  }
0x58: {  	_ =	shalt  }
0x59: {  	_ =	shalt  }
0x5a: {  	_ =	shalt  }
0x5b: {  	_ =	shalt  }
0x5c: {  	_ =	shalt  }
0x5d: {  	_ =	shalt  }
0x5e: {  	_ =	shalt  }
0x5f: {  	_ =	shalt  }
0x60: {  	_ =	shalt  }
0x61: {  	_ =	shalt  }
0x62: {  	_ =	shalt  }
0x63: {  	_ =	shalt  }
0x64: {  	_ =	shalt  }
0x65: {  	_ =	shalt  }
0x66: {  	_ =	shalt  }
0x67: {  	_ =	shalt  }
0x68: {  	_ =	shalt  }
0x69: {  	_ =	shalt  }
0x6a: {  	_ =	shalt  }
0x6b: {  	_ =	shalt  }
0x6c: {  	_ =	shalt  }
0x6d: {  	_ =	shalt  }
0x6e: {  	_ =	shalt  }
0x6f: {  	_ =	shalt  }
0x70: {  	_ =	shalt  }
0x71: {  	_ =	shalt  }
0x72: {  	_ =	shalt  }
0x73: {  	_ =	shalt  }
0x74: {  	_ =	shalt  }
0x75: {  	_ =	shalt  }
0x76: {  	_ =	shalt  }
0x77: {  	_ =	shalt  }
0x78: {  	_ =	shalt  }
0x79: {  	_ =	shalt  }
0x7a: {  	_ =	shalt  }
0x7b: {  	_ =	shalt  }
0x7c: {  	_ =	shalt  }
0x7d: {  	_ =	shalt  }
0x7e: {  	_ =	shalt  }
0x7f: {  	_ =	shalt  }
0x80: {  	_ =	shalt  }
0x81: {  	_ =	shalt  }
0x82: {  	_ =	shalt  }
0x83: {  	_ =	shalt  }
0x84: {  	_ =	shalt  }
0x85: {  	_ =	shalt  }
0x86: {  	_ =	shalt  }
0x87: {  	_ =	shalt  }
.Lfunc_end0:
.L_simem_size_0:
called_computation_lowered:
.L_overlay_start_0:
0x88: {  	s2 =	sld [smem:$0x3FD9]  }
0x89: {  	s3 =	sld [smem:$0x3FFE];
	_ =	sdelay $0x1  }
0x8a: {  	s1 =	srdreg.scid  }
0x8b: {  	s0 =	sand.u32 $0x1, s1  }
0x8c: {  	s17 =	sshll.u32 s0, $0xA;
	s2 =	sadd.s32 s3, s2  }
0x8d: {  	s2 =	sadd.s32 s2, s17  }
0x8e: {  	[smem:$0x3FBE] =	sst s2  }
0x8f: {  	_ = 	snop  }
0x90: {  	s2 =	sld [smem:$0x3FD0];
	(tm) =	ssettm $0x1  }
0x91: {  	s18 =	sld [smem:$0x3FFB];
	_ =	sdelay $0x3  }
0x92: {  	_ =	strace s18  }
0x93: {  	s3 =	sld [smem:$0x3FFC];
	_ =	sdelay $0x3  }
0x94: {  	_ =	strace s3  }
0x95: {  	s3 =	sld [smem:$0x3FFD];
	_ =	sdelay $0x3  }
0x96: {  	_ =	strace s3  }
0x97: {  	_ =	strace $0x8FFFFFFF  }
0x98: {  	s19 =	sld [smem:$0x3FDB];
	_ =	sdelay $0x1  }
0x99: {  	s4 =	simm.s32 $_scs_section_size  }
0x9a: {  	s5 =	simm.s32 $_size__tile_overlayer_lowered;
	s6 =	simm.s32 $_tile_overlayer_lowered  }
0x9b: {  	s22 =	simm.s32 $0x1BFF;
	s21 =	sshll.u32 s6, $0x1;
	s3 =	sadd.s32 s4, s19  }
0x9c: {  	s7 =	simm.s32 $0x0;
	s20 =	sshll.u32 s5, $0x1;
	s5 =	sadd.s32 s21, s3  }
0x9d: {  	[timem:s7], [sflag:s22] =	dma.local [hbm:s5], s20  }
0x9e: {  	_ =	swait.ge [sflag:s22], s20  }
0x9f: {  	s4 =	ssub.s32 $0x0, s20;
	[sflag:s22] =	ssyncset.done $0x0  }
0xa0: {  	[sflag:s22] =	ssyncadd.s32 s4;
	_ =	sdelay $0x1  }
0xa1: {  	s23 =	simm.s32 $0x1B8B  }
0xa2: {  	_ =	swait.ge [sflag:s23], $0x1  }
0xa3: {  	[sflag:s23] =	ssyncset.done $0x0  }
0xa4: {  	s25 =	simm.s32 $0x1B8E;
	s24 =	sld [smem:$0x3FFE];
	[sflag:s23] =	ssyncadd.s32 $0xFFFFFFFF  }
0xa5: {  	s26 =	simm.s32 $execute0_lowered;
	[smem:$0x3FD2] =	sst s25  }
0xa6: {  	s5 =	sshll.u32 s26, $0x1;
	_ =	strace $0x80000046;
	[dreg:$0x1] =	wrdreg $0xFFFFFFFF  }
0xa7: {  	s28 =	simm.s32 $_size_execute0_lowered;
	s3 =	sadd.s32 s3, s5;
	[dreg:$0x0] =	wrdreg $0x0  }
0xa8: {  	s5 =	sshll.u32 s28, $0x1;
	[dreg:$0x2] =	wrdreg s3  }
0xa9: {  	[dreg:$0x3] =	wrdreg s5  }
0xaa: {  	[dreg:$0x4] =	wrdreg $0xC0  }
0xab: {  	_ =	task [dreg:s7], $0x5FFFF  }
0xac: {  	[dreg:$0x1] =	wrdreg $0xFFFFFFFF  }
0xad: {  	[dreg:$0x0] =	wrdreg $0x60  }
0xae: {  	[dreg:$0x2] =	wrdreg s24  }
0xaf: {  	[dreg:$0x3] =	wrdreg s2  }
0xb0: {  	[dreg:$0x4] =	wrdreg $0x14E200  }
0xb1: {  	[dreg:$0x5] =	wrdreg $0x9  }
0xb2: {  	_ =	task.clear_ibuf [dreg:s7], $0x6FFFF;
	_ =	strace $0x90000046  }
0xb3: {  	s29 =	simm.s32 $0x9;
	_ =	strace $0x80000048  }
0xb4: {  	_ =	swait.ge [sflag:s29], $0x1  }
0xb5: {  	[sflag:s29] =	ssyncadd.s32 $0xFFFFFFFF  }
0xb6: {  	_ =	strace $0x90000048  }
0xb7: {  	_ =	sfence  }
0xb8: {  	s30 =	sld [smem:$0x0];
	_ =	sdelay $0x2  }
0xb9: {  	s31 =	sshll.u32 s1, $0xD;
	s1 =	sshrl.u32 s1, $0x2  }
0xba: {  	s3 =	sand.u32 $0x4000, s31;
	s1 =	sadd.s32 s1, s30  }
0xbb: {  	s0 =	sor.u32 s3, s0;
	s1 =	sshll.u32 s1, $0x11  }
0xbc: {  	s0 =	sor.u32 s1, s0  }
0xbd: {  	s0 =	sadd.s32 $0x8F2B, s0  }
0xbe: {  	[sflag:s0] =	ssyncadd.remote.s32 $0x1  }
0xbf: {  	_ =	sfence.sel $0xFFFF  }
0xc0: {  	[dreg:$0x0] =	wrdreg $0xFFFFFFFF;
	(pc) =	sbr.abs _section_cstart, $3  }
0xc1: {  	[dreg:$0x1] =	wrdreg $0xFFFFFFFF  }
0xc2: {  	_ =	task.clear_ibuf [dreg:s7], $0x2FFFF;
	_ =	strace $0x9FFFFFFF  }
0xc3: {  	(tm) =	ssettm $0x7FFFFFFF  }
tec
execute0_lowered:
.L_overlay_start_1:
0x0: {  	(tag) =	ssettag $0x1  }
0x1: {  	s0 =	rddreg [dreg:$0x0]  }
0x2: {  	s13 =	rddreg [dreg:$0x1];
	s1 =	srdreg.scid  }
0x3: {  	s2 =	stileid.u32;
	s3 =	rddreg [dreg:$0x2]  }
0x4: {  	s4 =	simm.s32 $0x0;
	s28 =	simm.s32 $0x300;
	s14 =	simm.s32 $0x2  }
0x5: {  	s15 =	simm.s32 $0x4;
	s16 =	simm.s32 $0x105D0;
	s1 =	sand.u32 $0x1, s1  }
0x6: {  	s8 =	smul.u32 $0xB1C0, s2;
	[smem:$0x7FF] =	sst s4;
	s5 =	sadd.s32 $0xBC00, s0  }
0x7: {  	s10 =	smul.u32 $0x2C700, s2;
	s12 =	sshll.u32 s2, $0x1;
	s4 =	smov.u32 s13  }
0x8: {  	s6 =	smul.u32 $0xB1C00, s1;
	_ =	strace $0x80000047;
	s19 =	ssub.s32 $0x2, s1  }
0x9: {  	s1 =	sor.u32 s1, s12;
	s11 =	sshrl.u32 s19, $0x1;
	s10 =	sshrl.u32 s10, $0x2  }
0xa: {  	s2 =	sadd.s32 s8, s3;
	s24 =	smul.u32 $0x500, s1;
	s10 =	sadd.s32 s10, s3  }
0xb: {  	s1 =	smul.u32 $0x50, s1;
	[dreg:$0x4] =	wrdreg s2;
	s20 =	sadd.s32 $0x1638, s10  }
0xc: {  	s7 =	sadd.s32 s8, s6;
	s21 =	sadd.s32 $0x2C70, s10;
	[dreg:$0x5] =	wrdreg s20  }
0xd: {  	s6 =	sadd.s32 $0x24400, s0;
	s22 =	sadd.s32 $0x42A8, s10;
	[dreg:$0x6] =	wrdreg s21  }
0xe: {  	s9 =	sshrl.u32 s7, $0x3;
	s23 =	sadd.s32 $0x58E0, s10;
	[dreg:$0x7] =	wrdreg s22  }
0xf: {  	s7 =	sadd.s32 $0x1C00, s0;
	s25 =	sadd.s32 $0x6F18, s10;
	[dreg:$0x8] =	wrdreg s23  }
0x10: {  	s26 =	sadd.s32 $0x8550, s10;
	s29 =	sadd.s32 $0x9B88, s10;
	[dreg:$0x9] =	wrdreg s25  }
0x11: {  	s30 =	sadd.s32 s13, s24;
	s18 =	sor.u32 $0x2, s1;
	[dreg:$0xa] =	wrdreg s26  }
0x12: {  	s10 =	simm.s32 $0x3;
	s0 =	sadd.s32 s9, s0;
	[dreg:$0xb] =	wrdreg s29  }
0x13: {  	s9 =	ssub.s32 s19, s11;
	[dreg:$0xc] =	wrdreg s30;
	s8 =	sadd.s32 s7, s24  }
0x14: {  	s19 =	sor.u32 $0x4, s1;
	s22 =	simm.s32 $0xBF80;
	s23 =	simm.s32 $0x7  }
0x15: {  	v2 =	vlaneseq.u32;
	s25 =	simm.s32 $0x7D;
	[dreg:$0xd] =	wrdreg s8;
	s0 =	sadd.s32 $0x29400, s0  }
0x16: {  	v0 =	vimm.f32 $0.0e+00;
	v1 =	vand.u32 $0x7, v2;
	v2 =	vshrl.u32 v2, $0x3;
	s26 =	simm.s32 $0x100;
	s31 =	smax.u32 s9, $0x1;
	[dreg:$0xe] =	wrdreg s0  }
0x17: {  	v3 =	vor.u32 $0x2, v2;
	v4 =	vor.u32 $0x4, v2;
	v5 =	vor.u32 $0x6, v2;
	s1 =	simm.s32 $0x0;
	s9 =	simm.s32 $0x1;
	[dreg:$0xf] =	wrdreg s31  }
.LBB2_1:
0x18: {  	s0 =	simm.s32 $0x0  }
0x19: {  	[dreg:$0x10] =	wrdreg s1;
	s1 =	simm.s32 $0x120;
	[tilespmem:s0+$0xBFA0] =	vst v0  }
.LBB2_2:
0x1a: {  	p0 =	sne.s32 s1, $0x57C0;
	[tilespmem:s0+$0xBF90] =	vst v0;
	s8 =	smov.u32 s1;
	s1 =	sadd.s32 $0x120, s1  }
.Ltmp0:
0x1b: {  	[tilespmem:s0+$0xBFB0] =	vst v0;
	(pc) =	sbr.rel @p0 .LBB2_2-.Ltmp0, $4  }
0x1c: {  	[tilespmem:s0+$0xBFB8] =	vst v0  }
0x1d: {  	[tilespmem:s0+$0xBF80] =	vst v0  }
0x1e: {  	s0 =	sshra.s32 s8, $0x2  }
0x1f: {  	[tilespmem:s0+$0xBFA0] =	vst v0  }
0x20: {  	[tilespmem:s0+$0xBF90] =	vst v0  }
0x21: {  	[tilespmem:s0+$0xBFB0] =	vst v0  }
0x22: {  	[tilespmem:s0+$0xBF80] =	vst v0  }
0x23: {  	[tilespmem:s0+$0xBFB8] =	vst v0  }
0x24: {  	[spmem:s2] =	stream.linear.scatter [tilespmem:s22], [sflag:$0x7], $0x1638, $0x38;
	v63 =	vld [tilespmem:$0x0]  }
0x25: {  	_ =	swait.ge [sflag:s23], $0x1638  }
0x26: {  	[sflag:s23] =	ssyncset.done $0x0  }
0x27: {  	s21 =	rddreg [dreg:$0x5];
	[sflag:s23] =	ssyncadd.s32 $0xFFFFE9C8  }
0x28: {  	[spmem:s21] =	stream.linear.scatter [tilespmem:s22], [sflag:$0x7], $0x1638, $0x38;
	v63 =	vld [tilespmem:$0x0]  }
0x29: {  	_ =	swait.ge [sflag:s23], $0x1638  }
0x2a: {  	[sflag:s23] =	ssyncset.done $0x0  }
0x2b: {  	s24 =	rddreg [dreg:$0x6];
	[sflag:s23] =	ssyncadd.s32 $0xFFFFE9C8  }
0x2c: {  	[spmem:s24] =	stream.linear.scatter [tilespmem:s22], [sflag:$0x7], $0x1638, $0x38;
	v63 =	vld [tilespmem:$0x0]  }
0x2d: {  	_ =	swait.ge [sflag:s23], $0x1638  }
0x2e: {  	[sflag:s23] =	ssyncset.done $0x0  }
0x2f: {  	s30 =	rddreg [dreg:$0x7];
	[sflag:s23] =	ssyncadd.s32 $0xFFFFE9C8  }
0x30: {  	[spmem:s30] =	stream.linear.scatter [tilespmem:s22], [sflag:$0x7], $0x1638, $0x38;
	v63 =	vld [tilespmem:$0x0]  }
0x31: {  	_ =	swait.ge [sflag:s23], $0x1638  }
0x32: {  	[sflag:s23] =	ssyncset.done $0x0  }
0x33: {  	s31 =	rddreg [dreg:$0x8];
	[sflag:s23] =	ssyncadd.s32 $0xFFFFE9C8  }
0x34: {  	[spmem:s31] =	stream.linear.scatter [tilespmem:s22], [sflag:$0x7], $0x1638, $0x38;
	v63 =	vld [tilespmem:$0x0]  }
0x35: {  	_ =	swait.ge [sflag:s23], $0x1638  }
0x36: {  	[sflag:s23] =	ssyncset.done $0x0  }
0x37: {  	s1 =	rddreg [dreg:$0x9];
	[sflag:s23] =	ssyncadd.s32 $0xFFFFE9C8  }
0x38: {  	[spmem:s1] =	stream.linear.scatter [tilespmem:s22], [sflag:$0x7], $0x1638, $0x38;
	v63 =	vld [tilespmem:$0x0]  }
0x39: {  	_ =	swait.ge [sflag:s23], $0x1638  }
0x3a: {  	[sflag:s23] =	ssyncset.done $0x0  }
0x3b: {  	s2 =	rddreg [dreg:$0xa];
	[sflag:s23] =	ssyncadd.s32 $0xFFFFE9C8  }
0x3c: {  	[spmem:s2] =	stream.linear.scatter [tilespmem:s22], [sflag:$0x7], $0x1638, $0x38;
	v63 =	vld [tilespmem:$0x0]  }
0x3d: {  	_ =	swait.ge [sflag:s23], $0x1638  }
0x3e: {  	[sflag:s23] =	ssyncset.done $0x0  }
0x3f: {  	s8 =	rddreg [dreg:$0xb];
	[sflag:s23] =	ssyncadd.s32 $0xFFFFE9C8  }
0x40: {  	[spmem:s8] =	stream.linear.scatter [tilespmem:s22], [sflag:$0x7], $0x1638, $0x38;
	v63 =	vld [tilespmem:$0x0]  }
0x41: {  	_ =	swait.ge [sflag:s23], $0x1638  }
0x42: {  	[sflag:s23] =	ssyncset.done $0x0  }
0x43: {  	[sflag:s23] =	ssyncadd.s32 $0xFFFFE9C8  }
0x44: {  	[bflag:$0x0] =	sbarrier.arrive $0xFFFF  }
0x45: {  	s11 =	simm.s32 $0x0;
	s12 =	rddreg [dreg:$0xc]  }
0x46: {  	[tilespmem:s11], [sflag:$0x7] =	stream.linear.gather [hbm4b:s12+s11], $0x100, $0x38;
	v63 =	vld [tilespmem:$0x0]  }
0x47: {  	_ =	swait.ge [sflag:s23], $0x100  }
0x48: {  	[sflag:s23] =	ssyncset.done $0x0  }
0x49: {  	s1 =	simm.s32 $0x200;
	s13 =	rddreg [dreg:$0xd];
	[sflag:s23] =	ssyncadd.s32 $0xFFFFFF00  }
0x4a: {  	[tilespmem:s1], [sflag:$0x7] =	stream.linear.gather [hbm4b:s13+s11], $0x100, $0x38;
	v63 =	vld [tilespmem:$0x0]  }
0x4b: {  	_ =	swait.ge [sflag:s23], $0x100  }
0x4c: {  	[sflag:s23] =	ssyncset.done $0x0  }
0x4d: {  	s17 =	simm.s32 $0x400;
	[sflag:s23] =	ssyncadd.s32 $0xFFFFFF00  }
0x4e: {  	[tilespmem:s17], [sflag:$0x1] =	stream.indirect.gather [hbm4b:s5+s25], $0x50, s11, s25, $0xb8;
	v63 =	vld [tilespmem:$0x0]  }
0x4f: {  	s20 =	simm.s32 $0xA040  }
0x50: {  	[tilespmem:s20], [sflag:$0x3] =	stream.indirect.gather [hbm4b:s6+s25], $0x10, s1, s25, $0xb8;
	v63 =	vld [tilespmem:$0x0]  }
0x51: {  	s21 =	simm.s32 $0x80;
	s24 =	simm.s32 $0x2B10  }
0x52: {  	[tilespmem:s24], [sflag:$0x1] =	stream.indirect.gather [hbm4b:s5+s25], $0x50, s21, s25, $0xb8;
	v63 =	vld [tilespmem:$0x0]  }
0x53: {  	s29 =	simm.s32 $0x0;
	s30 =	simm.s32 $0x280;
	s31 =	simm.s32 $0xA810  }
0x54: {  	[tilespmem:s31], [sflag:$0x3] =	stream.indirect.gather [hbm4b:s6+s25], $0x10, s30, s25, $0xb8;
	v63 =	vld [tilespmem:$0x0]  }
.LBB2_4:
0x55: {  	s30 =	sshll.u32 s29, $0x2  }
0x56: {  	s0 =	sadd.s32 s30, s18  }
0x57: {  	s0 =	sshll.u32 s0, $0x4  }
0x58: {  	s0 =	sand.u32 $0x1FFFFFE0, s0  }
0x59: {  	s2 =	simm.s32 $0x0;
	s1 =	sadd.s32 s4, s0  }
0x5a: {  	[tilespmem:s26], [sflag:$0x7] =	stream.linear.gather [hbm4b:s1+s2], $0x100, $0x38;
	v63 =	vld [tilespmem:$0x0]  }
0x5b: {  	_ =	swait.ge [sflag:s23], $0x100  }
0x5c: {  	[sflag:s23] =	ssyncset.done $0x0  }
0x5d: {  	s0 =	sadd.s32 s7, s0;
	[sflag:s23] =	ssyncadd.s32 $0xFFFFFF00  }
0x5e: {  	[tilespmem:s28], [sflag:$0x7] =	stream.linear.gather [hbm4b:s0+s2], $0x100, $0x38;
	v63 =	vld [tilespmem:$0x0]  }
0x5f: {  	_ =	swait.ge [sflag:s23], $0x100  }
0x60: {  	[sflag:s23] =	ssyncset.done $0x0  }
0x61: {  	s17 =	simm.s32 $0x5220;
	[sflag:s23] =	ssyncadd.s32 $0xFFFFFF00  }
0x62: {  	[tilespmem:s17], [sflag:$0x2] =	stream.indirect.gather [hbm4b:s5+s25], $0x50, s26, s25, $0xb8;
	v63 =	vld [tilespmem:$0x0]  }
0x63: {  	s20 =	simm.s32 $0xAFE0  }
0x64: {  	[tilespmem:s20], [sflag:$0x4] =	stream.indirect.gather [hbm4b:s6+s25], $0x10, s28, s25, $0xb8;
	v63 =	vld [tilespmem:$0x0]  }
0x65: {  	s21 =	simm.s32 $0x180;
	s24 =	simm.s32 $0x7930  }
0x66: {  	[tilespmem:s24], [sflag:$0x2] =	stream.indirect.gather [hbm4b:s5+s25], $0x50, s21, s25, $0xb8;
	v63 =	vld [tilespmem:$0x0]  }
0x67: {  	s1 =	simm.s32 $0x380;
	s2 =	simm.s32 $0xB7B0  }
0x68: {  	[tilespmem:s2], [sflag:$0x4] =	stream.indirect.gather [hbm4b:s6+s25], $0x10, s1, s25, $0xb8;
	v63 =	vld [tilespmem:$0x0]  }
0x69: {  	_ =	swait.ge [sflag:s9], $0x2710  }
0x6a: {  	[sflag:s9] =	ssyncset.done $0x0  }
0x6b: {  	[sflag:s9] =	ssyncadd.s32 $0xFFFFD8F0  }
0x6c: {  	_ =	swait.ge [sflag:s10], $0x7D0  }
0x6d: {  	[sflag:s10] =	ssyncset.done $0x0  }
0x6e: {  	[sflag:s10] =	ssyncadd.s32 $0xFFFFF830  }
0x6f: {  	_ =	swait.ge [sflag:s9], $0x2710  }
0x70: {  	[sflag:s9] =	ssyncset.done $0x0  }
0x71: {  	[sflag:s9] =	ssyncadd.s32 $0xFFFFD8F0  }
0x72: {  	_ =	swait.ge [sflag:s10], $0x7D0  }
0x73: {  	p0 =	seq.s32 s29, $0x0;
	[sflag:s10] =	ssyncset.done $0x0  }
0x74: {  	s0 =	simm.s32 @!p0 $0x5;
	[sflag:s10] =	ssyncadd.s32 $0xFFFFF830  }
0x75: {  	_ =	swait.ge @!p0 [sflag:s0], $0x2328  }
0x76: {  	[sflag:s0] =	ssyncset.done @!p0 $0x0  }
0x77: {  	[sflag:s0] =	ssyncadd.s32 @!p0 $0xFFFFDCD8  }
0x78: {  	_ =	swait.ge @!p0 [sflag:s0], $0x2328  }
0x79: {  	[sflag:s0] =	ssyncset.done @!p0 $0x0  }
0x7a: {  	s13 =	simm.s32 $0x4A0;
	[sflag:s0] =	ssyncadd.s32 @!p0 $0xFFFFDCD8  }
0x7b: {  	s8 =	simm.s32 $0xA060;
	v6 =	vld [tilespmem:s13+$0x90]  }
0x7c: {  	v7 =	vld [tilespmem:s8+$0x10];
	_ =	sdelay $0x3  }
0x7d: {  	v8 =	vld [tilespmem:s8+$0xFFFFFFE0]  }
0x7e: {  	v9 =	vld [tilespmem:s8+$0xFFFFFFF0];
	v6 =	vadd.f32 v7, v6  }
0x7f: {  	v11 =	vld [tilespmem:s13+$0x40]  }
0x80: {  	v7 =	vld [tilespmem:s13+$0xFFFFFFF0];
	v10 =	vmul.f32 $2.000000030e-01, v6  }
0x81: {  	v12 =	vld [tilespmem:s8+$0x0]  }
0x82: {  	v6 =	vmax.f32 v6, v10;
	v10 =	vld [tilespmem:s13+$0xFFFFFFA0]  }
0x83: {  	s11 =	simm.s32 $0x3;
	v6 =	vmul.f32 $1.442695020e+00, v6  }
0x84: {  	v13 =	vmov s11  }
0x85: {  	v13 =	vmul.u32 $0x48, v13;
	(erf) = vpow2.f32 v6;
	v6 =	vadd.f32 v9, v7  }
0x86: {  	v7 =	vadd.f32 v12, v11  }
0x87: {  	v9 =	vadd.s32 $0x40, v13;
	v11 =	vmul.f32 $2.000000030e-01, v6;
	v8 =	vadd.f32 v8, v10  }
0x88: {  	v9 =	vbroadcast v9, $0x0;
	v10 =	vmul.f32 $2.000000030e-01, v7  }
0x89: {  	v6 =	vmax.f32 v6, v11;
	v11 =	vmul.f32 $2.000000030e-01, v8  }
0x8a: {  	s12 =	simm.s32 $0x1;
	v9 =	vor.u32 v1, v9;
	v7 =	vmax.f32 v7, v10;
	v6 =	vmul.f32 $1.442695020e+00, v6  }
0x8b: {  	s31 =	simm.s32 $0x5E0;
	v10 =	vmov s12;
	v7 =	vmul.f32 $1.442695020e+00, v7;
	v8 =	vmax.f32 v8, v11  }
0x8c: {  	s21 =	simm.s32 $0xA0A0;
	v16 =	vld [tilespmem:s31+$0xFFFFFFF0];
	v10 =	vmul.u32 $0x48, v10;
	(erf) = vpow2.f32 v6;
	v8 =	vmul.f32 $1.442695020e+00, v8  }
0x8d: {  	s17 =	simm.s32 $0x0;
	v17 =	vld [tilespmem:s21+$0xFFFFFFF0];
	(erf) = vpow2.f32 v7  }
0x8e: {  	s20 =	simm.s32 $0x2;
	v12 =	vld [tilespmem:s21+$0x10];
	v11 =	vmov s17;
	v6 =	vpop (erf);
	(erf) = vpow2.f32 v8;
	v8 =	vadd.s32 $0x40, v10  }
0x8f: {  	v7 =	vmul.u32 $0x48, v11;
	v11 =	vmov s20;
	v10 =	vld [tilespmem:s31+$0x90];
	[tilespmem:v9+s22+$0x0] =	vst.idx.msk $0xff, v6;
	v8 =	vbroadcast v8, $0x0  }
0x90: {  	v11 =	vmul.u32 $0x48, v11;
	v9 =	vld [tilespmem:s13+$0x50]  }
0x91: {  	v18 =	vld [tilespmem:s31+$0x40];
	v7 =	vadd.s32 $0x40, v7;
	v15 =	vperm.xlane v6, v2;
	v8 =	vor.u32 v1, v8  }
0x92: {  	v20 =	vld [tilespmem:s21+$0x0];
	v7 =	vbroadcast v7, $0x0;
	v11 =	vadd.s32 $0x40, v11  }
0x93: {  	s24 =	simm.s32 $0x5;
	v11 =	vbroadcast v11, $0x0  }
0x94: {  	v13 =	vmov s24;
	v7 =	vor.u32 v1, v7  }
0x95: {  	v10 =	vadd.f32 v12, v10;
	v11 =	vor.u32 v1, v11;
	v9 =	vmul.f32 v15, v9;
	v15 =	vpop (erf)  }
0x96: {  	s0 =	simm.s32 $0xC010;
	v14 =	vld [tilespmem:s21+$0xFFFFFFE0];
	s8 =	simm.s32 $0x7;
	v16 =	vadd.f32 v17, v16;
	v13 =	vmul.u32 $0x48, v13;
	[tilespmem:v8+s22+$0x0] =	vst.idx.msk $0xff, v15  }
0x97: {  	v18 =	vadd.f32 v20, v18;
	v20 =	vmov s8;
	v23 =	vmul.f32 $2.000000030e-01, v10;
	v19 =	vpop (erf);
	[tilespmem:s0+$0x48] =	vst v9;
	v28 =	vld [tilespmem:s13+$0xFFFFFFB0]  }
0x98: {  	v29 =	vmul.f32 $2.000000030e-01, v16;
	v13 =	vadd.s32 $0x40, v13;
	v8 =	vperm.xlane v15, v2;
	v21 =	vpop (erf);
	v12 =	vld [tilespmem:s13+$0x60]  }
0x99: {  	v13 =	vbroadcast v13, $0x0;
	v9 =	vperm.xlane v15, v3;
	v10 =	vmax.f32 v10, v23;
	[tilespmem:v7+s22+$0x0] =	vst.idx.msk $0xff, v21;
	v7 =	vld [tilespmem:s31+$0xFFFFFFA0]  }
0x9a: {  	v22 =	vperm.xlane v19, v2;
	v10 =	vmul.f32 $1.442695020e+00, v10;
	[tilespmem:v11+s22+$0x0] =	vst.idx.msk $0xff, v19;
	v11 =	vmul.u32 $0x48, v20  }
0x9b: {  	v26 =	vperm.xlane v19, v3;
	v23 =	vperm.xlane v6, v3;
	v17 =	vld [tilespmem:s13+$0xFFFFFF60]  }
0x9c: {  	v24 =	vperm.xlane v21, v2;
	(erf) = vpow2.f32 v10;
	v10 =	vld [tilespmem:s13+$0x0];
	v11 =	vadd.s32 $0x40, v11  }
0x9d: {  	v11 =	vbroadcast v11, $0x0;
	v8 =	vmul.f32 v8, v28  }
0x9e: {  	v12 =	vmul.f32 v23, v12;
	v7 =	vadd.f32 v14, v7;
	v14 =	vmax.f32 v16, v29  }
0x9f: {  	v16 =	vmul.f32 $2.000000030e-01, v18;
	v14 =	vmul.f32 $1.442695020e+00, v14  }
0xa0: {  	v17 =	vmul.f32 v24, v17;
	[tilespmem:s0+$0x58] =	vst v12;
	v12 =	vmul.f32 $2.000000030e-01, v7  }
0xa1: {  	v16 =	vmax.f32 v18, v16;
	v10 =	vmul.f32 v22, v10;
	v20 =	vld [tilespmem:s13+$0x70];
	(erf) = vpow2.f32 v14  }
0xa2: {  	s2 =	simm.s32 $0x6;
	v14 =	vor.u32 v1, v11;
	v7 =	vmax.f32 v7, v12;
	v12 =	vmul.f32 $1.442695020e+00, v16  }
0xa3: {  	s11 =	simm.s32 $0x4;
	s1 =	simm.s32 $0x720;
	v27 =	vmov s2;
	v11 =	vperm.xlane v6, v4;
	v7 =	vmul.f32 $1.442695020e+00, v7  }
0xa4: {  	v31 =	vld [tilespmem:s1+$0xFFFFFFF0];
	[tilespmem:s0+$0xFFFFFF70] =	vst v17;
	v17 =	vmov s11;
	v16 =	vmul.u32 $0x48, v27;
	(erf) = vpow2.f32 v12  }
0xa5: {  	[tilespmem:s0+$0xFFFFFFB8] =	vst v8;
	v18 =	vperm.xlane v15, v5;
	v22 =	vld [tilespmem:s13+$0xFFFFFF70];
	v24 =	vmul.u32 $0x48, v17;
	(erf) = vpow2.f32 v7  }
0xa6: {  	s12 =	simm.s32 $0x9;
	[tilespmem:s0+$0x0] =	vst v10;
	v8 =	vadd.s32 $0x40, v16;
	v12 =	vperm.xlane v19, v4;
	v10 =	vpop (erf);
	v7 =	vmul.f32 v11, v20;
	v20 =	vld [tilespmem:s13+$0xFFFFFFC0]  }
0xa7: {  	v36 =	vld [tilespmem:s1+$0x40];
	v16 =	vmov s12;
	v11 =	vperm.xlane v15, v4;
	[tilespmem:v14+s22+$0x0] =	vst.idx.msk $0xff, v10;
	v15 =	vadd.s32 $0x40, v24  }
0xa8: {  	v15 =	vbroadcast v15, $0x0;
	[tilespmem:s0+$0x68] =	vst v7;
	v7 =	vmul.u32 $0x48, v16;
	v16 =	vperm.xlane v19, v5;
	v19 =	vld [tilespmem:s31+$0x50]  }
0xa9: {  	v13 =	vor.u32 v1, v13;
	v25 =	vperm.xlane v21, v3;
	v23 =	vperm.xlane v21, v4;
	v14 =	vld [tilespmem:s13+$0x80]  }
0xaa: {  	v6 =	vperm.xlane v6, v5;
	v17 =	vperm.xlane v21, v5;
	v21 =	vld [tilespmem:s1+$0x90];
	v15 =	vor.u32 v1, v15  }
0xab: {  	s8 =	simm.s32 $0xA0E0;
	v27 =	vld [tilespmem:s13+$0x10];
	v22 =	vmul.f32 v25, v22;
	v7 =	vadd.s32 $0x40, v7;
	v24 =	vmul.f32 v9, v20  }
0xac: {  	v28 =	vpop (erf);
	v25 =	vbroadcast v7, $0x0;
	v7 =	vld [tilespmem:s8+$0x10];
	v20 =	vperm.xlane v10, v2  }
0xad: {  	v39 =	vld [tilespmem:s8+$0x0];
	v8 =	vbroadcast v8, $0x0;
	v33 =	vpop (erf)  }
0xae: {  	v29 =	vld [tilespmem:s8+$0xFFFFFFE0];
	[tilespmem:v13+s22+$0x0] =	vst.idx.msk $0xff, v28;
	v9 =	vmul.f32 v6, v14;
	v14 =	vmul.f32 v20, v19;
	v34 =	vpop (erf)  }
0xaf: {  	s24 =	simm.s32 $0xC130;
	v30 =	vperm.xlane v28, v2;
	v32 =	vperm.xlane v28, v3;
	v6 =	vld [tilespmem:s8+$0xFFFFFFF0];
	[tilespmem:v15+s22+$0x0] =	vst.idx.msk $0xff, v34  }
0xb0: {  	v8 =	vor.u32 v1, v8;
	v13 =	vmul.f32 v26, v27;
	v35 =	vperm.xlane v33, v2;
	v15 =	vld [tilespmem:s1+$0xFFFFFFA0];
	[tilespmem:s24+$0x48] =	vst v14  }
0xb1: {  	v41 =	vperm.xlane v33, v3;
	v20 =	vperm.xlane v33, v4;
	v40 =	vadd.f32 v7, v21;
	v14 =	vld [tilespmem:s31+$0x60]  }
0xb2: {  	v37 =	vperm.xlane v34, v2;
	v38 =	vperm.xlane v34, v3  }
0xb3: {  	[tilespmem:s0+$0xFFFFFF80] =	vst v22;
	v22 =	vadd.f32 v39, v36;
	v21 =	vperm.xlane v28, v4;
	v27 =	vmul.f32 $2.000000030e-01, v40  }
0xb4: {  	v51 =	vld [tilespmem:s31+$0xFFFFFFB0];
	v31 =	vadd.f32 v6, v31;
	v6 =	vperm.xlane v28, v5;
	v28 =	vperm.xlane v10, v3  }
0xb5: {  	s17 =	simm.s32 $0xB;
	[tilespmem:v8+s22+$0x0] =	vst.idx.msk $0xff, v33;
	v42 =	vld [tilespmem:s31+$0xFFFFFF60];
	v27 =	vmax.f32 v40, v27;
	v8 =	vadd.f32 v29, v15;
	v29 =	vmul.f32 $2.000000030e-01, v22  }
0xb6: {  	s2 =	simm.s32 $0xA120;
	v53 =	vmov s17;
	s11 =	simm.s32 $0xA;
	v27 =	vmul.f32 $1.442695020e+00, v27;
	v14 =	vmul.f32 v28, v14  }
0xb7: {  	v45 =	vld [tilespmem:s2+$0x0];
	v19 =	vperm.xlane v34, v4;
	v7 =	vmov s11;
	v52 =	vmul.f32 $2.000000030e-01, v31  }
0xb8: {  	v15 =	vmul.u32 $0x48, v53;
	v22 =	vmax.f32 v22, v29;
	(erf) = vpow2.f32 v27;
	v27 =	vld [tilespmem:s31+$0x0];
	[tilespmem:s24+$0x58] =	vst v14  }
0xb9: {  	v29 =	vmul.f32 v30, v51;
	v28 =	vmax.f32 v31, v52;
	v14 =	vmul.f32 $2.000000030e-01, v8;
	v54 =	vld [tilespmem:s31+$0x70]  }
0xba: {  	[tilespmem:s0+$0xFFFFFFC8] =	vst v24;
	v24 =	vld [tilespmem:s13+$0xFFFFFF80];
	s11 =	simm.s32 $0x860;
	v15 =	vadd.s32 $0x40, v15;
	v31 =	vmul.f32 v37, v42;
	v28 =	vmul.f32 $1.442695020e+00, v28  }
0xbb: {  	v61 =	vld [tilespmem:s11+$0x40];
	v15 =	vbroadcast v15, $0x0;
	v8 =	vmax.f32 v8, v14;
	v14 =	vmul.f32 $1.442695020e+00, v22  }
0xbc: {  	[tilespmem:s0+$0x10] =	vst v13;
	v26 =	vmul.u32 $0x48, v7;
	(erf) = vpow2.f32 v28;
	v22 =	vperm.xlane v10, v4  }
0xbd: {  	s20 =	simm.s32 $0x8;
	v13 =	vld [tilespmem:s13+$0xFFFFFFD0];
	v7 =	vperm.xlane v34, v5;
	[tilespmem:s24+$0xFFFFFFB8] =	vst v29;
	v15 =	vor.u32 v1, v15;
	(erf) = vpow2.f32 v14  }
0xbe: {  	[tilespmem:s24+$0xFFFFFF70] =	vst v31;
	v28 =	vld [tilespmem:s13+$0x20];
	v14 =	vmul.f32 v35, v27;
	v29 =	vmul.f32 v22, v54;
	v22 =	vmov s20  }
0xbf: {  	s21 =	simm.s32 $0xD;
	v23 =	vmul.f32 v23, v24;
	v26 =	vadd.s32 $0x40, v26;
	v30 =	vld [tilespmem:s31+$0xFFFFFF70];
	v8 =	vmul.f32 $1.442695020e+00, v8  }
0xc0: {  	v26 =	vbroadcast v26, $0x0;
	v50 =	vadd.f32 v45, v61;
	v31 =	vmov s21;
	v27 =	vld [tilespmem:s31+$0xFFFFFFC0];
	[tilespmem:s24+$0x0] =	vst v14  }
0xc1: {  	v10 =	vperm.xlane v10, v5;
	(erf) = vpow2.f32 v8;
	v14 =	vmul.u32 $0x48, v22;
	v24 =	vld [tilespmem:s31+$0x10];
	[tilespmem:s24+$0x68] =	vst v29;
	v22 =	vpop (erf)  }
0xc2: {  	v8 =	vperm.xlane v33, v5;
	v29 =	vmul.u32 $0x48, v31;
	v31 =	vmul.f32 v11, v13;
	v13 =	vld [tilespmem:s31+$0x80];
	[tilespmem:v15+s22+$0x0] =	vst.idx.msk $0xff, v22  }
0xc3: {  	v54 =	vmul.f32 $2.000000030e-01, v50;
	v28 =	vmul.f32 v12, v28;
	v12 =	vadd.s32 $0x40, v14;
	v14 =	vld [tilespmem:s1+$0x50]  }
0xc4: {  	v11 =	vor.u32 v1, v25;
	v25 =	vmul.f32 v38, v30;
	v15 =	vadd.s32 $0x40, v29;
	v29 =	vld [tilespmem:s11+$0x90]  }
0xc5: {  	v26 =	vor.u32 v1, v26;
	v12 =	vbroadcast v12, $0x0;
	v30 =	vbroadcast v15, $0x0;
	v15 =	vld [tilespmem:s2+$0x10]  }
0xc6: {  	[tilespmem:s0+$0x78] =	vst v9;
	v33 =	vmax.f32 v50, v54;
	v27 =	vmul.f32 v32, v27;
	v57 =	vperm.xlane v22, v2  }
0xc7: {  	v56 =	vld [tilespmem:s2+$0xFFFFFFE0];
	s17 =	simm.s32 $0xF;
	v49 =	vperm.xlane v22, v3;
	[tilespmem:s0+$0xFFFFFFD8] =	vst v31;
	v31 =	vmul.f32 $1.442695020e+00, v33;
	v55 =	vpop (erf);
	v12 =	vor.u32 v1, v12  }
0xc8: {  	s12 =	simm.s32 $0xE;
	v58 =	vld [tilespmem:s11+$0xFFFFFFF0];
	[tilespmem:s24+$0xFFFFFFC8] =	vst v27;
	v27 =	vmov s17;
	v34 =	vperm.xlane v55, v2;
	v14 =	vmul.f32 v57, v14  }
0xc9: {  	[tilespmem:s0+$0x20] =	vst v28;
	v37 =	vperm.xlane v55, v3;
	v59 =	vpop (erf);
	v39 =	vmul.f32 v10, v13;
	v10 =	vld [tilespmem:s2+$0xFFFFFFF0];
	v13 =	vmov s12;
	s12 =	simm.s32 $0xC250  }
0xca: {  	v62 =	vld [tilespmem:s11+$0xFFFFFFA0];
	v24 =	vmul.f32 v41, v24;
	v27 =	vmul.u32 $0x48, v27;
	v60 =	vpop (erf);
	v29 =	vadd.f32 v15, v29;
	[tilespmem:s12+$0x48] =	vst v14  }
0xcb: {  	v40 =	vperm.xlane v59, v2;
	[tilespmem:v26+s22+$0x0] =	vst.idx.msk $0xff, v59;
	v43 =	vperm.xlane v60, v2;
	v26 =	vld [tilespmem:s1+$0x60]  }
0xcc: {  	v27 =	vadd.s32 $0x40, v27;
	v44 =	vperm.xlane v60, v3;
	[tilespmem:v12+s22+$0x0] =	vst.idx.msk $0xff, v60;
	v47 =	vmul.f32 $2.000000030e-01, v29  }
0xcd: {  	[tilespmem:v11+s22+$0x0] =	vst.idx.msk $0xff, v55;
	v11 =	vmul.u32 $0x48, v13;
	v13 =	vperm.xlane v60, v4;
	v9 =	vperm.xlane v60, v5;
	v48 =	vld [tilespmem:s1+$0xFFFFFF60]  }
0xce: {  	[tilespmem:s24+$0xFFFFFF80] =	vst v25;
	v61 =	vld [tilespmem:s13+$0x30];
	v27 =	vbroadcast v27, $0x0;
	v36 =	vadd.f32 v10, v58;
	v25 =	vmax.f32 v29, v47  }
0xcf: {  	[tilespmem:s0+$0xFFFFFF90] =	vst v23;
	v15 =	vperm.xlane v59, v3;
	v29 =	vld [tilespmem:s1+$0xFFFFFFB0];
	v25 =	vmul.f32 $1.442695020e+00, v25  }
0xd0: {  	v53 =	vld [tilespmem:s31+$0xFFFFFF80];
	[tilespmem:s24+$0x10] =	vst v24;
	v24 =	vadd.f32 v56, v62;
	v23 =	vmul.f32 $2.000000030e-01, v36;
	v26 =	vmul.f32 v49, v26  }
0xd1: {  	v51 =	vld [tilespmem:s1+$0x0];
	v46 =	vadd.s32 $0x40, v11;
	v11 =	vperm.xlane v55, v5;
	(erf) = vpow2.f32 v25  }
0xd2: {  	v14 =	vperm.xlane v55, v4;
	v25 =	vld [tilespmem:s31+$0xFFFFFFD0];
	v23 =	vmax.f32 v36, v23;
	v55 =	vmul.f32 v43, v48;
	[tilespmem:s12+$0x58] =	vst v26  }
0xd3: {  	v41 =	vmul.f32 $2.000000030e-01, v24;
	v23 =	vmul.f32 $1.442695020e+00, v23;
	v56 =	vld [tilespmem:s1+$0x70]  }
0xd4: {  	v30 =	vor.u32 v1, v30;
	v12 =	vperm.xlane v59, v4;
	[tilespmem:s12+$0xFFFFFF70] =	vst v55;
	v29 =	vmul.f32 v34, v29;
	v26 =	vld [tilespmem:s31+$0x20]  }
0xd5: {  	v24 =	vmax.f32 v24, v41;
	v10 =	vperm.xlane v59, v5;
	(erf) = vpow2.f32 v23;
	v23 =	vld [tilespmem:s1+$0xFFFFFF70]  }
0xd6: {  	s21 =	simm.s32 $0x11;
	v24 =	vmul.f32 $1.442695020e+00, v24;
	v58 =	vor.u32 v1, v27;
	v27 =	vperm.xlane v22, v4;
	[tilespmem:s12+$0xFFFFFFB8] =	vst v29;
	v29 =	vld [tilespmem:s13+$0xFFFFFFE0]  }
0xd7: {  	s20 =	simm.s32 $0xC;
	v62 =	vmov s21;
	v28 =	vmul.f32 v40, v51;
	(erf) = vpow2.f32 v31;
	v60 =	vld [tilespmem:s1+$0xFFFFFFC0]  }
0xd8: {  	v57 =	vld [tilespmem:s13+$0xFFFFFF90];
	[tilespmem:s24+$0x78] =	vst v39;
	v59 =	vmov s20;
	(erf) = vpow2.f32 v24;
	v24 =	vmul.f32 v27, v56  }
0xd9: {  	v32 =	vmul.f32 v19, v53;
	v52 =	vbroadcast v46, $0x0;
	s20 =	simm.s32 $0xA160;
	[tilespmem:s12+$0x0] =	vst v28;
	v31 =	vmul.u32 $0x48, v59  }
0xda: {  	v38 =	vmul.u32 $0x48, v62;
	v34 =	vld [tilespmem:s20+$0x10];
	v23 =	vmul.f32 v44, v23;
	v27 =	vmul.f32 v21, v25;
	v19 =	vpop (erf);
	[tilespmem:s12+$0x68] =	vst v24  }
0xdb: {  	v18 =	vmul.f32 v18, v29;
	[tilespmem:v58+s22+$0x0] =	vst.idx.msk $0xff, v19;
	v24 =	vmul.f32 v20, v26;
	v20 =	vadd.s32 $0x40, v31;
	v28 =	vld [tilespmem:s1+$0x80]  }
0xdc: {  	[tilespmem:s24+$0xFFFFFF90] =	vst v32;
	s13 =	simm.s32 $0x9A0;
	v29 =	vor.u32 v1, v52;
	v31 =	vld [tilespmem:s11+$0x50];
	v26 =	vmul.f32 v37, v60;
	v20 =	vbroadcast v20, $0x0  }
0xdd: {  	v33 =	vld [tilespmem:s13+$0x90];
	v21 =	vmul.f32 v17, v57;
	v17 =	vadd.s32 $0x40, v38;
	[tilespmem:s12+$0xFFFFFF80] =	vst v23;
	v23 =	vmul.f32 v16, v61  }
0xde: {  	s8 =	simm.s32 $0x14;
	s17 =	simm.s32 $0x10;
	s21 =	simm.s32 $0xC250;
	v25 =	vld [tilespmem:s1+$0x10];
	v17 =	vbroadcast v17, $0x0;
	v16 =	vpop (erf);
	[tilespmem:s12+$0xFFFFFFC8] =	vst v26;
	v26 =	vperm.xlane v22, v5;
	v32 =	vor.u32 v1, v20  }
.LBB2_5:
0xdf: {  	p1 =	slt.u32 s8, $0xF4;
	v35 =	vld [tilespmem:s20+$0xFFFFFFE0];
	[tilespmem:v30+s22+$0x0] =	vst.idx.msk $0xff, v16;
	v30 =	vperm.xlane v16, v2;
	v36 =	vperm.xlane v19, v2;
	v22 =	vmov v6  }
0xe0: {  	s2 =	sadd.s32 $0x2, s17;
	v20 =	vperm.xlane v16, v3;
	v6 =	vmov v11;
	v37 =	vld [tilespmem:s13+$0xFFFFFFF0];
	v38 =	vpop (erf);
	v41 =	vmul.f32 v26, v28;
	[tilespmem:s24+$0xFFFFFFD8] =	vst v27  }
0xe1: {  	v27 =	vmov s2;
	v11 =	vld [tilespmem:s20+$0xFFFFFFF0];
	[tilespmem:v29+s22+$0x0] =	vst.idx.msk $0xff, v38;
	v28 =	vperm.xlane v38, v2;
	v29 =	vmul.f32 v36, v31;
	v31 =	vpop (erf)  }
0xe2: {  	s21 =	sadd.s32 $0x120, s21;
	v26 =	vmovc v8;
	v27 =	vmul.u32 $0x48, v27;
	v36 =	vld [tilespmem:s13+$0x40];
	v39 =	vperm.xlane v31, v2;
	v40 =	vperm.xlane v31, v3;
	[tilespmem:s12+$0x78] =	vst v41  }
0xe3: {  	v25 =	vmul.f32 v15, v25;
	v15 =	vperm.xlane v38, v3;
	v41 =	vld [tilespmem:s20+$0x0];
	v33 =	vadd.f32 v34, v33;
	[tilespmem:s21+$0x48] =	vst v29  }
0xe4: {  	v8 =	vmovc v10;
	v29 =	vmov s17;
	v34 =	vperm.xlane v16, v4;
	[tilespmem:v32+s22+$0x0] =	vst.idx.msk $0xff, v31;
	v32 =	vperm.xlane v31, v4;
	v42 =	vld [tilespmem:s11+$0x60]  }
0xe5: {  	v45 =	vmovc v19;
	v44 =	vperm.xlane v38, v4;
	v27 =	vadd.s32 $0x40, v27;
	v43 =	vld [tilespmem:s13+$0xFFFFFFA0];
	v10 =	vmul.f32 $2.000000030e-01, v33;
	[tilespmem:s12+$0x10] =	vst v25  }
0xe6: {  	v19 =	vadd.f32 v11, v37;
	v25 =	vld [tilespmem:s11+$0xFFFFFF60];
	v37 =	vperm.xlane v31, v5;
	v11 =	vperm.xlane v16, v5;
	[tilespmem:s24+$0x20] =	vst v24  }
0xe7: {  	v31 =	vperm.xlane v45, v3;
	v16 =	vmax.f32 v33, v10;
	v24 =	vld [tilespmem:s11+$0xFFFFFFB0];
	v10 =	vperm.xlane v38, v5;
	[tilespmem:s0+$0xFFFFFFA0] =	vst v21  }
0xe8: {  	s2 =	sadd.s32 $0x3, s17;
	s17 =	smov.u32 s8;
	v21 =	vmul.f32 $2.000000030e-01, v19;
	v33 =	vadd.f32 v41, v36;
	v16 =	vmul.f32 $1.442695020e+00, v16;
	v36 =	vld [tilespmem:s11+$0x0];
	[tilespmem:s0+$0xFFFFFFE8] =	vst v18  }
0xe9: {  	v38 =	vbroadcast v27, $0x0;
	v18 =	vmov s2;
	v27 =	vmul.f32 v31, v42;
	v31 =	vld [tilespmem:s1+$0xFFFFFF80];
	[tilespmem:s0+$0x30] =	vst v23;
	s0 =	smov.u32 s24;
	s24 =	smov.u32 s12;
	s12 =	smov.u32 s21  }
0xea: {  	v18 =	vmul.u32 $0x48, v18;
	v23 =	vadd.f32 v35, v43;
	(erf) = vpow2.f32 v16;
	v16 =	vld [tilespmem:s1+$0xFFFFFFD0]  }
0xeb: {  	v19 =	vmax.f32 v19, v21;
	v21 =	vmul.f32 $2.000000030e-01, v33;
	v25 =	vmul.f32 v39, v25;
	[tilespmem:s21+$0x58] =	vst v27;
	v35 =	vld [tilespmem:s1+$0x20]  }
0xec: {  	v19 =	vmul.f32 $1.442695020e+00, v19;
	v18 =	vadd.s32 $0x40, v18;
	v27 =	vmul.f32 $2.000000030e-01, v23;
	v39 =	vld [tilespmem:s11+$0x70]  }
0xed: {  	v21 =	vmax.f32 v33, v21;
	v18 =	vbroadcast v18, $0x0;
	v24 =	vmul.f32 v30, v24;
	[tilespmem:s21+$0xFFFFFF70] =	vst v25;
	v33 =	vld [tilespmem:s31+$0xFFFFFF90]  }
0xee: {  	v21 =	vmul.f32 $1.442695020e+00, v21;
	v23 =	vmax.f32 v23, v27;
	(erf) = vpow2.f32 v19;
	v25 =	vld [tilespmem:s11+$0xFFFFFF70]  }
0xef: {  	v18 =	vor.u32 v1, v18;
	v19 =	vmul.f32 $1.442695020e+00, v23;
	[tilespmem:s21+$0xFFFFFFB8] =	vst v24;
	v23 =	vperm.xlane v45, v4;
	v41 =	vld [tilespmem:s31+$0xFFFFFFE0]  }
0xf0: {  	v29 =	vmul.u32 $0x48, v29;
	s2 =	sadd.s32 $0x1, s8;
	(erf) = vpow2.f32 v21;
	v42 =	vld [tilespmem:s11+$0xFFFFFFC0];
	v21 =	vmul.f32 v28, v36  }
0xf1: {  	v24 =	vmov s2;
	(erf) = vpow2.f32 v19;
	v23 =	vmul.f32 v23, v39;
	v36 =	vld [tilespmem:s31+$0x30];
	s31 =	smov.u32 s1;
	s1 =	smov.u32 s11;
	s11 =	smov.u32 s13  }
0xf2: {  	v43 =	vmul.f32 v13, v31;
	v13 =	vmovc v32;
	v27 =	vmul.f32 v14, v16;
	v39 =	vmul.u32 $0x48, v24;
	[tilespmem:s21+$0x0] =	vst v21  }
.Ltmp1:
0xf3: {  	v30 =	vor.u32 v1, v17;
	v24 =	vmul.f32 v12, v35;
	v19 =	vpop (erf);
	v17 =	vmul.f32 v40, v25;
	v25 =	vld [tilespmem:s1+$0x10];
	[tilespmem:s21+$0x68] =	vst v23;
	(pc) =	sbr.rel @p1 .LBB2_5-.Ltmp1, $4  }
0xf4: {  	v32 =	vadd.s32 $0x40, v29;
	v21 =	vmul.f32 v7, v33;
	[tilespmem:v18+s22+$0x0] =	vst.idx.msk $0xff, v19;
	v28 =	vld [tilespmem:s1+$0x80];
	v18 =	vmul.f32 v22, v41  }
0xf5: {  	v29 =	vor.u32 v1, v38;
	v14 =	vmovc v34;
	s13 =	sadd.s32 $0x140, s13;
	v22 =	vbroadcast v32, $0x0;
	v31 =	vld [tilespmem:s11+$0x50];
	[tilespmem:s21+$0xFFFFFF80] =	vst v17;
	v20 =	vmul.f32 v20, v42  }
0xf6: {  	s20 =	sadd.s32 $0x40, s20;
	v12 =	vmovc v44;
	v7 =	vmovc v9;
	v9 =	vmov v37;
	v17 =	vadd.s32 $0x40, v39;
	v33 =	vld [tilespmem:s13+$0x90];
	[tilespmem:s24+$0xFFFFFF90] =	vst v43;
	v23 =	vmul.f32 v26, v36  }
0xf7: {  	s8 =	sadd.s32 $0x4, s8;
	v17 =	vbroadcast v17, $0x0;
	v32 =	vor.u32 v1, v22;
	v26 =	vperm.xlane v45, v5;
	v34 =	vld [tilespmem:s20+$0x10];
	v16 =	vpop (erf);
	[tilespmem:s21+$0xFFFFFFC8] =	vst v20  }
0xf8: {  	_ =	sdelay $0x3  }
0xf9: {  	v20 =	vadd.f32 v34, v33;
	_ =	sdelay $0x1  }
0xfa: {  	v61 =	vld [tilespmem:s20+$0xFFFFFFE0];
	v22 =	vmul.f32 $2.000000030e-01, v20  }
0xfb: {  	v62 =	vld [tilespmem:s13+$0xFFFFFFF0]  }
0xfc: {  	v42 =	vld [tilespmem:s13+$0xFFFFFFA0];
	v20 =	vmax.f32 v20, v22  }
0xfd: {  	v35 =	vld [tilespmem:s20+$0xFFFFFFF0];
	s2 =	sadd.s32 $0x3, s17;
	v22 =	vmul.f32 $1.442695020e+00, v20  }
0xfe: {  	v37 =	vld [tilespmem:s13+$0x40];
	v39 =	vmov s2  }
0xff: {  	v38 =	vld [tilespmem:s20+$0x0];
	v39 =	vmul.u32 $0x48, v39;
	(erf) = vpow2.f32 v22  }
0x100: {  	v36 =	vperm.xlane v19, v2;
	v20 =	vpop (erf)  }
0x101: {  	v45 =	vadd.s32 $0x40, v39;
	v49 =	vadd.f32 v61, v42;
	v22 =	vpop (erf)  }
0x102: {  	v31 =	vmul.f32 v36, v31;
	v34 =	vadd.f32 v35, v62;
	v35 =	vbroadcast v45, $0x0;
	[tilespmem:v32+s22+$0x0] =	vst.idx.msk $0xff, v22  }
0x103: {  	s20 =	sadd.s32 $0x120, s21;
	[tilespmem:v30+s22+$0x0] =	vst.idx.msk $0xff, v16;
	v59 =	vmov s17;
	v26 =	vmul.f32 v26, v28;
	v53 =	vmul.f32 $2.000000030e-01, v49;
	v46 =	vld [tilespmem:s11+$0xFFFFFF60]  }
0x104: {  	[tilespmem:s20+$0x48] =	vst v31;
	v47 =	vadd.f32 v38, v37;
	v48 =	vmul.f32 $2.000000030e-01, v34;
	v35 =	vor.u32 v1, v35  }
0x105: {  	v15 =	vmul.f32 v15, v25;
	[tilespmem:s12+$0x78] =	vst v26;
	v44 =	vld [tilespmem:s11+$0x60];
	v62 =	vmul.u32 $0x48, v59;
	v26 =	vmax.f32 v49, v53  }
0x106: {  	[tilespmem:s24+$0xFFFFFFD8] =	vst v27;
	v51 =	vmul.f32 $2.000000030e-01, v47;
	v25 =	vmax.f32 v34, v48;
	v52 =	vperm.xlane v22, v2  }
0x107: {  	v50 =	vperm.xlane v19, v3;
	[tilespmem:s24+$0x20] =	vst v24;
	v54 =	vld [tilespmem:s11+$0xFFFFFFB0];
	v37 =	vadd.s32 $0x40, v62;
	v25 =	vmul.f32 $1.442695020e+00, v25  }
0x108: {  	v62 =	vld [tilespmem:s31+$0xFFFFFFE0];
	v30 =	vmax.f32 v47, v51;
	v57 =	vmul.f32 $1.442695020e+00, v26;
	[tilespmem:v29+s22+$0x0] =	vst.idx.msk $0xff, v20;
	v28 =	vmul.f32 v52, v46;
	v26 =	vpop (erf)  }
0x109: {  	v43 =	vperm.xlane v16, v2;
	v56 =	vmul.f32 $1.442695020e+00, v30;
	v55 =	vld [tilespmem:s11+$0x0];
	[tilespmem:v35+s22+$0x0] =	vst.idx.msk $0xff, v26  }
0x10a: {  	s8 =	sadd.s32 $0x2, s17;
	v29 =	vmul.f32 v50, v44;
	(erf) = vpow2.f32 v25;
	v35 =	vld [tilespmem:s1+$0xFFFFFF80];
	[tilespmem:s20+$0xFFFFFF70] =	vst v28  }
0x10b: {  	v58 =	vmov s8;
	[tilespmem:s12+$0x10] =	vst v15;
	(erf) = vpow2.f32 v56;
	v34 =	vld [tilespmem:s11+$0xFFFFFF70]  }
0x10c: {  	v15 =	vmul.f32 v43, v54;
	[tilespmem:s20+$0x58] =	vst v29;
	v29 =	vmul.u32 $0x48, v58;
	(erf) = vpow2.f32 v57;
	v33 =	vld [tilespmem:s13+$0x50]  }
0x10d: {  	[tilespmem:s0+$0xFFFFFFA0] =	vst v21;
	v38 =	vbroadcast v37, $0x0;
	v61 =	vperm.xlane v20, v2  }
0x10e: {  	[tilespmem:s0+$0xFFFFFFE8] =	vst v18;
	v6 =	vmul.f32 v6, v62;
	v40 =	vperm.xlane v22, v3;
	v29 =	vadd.s32 $0x40, v29  }
0x10f: {  	[tilespmem:s0+$0x30] =	vst v23;
	v29 =	vbroadcast v29, $0x0;
	v39 =	vperm.xlane v26, v2  }
0x110: {  	[tilespmem:s20+$0xFFFFFFB8] =	vst v15;
	v24 =	vmul.f32 v61, v55;
	v21 =	vmul.f32 v40, v34  }
0x111: {  	v23 =	vor.u32 v1, v38;
	[tilespmem:s24+$0xFFFFFFE8] =	vst v6;
	v13 =	vmul.f32 v13, v35;
	v42 =	vmul.f32 v39, v33  }
0x112: {  	v17 =	vor.u32 v1, v17;
	s21 =	sadd.s32 $0x120, s20;
	v44 =	vld [tilespmem:s1+$0xFFFFFFD0];
	[tilespmem:s20+$0x0] =	vst v24  }
0x113: {  	v56 =	vld [tilespmem:s1+$0x20];
	v45 =	vor.u32 v1, v29;
	v27 =	vpop (erf);
	[tilespmem:s21+$0x48] =	vst v42  }
0x114: {  	v58 =	vld [tilespmem:s31+$0xFFFFFF90];
	[tilespmem:s20+$0xFFFFFF80] =	vst v21;
	v21 =	vpop (erf)  }
0x115: {  	[tilespmem:s12+$0xFFFFFF90] =	vst v13;
	v24 =	vld [tilespmem:s13+$0x60];
	v13 =	vpop (erf)  }
0x116: {  	v60 =	vld [tilespmem:s11+$0x70];
	[tilespmem:v23+s22+$0x0] =	vst.idx.msk $0xff, v13  }
0x117: {  	v14 =	vmul.f32 v14, v44;
	[tilespmem:v17+s22+$0x0] =	vst.idx.msk $0xff, v27;
	v50 =	vld [tilespmem:s13+$0xFFFFFF60]  }
0x118: {  	v12 =	vmul.f32 v12, v56;
	v51 =	vperm.xlane v26, v3;
	v53 =	vld [tilespmem:s13+$0xFFFFFFB0];
	[tilespmem:v45+s22+$0x0] =	vst.idx.msk $0xff, v21  }
0x119: {  	v36 =	vperm.xlane v19, v4;
	[tilespmem:s12+$0xFFFFFFD8] =	vst v14;
	v7 =	vmul.f32 v7, v58;
	v55 =	vld [tilespmem:s13+$0x0]  }
0x11a: {  	v43 =	vld [tilespmem:s11+$0xFFFFFFC0];
	[tilespmem:s12+$0x20] =	vst v12;
	v57 =	vperm.xlane v13, v2;
	v24 =	vmul.f32 v51, v24  }
0x11b: {  	v29 =	vld [tilespmem:s31+$0x30];
	v41 =	vmul.f32 v36, v60;
	[tilespmem:s24+$0xFFFFFFA0] =	vst v7;
	v59 =	vperm.xlane v27, v2  }
0x11c: {  	v48 =	vld [tilespmem:s11+$0x10];
	v60 =	vperm.xlane v21, v2;
	[tilespmem:s21+$0x58] =	vst v24;
	v14 =	vmul.f32 v57, v50  }
0x11d: {  	v46 =	vperm.xlane v16, v3;
	[tilespmem:s20+$0x68] =	vst v41;
	v18 =	vmul.f32 v59, v53;
	v61 =	vld [tilespmem:s13+$0x70]  }
0x11e: {  	v47 =	vld [tilespmem:s11+$0x80];
	v30 =	vmul.f32 v60, v55;
	[tilespmem:s21+$0xFFFFFF70] =	vst v14  }
0x11f: {  	v54 =	vperm.xlane v20, v3;
	v49 =	vmul.f32 v46, v43;
	[tilespmem:s21+$0xFFFFFFB8] =	vst v18;
	v31 =	vld [tilespmem:s13+$0xFFFFFF70]  }
0x120: {  	v32 =	vperm.xlane v26, v4;
	v8 =	vmul.f32 v8, v29;
	v33 =	vld [tilespmem:s13+$0xFFFFFFC0];
	[tilespmem:s21+$0x0] =	vst v30  }
0x121: {  	v52 =	vperm.xlane v19, v5;
	[tilespmem:s20+$0xFFFFFFC8] =	vst v49;
	v19 =	vmul.f32 v54, v48;
	v14 =	vld [tilespmem:s13+$0x10]  }
0x122: {  	v37 =	vld [tilespmem:s11+$0xFFFFFFD0];
	[tilespmem:s24+$0x30] =	vst v8;
	v35 =	vperm.xlane v13, v3;
	v34 =	vmul.f32 v32, v61  }
0x123: {  	v36 =	vperm.xlane v27, v3;
	v15 =	vmul.f32 v52, v47;
	[tilespmem:s20+$0x10] =	vst v19;
	v7 =	vld [tilespmem:s11+$0xFFFFFF80]  }
0x124: {  	v41 =	vld [tilespmem:s11+$0x20];
	v38 =	vperm.xlane v21, v3;
	[tilespmem:s21+$0x68] =	vst v34;
	v6 =	vmul.f32 v35, v31  }
0x125: {  	v42 =	vperm.xlane v16, v4;
	[tilespmem:s20+$0x78] =	vst v15;
	v17 =	vmul.f32 v36, v33;
	v39 =	vld [tilespmem:s13+$0x80]  }
0x126: {  	v40 =	vperm.xlane v22, v4;
	v43 =	vld [tilespmem:s1+$0xFFFFFF90];
	[tilespmem:s21+$0xFFFFFF80] =	vst v6;
	v6 =	vmul.f32 v38, v14  }
0x127: {  	v46 =	vperm.xlane v20, v4;
	v18 =	vmul.f32 v42, v37;
	[tilespmem:s21+$0xFFFFFFC8] =	vst v17;
	v45 =	vld [tilespmem:s13+$0xFFFFFF80]  }
0x128: {  	v44 =	vperm.xlane v26, v5;
	v7 =	vmul.f32 v40, v7;
	[tilespmem:s21+$0x10] =	vst v6;
	v6 =	vld [tilespmem:s13+$0xFFFFFFD0]  }
0x129: {  	[tilespmem:s20+$0xFFFFFFD8] =	vst v18;
	v8 =	vmul.f32 v46, v41;
	v47 =	vld [tilespmem:s13+$0x20]  }
0x12a: {  	v49 =	vld [tilespmem:s1+$0xFFFFFFE0];
	v48 =	vperm.xlane v13, v4;
	[tilespmem:s20+$0xFFFFFF90] =	vst v7;
	v7 =	vmul.f32 v44, v39  }
0x12b: {  	v9 =	vmul.f32 v9, v43;
	v53 =	vld [tilespmem:s11+$0xFFFFFFE0];
	[tilespmem:s20+$0x20] =	vst v8;
	v50 =	vperm.xlane v27, v4  }
0x12c: {  	v51 =	vld [tilespmem:s1+$0x30];
	[tilespmem:s21+$0x78] =	vst v7;
	v7 =	vperm.xlane v21, v4;
	v14 =	vmul.f32 v48, v45  }
0x12d: {  	[tilespmem:s12+$0xFFFFFFA0] =	vst v9;
	v54 =	vld [tilespmem:s11+$0x30];
	v6 =	vmul.f32 v50, v6  }
0x12e: {  	v56 =	vperm.xlane v16, v5;
	v52 =	vld [tilespmem:s11+$0xFFFFFF90];
	v7 =	vmul.f32 v7, v47;
	[tilespmem:s21+$0xFFFFFF90] =	vst v14  }
0x12f: {  	v11 =	vmul.f32 v11, v49;
	[tilespmem:s21+$0xFFFFFFD8] =	vst v6;
	v6 =	vld [tilespmem:s13+$0xFFFFFF90]  }
0x130: {  	v9 =	vmul.f32 v56, v53;
	v57 =	vperm.xlane v20, v5;
	[tilespmem:s21+$0x20] =	vst v7;
	v7 =	vld [tilespmem:s13+$0xFFFFFFE0]  }
0x131: {  	[tilespmem:s12+$0xFFFFFFE8] =	vst v11;
	v55 =	vperm.xlane v22, v5;
	v10 =	vmul.f32 v10, v51;
	v58 =	vld [tilespmem:s13+$0x30]  }
0x132: {  	v59 =	vperm.xlane v13, v5;
	[tilespmem:s20+$0xFFFFFFE8] =	vst v9;
	v61 =	vmul.f32 v57, v54  }
0x133: {  	v60 =	vperm.xlane v27, v5;
	[tilespmem:s12+$0x30] =	vst v10;
	v8 =	vmul.f32 v55, v52  }
0x134: {  	v62 =	vperm.xlane v21, v5;
	[tilespmem:s20+$0x30] =	vst v61;
	v6 =	vmul.f32 v59, v6  }
0x135: {  	[tilespmem:s20+$0xFFFFFFA0] =	vst v8;
	v7 =	vmul.f32 v60, v7  }
0x136: {  	v8 =	vmul.f32 v62, v58;
	[tilespmem:s21+$0xFFFFFFA0] =	vst v6  }
0x137: {  	s8 =	simm.s32 $0x10540;
	[tilespmem:s21+$0xFFFFFFE8] =	vst v7  }
0x138: {  	s1 =	simm.s32 $0xAFC0;
	s11 =	simm.s32 $0xF8;
	s12 =	simm.s32 $0x0;
	[tilespmem:s21+$0x30] =	vst v8  }
.LBB2_7:
0x139: {  	s0 =	sshra.s32 s12, $0x2;
	v7 =	vld [tilespmem:s1+$0x0]  }
0x13a: {  	v6 =	vld [tilespmem:s0+$0x51C0];
	_ =	sdelay $0x4  }
0x13b: {  	v6 =	vadd.f32 v7, v6;
	_ =	sdelay $0x1  }
0x13c: {  	v7 =	vmul.f32 $2.000000030e-01, v6;
	_ =	sdelay $0x1  }
0x13d: {  	v6 =	vmax.f32 v6, v7  }
0x13e: {  	v6 =	vmul.f32 $1.442695020e+00, v6  }
0x13f: {  	v7 =	vmov s11  }
0x140: {  	(erf) = vpow2.f32 v6;
	v6 =	vmul.u32 $0x48, v7;
	_ =	sdelay $0x1  }
0x141: {  	v6 =	vadd.s32 $0x40, v6  }
0x142: {  	v6 =	vbroadcast v6, $0x0;
	_ =	sdelay $0x1  }
0x143: {  	v6 =	vor.u32 v1, v6;
	_ =	sdelay $0x3  }
0x144: {  	v7 =	vpop (erf)  }
0x145: {  	[tilespmem:v6+s22+$0x0] =	vst.idx.msk $0xff, v7  }
0x146: {  	v6 =	vld [tilespmem:s0+$0x5180];
	_ =	sdelay $0x2  }
0x147: {  	v8 =	vperm.xlane v7, v2;
	_ =	sdelay $0x1  }
0x148: {  	v6 =	vmul.f32 v8, v6;
	_ =	sdelay $0x1  }
0x149: {  	[tilespmem:s8+$0x0] =	vst v6  }
0x14a: {  	v6 =	vld [tilespmem:s0+$0x5190];
	_ =	sdelay $0x2  }
0x14b: {  	v61 =	vperm.xlane v7, v3;
	_ =	sdelay $0x1  }
0x14c: {  	v6 =	vmul.f32 v61, v6;
	_ =	sdelay $0x1  }
0x14d: {  	[tilespmem:s8+$0x10] =	vst v6  }
0x14e: {  	v6 =	vld [tilespmem:s0+$0x51A0];
	_ =	sdelay $0x2  }
0x14f: {  	v62 =	vperm.xlane v7, v4;
	_ =	sdelay $0x1  }
0x150: {  	v6 =	vmul.f32 v62, v6;
	_ =	sdelay $0x1  }
0x151: {  	[tilespmem:s8+$0x20] =	vst v6  }
0x152: {  	v6 =	vld [tilespmem:s0+$0x51B0];
	_ =	sdelay $0x1  }
0x153: {  	p1 =	sne.s32 s12, $0x140  }
.Ltmp2:
0x154: {  	v7 =	vperm.xlane v7, v5;
	(pc) =	sbr.rel @p1 .LBB2_7-.Ltmp2, $4  }
0x155: {  	_ = 	snop  }
0x156: {  	v6 =	vmul.f32 v7, v6  }
0x157: {  	s1 =	sadd.s32 $0x10, s1  }
0x158: {  	s12 =	sadd.s32 $0x140, s12;
	s11 =	sadd.s32 $0x1, s11;
	[tilespmem:s8+$0x30] =	vst v6;
	s8 =	sadd.s32 $0x48, s8  }
0x159: {  	v6 =	vld [tilespmem:$0x200]  }
0x15a: {  	v7 =	vld [tilespmem:$0x210]  }
0x15b: {  	v9 =	vld [tilespmem:$0x230]  }
0x15c: {  	v10 =	vld [tilespmem:$0x240]  }
0x15d: {  	v8 =	vld [tilespmem:$0x220]  }
0x15e: {  	[tilespmem:$0x14C20] =	vst v6;
	v6 =	vld [tilespmem:$0x250]  }
0x15f: {  	[tilespmem:$0x14C30] =	vst v7;
	v7 =	vld [tilespmem:$0x260]  }
0x160: {  	[tilespmem:$0x14C50] =	vst v9;
	v9 =	vld [tilespmem:$0x280]  }
0x161: {  	[tilespmem:$0x14C60] =	vst v10;
	v10 =	vld [tilespmem:$0x290]  }
0x162: {  	[tilespmem:$0x14C40] =	vst v8;
	v8 =	vld [tilespmem:$0x26D]  }
0x163: {  	[tilespmem:$0x14C70] =	vst v6;
	v6 =	vld [tilespmem:$0x2A0]  }
0x164: {  	[tilespmem:$0x14C80] =	vst v7;
	v7 =	vld [tilespmem:$0x2B0]  }
0x165: {  	[tilespmem:$0x14CA0] =	vst v9;
	v9 =	vld [tilespmem:$0x2D0]  }
0x166: {  	[tilespmem:$0x14CB0] =	vst v10;
	v10 =	vld [tilespmem:$0x2E0]  }
0x167: {  	[tilespmem:$0x14C8D] =	vst v8;
	v8 =	vld [tilespmem:$0x2C0]  }
0x168: {  	[tilespmem:$0x14CC0] =	vst v6;
	v6 =	vld [tilespmem:$0x2ED]  }
0x169: {  	[tilespmem:$0x14CD0] =	vst v7  }
0x16a: {  	[tilespmem:$0x14CF0] =	vst v9  }
0x16b: {  	[tilespmem:$0x14D00] =	vst v10  }
0x16c: {  	[tilespmem:$0x14CE0] =	vst v8  }
0x16d: {  	s0 =	simm.s32 $0x14C20;
	p1 =	seq.s32 s29, $0x13;
	[tilespmem:$0x14D0D] =	vst v6  }
0x16e: {  	[spmem:s3] =	stream.indirect.scatter.add.f32 [tilespmem:s22], [sflag:$0x5], $0x48, s0, s25, $0xb8;
	v63 =	vld [tilespmem:$0x0]  }
0x16f: {  	s0 =	sadd.s32 @!p1 s30, s19  }
0x170: {  	s24 =	simm.s32 $0x14CA0;
	s1 =	simm.s32 $0xE2A8;
	s0 =	sshll.u32 @!p1 s0, $0x4  }
0x171: {  	[spmem:s3] =	stream.indirect.scatter.add.f32 [tilespmem:s1], [sflag:$0x5], $0x48, s24, s25, $0xb8;
	v63 =	vld [tilespmem:$0x0]  }
0x172: {  	s0 =	sand.u32 @!p1 $0x1FFFFFC0, s0  }
0x173: {  	s2 =	simm.s32 @!p1 $0x0;
	s1 =	sadd.s32 @!p1 s4, s0  }
0x174: {  	[tilespmem:s2], [sflag:$0x7] =	stream.linear.gather @!p1 [hbm4b:s1+s2], $0x100, $0x38;
	v63 =	vld [tilespmem:$0x0]  }
0x175: {  	s1 =	simm.s32 @!p1 $0x7  }
0x176: {  	_ =	swait.ge @!p1 [sflag:s1], $0x100  }
0x177: {  	[sflag:s1] =	ssyncset.done @!p1 $0x0  }
0x178: {  	s8 =	simm.s32 @!p1 $0x200;
	s0 =	sadd.s32 @!p1 s7, s0;
	[sflag:s1] =	ssyncadd.s32 @!p1 $0xFFFFFF00  }
0x179: {  	[tilespmem:s8], [sflag:$0x7] =	stream.linear.gather @!p1 [hbm4b:s0+s2], $0x100, $0x38;
	v63 =	vld [tilespmem:$0x0]  }
0x17a: {  	_ =	swait.ge @!p1 [sflag:s1], $0x100  }
0x17b: {  	[sflag:s1] =	ssyncset.done @!p1 $0x0  }
0x17c: {  	s0 =	simm.s32 @!p1 $0x7D;
	[sflag:s1] =	ssyncadd.s32 @!p1 $0xFFFFFF00;
	s1 =	simm.s32 @!p1 $0x400  }
0x17d: {  	[tilespmem:s1], [sflag:$0x1] =	stream.indirect.gather @!p1 [hbm4b:s5+s0], $0x50, s2, s0, $0xb8;
	v63 =	vld [tilespmem:$0x0]  }
0x17e: {  	s1 =	simm.s32 @!p1 $0xA040  }
0x17f: {  	[tilespmem:s1], [sflag:$0x3] =	stream.indirect.gather @!p1 [hbm4b:s6+s0], $0x10, s8, s0, $0xb8;
	v63 =	vld [tilespmem:$0x0]  }
0x180: {  	s2 =	simm.s32 @!p1 $0x2B10;
	s1 =	simm.s32 @!p1 $0x80  }
0x181: {  	[tilespmem:s2], [sflag:$0x1] =	stream.indirect.gather @!p1 [hbm4b:s5+s0], $0x50, s1, s0, $0xb8;
	v63 =	vld [tilespmem:$0x0]  }
0x182: {  	s1 =	simm.s32 @!p1 $0x280;
	s2 =	simm.s32 @!p1 $0xA810  }
0x183: {  	[tilespmem:s2], [sflag:$0x3] =	stream.indirect.gather @!p1 [hbm4b:s6+s0], $0x10, s1, s0, $0xb8;
	v63 =	vld [tilespmem:$0x0]  }
0x184: {  	_ =	swait.ge [sflag:s14], $0x2710  }
0x185: {  	[sflag:s14] =	ssyncset.done $0x0  }
0x186: {  	[sflag:s14] =	ssyncadd.s32 $0xFFFFD8F0  }
0x187: {  	_ =	swait.ge [sflag:s15], $0x7D0  }
0x188: {  	[sflag:s15] =	ssyncset.done $0x0  }
0x189: {  	[sflag:s15] =	ssyncadd.s32 $0xFFFFF830  }
0x18a: {  	_ =	swait.ge [sflag:s14], $0x2710  }
0x18b: {  	[sflag:s14] =	ssyncset.done $0x0  }
0x18c: {  	[sflag:s14] =	ssyncadd.s32 $0xFFFFD8F0  }
0x18d: {  	_ =	swait.ge [sflag:s15], $0x7D0  }
0x18e: {  	[sflag:s15] =	ssyncset.done $0x0  }
0x18f: {  	s0 =	simm.s32 @!p0 $0x6;
	[sflag:s15] =	ssyncadd.s32 $0xFFFFF830  }
0x190: {  	_ =	swait.ge @!p0 [sflag:s0], $0x2328  }
0x191: {  	[sflag:s0] =	ssyncset.done @!p0 $0x0  }
0x192: {  	[sflag:s0] =	ssyncadd.s32 @!p0 $0xFFFFDCD8  }
0x193: {  	_ =	swait.ge @!p0 [sflag:s0], $0x2328  }
0x194: {  	[sflag:s0] =	ssyncset.done @!p0 $0x0  }
0x195: {  	s13 =	simm.s32 $0x52C0;
	[sflag:s0] =	ssyncadd.s32 @!p0 $0xFFFFDCD8  }
0x196: {  	s1 =	simm.s32 $0xB000;
	v6 =	vld [tilespmem:s13+$0x90]  }
0x197: {  	v7 =	vld [tilespmem:s1+$0x10];
	_ =	sdelay $0x3  }
0x198: {  	v8 =	vld [tilespmem:s1+$0xFFFFFFE0]  }
0x199: {  	v9 =	vld [tilespmem:s1+$0xFFFFFFF0];
	v6 =	vadd.f32 v7, v6  }
0x19a: {  	v11 =	vld [tilespmem:s13+$0x40]  }
0x19b: {  	v7 =	vld [tilespmem:s13+$0xFFFFFFF0];
	v10 =	vmul.f32 $2.000000030e-01, v6  }
0x19c: {  	v12 =	vld [tilespmem:s1+$0x0]  }
0x19d: {  	v6 =	vmax.f32 v6, v10;
	v10 =	vld [tilespmem:s13+$0xFFFFFFA0]  }
0x19e: {  	s2 =	simm.s32 $0x3;
	v6 =	vmul.f32 $1.442695020e+00, v6  }
0x19f: {  	v13 =	vmov s2  }
0x1a0: {  	v13 =	vmul.u32 $0x48, v13;
	(erf) = vpow2.f32 v6;
	v6 =	vadd.f32 v9, v7  }
0x1a1: {  	v7 =	vadd.f32 v12, v11  }
0x1a2: {  	v9 =	vadd.s32 $0x40, v13;
	v11 =	vmul.f32 $2.000000030e-01, v6;
	v8 =	vadd.f32 v8, v10  }
0x1a3: {  	v9 =	vbroadcast v9, $0x0;
	v10 =	vmul.f32 $2.000000030e-01, v7  }
0x1a4: {  	v6 =	vmax.f32 v6, v11;
	v11 =	vmul.f32 $2.000000030e-01, v8  }
0x1a5: {  	s8 =	simm.s32 $0x1;
	v9 =	vor.u32 v1, v9;
	v7 =	vmax.f32 v7, v10;
	v6 =	vmul.f32 $1.442695020e+00, v6  }
0x1a6: {  	s31 =	simm.s32 $0x5400;
	v10 =	vmov s8;
	v7 =	vmul.f32 $1.442695020e+00, v7;
	v8 =	vmax.f32 v8, v11  }
0x1a7: {  	s12 =	simm.s32 $0xB040;
	v16 =	vld [tilespmem:s31+$0xFFFFFFF0];
	v10 =	vmul.u32 $0x48, v10;
	(erf) = vpow2.f32 v6;
	v8 =	vmul.f32 $1.442695020e+00, v8  }
0x1a8: {  	s30 =	simm.s32 $0x0;
	v17 =	vld [tilespmem:s12+$0xFFFFFFF0];
	(erf) = vpow2.f32 v7  }
0x1a9: {  	s11 =	simm.s32 $0x2;
	v12 =	vld [tilespmem:s12+$0x10];
	v11 =	vmov s30;
	v6 =	vpop (erf);
	(erf) = vpow2.f32 v8;
	v8 =	vadd.s32 $0x40, v10  }
0x1aa: {  	v7 =	vmul.u32 $0x48, v11;
	v11 =	vmov s11;
	v10 =	vld [tilespmem:s31+$0x90];
	[tilespmem:v9+s16+$0x0] =	vst.idx.msk $0xff, v6;
	v8 =	vbroadcast v8, $0x0  }
0x1ab: {  	v11 =	vmul.u32 $0x48, v11;
	v9 =	vld [tilespmem:s13+$0x50]  }
0x1ac: {  	v18 =	vld [tilespmem:s31+$0x40];
	v7 =	vadd.s32 $0x40, v7;
	v15 =	vperm.xlane v6, v2;
	v8 =	vor.u32 v1, v8  }
0x1ad: {  	v20 =	vld [tilespmem:s12+$0x0];
	v7 =	vbroadcast v7, $0x0;
	v11 =	vadd.s32 $0x40, v11  }
0x1ae: {  	s17 =	simm.s32 $0x5;
	v11 =	vbroadcast v11, $0x0  }
0x1af: {  	v13 =	vmov s17;
	v7 =	vor.u32 v1, v7  }
0x1b0: {  	v10 =	vadd.f32 v12, v10;
	v11 =	vor.u32 v1, v11;
	v9 =	vmul.f32 v15, v9;
	v15 =	vpop (erf)  }
0x1b1: {  	s21 =	simm.s32 $0x7;
	s0 =	simm.s32 $0x10660;
	v14 =	vld [tilespmem:s12+$0xFFFFFFE0];
	v16 =	vadd.f32 v17, v16;
	v13 =	vmul.u32 $0x48, v13;
	[tilespmem:v8+s16+$0x0] =	vst.idx.msk $0xff, v15  }
0x1b2: {  	v18 =	vadd.f32 v20, v18;
	v20 =	vmov s21;
	v23 =	vmul.f32 $2.000000030e-01, v10;
	v19 =	vpop (erf);
	[tilespmem:s0+$0x48] =	vst v9;
	v28 =	vld [tilespmem:s13+$0xFFFFFFB0]  }
0x1b3: {  	v29 =	vmul.f32 $2.000000030e-01, v16;
	v13 =	vadd.s32 $0x40, v13;
	v8 =	vperm.xlane v15, v2;
	v21 =	vpop (erf);
	v12 =	vld [tilespmem:s13+$0x60]  }
0x1b4: {  	v13 =	vbroadcast v13, $0x0;
	v9 =	vperm.xlane v15, v3;
	v10 =	vmax.f32 v10, v23;
	[tilespmem:v7+s16+$0x0] =	vst.idx.msk $0xff, v21;
	v7 =	vld [tilespmem:s31+$0xFFFFFFA0]  }
0x1b5: {  	v22 =	vperm.xlane v19, v2;
	v10 =	vmul.f32 $1.442695020e+00, v10;
	[tilespmem:v11+s16+$0x0] =	vst.idx.msk $0xff, v19;
	v11 =	vmul.u32 $0x48, v20  }
0x1b6: {  	v26 =	vperm.xlane v19, v3;
	v23 =	vperm.xlane v6, v3;
	v17 =	vld [tilespmem:s13+$0xFFFFFF60]  }
0x1b7: {  	v24 =	vperm.xlane v21, v2;
	(erf) = vpow2.f32 v10;
	v10 =	vld [tilespmem:s13+$0x0];
	v11 =	vadd.s32 $0x40, v11  }
0x1b8: {  	v11 =	vbroadcast v11, $0x0;
	v8 =	vmul.f32 v8, v28  }
0x1b9: {  	v12 =	vmul.f32 v23, v12;
	v7 =	vadd.f32 v14, v7;
	v14 =	vmax.f32 v16, v29  }
0x1ba: {  	v16 =	vmul.f32 $2.000000030e-01, v18;
	v14 =	vmul.f32 $1.442695020e+00, v14  }
0x1bb: {  	v17 =	vmul.f32 v24, v17;
	[tilespmem:s0+$0x58] =	vst v12;
	v12 =	vmul.f32 $2.000000030e-01, v7  }
0x1bc: {  	v16 =	vmax.f32 v18, v16;
	v10 =	vmul.f32 v22, v10;
	v20 =	vld [tilespmem:s13+$0x70];
	(erf) = vpow2.f32 v14  }
0x1bd: {  	s20 =	simm.s32 $0x6;
	v14 =	vor.u32 v1, v11;
	v7 =	vmax.f32 v7, v12;
	v12 =	vmul.f32 $1.442695020e+00, v16  }
0x1be: {  	v27 =	vmov s20;
	s24 =	simm.s32 $0x4;
	s1 =	simm.s32 $0x5540;
	v11 =	vperm.xlane v6, v4;
	v7 =	vmul.f32 $1.442695020e+00, v7  }
0x1bf: {  	v31 =	vld [tilespmem:s1+$0xFFFFFFF0];
	[tilespmem:s0+$0xFFFFFF70] =	vst v17;
	v17 =	vmov s24;
	v16 =	vmul.u32 $0x48, v27;
	(erf) = vpow2.f32 v12  }
0x1c0: {  	[tilespmem:s0+$0xFFFFFFB8] =	vst v8;
	v18 =	vperm.xlane v15, v5;
	v22 =	vld [tilespmem:s13+$0xFFFFFF70];
	v24 =	vmul.u32 $0x48, v17;
	(erf) = vpow2.f32 v7  }
0x1c1: {  	s2 =	simm.s32 $0x9;
	[tilespmem:s0+$0x0] =	vst v10;
	v8 =	vadd.s32 $0x40, v16;
	v12 =	vperm.xlane v19, v4;
	v10 =	vpop (erf);
	v7 =	vmul.f32 v11, v20;
	v20 =	vld [tilespmem:s13+$0xFFFFFFC0]  }
0x1c2: {  	v36 =	vld [tilespmem:s1+$0x40];
	v16 =	vmov s2;
	v11 =	vperm.xlane v15, v4;
	[tilespmem:v14+s16+$0x0] =	vst.idx.msk $0xff, v10;
	v15 =	vadd.s32 $0x40, v24  }
0x1c3: {  	v15 =	vbroadcast v15, $0x0;
	[tilespmem:s0+$0x68] =	vst v7;
	v7 =	vmul.u32 $0x48, v16;
	v16 =	vperm.xlane v19, v5;
	v19 =	vld [tilespmem:s31+$0x50]  }
0x1c4: {  	v13 =	vor.u32 v1, v13;
	v25 =	vperm.xlane v21, v3;
	v23 =	vperm.xlane v21, v4;
	v14 =	vld [tilespmem:s13+$0x80]  }
0x1c5: {  	v6 =	vperm.xlane v6, v5;
	v17 =	vperm.xlane v21, v5;
	v21 =	vld [tilespmem:s1+$0x90];
	v15 =	vor.u32 v1, v15  }
0x1c6: {  	s8 =	simm.s32 $0xB080;
	v27 =	vld [tilespmem:s13+$0x10];
	v22 =	vmul.f32 v25, v22;
	v7 =	vadd.s32 $0x40, v7;
	v24 =	vmul.f32 v9, v20  }
0x1c7: {  	v28 =	vpop (erf);
	v25 =	vbroadcast v7, $0x0;
	v7 =	vld [tilespmem:s8+$0x10];
	v20 =	vperm.xlane v10, v2  }
0x1c8: {  	v39 =	vld [tilespmem:s8+$0x0];
	v8 =	vbroadcast v8, $0x0;
	v33 =	vpop (erf)  }
0x1c9: {  	v29 =	vld [tilespmem:s8+$0xFFFFFFE0];
	[tilespmem:v13+s16+$0x0] =	vst.idx.msk $0xff, v28;
	v9 =	vmul.f32 v6, v14;
	v14 =	vmul.f32 v20, v19;
	v34 =	vpop (erf)  }
0x1ca: {  	s24 =	simm.s32 $0x10780;
	v30 =	vperm.xlane v28, v2;
	v32 =	vperm.xlane v28, v3;
	v6 =	vld [tilespmem:s8+$0xFFFFFFF0];
	[tilespmem:v15+s16+$0x0] =	vst.idx.msk $0xff, v34  }
0x1cb: {  	v8 =	vor.u32 v1, v8;
	v13 =	vmul.f32 v26, v27;
	v35 =	vperm.xlane v33, v2;
	v15 =	vld [tilespmem:s1+$0xFFFFFFA0];
	[tilespmem:s24+$0x48] =	vst v14  }
0x1cc: {  	v41 =	vperm.xlane v33, v3;
	v20 =	vperm.xlane v33, v4;
	v40 =	vadd.f32 v7, v21;
	v14 =	vld [tilespmem:s31+$0x60]  }
0x1cd: {  	v37 =	vperm.xlane v34, v2;
	v38 =	vperm.xlane v34, v3  }
0x1ce: {  	[tilespmem:s0+$0xFFFFFF80] =	vst v22;
	v22 =	vadd.f32 v39, v36;
	v21 =	vperm.xlane v28, v4;
	v27 =	vmul.f32 $2.000000030e-01, v40  }
0x1cf: {  	v51 =	vld [tilespmem:s31+$0xFFFFFFB0];
	v31 =	vadd.f32 v6, v31;
	v6 =	vperm.xlane v28, v5;
	v28 =	vperm.xlane v10, v3  }
0x1d0: {  	s12 =	simm.s32 $0xB;
	[tilespmem:v8+s16+$0x0] =	vst.idx.msk $0xff, v33;
	v42 =	vld [tilespmem:s31+$0xFFFFFF60];
	v27 =	vmax.f32 v40, v27;
	v8 =	vadd.f32 v29, v15;
	v29 =	vmul.f32 $2.000000030e-01, v22  }
0x1d1: {  	s21 =	simm.s32 $0xB0C0;
	v53 =	vmov s12;
	s11 =	simm.s32 $0xA;
	v27 =	vmul.f32 $1.442695020e+00, v27;
	v14 =	vmul.f32 v28, v14  }
0x1d2: {  	v45 =	vld [tilespmem:s21+$0x0];
	v19 =	vperm.xlane v34, v4;
	v7 =	vmov s11;
	v52 =	vmul.f32 $2.000000030e-01, v31  }
0x1d3: {  	v15 =	vmul.u32 $0x48, v53;
	v22 =	vmax.f32 v22, v29;
	(erf) = vpow2.f32 v27;
	v27 =	vld [tilespmem:s31+$0x0];
	[tilespmem:s24+$0x58] =	vst v14  }
0x1d4: {  	v29 =	vmul.f32 v30, v51;
	v28 =	vmax.f32 v31, v52;
	v14 =	vmul.f32 $2.000000030e-01, v8;
	v54 =	vld [tilespmem:s31+$0x70]  }
0x1d5: {  	[tilespmem:s0+$0xFFFFFFC8] =	vst v24;
	v24 =	vld [tilespmem:s13+$0xFFFFFF80];
	s11 =	simm.s32 $0x5680;
	v15 =	vadd.s32 $0x40, v15;
	v31 =	vmul.f32 v37, v42;
	v28 =	vmul.f32 $1.442695020e+00, v28  }
0x1d6: {  	v61 =	vld [tilespmem:s11+$0x40];
	v15 =	vbroadcast v15, $0x0;
	v8 =	vmax.f32 v8, v14;
	v14 =	vmul.f32 $1.442695020e+00, v22  }
0x1d7: {  	[tilespmem:s0+$0x10] =	vst v13;
	v26 =	vmul.u32 $0x48, v7;
	(erf) = vpow2.f32 v28;
	v22 =	vperm.xlane v10, v4  }
0x1d8: {  	s17 =	simm.s32 $0x8;
	v13 =	vld [tilespmem:s13+$0xFFFFFFD0];
	v7 =	vperm.xlane v34, v5;
	[tilespmem:s24+$0xFFFFFFB8] =	vst v29;
	v15 =	vor.u32 v1, v15;
	(erf) = vpow2.f32 v14  }
0x1d9: {  	[tilespmem:s24+$0xFFFFFF70] =	vst v31;
	v28 =	vld [tilespmem:s13+$0x20];
	v14 =	vmul.f32 v35, v27;
	v29 =	vmul.f32 v22, v54;
	v22 =	vmov s17  }
0x1da: {  	s20 =	simm.s32 $0xD;
	v23 =	vmul.f32 v23, v24;
	v26 =	vadd.s32 $0x40, v26;
	v30 =	vld [tilespmem:s31+$0xFFFFFF70];
	v8 =	vmul.f32 $1.442695020e+00, v8  }
0x1db: {  	v26 =	vbroadcast v26, $0x0;
	v50 =	vadd.f32 v45, v61;
	v31 =	vmov s20;
	v27 =	vld [tilespmem:s31+$0xFFFFFFC0];
	[tilespmem:s24+$0x0] =	vst v14  }
0x1dc: {  	v10 =	vperm.xlane v10, v5;
	(erf) = vpow2.f32 v8;
	v14 =	vmul.u32 $0x48, v22;
	v24 =	vld [tilespmem:s31+$0x10];
	[tilespmem:s24+$0x68] =	vst v29;
	v22 =	vpop (erf)  }
0x1dd: {  	v8 =	vperm.xlane v33, v5;
	v29 =	vmul.u32 $0x48, v31;
	v31 =	vmul.f32 v11, v13;
	v13 =	vld [tilespmem:s31+$0x80];
	[tilespmem:v15+s16+$0x0] =	vst.idx.msk $0xff, v22  }
0x1de: {  	v54 =	vmul.f32 $2.000000030e-01, v50;
	v28 =	vmul.f32 v12, v28;
	v12 =	vadd.s32 $0x40, v14;
	v14 =	vld [tilespmem:s1+$0x50]  }
0x1df: {  	v11 =	vor.u32 v1, v25;
	v25 =	vmul.f32 v38, v30;
	v15 =	vadd.s32 $0x40, v29;
	v29 =	vld [tilespmem:s11+$0x90]  }
0x1e0: {  	v26 =	vor.u32 v1, v26;
	v12 =	vbroadcast v12, $0x0;
	v30 =	vbroadcast v15, $0x0;
	v15 =	vld [tilespmem:s21+$0x10]  }
0x1e1: {  	[tilespmem:s0+$0x78] =	vst v9;
	v33 =	vmax.f32 v50, v54;
	v27 =	vmul.f32 v32, v27;
	v57 =	vperm.xlane v22, v2  }
0x1e2: {  	v56 =	vld [tilespmem:s21+$0xFFFFFFE0];
	s17 =	simm.s32 $0xF;
	v49 =	vperm.xlane v22, v3;
	[tilespmem:s0+$0xFFFFFFD8] =	vst v31;
	v31 =	vmul.f32 $1.442695020e+00, v33;
	v55 =	vpop (erf);
	v12 =	vor.u32 v1, v12  }
0x1e3: {  	s12 =	simm.s32 $0xE;
	v58 =	vld [tilespmem:s11+$0xFFFFFFF0];
	[tilespmem:s24+$0xFFFFFFC8] =	vst v27;
	v27 =	vmov s17;
	v34 =	vperm.xlane v55, v2;
	v14 =	vmul.f32 v57, v14  }
0x1e4: {  	[tilespmem:s0+$0x20] =	vst v28;
	v37 =	vperm.xlane v55, v3;
	v59 =	vpop (erf);
	v39 =	vmul.f32 v10, v13;
	v10 =	vld [tilespmem:s21+$0xFFFFFFF0];
	v13 =	vmov s12;
	s12 =	simm.s32 $0x108A0  }
0x1e5: {  	v62 =	vld [tilespmem:s11+$0xFFFFFFA0];
	v24 =	vmul.f32 v41, v24;
	v27 =	vmul.u32 $0x48, v27;
	v60 =	vpop (erf);
	v29 =	vadd.f32 v15, v29;
	[tilespmem:s12+$0x48] =	vst v14  }
0x1e6: {  	v40 =	vperm.xlane v59, v2;
	[tilespmem:v26+s16+$0x0] =	vst.idx.msk $0xff, v59;
	v43 =	vperm.xlane v60, v2;
	v26 =	vld [tilespmem:s1+$0x60]  }
0x1e7: {  	v27 =	vadd.s32 $0x40, v27;
	v44 =	vperm.xlane v60, v3;
	[tilespmem:v12+s16+$0x0] =	vst.idx.msk $0xff, v60;
	v47 =	vmul.f32 $2.000000030e-01, v29  }
0x1e8: {  	[tilespmem:v11+s16+$0x0] =	vst.idx.msk $0xff, v55;
	v11 =	vmul.u32 $0x48, v13;
	v13 =	vperm.xlane v60, v4;
	v9 =	vperm.xlane v60, v5;
	v48 =	vld [tilespmem:s1+$0xFFFFFF60]  }
0x1e9: {  	[tilespmem:s24+$0xFFFFFF80] =	vst v25;
	v61 =	vld [tilespmem:s13+$0x30];
	v27 =	vbroadcast v27, $0x0;
	v36 =	vadd.f32 v10, v58;
	v25 =	vmax.f32 v29, v47  }
0x1ea: {  	[tilespmem:s0+$0xFFFFFF90] =	vst v23;
	v15 =	vperm.xlane v59, v3;
	v29 =	vld [tilespmem:s1+$0xFFFFFFB0];
	v25 =	vmul.f32 $1.442695020e+00, v25  }
0x1eb: {  	v53 =	vld [tilespmem:s31+$0xFFFFFF80];
	[tilespmem:s24+$0x10] =	vst v24;
	v24 =	vadd.f32 v56, v62;
	v23 =	vmul.f32 $2.000000030e-01, v36;
	v26 =	vmul.f32 v49, v26  }
0x1ec: {  	v51 =	vld [tilespmem:s1+$0x0];
	v46 =	vadd.s32 $0x40, v11;
	v11 =	vperm.xlane v55, v5;
	(erf) = vpow2.f32 v25  }
0x1ed: {  	v14 =	vperm.xlane v55, v4;
	v25 =	vld [tilespmem:s31+$0xFFFFFFD0];
	v23 =	vmax.f32 v36, v23;
	v55 =	vmul.f32 v43, v48;
	[tilespmem:s12+$0x58] =	vst v26  }
0x1ee: {  	v41 =	vmul.f32 $2.000000030e-01, v24;
	v23 =	vmul.f32 $1.442695020e+00, v23;
	v56 =	vld [tilespmem:s1+$0x70]  }
0x1ef: {  	v30 =	vor.u32 v1, v30;
	v12 =	vperm.xlane v59, v4;
	[tilespmem:s12+$0xFFFFFF70] =	vst v55;
	v29 =	vmul.f32 v34, v29;
	v26 =	vld [tilespmem:s31+$0x20]  }
0x1f0: {  	v24 =	vmax.f32 v24, v41;
	v10 =	vperm.xlane v59, v5;
	(erf) = vpow2.f32 v23;
	v23 =	vld [tilespmem:s1+$0xFFFFFF70]  }
0x1f1: {  	s21 =	simm.s32 $0x11;
	v24 =	vmul.f32 $1.442695020e+00, v24;
	v58 =	vor.u32 v1, v27;
	v27 =	vperm.xlane v22, v4;
	[tilespmem:s12+$0xFFFFFFB8] =	vst v29;
	v29 =	vld [tilespmem:s13+$0xFFFFFFE0]  }
0x1f2: {  	s20 =	simm.s32 $0xC;
	v62 =	vmov s21;
	v28 =	vmul.f32 v40, v51;
	(erf) = vpow2.f32 v31;
	v60 =	vld [tilespmem:s1+$0xFFFFFFC0]  }
0x1f3: {  	v57 =	vld [tilespmem:s13+$0xFFFFFF90];
	[tilespmem:s24+$0x78] =	vst v39;
	v59 =	vmov s20;
	(erf) = vpow2.f32 v24;
	v24 =	vmul.f32 v27, v56  }
0x1f4: {  	v32 =	vmul.f32 v19, v53;
	v52 =	vbroadcast v46, $0x0;
	s20 =	simm.s32 $0xB100;
	[tilespmem:s12+$0x0] =	vst v28;
	v31 =	vmul.u32 $0x48, v59  }
0x1f5: {  	v38 =	vmul.u32 $0x48, v62;
	v34 =	vld [tilespmem:s20+$0x10];
	v23 =	vmul.f32 v44, v23;
	v27 =	vmul.f32 v21, v25;
	v19 =	vpop (erf);
	[tilespmem:s12+$0x68] =	vst v24  }
0x1f6: {  	v18 =	vmul.f32 v18, v29;
	[tilespmem:v58+s16+$0x0] =	vst.idx.msk $0xff, v19;
	v24 =	vmul.f32 v20, v26;
	v20 =	vadd.s32 $0x40, v31;
	v28 =	vld [tilespmem:s1+$0x80]  }
0x1f7: {  	[tilespmem:s24+$0xFFFFFF90] =	vst v32;
	s13 =	simm.s32 $0x57C0;
	v29 =	vor.u32 v1, v52;
	v31 =	vld [tilespmem:s11+$0x50];
	v26 =	vmul.f32 v37, v60;
	v20 =	vbroadcast v20, $0x0  }
0x1f8: {  	v33 =	vld [tilespmem:s13+$0x90];
	v21 =	vmul.f32 v17, v57;
	v17 =	vadd.s32 $0x40, v38;
	[tilespmem:s12+$0xFFFFFF80] =	vst v23;
	v23 =	vmul.f32 v16, v61  }
0x1f9: {  	s8 =	simm.s32 $0x14;
	s17 =	simm.s32 $0x10;
	s21 =	simm.s32 $0x108A0;
	v25 =	vld [tilespmem:s1+$0x10];
	v17 =	vbroadcast v17, $0x0;
	v16 =	vpop (erf);
	[tilespmem:s12+$0xFFFFFFC8] =	vst v26;
	v26 =	vperm.xlane v22, v5;
	v32 =	vor.u32 v1, v20  }
.LBB2_9:
0x1fa: {  	p0 =	slt.u32 s8, $0xF4;
	v35 =	vld [tilespmem:s20+$0xFFFFFFE0];
	[tilespmem:v30+s16+$0x0] =	vst.idx.msk $0xff, v16;
	v30 =	vperm.xlane v16, v2;
	v36 =	vperm.xlane v19, v2;
	v22 =	vmov v6  }
0x1fb: {  	s2 =	sadd.s32 $0x2, s17;
	v20 =	vperm.xlane v16, v3;
	v6 =	vmov v11;
	v37 =	vld [tilespmem:s13+$0xFFFFFFF0];
	v38 =	vpop (erf);
	v41 =	vmul.f32 v26, v28;
	[tilespmem:s24+$0xFFFFFFD8] =	vst v27  }
0x1fc: {  	v27 =	vmov s2;
	v11 =	vld [tilespmem:s20+$0xFFFFFFF0];
	[tilespmem:v29+s16+$0x0] =	vst.idx.msk $0xff, v38;
	v28 =	vperm.xlane v38, v2;
	v29 =	vmul.f32 v36, v31;
	v31 =	vpop (erf)  }
0x1fd: {  	s21 =	sadd.s32 $0x120, s21;
	v26 =	vmovc v8;
	v27 =	vmul.u32 $0x48, v27;
	v36 =	vld [tilespmem:s13+$0x40];
	v39 =	vperm.xlane v31, v2;
	v40 =	vperm.xlane v31, v3;
	[tilespmem:s12+$0x78] =	vst v41  }
0x1fe: {  	v25 =	vmul.f32 v15, v25;
	v15 =	vperm.xlane v38, v3;
	v41 =	vld [tilespmem:s20+$0x0];
	v33 =	vadd.f32 v34, v33;
	[tilespmem:s21+$0x48] =	vst v29  }
0x1ff: {  	v8 =	vmovc v10;
	v29 =	vmov s17;
	v34 =	vperm.xlane v16, v4;
	[tilespmem:v32+s16+$0x0] =	vst.idx.msk $0xff, v31;
	v32 =	vperm.xlane v31, v4;
	v42 =	vld [tilespmem:s11+$0x60]  }
0x200: {  	v45 =	vmovc v19;
	v44 =	vperm.xlane v38, v4;
	v27 =	vadd.s32 $0x40, v27;
	v43 =	vld [tilespmem:s13+$0xFFFFFFA0];
	v10 =	vmul.f32 $2.000000030e-01, v33;
	[tilespmem:s12+$0x10] =	vst v25  }
0x201: {  	v19 =	vadd.f32 v11, v37;
	v25 =	vld [tilespmem:s11+$0xFFFFFF60];
	v37 =	vperm.xlane v31, v5;
	v11 =	vperm.xlane v16, v5;
	[tilespmem:s24+$0x20] =	vst v24  }
0x202: {  	v31 =	vperm.xlane v45, v3;
	v16 =	vmax.f32 v33, v10;
	v24 =	vld [tilespmem:s11+$0xFFFFFFB0];
	v10 =	vperm.xlane v38, v5;
	[tilespmem:s0+$0xFFFFFFA0] =	vst v21  }
0x203: {  	s2 =	sadd.s32 $0x3, s17;
	s17 =	smov.u32 s8;
	v21 =	vmul.f32 $2.000000030e-01, v19;
	v33 =	vadd.f32 v41, v36;
	v16 =	vmul.f32 $1.442695020e+00, v16;
	v36 =	vld [tilespmem:s11+$0x0];
	[tilespmem:s0+$0xFFFFFFE8] =	vst v18  }
0x204: {  	v38 =	vbroadcast v27, $0x0;
	v18 =	vmov s2;
	v27 =	vmul.f32 v31, v42;
	v31 =	vld [tilespmem:s1+$0xFFFFFF80];
	[tilespmem:s0+$0x30] =	vst v23;
	s0 =	smov.u32 s24;
	s24 =	smov.u32 s12;
	s12 =	smov.u32 s21  }
0x205: {  	v18 =	vmul.u32 $0x48, v18;
	v23 =	vadd.f32 v35, v43;
	(erf) = vpow2.f32 v16;
	v16 =	vld [tilespmem:s1+$0xFFFFFFD0]  }
0x206: {  	v19 =	vmax.f32 v19, v21;
	v21 =	vmul.f32 $2.000000030e-01, v33;
	v25 =	vmul.f32 v39, v25;
	[tilespmem:s21+$0x58] =	vst v27;
	v35 =	vld [tilespmem:s1+$0x20]  }
0x207: {  	v19 =	vmul.f32 $1.442695020e+00, v19;
	v18 =	vadd.s32 $0x40, v18;
	v27 =	vmul.f32 $2.000000030e-01, v23;
	v39 =	vld [tilespmem:s11+$0x70]  }
0x208: {  	v21 =	vmax.f32 v33, v21;
	v18 =	vbroadcast v18, $0x0;
	v24 =	vmul.f32 v30, v24;
	[tilespmem:s21+$0xFFFFFF70] =	vst v25;
	v33 =	vld [tilespmem:s31+$0xFFFFFF90]  }
0x209: {  	v21 =	vmul.f32 $1.442695020e+00, v21;
	v23 =	vmax.f32 v23, v27;
	(erf) = vpow2.f32 v19;
	v25 =	vld [tilespmem:s11+$0xFFFFFF70]  }
0x20a: {  	v18 =	vor.u32 v1, v18;
	v19 =	vmul.f32 $1.442695020e+00, v23;
	[tilespmem:s21+$0xFFFFFFB8] =	vst v24;
	v23 =	vperm.xlane v45, v4;
	v41 =	vld [tilespmem:s31+$0xFFFFFFE0]  }
0x20b: {  	v29 =	vmul.u32 $0x48, v29;
	s2 =	sadd.s32 $0x1, s8;
	(erf) = vpow2.f32 v21;
	v42 =	vld [tilespmem:s11+$0xFFFFFFC0];
	v21 =	vmul.f32 v28, v36  }
0x20c: {  	v24 =	vmov s2;
	(erf) = vpow2.f32 v19;
	v23 =	vmul.f32 v23, v39;
	v36 =	vld [tilespmem:s31+$0x30];
	s31 =	smov.u32 s1;
	s1 =	smov.u32 s11;
	s11 =	smov.u32 s13  }
0x20d: {  	v43 =	vmul.f32 v13, v31;
	v13 =	vmovc v32;
	v27 =	vmul.f32 v14, v16;
	v39 =	vmul.u32 $0x48, v24;
	[tilespmem:s21+$0x0] =	vst v21  }
.Ltmp3:
0x20e: {  	v30 =	vor.u32 v1, v17;
	v24 =	vmul.f32 v12, v35;
	v19 =	vpop (erf);
	v17 =	vmul.f32 v40, v25;
	v25 =	vld [tilespmem:s1+$0x10];
	[tilespmem:s21+$0x68] =	vst v23;
	(pc) =	sbr.rel @p0 .LBB2_9-.Ltmp3, $4  }
0x20f: {  	v32 =	vadd.s32 $0x40, v29;
	v21 =	vmul.f32 v7, v33;
	[tilespmem:v18+s16+$0x0] =	vst.idx.msk $0xff, v19;
	v28 =	vld [tilespmem:s1+$0x80];
	v18 =	vmul.f32 v22, v41  }
0x210: {  	v29 =	vor.u32 v1, v38;
	v14 =	vmovc v34;
	s13 =	sadd.s32 $0x140, s13;
	v22 =	vbroadcast v32, $0x0;
	v31 =	vld [tilespmem:s11+$0x50];
	[tilespmem:s21+$0xFFFFFF80] =	vst v17;
	v20 =	vmul.f32 v20, v42  }
0x211: {  	s20 =	sadd.s32 $0x40, s20;
	v12 =	vmovc v44;
	v7 =	vmovc v9;
	v9 =	vmov v37;
	v17 =	vadd.s32 $0x40, v39;
	v33 =	vld [tilespmem:s13+$0x90];
	[tilespmem:s24+$0xFFFFFF90] =	vst v43;
	v23 =	vmul.f32 v26, v36  }
0x212: {  	s8 =	sadd.s32 $0x4, s8;
	v17 =	vbroadcast v17, $0x0;
	v32 =	vor.u32 v1, v22;
	v26 =	vperm.xlane v45, v5;
	v34 =	vld [tilespmem:s20+$0x10];
	v16 =	vpop (erf);
	[tilespmem:s21+$0xFFFFFFC8] =	vst v20  }
0x213: {  	_ =	sdelay $0x3  }
0x214: {  	v20 =	vadd.f32 v34, v33;
	_ =	sdelay $0x1  }
0x215: {  	v61 =	vld [tilespmem:s20+$0xFFFFFFE0];
	v22 =	vmul.f32 $2.000000030e-01, v20  }
0x216: {  	v62 =	vld [tilespmem:s13+$0xFFFFFFF0]  }
0x217: {  	v42 =	vld [tilespmem:s13+$0xFFFFFFA0];
	v20 =	vmax.f32 v20, v22  }
0x218: {  	v35 =	vld [tilespmem:s20+$0xFFFFFFF0];
	s2 =	sadd.s32 $0x3, s17;
	v22 =	vmul.f32 $1.442695020e+00, v20  }
0x219: {  	v37 =	vld [tilespmem:s13+$0x40];
	v39 =	vmov s2  }
0x21a: {  	v38 =	vld [tilespmem:s20+$0x0];
	v39 =	vmul.u32 $0x48, v39;
	(erf) = vpow2.f32 v22  }
0x21b: {  	v36 =	vperm.xlane v19, v2;
	v20 =	vpop (erf)  }
0x21c: {  	v45 =	vadd.s32 $0x40, v39;
	v49 =	vadd.f32 v61, v42;
	v22 =	vpop (erf)  }
0x21d: {  	v31 =	vmul.f32 v36, v31;
	v34 =	vadd.f32 v35, v62;
	v35 =	vbroadcast v45, $0x0;
	[tilespmem:v32+s16+$0x0] =	vst.idx.msk $0xff, v22  }
0x21e: {  	s20 =	sadd.s32 $0x120, s21;
	[tilespmem:v30+s16+$0x0] =	vst.idx.msk $0xff, v16;
	v59 =	vmov s17;
	v26 =	vmul.f32 v26, v28;
	v53 =	vmul.f32 $2.000000030e-01, v49;
	v46 =	vld [tilespmem:s11+$0xFFFFFF60]  }
0x21f: {  	[tilespmem:s20+$0x48] =	vst v31;
	v47 =	vadd.f32 v38, v37;
	v48 =	vmul.f32 $2.000000030e-01, v34;
	v35 =	vor.u32 v1, v35  }
0x220: {  	v15 =	vmul.f32 v15, v25;
	[tilespmem:s12+$0x78] =	vst v26;
	v44 =	vld [tilespmem:s11+$0x60];
	v62 =	vmul.u32 $0x48, v59;
	v26 =	vmax.f32 v49, v53  }
0x221: {  	[tilespmem:s24+$0xFFFFFFD8] =	vst v27;
	v51 =	vmul.f32 $2.000000030e-01, v47;
	v25 =	vmax.f32 v34, v48;
	v52 =	vperm.xlane v22, v2  }
0x222: {  	v50 =	vperm.xlane v19, v3;
	[tilespmem:s24+$0x20] =	vst v24;
	v54 =	vld [tilespmem:s11+$0xFFFFFFB0];
	v37 =	vadd.s32 $0x40, v62;
	v25 =	vmul.f32 $1.442695020e+00, v25  }
0x223: {  	v62 =	vld [tilespmem:s31+$0xFFFFFFE0];
	v30 =	vmax.f32 v47, v51;
	v57 =	vmul.f32 $1.442695020e+00, v26;
	[tilespmem:v29+s16+$0x0] =	vst.idx.msk $0xff, v20;
	v28 =	vmul.f32 v52, v46;
	v26 =	vpop (erf)  }
0x224: {  	v43 =	vperm.xlane v16, v2;
	v56 =	vmul.f32 $1.442695020e+00, v30;
	v55 =	vld [tilespmem:s11+$0x0];
	[tilespmem:v35+s16+$0x0] =	vst.idx.msk $0xff, v26  }
0x225: {  	s8 =	sadd.s32 $0x2, s17;
	v29 =	vmul.f32 v50, v44;
	(erf) = vpow2.f32 v25;
	v35 =	vld [tilespmem:s1+$0xFFFFFF80];
	[tilespmem:s20+$0xFFFFFF70] =	vst v28  }
0x226: {  	v58 =	vmov s8;
	[tilespmem:s12+$0x10] =	vst v15;
	(erf) = vpow2.f32 v56;
	v34 =	vld [tilespmem:s11+$0xFFFFFF70]  }
0x227: {  	v15 =	vmul.f32 v43, v54;
	[tilespmem:s20+$0x58] =	vst v29;
	v29 =	vmul.u32 $0x48, v58;
	(erf) = vpow2.f32 v57;
	v33 =	vld [tilespmem:s13+$0x50]  }
0x228: {  	[tilespmem:s0+$0xFFFFFFA0] =	vst v21;
	v38 =	vbroadcast v37, $0x0;
	v61 =	vperm.xlane v20, v2  }
0x229: {  	[tilespmem:s0+$0xFFFFFFE8] =	vst v18;
	v6 =	vmul.f32 v6, v62;
	v40 =	vperm.xlane v22, v3;
	v29 =	vadd.s32 $0x40, v29  }
0x22a: {  	[tilespmem:s0+$0x30] =	vst v23;
	v29 =	vbroadcast v29, $0x0;
	v39 =	vperm.xlane v26, v2  }
0x22b: {  	[tilespmem:s20+$0xFFFFFFB8] =	vst v15;
	v24 =	vmul.f32 v61, v55;
	v21 =	vmul.f32 v40, v34  }
0x22c: {  	v23 =	vor.u32 v1, v38;
	[tilespmem:s24+$0xFFFFFFE8] =	vst v6;
	v13 =	vmul.f32 v13, v35;
	v42 =	vmul.f32 v39, v33  }
0x22d: {  	v17 =	vor.u32 v1, v17;
	s21 =	sadd.s32 $0x120, s20;
	v44 =	vld [tilespmem:s1+$0xFFFFFFD0];
	[tilespmem:s20+$0x0] =	vst v24  }
0x22e: {  	v56 =	vld [tilespmem:s1+$0x20];
	v45 =	vor.u32 v1, v29;
	v27 =	vpop (erf);
	[tilespmem:s21+$0x48] =	vst v42  }
0x22f: {  	v58 =	vld [tilespmem:s31+$0xFFFFFF90];
	[tilespmem:s20+$0xFFFFFF80] =	vst v21;
	v21 =	vpop (erf)  }
0x230: {  	[tilespmem:s12+$0xFFFFFF90] =	vst v13;
	v24 =	vld [tilespmem:s13+$0x60];
	v13 =	vpop (erf)  }
0x231: {  	v60 =	vld [tilespmem:s11+$0x70];
	[tilespmem:v23+s16+$0x0] =	vst.idx.msk $0xff, v13  }
0x232: {  	v14 =	vmul.f32 v14, v44;
	[tilespmem:v17+s16+$0x0] =	vst.idx.msk $0xff, v27;
	v50 =	vld [tilespmem:s13+$0xFFFFFF60]  }
0x233: {  	v12 =	vmul.f32 v12, v56;
	v51 =	vperm.xlane v26, v3;
	v53 =	vld [tilespmem:s13+$0xFFFFFFB0];
	[tilespmem:v45+s16+$0x0] =	vst.idx.msk $0xff, v21  }
0x234: {  	v36 =	vperm.xlane v19, v4;
	[tilespmem:s12+$0xFFFFFFD8] =	vst v14;
	v7 =	vmul.f32 v7, v58;
	v55 =	vld [tilespmem:s13+$0x0]  }
0x235: {  	v43 =	vld [tilespmem:s11+$0xFFFFFFC0];
	[tilespmem:s12+$0x20] =	vst v12;
	v57 =	vperm.xlane v13, v2;
	v24 =	vmul.f32 v51, v24  }
0x236: {  	v29 =	vld [tilespmem:s31+$0x30];
	v41 =	vmul.f32 v36, v60;
	[tilespmem:s24+$0xFFFFFFA0] =	vst v7;
	v59 =	vperm.xlane v27, v2  }
0x237: {  	v48 =	vld [tilespmem:s11+$0x10];
	v60 =	vperm.xlane v21, v2;
	[tilespmem:s21+$0x58] =	vst v24;
	v14 =	vmul.f32 v57, v50  }
0x238: {  	v46 =	vperm.xlane v16, v3;
	[tilespmem:s20+$0x68] =	vst v41;
	v18 =	vmul.f32 v59, v53;
	v61 =	vld [tilespmem:s13+$0x70]  }
0x239: {  	v47 =	vld [tilespmem:s11+$0x80];
	v30 =	vmul.f32 v60, v55;
	[tilespmem:s21+$0xFFFFFF70] =	vst v14  }
0x23a: {  	v54 =	vperm.xlane v20, v3;
	v49 =	vmul.f32 v46, v43;
	[tilespmem:s21+$0xFFFFFFB8] =	vst v18;
	v31 =	vld [tilespmem:s13+$0xFFFFFF70]  }
0x23b: {  	v32 =	vperm.xlane v26, v4;
	v8 =	vmul.f32 v8, v29;
	v33 =	vld [tilespmem:s13+$0xFFFFFFC0];
	[tilespmem:s21+$0x0] =	vst v30  }
0x23c: {  	v52 =	vperm.xlane v19, v5;
	[tilespmem:s20+$0xFFFFFFC8] =	vst v49;
	v19 =	vmul.f32 v54, v48;
	v14 =	vld [tilespmem:s13+$0x10]  }
0x23d: {  	v37 =	vld [tilespmem:s11+$0xFFFFFFD0];
	[tilespmem:s24+$0x30] =	vst v8;
	v35 =	vperm.xlane v13, v3;
	v34 =	vmul.f32 v32, v61  }
0x23e: {  	v36 =	vperm.xlane v27, v3;
	v15 =	vmul.f32 v52, v47;
	[tilespmem:s20+$0x10] =	vst v19;
	v7 =	vld [tilespmem:s11+$0xFFFFFF80]  }
0x23f: {  	v41 =	vld [tilespmem:s11+$0x20];
	v38 =	vperm.xlane v21, v3;
	[tilespmem:s21+$0x68] =	vst v34;
	v6 =	vmul.f32 v35, v31  }
0x240: {  	v42 =	vperm.xlane v16, v4;
	[tilespmem:s20+$0x78] =	vst v15;
	v17 =	vmul.f32 v36, v33;
	v39 =	vld [tilespmem:s13+$0x80]  }
0x241: {  	v40 =	vperm.xlane v22, v4;
	v43 =	vld [tilespmem:s1+$0xFFFFFF90];
	[tilespmem:s21+$0xFFFFFF80] =	vst v6;
	v6 =	vmul.f32 v38, v14  }
0x242: {  	v46 =	vperm.xlane v20, v4;
	v18 =	vmul.f32 v42, v37;
	[tilespmem:s21+$0xFFFFFFC8] =	vst v17;
	v45 =	vld [tilespmem:s13+$0xFFFFFF80]  }
0x243: {  	v44 =	vperm.xlane v26, v5;
	v7 =	vmul.f32 v40, v7;
	[tilespmem:s21+$0x10] =	vst v6;
	v6 =	vld [tilespmem:s13+$0xFFFFFFD0]  }
0x244: {  	[tilespmem:s20+$0xFFFFFFD8] =	vst v18;
	v8 =	vmul.f32 v46, v41;
	v47 =	vld [tilespmem:s13+$0x20]  }
0x245: {  	v49 =	vld [tilespmem:s1+$0xFFFFFFE0];
	v48 =	vperm.xlane v13, v4;
	[tilespmem:s20+$0xFFFFFF90] =	vst v7;
	v7 =	vmul.f32 v44, v39  }
0x246: {  	v9 =	vmul.f32 v9, v43;
	v53 =	vld [tilespmem:s11+$0xFFFFFFE0];
	[tilespmem:s20+$0x20] =	vst v8;
	v50 =	vperm.xlane v27, v4  }
0x247: {  	v51 =	vld [tilespmem:s1+$0x30];
	[tilespmem:s21+$0x78] =	vst v7;
	v7 =	vperm.xlane v21, v4;
	v14 =	vmul.f32 v48, v45  }
0x248: {  	[tilespmem:s12+$0xFFFFFFA0] =	vst v9;
	v54 =	vld [tilespmem:s11+$0x30];
	v6 =	vmul.f32 v50, v6  }
0x249: {  	v56 =	vperm.xlane v16, v5;
	v52 =	vld [tilespmem:s11+$0xFFFFFF90];
	v7 =	vmul.f32 v7, v47;
	[tilespmem:s21+$0xFFFFFF90] =	vst v14  }
0x24a: {  	v11 =	vmul.f32 v11, v49;
	[tilespmem:s21+$0xFFFFFFD8] =	vst v6;
	v6 =	vld [tilespmem:s13+$0xFFFFFF90]  }
0x24b: {  	v9 =	vmul.f32 v56, v53;
	v57 =	vperm.xlane v20, v5;
	[tilespmem:s21+$0x20] =	vst v7;
	v7 =	vld [tilespmem:s13+$0xFFFFFFE0]  }
0x24c: {  	[tilespmem:s12+$0xFFFFFFE8] =	vst v11;
	v55 =	vperm.xlane v22, v5;
	v10 =	vmul.f32 v10, v51;
	v58 =	vld [tilespmem:s13+$0x30]  }
0x24d: {  	v59 =	vperm.xlane v13, v5;
	[tilespmem:s20+$0xFFFFFFE8] =	vst v9;
	v61 =	vmul.f32 v57, v54  }
0x24e: {  	v60 =	vperm.xlane v27, v5;
	[tilespmem:s12+$0x30] =	vst v10;
	v8 =	vmul.f32 v55, v52  }
0x24f: {  	v62 =	vperm.xlane v21, v5;
	[tilespmem:s20+$0x30] =	vst v61;
	v6 =	vmul.f32 v59, v6  }
0x250: {  	[tilespmem:s20+$0xFFFFFFA0] =	vst v8;
	v7 =	vmul.f32 v60, v7  }
0x251: {  	v8 =	vmul.f32 v62, v58;
	[tilespmem:s21+$0xFFFFFFA0] =	vst v6  }
0x252: {  	[tilespmem:s21+$0xFFFFFFE8] =	vst v7  }
0x253: {  	s8 =	simm.s32 $0xF8;
	s1 =	simm.s32 $0x14B90;
	s11 =	simm.s32 $0xBF60;
	[tilespmem:s21+$0x30] =	vst v8  }
.LBB2_11:
0x254: {  	s0 =	sshra.s32 s30, $0x2;
	v7 =	vld [tilespmem:s11+$0x0]  }
0x255: {  	v6 =	vld [tilespmem:s0+$0x9FE0];
	_ =	sdelay $0x4  }
0x256: {  	v6 =	vadd.f32 v7, v6;
	_ =	sdelay $0x1  }
0x257: {  	v7 =	vmul.f32 $2.000000030e-01, v6;
	_ =	sdelay $0x1  }
0x258: {  	v6 =	vmax.f32 v6, v7  }
0x259: {  	v6 =	vmul.f32 $1.442695020e+00, v6  }
0x25a: {  	v7 =	vmov s8  }
0x25b: {  	(erf) = vpow2.f32 v6;
	v6 =	vmul.u32 $0x48, v7;
	_ =	sdelay $0x1  }
0x25c: {  	v6 =	vadd.s32 $0x40, v6  }
0x25d: {  	v6 =	vbroadcast v6, $0x0;
	_ =	sdelay $0x1  }
0x25e: {  	v6 =	vor.u32 v1, v6;
	_ =	sdelay $0x3  }
0x25f: {  	v7 =	vpop (erf)  }
0x260: {  	[tilespmem:v6+s16+$0x0] =	vst.idx.msk $0xff, v7  }
0x261: {  	v6 =	vld [tilespmem:s0+$0x9FA0];
	_ =	sdelay $0x2  }
0x262: {  	v8 =	vperm.xlane v7, v2;
	_ =	sdelay $0x1  }
0x263: {  	v6 =	vmul.f32 v8, v6;
	_ =	sdelay $0x1  }
0x264: {  	[tilespmem:s1+$0x0] =	vst v6  }
0x265: {  	v6 =	vld [tilespmem:s0+$0x9FB0];
	_ =	sdelay $0x2  }
0x266: {  	v61 =	vperm.xlane v7, v3;
	_ =	sdelay $0x1  }
0x267: {  	v6 =	vmul.f32 v61, v6;
	_ =	sdelay $0x1  }
0x268: {  	[tilespmem:s1+$0x10] =	vst v6  }
0x269: {  	v6 =	vld [tilespmem:s0+$0x9FC0];
	_ =	sdelay $0x2  }
0x26a: {  	v62 =	vperm.xlane v7, v4;
	_ =	sdelay $0x1  }
0x26b: {  	v6 =	vmul.f32 v62, v6;
	_ =	sdelay $0x1  }
0x26c: {  	[tilespmem:s1+$0x20] =	vst v6  }
0x26d: {  	v6 =	vld [tilespmem:s0+$0x9FD0];
	_ =	sdelay $0x1  }
0x26e: {  	p0 =	sne.s32 s30, $0x140  }
.Ltmp4:
0x26f: {  	v7 =	vperm.xlane v7, v5;
	(pc) =	sbr.rel @p0 .LBB2_11-.Ltmp4, $4  }
0x270: {  	_ = 	snop  }
0x271: {  	v6 =	vmul.f32 v7, v6  }
0x272: {  	s11 =	sadd.s32 $0x10, s11  }
0x273: {  	s30 =	sadd.s32 $0x140, s30;
	s8 =	sadd.s32 $0x1, s8;
	[tilespmem:s1+$0x30] =	vst v6;
	s1 =	sadd.s32 $0x48, s1  }
0x274: {  	v6 =	vld [tilespmem:$0x300]  }
0x275: {  	v7 =	vld [tilespmem:$0x310]  }
0x276: {  	v8 =	vld [tilespmem:$0x320]  }
0x277: {  	v9 =	vld [tilespmem:$0x330]  }
0x278: {  	v10 =	vld [tilespmem:$0x340]  }
0x279: {  	[tilespmem:$0x14D20] =	vst v6;
	v6 =	vld [tilespmem:$0x350]  }
0x27a: {  	v58 =	vld [tilespmem:$0x380];
	[tilespmem:$0x14D30] =	vst v7  }
0x27b: {  	v59 =	vld [tilespmem:$0x390];
	[tilespmem:$0x14D40] =	vst v8  }
0x27c: {  	v60 =	vld [tilespmem:$0x3C0];
	[tilespmem:$0x14D50] =	vst v9  }
0x27d: {  	v7 =	vld [tilespmem:$0x360];
	[tilespmem:$0x14D60] =	vst v10  }
0x27e: {  	[tilespmem:$0x14D70] =	vst v6;
	v6 =	vld [tilespmem:$0x3A0]  }
0x27f: {  	v61 =	vld [tilespmem:$0x3D0];
	[tilespmem:$0x14DA0] =	vst v58  }
0x280: {  	v62 =	vld [tilespmem:$0x3E0];
	[tilespmem:$0x14DB0] =	vst v59  }
0x281: {  	v57 =	vld [tilespmem:$0x36D];
	[tilespmem:$0x14DE0] =	vst v60  }
0x282: {  	[tilespmem:$0x14D80] =	vst v7;
	v7 =	vld [tilespmem:$0x3B0]  }
0x283: {  	[tilespmem:$0x14DC0] =	vst v6;
	v6 =	vld [tilespmem:$0x3ED]  }
0x284: {  	[tilespmem:$0x14DF0] =	vst v61  }
0x285: {  	s29 =	sadd.s32 $0x1, s29;
	[tilespmem:$0x14E00] =	vst v62  }
0x286: {  	p0 =	sne.s32 s29, $0x14;
	[tilespmem:$0x14D8D] =	vst v57  }
.Ltmp5:
0x287: {  	[tilespmem:$0x14DD0] =	vst v7;
	(pc) =	sbr.rel @p0 .LBB2_4-.Ltmp5, $4  }
0x288: {  	s0 =	simm.s32 $0x14D20;
	[tilespmem:$0x14E0D] =	vst v6  }
0x289: {  	[spmem:s3] =	stream.indirect.scatter.add.f32 [tilespmem:s16], [sflag:$0x6], $0x48, s0, s25, $0xb8;
	v63 =	vld [tilespmem:$0x0]  }
0x28a: {  	s31 =	simm.s32 $0x14DA0;
	s1 =	simm.s32 $0x128F8  }
0x28b: {  	[spmem:s3] =	stream.indirect.scatter.add.f32 [tilespmem:s1], [sflag:$0x6], $0x48, s31, s25, $0xb8;
	v63 =	vld [tilespmem:$0x0]  }
0x28c: {  	s0 =	simm.s32 $0x5  }
0x28d: {  	_ =	swait.ge [sflag:s0], $0x2328  }
0x28e: {  	[sflag:s0] =	ssyncset.done $0x0  }
0x28f: {  	[sflag:s0] =	ssyncadd.s32 $0xFFFFDCD8  }
0x290: {  	_ =	swait.ge [sflag:s0], $0x2328  }
0x291: {  	[sflag:s0] =	ssyncset.done $0x0  }
0x292: {  	s24 =	simm.s32 $0x6;
	[sflag:s0] =	ssyncadd.s32 $0xFFFFDCD8  }
0x293: {  	_ =	swait.ge [sflag:s24], $0x2328  }
0x294: {  	[sflag:s24] =	ssyncset.done $0x0  }
0x295: {  	[sflag:s24] =	ssyncadd.s32 $0xFFFFDCD8  }
0x296: {  	_ =	swait.ge [sflag:s24], $0x2328  }
0x297: {  	[sflag:s24] =	ssyncset.done $0x0  }
0x298: {  	[sflag:s24] =	ssyncadd.s32 $0xFFFFDCD8  }
0x299: {  	s29 =	stileid.u32;
	[bflag:$0x0] =	sbarrier.arrive $0xFFFF  }
0x29a: {  	s0 =	sshll.u32 s29, $0x6;
	s2 =	rddreg [dreg:$0x4]  }
0x29b: {  	s0 =	sor.u32 $0x1C07, s0;
	s8 =	rddreg [dreg:$0xe];
	s1 =	sshrl.u32 s2, $0x3  }
0x29c: {  	[hbm:s8], [sflag:s0] =	dma.local [spmem:s1], $0x1638  }
0x29d: {  	_ =	swait.ge [sflag:s23], $0x1638  }
0x29e: {  	s30 =	rddreg [dreg:$0x10]  }
0x29f: {  	s31 =	rddreg [dreg:$0xf];
	s1 =	sadd.s32 $0x1, s30  }
0x2a0: {  	p0 =	sne.s32 s1, s31  }
.Ltmp6:
0x2a1: {  	_ = 	snop;
	(pc) =	sbr.rel @p0 .LBB2_1-.Ltmp6, $3  }
0x2a2: {  	_ =	sdelay $0x1  }
0x2a3: {  	[sflag:s23] =	ssyncset.done $0x0  }
0x2a4: {  	[sflag:s23] =	ssyncadd.s32 $0xFFFFE9C8  }
0x2a5: {  	_ =	sfence.sel $0x180000  }
0x2a6: {  	[bflag:$0x0] =	sbarrier.arrive $0xFFFF  }
0x2a7: {  	_ =	strace $0x90000047  }
0x2a8: {  	s0 =	stileid.u32;
	[bflag:$0x2] =	sbarrier.arrive $0xFFFF  }
0x2a9: {  	p0 =	sne.s32 s0, $0x0;
	s0 =	rddreg [dreg:$0x3]  }
0x2aa: {  	s0 =	sadd.s32 @!p0 $0x100000, s0  }
0x2ab: {  	[sflag:s0] =	ssyncadd.tile.s32 @!p0 $0x1;
	_ =	shalt  }
.Lfunc_end2:
_tile_overlayer_lowered:
.L_overlay_start_2:
0x2ac: {  	(tag) =	ssettag $0x2  }
0x2ad: {  	s0 =	rddreg [dreg:$0x0];
	s2 =	stileid.u32  }
0x2ae: {  	s1 =	rddreg [dreg:$0x1];
	p0 =	sne.s32 s2, $0x0  }
0x2af: {  	s3 =	rddreg [dreg:$0x2];
	[bflag:$0x3] =	sbarrier.arrive $0xFFFF;
	s2 =	simm.s32 @!p0 $0x1C07  }
0x2b0: {  	[timem:s3], [sflag:s2] =	dma.local @!p0 [hbm:s0], s1  }
0x2b1: {  	s0 =	simm.s32 @!p0 $0x7  }
0x2b2: {  	_ =	swait.ge @!p0 [sflag:s0], s1  }
0x2b3: {  	s1 =	ssub.s32 @!p0 $0x0, s1;
	[sflag:s0] =	ssyncset.done @!p0 $0x0  }
0x2b4: {  	[sflag:s0] =	ssyncadd.s32 @!p0 s1  }
0x2b5: {  	[bflag:$0x3] =	sbarrier.arrive $0xFFFF  }
0x2b6: {  	_ =	shalt  }

</sc_bundles>
